<compile_context>
chip_gen: v7x
topology: tpu7x:2x2x1
jax: 0.10.2.dev20260603
libtpu: 0.0.44.dev20260713+nightly
codegen_flags: <defaults>
</compile_context>

<pallas_src>
import functools

import jax
import jax.numpy as jnp
from jax import lax
from jax.experimental import pallas as pl
from jax.experimental.pallas import tpu as pltpu
from jax.experimental.pallas import tpu_sc as plsc

N = 10000
E = 320000
D = 128
EMB = 128

NUM_TILES = 32
CHUNK = 320
SLAB_CHUNKS = 8
SLAB = CHUNK * SLAB_CHUNKS
NSLAB = 4
EPT = SLAB * NSLAB
NP = 10112
ROWS_PER_TILE = NP // 16


NBUF = 4


def _sc_scatter_body(y_hbm, src_hbm, dst_hbm, zeros_hbm, out_hbm,
                     src_v, dst_v, buf, acc):
    c = lax.axis_index("c")
    s = lax.axis_index("s")
    wid = s * 2 + c
    row0 = s * ROWS_PER_TILE

    pltpu.sync_copy(zeros_hbm, acc.at[pl.ds(row0, ROWS_PER_TILE)])
    plsc.subcore_barrier()

    def chunk_body(j, carry):
        o = j * CHUNK
        pltpu.sync_copy(y_hbm.at[src_v.at[pl.ds(o, CHUNK)]], buf)
        pltpu.sync_copy(buf, acc.at[dst_v.at[pl.ds(o, CHUNK)]], add=True)
        return carry

    def slab_body(k, carry):
        so = k * SLAB
        pltpu.sync_copy(src_hbm.at[wid].at[pl.ds(so, SLAB)], src_v)
        pltpu.sync_copy(dst_hbm.at[wid].at[pl.ds(so, SLAB)], dst_v)
        lax.fori_loop(0, SLAB_CHUNKS, chunk_body, 0)
        return carry

    lax.fori_loop(0, NSLAB, slab_body, 0)

    plsc.subcore_barrier()
    pltpu.sync_copy(acc.at[pl.ds(row0, ROWS_PER_TILE)],
                    out_hbm.at[c].at[pl.ds(row0, ROWS_PER_TILE)])


_sc_scatter = functools.partial(
    pl.kernel,
    out_type=jax.ShapeDtypeStruct((2, NP, EMB), jnp.float32),
    mesh=plsc.VectorSubcoreMesh(core_axis_name="c", subcore_axis_name="s"),
    scratch_types=[
        pltpu.VMEM((SLAB,), jnp.int32),
        pltpu.VMEM((SLAB,), jnp.int32),
        pltpu.VMEM((CHUNK, EMB), jnp.float32),
        pltpu.VMEM_SHARED((NP, EMB), jnp.float32),
    ],
)(_sc_scatter_body)


def _init_body(x_ref, w1_ref, bb_ref, w2_ref, h_ref, y_ref):
    h = jnp.dot(x_ref[...], w1_ref[...],
                preferred_element_type=jnp.float32) + bb_ref[...]
    h_ref[...] = h
    y_ref[...] = jnp.dot(jnp.maximum(h, 0.0), w2_ref[...],
                         preferred_element_type=jnp.float32)


def _step_body(h_ref, s_ref, w2_ref, y_ref):
    mu = jnp.maximum(h_ref[...] + s_ref[0, :N] + s_ref[1, :N], 0.0)
    y_ref[...] = jnp.dot(mu, w2_ref[...], preferred_element_type=jnp.float32)


def _colsum_body(h_ref, s_ref, cs_ref):
    mu = jnp.maximum(h_ref[...] + s_ref[0, :N] + s_ref[1, :N], 0.0)
    cs_ref[...] = jnp.sum(mu, axis=0, keepdims=True)


def _final_body(cs1_ref, cs2_ref, wl_ref, bl_ref, sim_ref):
    v1 = jnp.dot(cs1_ref[...], wl_ref[...],
                 preferred_element_type=jnp.float32) + bl_ref[...]
    v2 = jnp.dot(cs2_ref[...], wl_ref[...],
                 preferred_element_type=jnp.float32) + bl_ref[...]
    eps = 1e-8
    n1 = jnp.maximum(jnp.sqrt(jnp.sum(v1 * v1)), eps)
    n2 = jnp.maximum(jnp.sqrt(jnp.sum(v2 * v2)), eps)
    sim_ref[...] = (jnp.sum(v1 * v2) / (n1 * n2)).reshape(1, 1)


_init = pl.pallas_call(
    _init_body,
    out_shape=(jax.ShapeDtypeStruct((N, EMB), jnp.float32),
               jax.ShapeDtypeStruct((N, EMB), jnp.float32)),
)

_step = pl.pallas_call(
    _step_body,
    out_shape=jax.ShapeDtypeStruct((N, EMB), jnp.float32),
)

_colsum = pl.pallas_call(
    _colsum_body,
    out_shape=jax.ShapeDtypeStruct((1, EMB), jnp.float32),
)

_final = pl.pallas_call(
    _final_body,
    out_shape=jax.ShapeDtypeStruct((1, 1), jnp.float32),
)


def kernel(x1, edge_index1, x2, edge_index2, W1, b1, W2, b2, Wl, bl):
    bb = (b1 + b2).reshape(1, EMB)
    blr = bl.reshape(1, EMB)
    zeros = jnp.zeros((ROWS_PER_TILE, EMB), jnp.float32)

    pad = jnp.zeros((NUM_TILES, EPT - E // NUM_TILES), jnp.int32)

    def embed(x, ei):
        src = jnp.concatenate(
            [ei[0].reshape(NUM_TILES, -1), pad], axis=1)
        dst = jnp.concatenate(
            [ei[1].reshape(NUM_TILES, -1), pad + N], axis=1)
        h, y = _init(x, W1, bb, W2)
        for _ in range(3):
            s = _sc_scatter(y, src, dst, zeros)
            y = _step(h, s, W2)
        s = _sc_scatter(y, src, dst, zeros)
        return _colsum(h, s)

    cs1 = embed(x1, edge_index1)
    cs2 = embed(x2, edge_index2)
    return _final(cs1, cs2, Wl, blr).reshape(1)

# --- scband reference (transcript-rebuilt; emitter-appended) ---
"""Pipeline reference for scband-siamese-network-19791209300482 (READ-ONLY COPY).

The authoritative reference and input builder live on the scoring server;
editing this copy changes nothing except your own understanding.
"""

import jax, jax.numpy as jnp
import numpy as np

N = 10000
E = 320000
D = 128
EMB = 128
ITERS = 5


def setup_inputs(seed: int = 0) -> dict:
    key = jax.random.key(seed)
    ks = jax.random.split(key, 10)
    x1 = jax.random.normal(ks[0], (N, D), dtype=jnp.float32)
    x2 = jax.random.normal(ks[1], (N, D), dtype=jnp.float32)
    edge_index1 = jax.random.randint(ks[2], (2, E), 0, N, dtype=jnp.int32)
    edge_index2 = jax.random.randint(ks[3], (2, E), 0, N, dtype=jnp.int32)
    # Embedder params: mu = relu(x @ W1 + b1 + mu_sum @ W2 + b2)  (structure2vec-style)
    W1 = jax.random.normal(ks[4], (D, EMB), dtype=jnp.float32) * (1.0 / np.sqrt(D))
    b1 = jnp.zeros((EMB,), dtype=jnp.float32)
    W2 = jax.random.normal(ks[5], (EMB, EMB), dtype=jnp.float32) * (1.0 / np.sqrt(EMB))
    b2 = jnp.zeros((EMB,), dtype=jnp.float32)
    # Final nn.Linear(embed_size, embed_size)
    Wl = jax.random.normal(ks[6], (EMB, EMB), dtype=jnp.float32) * (1.0 / np.sqrt(EMB))
    bl = jnp.zeros((EMB,), dtype=jnp.float32)
    return {"x1": x1, "edge_index1": edge_index1, "x2": x2, "edge_index2": edge_index2,
            "W1": W1, "b1": b1, "W2": W2, "b2": b2, "Wl": Wl, "bl": bl}


def reference(x1, edge_index1, x2, edge_index2, W1, b1, W2, b2, Wl, bl):
    def embed_graph(x, ei):
        src = ei[0]
        dst = ei[1]
        n = x.shape[0]
        mu = jnp.zeros((n, EMB), dtype=x.dtype)
        for _ in range(ITERS):
            # g.update_all(copy_src('mu'), sum('mail','mu_sum'))
            mu_sum = jax.ops.segment_sum(mu[src], dst, num_segments=n)
            # embedder(x, mu_sum)
            mu = jax.nn.relu(x @ W1 + b1 + mu_sum @ W2 + b2)
        # linear(sum over nodes of mu).view(1, embed_size)
        v = (jnp.sum(mu, axis=0) @ Wl + bl).reshape(1, -1)
        return v

    v1 = embed_graph(x1, edge_index1)
    v2 = embed_graph(x2, edge_index2)
    eps = 1e-8
    n1 = jnp.maximum(jnp.linalg.norm(v1, axis=1), eps)
    n2 = jnp.maximum(jnp.linalg.norm(v2, axis=1), eps)
    sim = jnp.sum(v1 * v2, axis=1) / (n1 * n2)
    return sim

if __name__ == "__main__":
    import jax
    _d = setup_inputs()
    print(jax.jit(kernel)(*tuple(_d.values())))

</pallas_src>

<mosaic_0001>
#map = affine_map<(d0, d1) -> (0, 0)>
#map1 = affine_map<(d0, d1) -> (0, 0, 0)>
module attributes {stable_mosaic.version = 14 : i64} {
  func.func @_sc_scatter_body(%arg0: i32, %arg1: i32, %arg2: memref<10000x128xf32, #tpu.memory_space<hbm>>, %arg3: memref<32x10240xi32, #tpu.memory_space<hbm>>, %arg4: memref<32x10240xi32, #tpu.memory_space<hbm>>, %arg5: memref<632x128xf32, #tpu.memory_space<hbm>>, %arg6: memref<2x10112x128xf32, #tpu.memory_space<hbm>>, %arg7: memref<2560xi32, #tpu.memory_space<vmem>>, %arg8: memref<2560xi32, #tpu.memory_space<vmem>>, %arg9: memref<320x128xf32, #tpu.memory_space<vmem>>, %arg10: memref<10112x128xf32, #tpu.memory_space<vmem_shared>>) attributes {dimension_semantics = [#tpu.dimension_semantics<core_parallel>, #tpu.dimension_semantics<subcore_parallel>], iteration_bounds = array<i64: 2, 16>, scalar_prefetch = 0 : i64, scratch_operands = 4 : i64, tpu.core_type = #tpu.core_type<sc_vector_subcore>, window_params = [{transform_indices = #map}, {transform_indices = #map}, {transform_indices = #map}, {transform_indices = #map}, {transform_indices = #map1}]} {
    %mul3A = arith.constant 2 : i32
    %mul3A_0 = arith.muli %arg1, %mul3A : i32
    %add3A = arith.addi %mul3A_0, %arg0 : i32
    %mul3A_1 = arith.constant 632 : i32
    %mul3A_2 = arith.muli %arg1, %mul3A_1 : i32
    "tpu.region"() ({
      %run_scoped3A = tpu.sem_alloc : memref<!tpu.dma_semaphore, #tpu.memory_space<semaphore_mem>>
      %dma_start3A = arith.constant 0 : i32
      %dma_start3A_9 = tpu.memref_slice %arg10[%mul3A_2, %dma_start3A] : memref<10112x128xf32, #tpu.memory_space<vmem_shared>> -> memref<632x128xf32, #tpu.memory_space<vmem_shared>>
      tpu.enqueue_dma source(%arg5 : memref<632x128xf32, #tpu.memory_space<hbm>>) target(%dma_start3A_9 : memref<632x128xf32, #tpu.memory_space<vmem_shared>>) target_semaphore(%run_scoped3A : memref<!tpu.dma_semaphore, #tpu.memory_space<semaphore_mem>>)
      %dma_wait3A = arith.constant 0 : i32
      %dma_wait3A_10 = tpu.memref_slice %arg10[%mul3A_2, %dma_wait3A] : memref<10112x128xf32, #tpu.memory_space<vmem_shared>> -> memref<632x128xf32, #tpu.memory_space<vmem_shared>>
      tpu.wait_dma2 semaphore(%run_scoped3A : memref<!tpu.dma_semaphore, #tpu.memory_space<semaphore_mem>>) src(%arg5 : memref<632x128xf32, #tpu.memory_space<hbm>>) dst(%dma_wait3A_10 : memref<632x128xf32, #tpu.memory_space<vmem_shared>>)
      tpu.yield
    }) : () -> ()
    %barrier3A = arith.constant 0 : index
    tpu.barrier barrier_id(%barrier3A)
    %scan3A = arith.constant 0 : i32
    %scan3A_3 = arith.constant 0 : i32
    %scan3A_4 = arith.constant 4 : i32
    %scan3A_5 = arith.addi %scan3A_3, %scan3A_4 : i32
    %scan3A_6 = arith.constant 1 : i32
    scf.for %scan3A_9 = %scan3A_3 to %scan3A_5 step %scan3A_6  : i32 {
      %mul3A_10 = arith.constant 2560 : i32
      %mul3A_11 = arith.muli %scan3A_9, %mul3A_10 : i32
      "tpu.region"() ({
        %run_scoped3A = tpu.sem_alloc : memref<!tpu.dma_semaphore, #tpu.memory_space<semaphore_mem>>
        %dma_start3A = arith.constant 0 : i32
        %dma_start3A_18 = tpu.memref_slice %arg3[%add3A, %dma_start3A] : memref<32x10240xi32, #tpu.memory_space<hbm>> -> memref<1x10240xi32, #tpu.memory_space<hbm>>
        %dma_start3A_19 = tpu.memref_squeeze %dma_start3A_18 : memref<1x10240xi32, #tpu.memory_space<hbm>> -> memref<10240xi32, #tpu.memory_space<hbm>>
        %dma_start3A_20 = tpu.memref_slice %dma_start3A_19[%mul3A_11] : memref<10240xi32, #tpu.memory_space<hbm>> -> memref<2560xi32, #tpu.memory_space<hbm>>
        %dma_start3A_21 = arith.constant 0 : i32
        %dma_start3A_22 = tpu.memref_slice %arg3[%add3A, %dma_start3A_21] : memref<32x10240xi32, #tpu.memory_space<hbm>> -> memref<1x10240xi32, #tpu.memory_space<hbm>>
        %dma_start3A_23 = tpu.memref_squeeze %dma_start3A_22 : memref<1x10240xi32, #tpu.memory_space<hbm>> -> memref<10240xi32, #tpu.memory_space<hbm>>
        %dma_start3A_24 = tpu.memref_slice %dma_start3A_23[%mul3A_11] : memref<10240xi32, #tpu.memory_space<hbm>> -> memref<2560xi32, #tpu.memory_space<hbm>>
        tpu.enqueue_dma source(%dma_start3A_24 : memref<2560xi32, #tpu.memory_space<hbm>>) target(%arg7 : memref<2560xi32, #tpu.memory_space<vmem>>) target_semaphore(%run_scoped3A : memref<!tpu.dma_semaphore, #tpu.memory_space<semaphore_mem>>)
        %dma_wait3A = arith.constant 0 : i32
        %dma_wait3A_25 = tpu.memref_slice %arg3[%add3A, %dma_wait3A] : memref<32x10240xi32, #tpu.memory_space<hbm>> -> memref<1x10240xi32, #tpu.memory_space<hbm>>
        %dma_wait3A_26 = tpu.memref_squeeze %dma_wait3A_25 : memref<1x10240xi32, #tpu.memory_space<hbm>> -> memref<10240xi32, #tpu.memory_space<hbm>>
        %dma_wait3A_27 = tpu.memref_slice %dma_wait3A_26[%mul3A_11] : memref<10240xi32, #tpu.memory_space<hbm>> -> memref<2560xi32, #tpu.memory_space<hbm>>
        %dma_wait3A_28 = arith.constant 0 : i32
        %dma_wait3A_29 = tpu.memref_slice %arg3[%add3A, %dma_wait3A_28] : memref<32x10240xi32, #tpu.memory_space<hbm>> -> memref<1x10240xi32, #tpu.memory_space<hbm>>
        %dma_wait3A_30 = tpu.memref_squeeze %dma_wait3A_29 : memref<1x10240xi32, #tpu.memory_space<hbm>> -> memref<10240xi32, #tpu.memory_space<hbm>>
        %dma_wait3A_31 = tpu.memref_slice %dma_wait3A_30[%mul3A_11] : memref<10240xi32, #tpu.memory_space<hbm>> -> memref<2560xi32, #tpu.memory_space<hbm>>
        tpu.wait_dma2 semaphore(%run_scoped3A : memref<!tpu.dma_semaphore, #tpu.memory_space<semaphore_mem>>) src(%dma_wait3A_31 : memref<2560xi32, #tpu.memory_space<hbm>>) dst(%arg7 : memref<2560xi32, #tpu.memory_space<vmem>>)
        tpu.yield
      }) : () -> ()
      "tpu.region"() ({
        %run_scoped3A = tpu.sem_alloc : memref<!tpu.dma_semaphore, #tpu.memory_space<semaphore_mem>>
        %dma_start3A = arith.constant 0 : i32
        %dma_start3A_18 = tpu.memref_slice %arg4[%add3A, %dma_start3A] : memref<32x10240xi32, #tpu.memory_space<hbm>> -> memref<1x10240xi32, #tpu.memory_space<hbm>>
        %dma_start3A_19 = tpu.memref_squeeze %dma_start3A_18 : memref<1x10240xi32, #tpu.memory_space<hbm>> -> memref<10240xi32, #tpu.memory_space<hbm>>
        %dma_start3A_20 = tpu.memref_slice %dma_start3A_19[%mul3A_11] : memref<10240xi32, #tpu.memory_space<hbm>> -> memref<2560xi32, #tpu.memory_space<hbm>>
        %dma_start3A_21 = arith.constant 0 : i32
        %dma_start3A_22 = tpu.memref_slice %arg4[%add3A, %dma_start3A_21] : memref<32x10240xi32, #tpu.memory_space<hbm>> -> memref<1x10240xi32, #tpu.memory_space<hbm>>
        %dma_start3A_23 = tpu.memref_squeeze %dma_start3A_22 : memref<1x10240xi32, #tpu.memory_space<hbm>> -> memref<10240xi32, #tpu.memory_space<hbm>>
        %dma_start3A_24 = tpu.memref_slice %dma_start3A_23[%mul3A_11] : memref<10240xi32, #tpu.memory_space<hbm>> -> memref<2560xi32, #tpu.memory_space<hbm>>
        tpu.enqueue_dma source(%dma_start3A_24 : memref<2560xi32, #tpu.memory_space<hbm>>) target(%arg8 : memref<2560xi32, #tpu.memory_space<vmem>>) target_semaphore(%run_scoped3A : memref<!tpu.dma_semaphore, #tpu.memory_space<semaphore_mem>>)
        %dma_wait3A = arith.constant 0 : i32
        %dma_wait3A_25 = tpu.memref_slice %arg4[%add3A, %dma_wait3A] : memref<32x10240xi32, #tpu.memory_space<hbm>> -> memref<1x10240xi32, #tpu.memory_space<hbm>>
        %dma_wait3A_26 = tpu.memref_squeeze %dma_wait3A_25 : memref<1x10240xi32, #tpu.memory_space<hbm>> -> memref<10240xi32, #tpu.memory_space<hbm>>
        %dma_wait3A_27 = tpu.memref_slice %dma_wait3A_26[%mul3A_11] : memref<10240xi32, #tpu.memory_space<hbm>> -> memref<2560xi32, #tpu.memory_space<hbm>>
        %dma_wait3A_28 = arith.constant 0 : i32
        %dma_wait3A_29 = tpu.memref_slice %arg4[%add3A, %dma_wait3A_28] : memref<32x10240xi32, #tpu.memory_space<hbm>> -> memref<1x10240xi32, #tpu.memory_space<hbm>>
        %dma_wait3A_30 = tpu.memref_squeeze %dma_wait3A_29 : memref<1x10240xi32, #tpu.memory_space<hbm>> -> memref<10240xi32, #tpu.memory_space<hbm>>
        %dma_wait3A_31 = tpu.memref_slice %dma_wait3A_30[%mul3A_11] : memref<10240xi32, #tpu.memory_space<hbm>> -> memref<2560xi32, #tpu.memory_space<hbm>>
        tpu.wait_dma2 semaphore(%run_scoped3A : memref<!tpu.dma_semaphore, #tpu.memory_space<semaphore_mem>>) src(%dma_wait3A_31 : memref<2560xi32, #tpu.memory_space<hbm>>) dst(%arg8 : memref<2560xi32, #tpu.memory_space<vmem>>)
        tpu.yield
      }) : () -> ()
      %scan3A_12 = arith.constant 0 : i32
      %scan3A_13 = arith.constant 0 : i32
      %scan3A_14 = arith.constant 8 : i32
      %scan3A_15 = arith.addi %scan3A_13, %scan3A_14 : i32
      %scan3A_16 = arith.constant 1 : i32
      scf.for %scan3A_18 = %scan3A_13 to %scan3A_15 step %scan3A_16  : i32 {
        %mul3A_19 = arith.constant 320 : i32
        %mul3A_20 = arith.muli %scan3A_18, %mul3A_19 : i32
        "tpu.region"() ({
          %run_scoped3A = tpu.sem_alloc : memref<!tpu.dma_semaphore, #tpu.memory_space<semaphore_mem>>
          %dma_start3A = tpu.memref_slice %arg7[%mul3A_20] : memref<2560xi32, #tpu.memory_space<vmem>> -> memref<320xi32, #tpu.memory_space<vmem>>
          %dma_start3A_21 = arith.constant 0 : i32
          %dma_start3A_22 = arith.constant 0 : i32
          %dma_start3A_23 = tpu.memref_slice %arg2[%dma_start3A_21, %dma_start3A_22] : memref<10000x128xf32, #tpu.memory_space<hbm>> -> memref<10000x128xf32, #tpu.memory_space<hbm>>
          tpu.enqueue_indirect_dma source(%dma_start3A_23 : memref<10000x128xf32, #tpu.memory_space<hbm>>) target(%arg9 : memref<320x128xf32, #tpu.memory_space<vmem>>) offsets(%dma_start3A : memref<320xi32, #tpu.memory_space<vmem>>) semaphore(%run_scoped3A : memref<!tpu.dma_semaphore, #tpu.memory_space<semaphore_mem>>)
          %dma_wait3A = tpu.memref_slice %arg7[%mul3A_20] : memref<2560xi32, #tpu.memory_space<vmem>> -> memref<320xi32, #tpu.memory_space<vmem>>
          %dma_wait3A_24 = arith.constant 0 : i32
          %dma_wait3A_25 = arith.constant 0 : i32
          %dma_wait3A_26 = tpu.memref_slice %arg2[%dma_wait3A_24, %dma_wait3A_25] : memref<10000x128xf32, #tpu.memory_space<hbm>> -> memref<10000x128xf32, #tpu.memory_space<hbm>>
          tpu.wait_indirect_dma semaphore(%run_scoped3A : memref<!tpu.dma_semaphore, #tpu.memory_space<semaphore_mem>>) src(%dma_wait3A_26 : memref<10000x128xf32, #tpu.memory_space<hbm>>) dst(%arg9 : memref<320x128xf32, #tpu.memory_space<vmem>>)
          tpu.yield
        }) : () -> ()
        "tpu.region"() ({
          %run_scoped3A = tpu.sem_alloc : memref<!tpu.dma_semaphore, #tpu.memory_space<semaphore_mem>>
          %dma_start3A = tpu.memref_slice %arg8[%mul3A_20] : memref<2560xi32, #tpu.memory_space<vmem>> -> memref<320xi32, #tpu.memory_space<vmem>>
          %dma_start3A_21 = arith.constant 0 : i32
          %dma_start3A_22 = arith.constant 0 : i32
          %dma_start3A_23 = tpu.memref_slice %arg10[%dma_start3A_21, %dma_start3A_22] : memref<10112x128xf32, #tpu.memory_space<vmem_shared>> -> memref<10112x128xf32, #tpu.memory_space<vmem_shared>>
          tpu.enqueue_indirect_dma source(%arg9 : memref<320x128xf32, #tpu.memory_space<vmem>>) target(%dma_start3A_23 : memref<10112x128xf32, #tpu.memory_space<vmem_shared>>) offsets(%dma_start3A : memref<320xi32, #tpu.memory_space<vmem>>) semaphore(%run_scoped3A : memref<!tpu.dma_semaphore, #tpu.memory_space<semaphore_mem>>) {add = true}
          %dma_wait3A = tpu.memref_slice %arg8[%mul3A_20] : memref<2560xi32, #tpu.memory_space<vmem>> -> memref<320xi32, #tpu.memory_space<vmem>>
          %dma_wait3A_24 = arith.constant 0 : i32
          %dma_wait3A_25 = arith.constant 0 : i32
          %dma_wait3A_26 = tpu.memref_slice %arg10[%dma_wait3A_24, %dma_wait3A_25] : memref<10112x128xf32, #tpu.memory_space<vmem_shared>> -> memref<10112x128xf32, #tpu.memory_space<vmem_shared>>
          tpu.wait_indirect_dma semaphore(%run_scoped3A : memref<!tpu.dma_semaphore, #tpu.memory_space<semaphore_mem>>) src(%arg9 : memref<320x128xf32, #tpu.memory_space<vmem>>) dst(%dma_wait3A_26 : memref<10112x128xf32, #tpu.memory_space<vmem_shared>>)
          tpu.yield
        }) : () -> ()
      }
      %scan3A_17 = arith.constant 8 : i32
    }
    %scan3A_7 = arith.constant 4 : i32
    %barrier3A_8 = arith.constant 0 : index
    tpu.barrier barrier_id(%barrier3A_8)
    "tpu.region"() ({
      %run_scoped3A = tpu.sem_alloc : memref<!tpu.dma_semaphore, #tpu.memory_space<semaphore_mem>>
      %dma_start3A = arith.constant 0 : i32
      %dma_start3A_9 = arith.constant 0 : i32
      %dma_start3A_10 = tpu.memref_slice %arg6[%arg0, %dma_start3A, %dma_start3A_9] : memref<2x10112x128xf32, #tpu.memory_space<hbm>> -> memref<1x10112x128xf32, #tpu.memory_space<hbm>>
      %dma_start3A_11 = tpu.memref_squeeze %dma_start3A_10 : memref<1x10112x128xf32, #tpu.memory_space<hbm>> -> memref<10112x128xf32, #tpu.memory_space<hbm>>
      %dma_start3A_12 = arith.constant 0 : i32
      %dma_start3A_13 = tpu.memref_slice %dma_start3A_11[%mul3A_2, %dma_start3A_12] : memref<10112x128xf32, #tpu.memory_space<hbm>> -> memref<632x128xf32, #tpu.memory_space<hbm>>
      %dma_start3A_14 = arith.constant 0 : i32
      %dma_start3A_15 = tpu.memref_slice %arg10[%mul3A_2, %dma_start3A_14] : memref<10112x128xf32, #tpu.memory_space<vmem_shared>> -> memref<632x128xf32, #tpu.memory_space<vmem_shared>>
      tpu.enqueue_dma source(%dma_start3A_15 : memref<632x128xf32, #tpu.memory_space<vmem_shared>>) target(%dma_start3A_13 : memref<632x128xf32, #tpu.memory_space<hbm>>) target_semaphore(%run_scoped3A : memref<!tpu.dma_semaphore, #tpu.memory_space<semaphore_mem>>)
      %dma_wait3A = arith.constant 0 : i32
      %dma_wait3A_16 = arith.constant 0 : i32
      %dma_wait3A_17 = tpu.memref_slice %arg6[%arg0, %dma_wait3A, %dma_wait3A_16] : memref<2x10112x128xf32, #tpu.memory_space<hbm>> -> memref<1x10112x128xf32, #tpu.memory_space<hbm>>
      %dma_wait3A_18 = tpu.memref_squeeze %dma_wait3A_17 : memref<1x10112x128xf32, #tpu.memory_space<hbm>> -> memref<10112x128xf32, #tpu.memory_space<hbm>>
      %dma_wait3A_19 = arith.constant 0 : i32
      %dma_wait3A_20 = tpu.memref_slice %dma_wait3A_18[%mul3A_2, %dma_wait3A_19] : memref<10112x128xf32, #tpu.memory_space<hbm>> -> memref<632x128xf32, #tpu.memory_space<hbm>>
      %dma_wait3A_21 = arith.constant 0 : i32
      %dma_wait3A_22 = tpu.memref_slice %arg10[%mul3A_2, %dma_wait3A_21] : memref<10112x128xf32, #tpu.memory_space<vmem_shared>> -> memref<632x128xf32, #tpu.memory_space<vmem_shared>>
      tpu.wait_dma2 semaphore(%run_scoped3A : memref<!tpu.dma_semaphore, #tpu.memory_space<semaphore_mem>>) src(%dma_wait3A_22 : memref<632x128xf32, #tpu.memory_space<vmem_shared>>) dst(%dma_wait3A_20 : memref<632x128xf32, #tpu.memory_space<hbm>>)
      tpu.yield
    }) : () -> ()
    return
  }
}

#map = affine_map<(d0, d1) -> (0, 0)>
#map1 = affine_map<(d0, d1) -> (0, 0, 0)>
module attributes {stable_mosaic.version = 14 : i64} {
  func.func @_sc_scatter_body(%arg0: i32, %arg1: i32, %arg2: memref<10000x128xf32, #tpu.memory_space<hbm>>, %arg3: memref<32x10240xi32, #tpu.memory_space<hbm>>, %arg4: memref<32x10240xi32, #tpu.memory_space<hbm>>, %arg5: memref<632x128xf32, #tpu.memory_space<hbm>>, %arg6: memref<2x10112x128xf32, #tpu.memory_space<hbm>>, %arg7: memref<2560xi32, #tpu.memory_space<vmem>>, %arg8: memref<2560xi32, #tpu.memory_space<vmem>>, %arg9: memref<320x128xf32, #tpu.memory_space<vmem>>, %arg10: memref<10112x128xf32, #tpu.memory_space<vmem_shared>>) attributes {dimension_semantics = [#tpu.dimension_semantics<core_parallel>, #tpu.dimension_semantics<subcore_parallel>], iteration_bounds = array<i64: 2, 16>, scalar_prefetch = 0 : i64, scratch_operands = 4 : i64, tpu.core_type = #tpu.core_type<sc_vector_subcore>, window_params = [{transform_indices = #map}, {transform_indices = #map}, {transform_indices = #map}, {transform_indices = #map}, {transform_indices = #map1}]} {
    %mul3A = arith.constant 2 : i32
    %mul3A_0 = arith.muli %arg1, %mul3A : i32
    %add3A = arith.addi %mul3A_0, %arg0 : i32
    %mul3A_1 = arith.constant 632 : i32
    %mul3A_2 = arith.muli %arg1, %mul3A_1 : i32
    "tpu.region"() ({
      %run_scoped3A = tpu.sem_alloc : memref<!tpu.dma_semaphore, #tpu.memory_space<semaphore_mem>>
      %dma_start3A = arith.constant 0 : i32
      %dma_start3A_9 = tpu.memref_slice %arg10[%mul3A_2, %dma_start3A] : memref<10112x128xf32, #tpu.memory_space<vmem_shared>> -> memref<632x128xf32, #tpu.memory_space<vmem_shared>>
      tpu.enqueue_dma source(%arg5 : memref<632x128xf32, #tpu.memory_space<hbm>>) target(%dma_start3A_9 : memref<632x128xf32, #tpu.memory_space<vmem_shared>>) target_semaphore(%run_scoped3A : memref<!tpu.dma_semaphore, #tpu.memory_space<semaphore_mem>>)
      %dma_wait3A = arith.constant 0 : i32
      %dma_wait3A_10 = tpu.memref_slice %arg10[%mul3A_2, %dma_wait3A] : memref<10112x128xf32, #tpu.memory_space<vmem_shared>> -> memref<632x128xf32, #tpu.memory_space<vmem_shared>>
      tpu.wait_dma2 semaphore(%run_scoped3A : memref<!tpu.dma_semaphore, #tpu.memory_space<semaphore_mem>>) src(%arg5 : memref<632x128xf32, #tpu.memory_space<hbm>>) dst(%dma_wait3A_10 : memref<632x128xf32, #tpu.memory_space<vmem_shared>>)
      tpu.yield
    }) : () -> ()
    %barrier3A = arith.constant 0 : index
    tpu.barrier barrier_id(%barrier3A)
    %scan3A = arith.constant 0 : i32
    %scan3A_3 = arith.constant 0 : i32
    %scan3A_4 = arith.constant 4 : i32
    %scan3A_5 = arith.addi %scan3A_3, %scan3A_4 : i32
    %scan3A_6 = arith.constant 1 : i32
    scf.for %scan3A_9 = %scan3A_3 to %scan3A_5 step %scan3A_6  : i32 {
      %mul3A_10 = arith.constant 2560 : i32
      %mul3A_11 = arith.muli %scan3A_9, %mul3A_10 : i32
      "tpu.region"() ({
        %run_scoped3A = tpu.sem_alloc : memref<!tpu.dma_semaphore, #tpu.memory_space<semaphore_mem>>
        %dma_start3A = arith.constant 0 : i32
        %dma_start3A_18 = tpu.memref_slice %arg3[%add3A, %dma_start3A] : memref<32x10240xi32, #tpu.memory_space<hbm>> -> memref<1x10240xi32, #tpu.memory_space<hbm>>
        %dma_start3A_19 = tpu.memref_squeeze %dma_start3A_18 : memref<1x10240xi32, #tpu.memory_space<hbm>> -> memref<10240xi32, #tpu.memory_space<hbm>>
        %dma_start3A_20 = tpu.memref_slice %dma_start3A_19[%mul3A_11] : memref<10240xi32, #tpu.memory_space<hbm>> -> memref<2560xi32, #tpu.memory_space<hbm>>
        %dma_start3A_21 = arith.constant 0 : i32
        %dma_start3A_22 = tpu.memref_slice %arg3[%add3A, %dma_start3A_21] : memref<32x10240xi32, #tpu.memory_space<hbm>> -> memref<1x10240xi32, #tpu.memory_space<hbm>>
        %dma_start3A_23 = tpu.memref_squeeze %dma_start3A_22 : memref<1x10240xi32, #tpu.memory_space<hbm>> -> memref<10240xi32, #tpu.memory_space<hbm>>
        %dma_start3A_24 = tpu.memref_slice %dma_start3A_23[%mul3A_11] : memref<10240xi32, #tpu.memory_space<hbm>> -> memref<2560xi32, #tpu.memory_space<hbm>>
        tpu.enqueue_dma source(%dma_start3A_24 : memref<2560xi32, #tpu.memory_space<hbm>>) target(%arg7 : memref<2560xi32, #tpu.memory_space<vmem>>) target_semaphore(%run_scoped3A : memref<!tpu.dma_semaphore, #tpu.memory_space<semaphore_mem>>)
        %dma_wait3A = arith.constant 0 : i32
        %dma_wait3A_25 = tpu.memref_slice %arg3[%add3A, %dma_wait3A] : memref<32x10240xi32, #tpu.memory_space<hbm>> -> memref<1x10240xi32, #tpu.memory_space<hbm>>
        %dma_wait3A_26 = tpu.memref_squeeze %dma_wait3A_25 : memref<1x10240xi32, #tpu.memory_space<hbm>> -> memref<10240xi32, #tpu.memory_space<hbm>>
        %dma_wait3A_27 = tpu.memref_slice %dma_wait3A_26[%mul3A_11] : memref<10240xi32, #tpu.memory_space<hbm>> -> memref<2560xi32, #tpu.memory_space<hbm>>
        %dma_wait3A_28 = arith.constant 0 : i32
        %dma_wait3A_29 = tpu.memref_slice %arg3[%add3A, %dma_wait3A_28] : memref<32x10240xi32, #tpu.memory_space<hbm>> -> memref<1x10240xi32, #tpu.memory_space<hbm>>
        %dma_wait3A_30 = tpu.memref_squeeze %dma_wait3A_29 : memref<1x10240xi32, #tpu.memory_space<hbm>> -> memref<10240xi32, #tpu.memory_space<hbm>>
        %dma_wait3A_31 = tpu.memref_slice %dma_wait3A_30[%mul3A_11] : memref<10240xi32, #tpu.memory_space<hbm>> -> memref<2560xi32, #tpu.memory_space<hbm>>
        tpu.wait_dma2 semaphore(%run_scoped3A : memref<!tpu.dma_semaphore, #tpu.memory_space<semaphore_mem>>) src(%dma_wait3A_31 : memref<2560xi32, #tpu.memory_space<hbm>>) dst(%arg7 : memref<2560xi32, #tpu.memory_space<vmem>>)
        tpu.yield
      }) : () -> ()
      "tpu.region"() ({
        %run_scoped3A = tpu.sem_alloc : memref<!tpu.dma_semaphore, #tpu.memory_space<semaphore_mem>>
        %dma_start3A = arith.constant 0 : i32
        %dma_start3A_18 = tpu.memref_slice %arg4[%add3A, %dma_start3A] : memref<32x10240xi32, #tpu.memory_space<hbm>> -> memref<1x10240xi32, #tpu.memory_space<hbm>>
        %dma_start3A_19 = tpu.memref_squeeze %dma_start3A_18 : memref<1x10240xi32, #tpu.memory_space<hbm>> -> memref<10240xi32, #tpu.memory_space<hbm>>
        %dma_start3A_20 = tpu.memref_slice %dma_start3A_19[%mul3A_11] : memref<10240xi32, #tpu.memory_space<hbm>> -> memref<2560xi32, #tpu.memory_space<hbm>>
        %dma_start3A_21 = arith.constant 0 : i32
        %dma_start3A_22 = tpu.memref_slice %arg4[%add3A, %dma_start3A_21] : memref<32x10240xi32, #tpu.memory_space<hbm>> -> memref<1x10240xi32, #tpu.memory_space<hbm>>
        %dma_start3A_23 = tpu.memref_squeeze %dma_start3A_22 : memref<1x10240xi32, #tpu.memory_space<hbm>> -> memref<10240xi32, #tpu.memory_space<hbm>>
        %dma_start3A_24 = tpu.memref_slice %dma_start3A_23[%mul3A_11] : memref<10240xi32, #tpu.memory_space<hbm>> -> memref<2560xi32, #tpu.memory_space<hbm>>
        tpu.enqueue_dma source(%dma_start3A_24 : memref<2560xi32, #tpu.memory_space<hbm>>) target(%arg8 : memref<2560xi32, #tpu.memory_space<vmem>>) target_semaphore(%run_scoped3A : memref<!tpu.dma_semaphore, #tpu.memory_space<semaphore_mem>>)
        %dma_wait3A = arith.constant 0 : i32
        %dma_wait3A_25 = tpu.memref_slice %arg4[%add3A, %dma_wait3A] : memref<32x10240xi32, #tpu.memory_space<hbm>> -> memref<1x10240xi32, #tpu.memory_space<hbm>>
        %dma_wait3A_26 = tpu.memref_squeeze %dma_wait3A_25 : memref<1x10240xi32, #tpu.memory_space<hbm>> -> memref<10240xi32, #tpu.memory_space<hbm>>
        %dma_wait3A_27 = tpu.memref_slice %dma_wait3A_26[%mul3A_11] : memref<10240xi32, #tpu.memory_space<hbm>> -> memref<2560xi32, #tpu.memory_space<hbm>>
        %dma_wait3A_28 = arith.constant 0 : i32
        %dma_wait3A_29 = tpu.memref_slice %arg4[%add3A, %dma_wait3A_28] : memref<32x10240xi32, #tpu.memory_space<hbm>> -> memref<1x10240xi32, #tpu.memory_space<hbm>>
        %dma_wait3A_30 = tpu.memref_squeeze %dma_wait3A_29 : memref<1x10240xi32, #tpu.memory_space<hbm>> -> memref<10240xi32, #tpu.memory_space<hbm>>
        %dma_wait3A_31 = tpu.memref_slice %dma_wait3A_30[%mul3A_11] : memref<10240xi32, #tpu.memory_space<hbm>> -> memref<2560xi32, #tpu.memory_space<hbm>>
        tpu.wait_dma2 semaphore(%run_scoped3A : memref<!tpu.dma_semaphore, #tpu.memory_space<semaphore_mem>>) src(%dma_wait3A_31 : memref<2560xi32, #tpu.memory_space<hbm>>) dst(%arg8 : memref<2560xi32, #tpu.memory_space<vmem>>)
        tpu.yield
      }) : () -> ()
      %scan3A_12 = arith.constant 0 : i32
      %scan3A_13 = arith.constant 0 : i32
      %scan3A_14 = arith.constant 8 : i32
      %scan3A_15 = arith.addi %scan3A_13, %scan3A_14 : i32
      %scan3A_16 = arith.constant 1 : i32
      scf.for %scan3A_18 = %scan3A_13 to %scan3A_15 step %scan3A_16  : i32 {
        %mul3A_19 = arith.constant 320 : i32
        %mul3A_20 = arith.muli %scan3A_18, %mul3A_19 : i32
        "tpu.region"() ({
          %run_scoped3A = tpu.sem_alloc : memref<!tpu.dma_semaphore, #tpu.memory_space<semaphore_mem>>
          %dma_start3A = tpu.memref_slice %arg7[%mul3A_20] : memref<2560xi32, #tpu.memory_space<vmem>> -> memref<320xi32, #tpu.memory_space<vmem>>
          %dma_start3A_21 = arith.constant 0 : i32
          %dma_start3A_22 = arith.constant 0 : i32
          %dma_start3A_23 = tpu.memref_slice %arg2[%dma_start3A_21, %dma_start3A_22] : memref<10000x128xf32, #tpu.memory_space<hbm>> -> memref<10000x128xf32, #tpu.memory_space<hbm>>
          tpu.enqueue_indirect_dma source(%dma_start3A_23 : memref<10000x128xf32, #tpu.memory_space<hbm>>) target(%arg9 : memref<320x128xf32, #tpu.memory_space<vmem>>) offsets(%dma_start3A : memref<320xi32, #tpu.memory_space<vmem>>) semaphore(%run_scoped3A : memref<!tpu.dma_semaphore, #tpu.memory_space<semaphore_mem>>)
          %dma_wait3A = tpu.memref_slice %arg7[%mul3A_20] : memref<2560xi32, #tpu.memory_space<vmem>> -> memref<320xi32, #tpu.memory_space<vmem>>
          %dma_wait3A_24 = arith.constant 0 : i32
          %dma_wait3A_25 = arith.constant 0 : i32
          %dma_wait3A_26 = tpu.memref_slice %arg2[%dma_wait3A_24, %dma_wait3A_25] : memref<10000x128xf32, #tpu.memory_space<hbm>> -> memref<10000x128xf32, #tpu.memory_space<hbm>>
          tpu.wait_indirect_dma semaphore(%run_scoped3A : memref<!tpu.dma_semaphore, #tpu.memory_space<semaphore_mem>>) src(%dma_wait3A_26 : memref<10000x128xf32, #tpu.memory_space<hbm>>) dst(%arg9 : memref<320x128xf32, #tpu.memory_space<vmem>>)
          tpu.yield
        }) : () -> ()
        "tpu.region"() ({
          %run_scoped3A = tpu.sem_alloc : memref<!tpu.dma_semaphore, #tpu.memory_space<semaphore_mem>>
          %dma_start3A = tpu.memref_slice %arg8[%mul3A_20] : memref<2560xi32, #tpu.memory_space<vmem>> -> memref<320xi32, #tpu.memory_space<vmem>>
          %dma_start3A_21 = arith.constant 0 : i32
          %dma_start3A_22 = arith.constant 0 : i32
          %dma_start3A_23 = tpu.memref_slice %arg10[%dma_start3A_21, %dma_start3A_22] : memref<10112x128xf32, #tpu.memory_space<vmem_shared>> -> memref<10112x128xf32, #tpu.memory_space<vmem_shared>>
          tpu.enqueue_indirect_dma source(%arg9 : memref<320x128xf32, #tpu.memory_space<vmem>>) target(%dma_start3A_23 : memref<10112x128xf32, #tpu.memory_space<vmem_shared>>) offsets(%dma_start3A : memref<320xi32, #tpu.memory_space<vmem>>) semaphore(%run_scoped3A : memref<!tpu.dma_semaphore, #tpu.memory_space<semaphore_mem>>) {add = true}
          %dma_wait3A = tpu.memref_slice %arg8[%mul3A_20] : memref<2560xi32, #tpu.memory_space<vmem>> -> memref<320xi32, #tpu.memory_space<vmem>>
          %dma_wait3A_24 = arith.constant 0 : i32
          %dma_wait3A_25 = arith.constant 0 : i32
          %dma_wait3A_26 = tpu.memref_slice %arg10[%dma_wait3A_24, %dma_wait3A_25] : memref<10112x128xf32, #tpu.memory_space<vmem_shared>> -> memref<10112x128xf32, #tpu.memory_space<vmem_shared>>
          tpu.wait_indirect_dma semaphore(%run_scoped3A : memref<!tpu.dma_semaphore, #tpu.memory_space<semaphore_mem>>) src(%arg9 : memref<320x128xf32, #tpu.memory_space<vmem>>) dst(%dma_wait3A_26 : memref<10112x128xf32, #tpu.memory_space<vmem_shared>>)
          tpu.yield
        }) : () -> ()
      }
      %scan3A_17 = arith.constant 8 : i32
    }
    %scan3A_7 = arith.constant 4 : i32
    %barrier3A_8 = arith.constant 0 : index
    tpu.barrier barrier_id(%barrier3A_8)
    "tpu.region"() ({
      %run_scoped3A = tpu.sem_alloc : memref<!tpu.dma_semaphore, #tpu.memory_space<semaphore_mem>>
      %dma_start3A = arith.constant 0 : i32
      %dma_start3A_9 = arith.constant 0 : i32
      %dma_start3A_10 = tpu.memref_slice %arg6[%arg0, %dma_start3A, %dma_start3A_9] : memref<2x10112x128xf32, #tpu.memory_space<hbm>> -> memref<1x10112x128xf32, #tpu.memory_space<hbm>>
      %dma_start3A_11 = tpu.memref_squeeze %dma_start3A_10 : memref<1x10112x128xf32, #tpu.memory_space<hbm>> -> memref<10112x128xf32, #tpu.memory_space<hbm>>
      %dma_start3A_12 = arith.constant 0 : i32
      %dma_start3A_13 = tpu.memref_slice %dma_start3A_11[%mul3A_2, %dma_start3A_12] : memref<10112x128xf32, #tpu.memory_space<hbm>> -> memref<632x128xf32, #tpu.memory_space<hbm>>
      %dma_start3A_14 = arith.constant 0 : i32
      %dma_start3A_15 = tpu.memref_slice %arg10[%mul3A_2, %dma_start3A_14] : memref<10112x128xf32, #tpu.memory_space<vmem_shared>> -> memref<632x128xf32, #tpu.memory_space<vmem_shared>>
      tpu.enqueue_dma source(%dma_start3A_15 : memref<632x128xf32, #tpu.memory_space<vmem_shared>>) target(%dma_start3A_13 : memref<632x128xf32, #tpu.memory_space<hbm>>) target_semaphore(%run_scoped3A : memref<!tpu.dma_semaphore, #tpu.memory_space<semaphore_mem>>)
      %dma_wait3A = arith.constant 0 : i32
      %dma_wait3A_16 = arith.constant 0 : i32
      %dma_wait3A_17 = tpu.memref_slice %arg6[%arg0, %dma_wait3A, %dma_wait3A_16] : memref<2x10112x128xf32, #tpu.memory_space<hbm>> -> memref<1x10112x128xf32, #tpu.memory_space<hbm>>
      %dma_wait3A_18 = tpu.memref_squeeze %dma_wait3A_17 : memref<1x10112x128xf32, #tpu.memory_space<hbm>> -> memref<10112x128xf32, #tpu.memory_space<hbm>>
      %dma_wait3A_19 = arith.constant 0 : i32
      %dma_wait3A_20 = tpu.memref_slice %dma_wait3A_18[%mul3A_2, %dma_wait3A_19] : memref<10112x128xf32, #tpu.memory_space<hbm>> -> memref<632x128xf32, #tpu.memory_space<hbm>>
      %dma_wait3A_21 = arith.constant 0 : i32
      %dma_wait3A_22 = tpu.memref_slice %arg10[%mul3A_2, %dma_wait3A_21] : memref<10112x128xf32, #tpu.memory_space<vmem_shared>> -> memref<632x128xf32, #tpu.memory_space<vmem_shared>>
      tpu.wait_dma2 semaphore(%run_scoped3A : memref<!tpu.dma_semaphore, #tpu.memory_space<semaphore_mem>>) src(%dma_wait3A_22 : memref<632x128xf32, #tpu.memory_space<vmem_shared>>) dst(%dma_wait3A_20 : memref<632x128xf32, #tpu.memory_space<hbm>>)
      tpu.yield
    }) : () -> ()
    return
  }
}

#map = affine_map<(d0, d1) -> (0, 0)>
#map1 = affine_map<(d0, d1) -> (0, 0, 0)>
module attributes {stable_mosaic.version = 14 : i64} {
  func.func @_sc_scatter_body(%arg0: i32, %arg1: i32, %arg2: memref<10000x128xf32, #tpu.memory_space<hbm>>, %arg3: memref<32x10240xi32, #tpu.memory_space<hbm>>, %arg4: memref<32x10240xi32, #tpu.memory_space<hbm>>, %arg5: memref<632x128xf32, #tpu.memory_space<hbm>>, %arg6: memref<2x10112x128xf32, #tpu.memory_space<hbm>>, %arg7: memref<2560xi32, #tpu.memory_space<vmem>>, %arg8: memref<2560xi32, #tpu.memory_space<vmem>>, %arg9: memref<320x128xf32, #tpu.memory_space<vmem>>, %arg10: memref<10112x128xf32, #tpu.memory_space<vmem_shared>>) attributes {dimension_semantics = [#tpu.dimension_semantics<core_parallel>, #tpu.dimension_semantics<subcore_parallel>], iteration_bounds = array<i64: 2, 16>, scalar_prefetch = 0 : i64, scratch_operands = 4 : i64, tpu.core_type = #tpu.core_type<sc_vector_subcore>, window_params = [{transform_indices = #map}, {transform_indices = #map}, {transform_indices = #map}, {transform_indices = #map}, {transform_indices = #map1}]} {
    %mul3A = arith.constant 2 : i32
    %mul3A_0 = arith.muli %arg1, %mul3A : i32
    %add3A = arith.addi %mul3A_0, %arg0 : i32
    %mul3A_1 = arith.constant 632 : i32
    %mul3A_2 = arith.muli %arg1, %mul3A_1 : i32
    "tpu.region"() ({
      %run_scoped3A = tpu.sem_alloc : memref<!tpu.dma_semaphore, #tpu.memory_space<semaphore_mem>>
      %dma_start3A = arith.constant 0 : i32
      %dma_start3A_9 = tpu.memref_slice %arg10[%mul3A_2, %dma_start3A] : memref<10112x128xf32, #tpu.memory_space<vmem_shared>> -> memref<632x128xf32, #tpu.memory_space<vmem_shared>>
      tpu.enqueue_dma source(%arg5 : memref<632x128xf32, #tpu.memory_space<hbm>>) target(%dma_start3A_9 : memref<632x128xf32, #tpu.memory_space<vmem_shared>>) target_semaphore(%run_scoped3A : memref<!tpu.dma_semaphore, #tpu.memory_space<semaphore_mem>>)
      %dma_wait3A = arith.constant 0 : i32
      %dma_wait3A_10 = tpu.memref_slice %arg10[%mul3A_2, %dma_wait3A] : memref<10112x128xf32, #tpu.memory_space<vmem_shared>> -> memref<632x128xf32, #tpu.memory_space<vmem_shared>>
      tpu.wait_dma2 semaphore(%run_scoped3A : memref<!tpu.dma_semaphore, #tpu.memory_space<semaphore_mem>>) src(%arg5 : memref<632x128xf32, #tpu.memory_space<hbm>>) dst(%dma_wait3A_10 : memref<632x128xf32, #tpu.memory_space<vmem_shared>>)
      tpu.yield
    }) : () -> ()
    %barrier3A = arith.constant 0 : index
    tpu.barrier barrier_id(%barrier3A)
    %scan3A = arith.constant 0 : i32
    %scan3A_3 = arith.constant 0 : i32
    %scan3A_4 = arith.constant 4 : i32
    %scan3A_5 = arith.addi %scan3A_3, %scan3A_4 : i32
    %scan3A_6 = arith.constant 1 : i32
    scf.for %scan3A_9 = %scan3A_3 to %scan3A_5 step %scan3A_6  : i32 {
      %mul3A_10 = arith.constant 2560 : i32
      %mul3A_11 = arith.muli %scan3A_9, %mul3A_10 : i32
      "tpu.region"() ({
        %run_scoped3A = tpu.sem_alloc : memref<!tpu.dma_semaphore, #tpu.memory_space<semaphore_mem>>
        %dma_start3A = arith.constant 0 : i32
        %dma_start3A_18 = tpu.memref_slice %arg3[%add3A, %dma_start3A] : memref<32x10240xi32, #tpu.memory_space<hbm>> -> memref<1x10240xi32, #tpu.memory_space<hbm>>
        %dma_start3A_19 = tpu.memref_squeeze %dma_start3A_18 : memref<1x10240xi32, #tpu.memory_space<hbm>> -> memref<10240xi32, #tpu.memory_space<hbm>>
        %dma_start3A_20 = tpu.memref_slice %dma_start3A_19[%mul3A_11] : memref<10240xi32, #tpu.memory_space<hbm>> -> memref<2560xi32, #tpu.memory_space<hbm>>
        %dma_start3A_21 = arith.constant 0 : i32
        %dma_start3A_22 = tpu.memref_slice %arg3[%add3A, %dma_start3A_21] : memref<32x10240xi32, #tpu.memory_space<hbm>> -> memref<1x10240xi32, #tpu.memory_space<hbm>>
        %dma_start3A_23 = tpu.memref_squeeze %dma_start3A_22 : memref<1x10240xi32, #tpu.memory_space<hbm>> -> memref<10240xi32, #tpu.memory_space<hbm>>
        %dma_start3A_24 = tpu.memref_slice %dma_start3A_23[%mul3A_11] : memref<10240xi32, #tpu.memory_space<hbm>> -> memref<2560xi32, #tpu.memory_space<hbm>>
        tpu.enqueue_dma source(%dma_start3A_24 : memref<2560xi32, #tpu.memory_space<hbm>>) target(%arg7 : memref<2560xi32, #tpu.memory_space<vmem>>) target_semaphore(%run_scoped3A : memref<!tpu.dma_semaphore, #tpu.memory_space<semaphore_mem>>)
        %dma_wait3A = arith.constant 0 : i32
        %dma_wait3A_25 = tpu.memref_slice %arg3[%add3A, %dma_wait3A] : memref<32x10240xi32, #tpu.memory_space<hbm>> -> memref<1x10240xi32, #tpu.memory_space<hbm>>
        %dma_wait3A_26 = tpu.memref_squeeze %dma_wait3A_25 : memref<1x10240xi32, #tpu.memory_space<hbm>> -> memref<10240xi32, #tpu.memory_space<hbm>>
        %dma_wait3A_27 = tpu.memref_slice %dma_wait3A_26[%mul3A_11] : memref<10240xi32, #tpu.memory_space<hbm>> -> memref<2560xi32, #tpu.memory_space<hbm>>
        %dma_wait3A_28 = arith.constant 0 : i32
        %dma_wait3A_29 = tpu.memref_slice %arg3[%add3A, %dma_wait3A_28] : memref<32x10240xi32, #tpu.memory_space<hbm>> -> memref<1x10240xi32, #tpu.memory_space<hbm>>
        %dma_wait3A_30 = tpu.memref_squeeze %dma_wait3A_29 : memref<1x10240xi32, #tpu.memory_space<hbm>> -> memref<10240xi32, #tpu.memory_space<hbm>>
        %dma_wait3A_31 = tpu.memref_slice %dma_wait3A_30[%mul3A_11] : memref<10240xi32, #tpu.memory_space<hbm>> -> memref<2560xi32, #tpu.memory_space<hbm>>
        tpu.wait_dma2 semaphore(%run_scoped3A : memref<!tpu.dma_semaphore, #tpu.memory_space<semaphore_mem>>) src(%dma_wait3A_31 : memref<2560xi32, #tpu.memory_space<hbm>>) dst(%arg7 : memref<2560xi32, #tpu.memory_space<vmem>>)
        tpu.yield
      }) : () -> ()
      "tpu.region"() ({
        %run_scoped3A = tpu.sem_alloc : memref<!tpu.dma_semaphore, #tpu.memory_space<semaphore_mem>>
        %dma_start3A = arith.constant 0 : i32
        %dma_start3A_18 = tpu.memref_slice %arg4[%add3A, %dma_start3A] : memref<32x10240xi32, #tpu.memory_space<hbm>> -> memref<1x10240xi32, #tpu.memory_space<hbm>>
        %dma_start3A_19 = tpu.memref_squeeze %dma_start3A_18 : memref<1x10240xi32, #tpu.memory_space<hbm>> -> memref<10240xi32, #tpu.memory_space<hbm>>
        %dma_start3A_20 = tpu.memref_slice %dma_start3A_19[%mul3A_11] : memref<10240xi32, #tpu.memory_space<hbm>> -> memref<2560xi32, #tpu.memory_space<hbm>>
        %dma_start3A_21 = arith.constant 0 : i32
        %dma_start3A_22 = tpu.memref_slice %arg4[%add3A, %dma_start3A_21] : memref<32x10240xi32, #tpu.memory_space<hbm>> -> memref<1x10240xi32, #tpu.memory_space<hbm>>
        %dma_start3A_23 = tpu.memref_squeeze %dma_start3A_22 : memref<1x10240xi32, #tpu.memory_space<hbm>> -> memref<10240xi32, #tpu.memory_space<hbm>>
        %dma_start3A_24 = tpu.memref_slice %dma_start3A_23[%mul3A_11] : memref<10240xi32, #tpu.memory_space<hbm>> -> memref<2560xi32, #tpu.memory_space<hbm>>
        tpu.enqueue_dma source(%dma_start3A_24 : memref<2560xi32, #tpu.memory_space<hbm>>) target(%arg8 : memref<2560xi32, #tpu.memory_space<vmem>>) target_semaphore(%run_scoped3A : memref<!tpu.dma_semaphore, #tpu.memory_space<semaphore_mem>>)
        %dma_wait3A = arith.constant 0 : i32
        %dma_wait3A_25 = tpu.memref_slice %arg4[%add3A, %dma_wait3A] : memref<32x10240xi32, #tpu.memory_space<hbm>> -> memref<1x10240xi32, #tpu.memory_space<hbm>>
        %dma_wait3A_26 = tpu.memref_squeeze %dma_wait3A_25 : memref<1x10240xi32, #tpu.memory_space<hbm>> -> memref<10240xi32, #tpu.memory_space<hbm>>
        %dma_wait3A_27 = tpu.memref_slice %dma_wait3A_26[%mul3A_11] : memref<10240xi32, #tpu.memory_space<hbm>> -> memref<2560xi32, #tpu.memory_space<hbm>>
        %dma_wait3A_28 = arith.constant 0 : i32
        %dma_wait3A_29 = tpu.memref_slice %arg4[%add3A, %dma_wait3A_28] : memref<32x10240xi32, #tpu.memory_space<hbm>> -> memref<1x10240xi32, #tpu.memory_space<hbm>>
        %dma_wait3A_30 = tpu.memref_squeeze %dma_wait3A_29 : memref<1x10240xi32, #tpu.memory_space<hbm>> -> memref<10240xi32, #tpu.memory_space<hbm>>
        %dma_wait3A_31 = tpu.memref_slice %dma_wait3A_30[%mul3A_11] : memref<10240xi32, #tpu.memory_space<hbm>> -> memref<2560xi32, #tpu.memory_space<hbm>>
        tpu.wait_dma2 semaphore(%run_scoped3A : memref<!tpu.dma_semaphore, #tpu.memory_space<semaphore_mem>>) src(%dma_wait3A_31 : memref<2560xi32, #tpu.memory_space<hbm>>) dst(%arg8 : memref<2560xi32, #tpu.memory_space<vmem>>)
        tpu.yield
      }) : () -> ()
      %scan3A_12 = arith.constant 0 : i32
      %scan3A_13 = arith.constant 0 : i32
      %scan3A_14 = arith.constant 8 : i32
      %scan3A_15 = arith.addi %scan3A_13, %scan3A_14 : i32
      %scan3A_16 = arith.constant 1 : i32
      scf.for %scan3A_18 = %scan3A_13 to %scan3A_15 step %scan3A_16  : i32 {
        %mul3A_19 = arith.constant 320 : i32
        %mul3A_20 = arith.muli %scan3A_18, %mul3A_19 : i32
        "tpu.region"() ({
          %run_scoped3A = tpu.sem_alloc : memref<!tpu.dma_semaphore, #tpu.memory_space<semaphore_mem>>
          %dma_start3A = tpu.memref_slice %arg7[%mul3A_20] : memref<2560xi32, #tpu.memory_space<vmem>> -> memref<320xi32, #tpu.memory_space<vmem>>
          %dma_start3A_21 = arith.constant 0 : i32
          %dma_start3A_22 = arith.constant 0 : i32
          %dma_start3A_23 = tpu.memref_slice %arg2[%dma_start3A_21, %dma_start3A_22] : memref<10000x128xf32, #tpu.memory_space<hbm>> -> memref<10000x128xf32, #tpu.memory_space<hbm>>
          tpu.enqueue_indirect_dma source(%dma_start3A_23 : memref<10000x128xf32, #tpu.memory_space<hbm>>) target(%arg9 : memref<320x128xf32, #tpu.memory_space<vmem>>) offsets(%dma_start3A : memref<320xi32, #tpu.memory_space<vmem>>) semaphore(%run_scoped3A : memref<!tpu.dma_semaphore, #tpu.memory_space<semaphore_mem>>)
          %dma_wait3A = tpu.memref_slice %arg7[%mul3A_20] : memref<2560xi32, #tpu.memory_space<vmem>> -> memref<320xi32, #tpu.memory_space<vmem>>
          %dma_wait3A_24 = arith.constant 0 : i32
          %dma_wait3A_25 = arith.constant 0 : i32
          %dma_wait3A_26 = tpu.memref_slice %arg2[%dma_wait3A_24, %dma_wait3A_25] : memref<10000x128xf32, #tpu.memory_space<hbm>> -> memref<10000x128xf32, #tpu.memory_space<hbm>>
          tpu.wait_indirect_dma semaphore(%run_scoped3A : memref<!tpu.dma_semaphore, #tpu.memory_space<semaphore_mem>>) src(%dma_wait3A_26 : memref<10000x128xf32, #tpu.memory_space<hbm>>) dst(%arg9 : memref<320x128xf32, #tpu.memory_space<vmem>>)
          tpu.yield
        }) : () -> ()
        "tpu.region"() ({
          %run_scoped3A = tpu.sem_alloc : memref<!tpu.dma_semaphore, #tpu.memory_space<semaphore_mem>>
          %dma_start3A = tpu.memref_slice %arg8[%mul3A_20] : memref<2560xi32, #tpu.memory_space<vmem>> -> memref<320xi32, #tpu.memory_space<vmem>>
          %dma_start3A_21 = arith.constant 0 : i32
          %dma_start3A_22 = arith.constant 0 : i32
          %dma_start3A_23 = tpu.memref_slice %arg10[%dma_start3A_21, %dma_start3A_22] : memref<10112x128xf32, #tpu.memory_space<vmem_shared>> -> memref<10112x128xf32, #tpu.memory_space<vmem_shared>>
          tpu.enqueue_indirect_dma source(%arg9 : memref<320x128xf32, #tpu.memory_space<vmem>>) target(%dma_start3A_23 : memref<10112x128xf32, #tpu.memory_space<vmem_shared>>) offsets(%dma_start3A : memref<320xi32, #tpu.memory_space<vmem>>) semaphore(%run_scoped3A : memref<!tpu.dma_semaphore, #tpu.memory_space<semaphore_mem>>) {add = true}
          %dma_wait3A = tpu.memref_slice %arg8[%mul3A_20] : memref<2560xi32, #tpu.memory_space<vmem>> -> memref<320xi32, #tpu.memory_space<vmem>>
          %dma_wait3A_24 = arith.constant 0 : i32
          %dma_wait3A_25 = arith.constant 0 : i32
          %dma_wait3A_26 = tpu.memref_slice %arg10[%dma_wait3A_24, %dma_wait3A_25] : memref<10112x128xf32, #tpu.memory_space<vmem_shared>> -> memref<10112x128xf32, #tpu.memory_space<vmem_shared>>
          tpu.wait_indirect_dma semaphore(%run_scoped3A : memref<!tpu.dma_semaphore, #tpu.memory_space<semaphore_mem>>) src(%arg9 : memref<320x128xf32, #tpu.memory_space<vmem>>) dst(%dma_wait3A_26 : memref<10112x128xf32, #tpu.memory_space<vmem_shared>>)
          tpu.yield
        }) : () -> ()
      }
      %scan3A_17 = arith.constant 8 : i32
    }
    %scan3A_7 = arith.constant 4 : i32
    %barrier3A_8 = arith.constant 0 : index
    tpu.barrier barrier_id(%barrier3A_8)
    "tpu.region"() ({
      %run_scoped3A = tpu.sem_alloc : memref<!tpu.dma_semaphore, #tpu.memory_space<semaphore_mem>>
      %dma_start3A = arith.constant 0 : i32
      %dma_start3A_9 = arith.constant 0 : i32
      %dma_start3A_10 = tpu.memref_slice %arg6[%arg0, %dma_start3A, %dma_start3A_9] : memref<2x10112x128xf32, #tpu.memory_space<hbm>> -> memref<1x10112x128xf32, #tpu.memory_space<hbm>>
      %dma_start3A_11 = tpu.memref_squeeze %dma_start3A_10 : memref<1x10112x128xf32, #tpu.memory_space<hbm>> -> memref<10112x128xf32, #tpu.memory_space<hbm>>
      %dma_start3A_12 = arith.constant 0 : i32
      %dma_start3A_13 = tpu.memref_slice %dma_start3A_11[%mul3A_2, %dma_start3A_12] : memref<10112x128xf32, #tpu.memory_space<hbm>> -> memref<632x128xf32, #tpu.memory_space<hbm>>
      %dma_start3A_14 = arith.constant 0 : i32
      %dma_start3A_15 = tpu.memref_slice %arg10[%mul3A_2, %dma_start3A_14] : memref<10112x128xf32, #tpu.memory_space<vmem_shared>> -> memref<632x128xf32, #tpu.memory_space<vmem_shared>>
      tpu.enqueue_dma source(%dma_start3A_15 : memref<632x128xf32, #tpu.memory_space<vmem_shared>>) target(%dma_start3A_13 : memref<632x128xf32, #tpu.memory_space<hbm>>) target_semaphore(%run_scoped3A : memref<!tpu.dma_semaphore, #tpu.memory_space<semaphore_mem>>)
      %dma_wait3A = arith.constant 0 : i32
      %dma_wait3A_16 = arith.constant 0 : i32
      %dma_wait3A_17 = tpu.memref_slice %arg6[%arg0, %dma_wait3A, %dma_wait3A_16] : memref<2x10112x128xf32, #tpu.memory_space<hbm>> -> memref<1x10112x128xf32, #tpu.memory_space<hbm>>
      %dma_wait3A_18 = tpu.memref_squeeze %dma_wait3A_17 : memref<1x10112x128xf32, #tpu.memory_space<hbm>> -> memref<10112x128xf32, #tpu.memory_space<hbm>>
      %dma_wait3A_19 = arith.constant 0 : i32
      %dma_wait3A_20 = tpu.memref_slice %dma_wait3A_18[%mul3A_2, %dma_wait3A_19] : memref<10112x128xf32, #tpu.memory_space<hbm>> -> memref<632x128xf32, #tpu.memory_space<hbm>>
      %dma_wait3A_21 = arith.constant 0 : i32
      %dma_wait3A_22 = tpu.memref_slice %arg10[%mul3A_2, %dma_wait3A_21] : memref<10112x128xf32, #tpu.memory_space<vmem_shared>> -> memref<632x128xf32, #tpu.memory_space<vmem_shared>>
      tpu.wait_dma2 semaphore(%run_scoped3A : memref<!tpu.dma_semaphore, #tpu.memory_space<semaphore_mem>>) src(%dma_wait3A_22 : memref<632x128xf32, #tpu.memory_space<vmem_shared>>) dst(%dma_wait3A_20 : memref<632x128xf32, #tpu.memory_space<hbm>>)
      tpu.yield
    }) : () -> ()
    return
  }
}

#map = affine_map<(d0, d1) -> (0, 0)>
#map1 = affine_map<(d0, d1) -> (0, 0, 0)>
module attributes {stable_mosaic.version = 14 : i64} {
  func.func @_sc_scatter_body(%arg0: i32, %arg1: i32, %arg2: memref<10000x128xf32, #tpu.memory_space<hbm>>, %arg3: memref<32x10240xi32, #tpu.memory_space<hbm>>, %arg4: memref<32x10240xi32, #tpu.memory_space<hbm>>, %arg5: memref<632x128xf32, #tpu.memory_space<hbm>>, %arg6: memref<2x10112x128xf32, #tpu.memory_space<hbm>>, %arg7: memref<2560xi32, #tpu.memory_space<vmem>>, %arg8: memref<2560xi32, #tpu.memory_space<vmem>>, %arg9: memref<320x128xf32, #tpu.memory_space<vmem>>, %arg10: memref<10112x128xf32, #tpu.memory_space<vmem_shared>>) attributes {dimension_semantics = [#tpu.dimension_semantics<core_parallel>, #tpu.dimension_semantics<subcore_parallel>], iteration_bounds = array<i64: 2, 16>, scalar_prefetch = 0 : i64, scratch_operands = 4 : i64, tpu.core_type = #tpu.core_type<sc_vector_subcore>, window_params = [{transform_indices = #map}, {transform_indices = #map}, {transform_indices = #map}, {transform_indices = #map}, {transform_indices = #map1}]} {
    %mul3A = arith.constant 2 : i32
    %mul3A_0 = arith.muli %arg1, %mul3A : i32
    %add3A = arith.addi %mul3A_0, %arg0 : i32
    %mul3A_1 = arith.constant 632 : i32
    %mul3A_2 = arith.muli %arg1, %mul3A_1 : i32
    "tpu.region"() ({
      %run_scoped3A = tpu.sem_alloc : memref<!tpu.dma_semaphore, #tpu.memory_space<semaphore_mem>>
      %dma_start3A = arith.constant 0 : i32
      %dma_start3A_9 = tpu.memref_slice %arg10[%mul3A_2, %dma_start3A] : memref<10112x128xf32, #tpu.memory_space<vmem_shared>> -> memref<632x128xf32, #tpu.memory_space<vmem_shared>>
      tpu.enqueue_dma source(%arg5 : memref<632x128xf32, #tpu.memory_space<hbm>>) target(%dma_start3A_9 : memref<632x128xf32, #tpu.memory_space<vmem_shared>>) target_semaphore(%run_scoped3A : memref<!tpu.dma_semaphore, #tpu.memory_space<semaphore_mem>>)
      %dma_wait3A = arith.constant 0 : i32
      %dma_wait3A_10 = tpu.memref_slice %arg10[%mul3A_2, %dma_wait3A] : memref<10112x128xf32, #tpu.memory_space<vmem_shared>> -> memref<632x128xf32, #tpu.memory_space<vmem_shared>>
      tpu.wait_dma2 semaphore(%run_scoped3A : memref<!tpu.dma_semaphore, #tpu.memory_space<semaphore_mem>>) src(%arg5 : memref<632x128xf32, #tpu.memory_space<hbm>>) dst(%dma_wait3A_10 : memref<632x128xf32, #tpu.memory_space<vmem_shared>>)
      tpu.yield
    }) : () -> ()
    %barrier3A = arith.constant 0 : index
    tpu.barrier barrier_id(%barrier3A)
    %scan3A = arith.constant 0 : i32
    %scan3A_3 = arith.constant 0 : i32
    %scan3A_4 = arith.constant 4 : i32
    %scan3A_5 = arith.addi %scan3A_3, %scan3A_4 : i32
    %scan3A_6 = arith.constant 1 : i32
    scf.for %scan3A_9 = %scan3A_3 to %scan3A_5 step %scan3A_6  : i32 {
      %mul3A_10 = arith.constant 2560 : i32
      %mul3A_11 = arith.muli %scan3A_9, %mul3A_10 : i32
      "tpu.region"() ({
        %run_scoped3A = tpu.sem_alloc : memref<!tpu.dma_semaphore, #tpu.memory_space<semaphore_mem>>
        %dma_start3A = arith.constant 0 : i32
        %dma_start3A_18 = tpu.memref_slice %arg3[%add3A, %dma_start3A] : memref<32x10240xi32, #tpu.memory_space<hbm>> -> memref<1x10240xi32, #tpu.memory_space<hbm>>
        %dma_start3A_19 = tpu.memref_squeeze %dma_start3A_18 : memref<1x10240xi32, #tpu.memory_space<hbm>> -> memref<10240xi32, #tpu.memory_space<hbm>>
        %dma_start3A_20 = tpu.memref_slice %dma_start3A_19[%mul3A_11] : memref<10240xi32, #tpu.memory_space<hbm>> -> memref<2560xi32, #tpu.memory_space<hbm>>
        %dma_start3A_21 = arith.constant 0 : i32
        %dma_start3A_22 = tpu.memref_slice %arg3[%add3A, %dma_start3A_21] : memref<32x10240xi32, #tpu.memory_space<hbm>> -> memref<1x10240xi32, #tpu.memory_space<hbm>>
        %dma_start3A_23 = tpu.memref_squeeze %dma_start3A_22 : memref<1x10240xi32, #tpu.memory_space<hbm>> -> memref<10240xi32, #tpu.memory_space<hbm>>
        %dma_start3A_24 = tpu.memref_slice %dma_start3A_23[%mul3A_11] : memref<10240xi32, #tpu.memory_space<hbm>> -> memref<2560xi32, #tpu.memory_space<hbm>>
        tpu.enqueue_dma source(%dma_start3A_24 : memref<2560xi32, #tpu.memory_space<hbm>>) target(%arg7 : memref<2560xi32, #tpu.memory_space<vmem>>) target_semaphore(%run_scoped3A : memref<!tpu.dma_semaphore, #tpu.memory_space<semaphore_mem>>)
        %dma_wait3A = arith.constant 0 : i32
        %dma_wait3A_25 = tpu.memref_slice %arg3[%add3A, %dma_wait3A] : memref<32x10240xi32, #tpu.memory_space<hbm>> -> memref<1x10240xi32, #tpu.memory_space<hbm>>
        %dma_wait3A_26 = tpu.memref_squeeze %dma_wait3A_25 : memref<1x10240xi32, #tpu.memory_space<hbm>> -> memref<10240xi32, #tpu.memory_space<hbm>>
        %dma_wait3A_27 = tpu.memref_slice %dma_wait3A_26[%mul3A_11] : memref<10240xi32, #tpu.memory_space<hbm>> -> memref<2560xi32, #tpu.memory_space<hbm>>
        %dma_wait3A_28 = arith.constant 0 : i32
        %dma_wait3A_29 = tpu.memref_slice %arg3[%add3A, %dma_wait3A_28] : memref<32x10240xi32, #tpu.memory_space<hbm>> -> memref<1x10240xi32, #tpu.memory_space<hbm>>
        %dma_wait3A_30 = tpu.memref_squeeze %dma_wait3A_29 : memref<1x10240xi32, #tpu.memory_space<hbm>> -> memref<10240xi32, #tpu.memory_space<hbm>>
        %dma_wait3A_31 = tpu.memref_slice %dma_wait3A_30[%mul3A_11] : memref<10240xi32, #tpu.memory_space<hbm>> -> memref<2560xi32, #tpu.memory_space<hbm>>
        tpu.wait_dma2 semaphore(%run_scoped3A : memref<!tpu.dma_semaphore, #tpu.memory_space<semaphore_mem>>) src(%dma_wait3A_31 : memref<2560xi32, #tpu.memory_space<hbm>>) dst(%arg7 : memref<2560xi32, #tpu.memory_space<vmem>>)
        tpu.yield
      }) : () -> ()
      "tpu.region"() ({
        %run_scoped3A = tpu.sem_alloc : memref<!tpu.dma_semaphore, #tpu.memory_space<semaphore_mem>>
        %dma_start3A = arith.constant 0 : i32
        %dma_start3A_18 = tpu.memref_slice %arg4[%add3A, %dma_start3A] : memref<32x10240xi32, #tpu.memory_space<hbm>> -> memref<1x10240xi32, #tpu.memory_space<hbm>>
        %dma_start3A_19 = tpu.memref_squeeze %dma_start3A_18 : memref<1x10240xi32, #tpu.memory_space<hbm>> -> memref<10240xi32, #tpu.memory_space<hbm>>
        %dma_start3A_20 = tpu.memref_slice %dma_start3A_19[%mul3A_11] : memref<10240xi32, #tpu.memory_space<hbm>> -> memref<2560xi32, #tpu.memory_space<hbm>>
        %dma_start3A_21 = arith.constant 0 : i32
        %dma_start3A_22 = tpu.memref_slice %arg4[%add3A, %dma_start3A_21] : memref<32x10240xi32, #tpu.memory_space<hbm>> -> memref<1x10240xi32, #tpu.memory_space<hbm>>
        %dma_start3A_23 = tpu.memref_squeeze %dma_start3A_22 : memref<1x10240xi32, #tpu.memory_space<hbm>> -> memref<10240xi32, #tpu.memory_space<hbm>>
        %dma_start3A_24 = tpu.memref_slice %dma_start3A_23[%mul3A_11] : memref<10240xi32, #tpu.memory_space<hbm>> -> memref<2560xi32, #tpu.memory_space<hbm>>
        tpu.enqueue_dma source(%dma_start3A_24 : memref<2560xi32, #tpu.memory_space<hbm>>) target(%arg8 : memref<2560xi32, #tpu.memory_space<vmem>>) target_semaphore(%run_scoped3A : memref<!tpu.dma_semaphore, #tpu.memory_space<semaphore_mem>>)
        %dma_wait3A = arith.constant 0 : i32
        %dma_wait3A_25 = tpu.memref_slice %arg4[%add3A, %dma_wait3A] : memref<32x10240xi32, #tpu.memory_space<hbm>> -> memref<1x10240xi32, #tpu.memory_space<hbm>>
        %dma_wait3A_26 = tpu.memref_squeeze %dma_wait3A_25 : memref<1x10240xi32, #tpu.memory_space<hbm>> -> memref<10240xi32, #tpu.memory_space<hbm>>
        %dma_wait3A_27 = tpu.memref_slice %dma_wait3A_26[%mul3A_11] : memref<10240xi32, #tpu.memory_space<hbm>> -> memref<2560xi32, #tpu.memory_space<hbm>>
        %dma_wait3A_28 = arith.constant 0 : i32
        %dma_wait3A_29 = tpu.memref_slice %arg4[%add3A, %dma_wait3A_28] : memref<32x10240xi32, #tpu.memory_space<hbm>> -> memref<1x10240xi32, #tpu.memory_space<hbm>>
        %dma_wait3A_30 = tpu.memref_squeeze %dma_wait3A_29 : memref<1x10240xi32, #tpu.memory_space<hbm>> -> memref<10240xi32, #tpu.memory_space<hbm>>
        %dma_wait3A_31 = tpu.memref_slice %dma_wait3A_30[%mul3A_11] : memref<10240xi32, #tpu.memory_space<hbm>> -> memref<2560xi32, #tpu.memory_space<hbm>>
        tpu.wait_dma2 semaphore(%run_scoped3A : memref<!tpu.dma_semaphore, #tpu.memory_space<semaphore_mem>>) src(%dma_wait3A_31 : memref<2560xi32, #tpu.memory_space<hbm>>) dst(%arg8 : memref<2560xi32, #tpu.memory_space<vmem>>)
        tpu.yield
      }) : () -> ()
      %scan3A_12 = arith.constant 0 : i32
      %scan3A_13 = arith.constant 0 : i32
      %scan3A_14 = arith.constant 8 : i32
      %scan3A_15 = arith.addi %scan3A_13, %scan3A_14 : i32
      %scan3A_16 = arith.constant 1 : i32
      scf.for %scan3A_18 = %scan3A_13 to %scan3A_15 step %scan3A_16  : i32 {
        %mul3A_19 = arith.constant 320 : i32
        %mul3A_20 = arith.muli %scan3A_18, %mul3A_19 : i32
        "tpu.region"() ({
          %run_scoped3A = tpu.sem_alloc : memref<!tpu.dma_semaphore, #tpu.memory_space<semaphore_mem>>
          %dma_start3A = tpu.memref_slice %arg7[%mul3A_20] : memref<2560xi32, #tpu.memory_space<vmem>> -> memref<320xi32, #tpu.memory_space<vmem>>
          %dma_start3A_21 = arith.constant 0 : i32
          %dma_start3A_22 = arith.constant 0 : i32
          %dma_start3A_23 = tpu.memref_slice %arg2[%dma_start3A_21, %dma_start3A_22] : memref<10000x128xf32, #tpu.memory_space<hbm>> -> memref<10000x128xf32, #tpu.memory_space<hbm>>
          tpu.enqueue_indirect_dma source(%dma_start3A_23 : memref<10000x128xf32, #tpu.memory_space<hbm>>) target(%arg9 : memref<320x128xf32, #tpu.memory_space<vmem>>) offsets(%dma_start3A : memref<320xi32, #tpu.memory_space<vmem>>) semaphore(%run_scoped3A : memref<!tpu.dma_semaphore, #tpu.memory_space<semaphore_mem>>)
          %dma_wait3A = tpu.memref_slice %arg7[%mul3A_20] : memref<2560xi32, #tpu.memory_space<vmem>> -> memref<320xi32, #tpu.memory_space<vmem>>
          %dma_wait3A_24 = arith.constant 0 : i32
          %dma_wait3A_25 = arith.constant 0 : i32
          %dma_wait3A_26 = tpu.memref_slice %arg2[%dma_wait3A_24, %dma_wait3A_25] : memref<10000x128xf32, #tpu.memory_space<hbm>> -> memref<10000x128xf32, #tpu.memory_space<hbm>>
          tpu.wait_indirect_dma semaphore(%run_scoped3A : memref<!tpu.dma_semaphore, #tpu.memory_space<semaphore_mem>>) src(%dma_wait3A_26 : memref<10000x128xf32, #tpu.memory_space<hbm>>) dst(%arg9 : memref<320x128xf32, #tpu.memory_space<vmem>>)
          tpu.yield
        }) : () -> ()
        "tpu.region"() ({
          %run_scoped3A = tpu.sem_alloc : memref<!tpu.dma_semaphore, #tpu.memory_space<semaphore_mem>>
          %dma_start3A = tpu.memref_slice %arg8[%mul3A_20] : memref<2560xi32, #tpu.memory_space<vmem>> -> memref<320xi32, #tpu.memory_space<vmem>>
          %dma_start3A_21 = arith.constant 0 : i32
          %dma_start3A_22 = arith.constant 0 : i32
          %dma_start3A_23 = tpu.memref_slice %arg10[%dma_start3A_21, %dma_start3A_22] : memref<10112x128xf32, #tpu.memory_space<vmem_shared>> -> memref<10112x128xf32, #tpu.memory_space<vmem_shared>>
          tpu.enqueue_indirect_dma source(%arg9 : memref<320x128xf32, #tpu.memory_space<vmem>>) target(%dma_start3A_23 : memref<10112x128xf32, #tpu.memory_space<vmem_shared>>) offsets(%dma_start3A : memref<320xi32, #tpu.memory_space<vmem>>) semaphore(%run_scoped3A : memref<!tpu.dma_semaphore, #tpu.memory_space<semaphore_mem>>) {add = true}
          %dma_wait3A = tpu.memref_slice %arg8[%mul3A_20] : memref<2560xi32, #tpu.memory_space<vmem>> -> memref<320xi32, #tpu.memory_space<vmem>>
          %dma_wait3A_24 = arith.constant 0 : i32
          %dma_wait3A_25 = arith.constant 0 : i32
          %dma_wait3A_26 = tpu.memref_slice %arg10[%dma_wait3A_24, %dma_wait3A_25] : memref<10112x128xf32, #tpu.memory_space<vmem_shared>> -> memref<10112x128xf32, #tpu.memory_space<vmem_shared>>
          tpu.wait_indirect_dma semaphore(%run_scoped3A : memref<!tpu.dma_semaphore, #tpu.memory_space<semaphore_mem>>) src(%arg9 : memref<320x128xf32, #tpu.memory_space<vmem>>) dst(%dma_wait3A_26 : memref<10112x128xf32, #tpu.memory_space<vmem_shared>>)
          tpu.yield
        }) : () -> ()
      }
      %scan3A_17 = arith.constant 8 : i32
    }
    %scan3A_7 = arith.constant 4 : i32
    %barrier3A_8 = arith.constant 0 : index
    tpu.barrier barrier_id(%barrier3A_8)
    "tpu.region"() ({
      %run_scoped3A = tpu.sem_alloc : memref<!tpu.dma_semaphore, #tpu.memory_space<semaphore_mem>>
      %dma_start3A = arith.constant 0 : i32
      %dma_start3A_9 = arith.constant 0 : i32
      %dma_start3A_10 = tpu.memref_slice %arg6[%arg0, %dma_start3A, %dma_start3A_9] : memref<2x10112x128xf32, #tpu.memory_space<hbm>> -> memref<1x10112x128xf32, #tpu.memory_space<hbm>>
      %dma_start3A_11 = tpu.memref_squeeze %dma_start3A_10 : memref<1x10112x128xf32, #tpu.memory_space<hbm>> -> memref<10112x128xf32, #tpu.memory_space<hbm>>
      %dma_start3A_12 = arith.constant 0 : i32
      %dma_start3A_13 = tpu.memref_slice %dma_start3A_11[%mul3A_2, %dma_start3A_12] : memref<10112x128xf32, #tpu.memory_space<hbm>> -> memref<632x128xf32, #tpu.memory_space<hbm>>
      %dma_start3A_14 = arith.constant 0 : i32
      %dma_start3A_15 = tpu.memref_slice %arg10[%mul3A_2, %dma_start3A_14] : memref<10112x128xf32, #tpu.memory_space<vmem_shared>> -> memref<632x128xf32, #tpu.memory_space<vmem_shared>>
      tpu.enqueue_dma source(%dma_start3A_15 : memref<632x128xf32, #tpu.memory_space<vmem_shared>>) target(%dma_start3A_13 : memref<632x128xf32, #tpu.memory_space<hbm>>) target_semaphore(%run_scoped3A : memref<!tpu.dma_semaphore, #tpu.memory_space<semaphore_mem>>)
      %dma_wait3A = arith.constant 0 : i32
      %dma_wait3A_16 = arith.constant 0 : i32
      %dma_wait3A_17 = tpu.memref_slice %arg6[%arg0, %dma_wait3A, %dma_wait3A_16] : memref<2x10112x128xf32, #tpu.memory_space<hbm>> -> memref<1x10112x128xf32, #tpu.memory_space<hbm>>
      %dma_wait3A_18 = tpu.memref_squeeze %dma_wait3A_17 : memref<1x10112x128xf32, #tpu.memory_space<hbm>> -> memref<10112x128xf32, #tpu.memory_space<hbm>>
      %dma_wait3A_19 = arith.constant 0 : i32
      %dma_wait3A_20 = tpu.memref_slice %dma_wait3A_18[%mul3A_2, %dma_wait3A_19] : memref<10112x128xf32, #tpu.memory_space<hbm>> -> memref<632x128xf32, #tpu.memory_space<hbm>>
      %dma_wait3A_21 = arith.constant 0 : i32
      %dma_wait3A_22 = tpu.memref_slice %arg10[%mul3A_2, %dma_wait3A_21] : memref<10112x128xf32, #tpu.memory_space<vmem_shared>> -> memref<632x128xf32, #tpu.memory_space<vmem_shared>>
      tpu.wait_dma2 semaphore(%run_scoped3A : memref<!tpu.dma_semaphore, #tpu.memory_space<semaphore_mem>>) src(%dma_wait3A_22 : memref<632x128xf32, #tpu.memory_space<vmem_shared>>) dst(%dma_wait3A_20 : memref<632x128xf32, #tpu.memory_space<hbm>>)
      tpu.yield
    }) : () -> ()
    return
  }
}

#map = affine_map<(d0, d1) -> (0, 0)>
#map1 = affine_map<(d0, d1) -> (0, 0, 0)>
module attributes {stable_mosaic.version = 14 : i64} {
  func.func @_sc_scatter_body(%arg0: i32, %arg1: i32, %arg2: memref<10000x128xf32, #tpu.memory_space<hbm>>, %arg3: memref<32x10240xi32, #tpu.memory_space<hbm>>, %arg4: memref<32x10240xi32, #tpu.memory_space<hbm>>, %arg5: memref<632x128xf32, #tpu.memory_space<hbm>>, %arg6: memref<2x10112x128xf32, #tpu.memory_space<hbm>>, %arg7: memref<2560xi32, #tpu.memory_space<vmem>>, %arg8: memref<2560xi32, #tpu.memory_space<vmem>>, %arg9: memref<320x128xf32, #tpu.memory_space<vmem>>, %arg10: memref<10112x128xf32, #tpu.memory_space<vmem_shared>>) attributes {dimension_semantics = [#tpu.dimension_semantics<core_parallel>, #tpu.dimension_semantics<subcore_parallel>], iteration_bounds = array<i64: 2, 16>, scalar_prefetch = 0 : i64, scratch_operands = 4 : i64, tpu.core_type = #tpu.core_type<sc_vector_subcore>, window_params = [{transform_indices = #map}, {transform_indices = #map}, {transform_indices = #map}, {transform_indices = #map}, {transform_indices = #map1}]} {
    %mul3A = arith.constant 2 : i32
    %mul3A_0 = arith.muli %arg1, %mul3A : i32
    %add3A = arith.addi %mul3A_0, %arg0 : i32
    %mul3A_1 = arith.constant 632 : i32
    %mul3A_2 = arith.muli %arg1, %mul3A_1 : i32
    "tpu.region"() ({
      %run_scoped3A = tpu.sem_alloc : memref<!tpu.dma_semaphore, #tpu.memory_space<semaphore_mem>>
      %dma_start3A = arith.constant 0 : i32
      %dma_start3A_9 = tpu.memref_slice %arg10[%mul3A_2, %dma_start3A] : memref<10112x128xf32, #tpu.memory_space<vmem_shared>> -> memref<632x128xf32, #tpu.memory_space<vmem_shared>>
      tpu.enqueue_dma source(%arg5 : memref<632x128xf32, #tpu.memory_space<hbm>>) target(%dma_start3A_9 : memref<632x128xf32, #tpu.memory_space<vmem_shared>>) target_semaphore(%run_scoped3A : memref<!tpu.dma_semaphore, #tpu.memory_space<semaphore_mem>>)
      %dma_wait3A = arith.constant 0 : i32
      %dma_wait3A_10 = tpu.memref_slice %arg10[%mul3A_2, %dma_wait3A] : memref<10112x128xf32, #tpu.memory_space<vmem_shared>> -> memref<632x128xf32, #tpu.memory_space<vmem_shared>>
      tpu.wait_dma2 semaphore(%run_scoped3A : memref<!tpu.dma_semaphore, #tpu.memory_space<semaphore_mem>>) src(%arg5 : memref<632x128xf32, #tpu.memory_space<hbm>>) dst(%dma_wait3A_10 : memref<632x128xf32, #tpu.memory_space<vmem_shared>>)
      tpu.yield
    }) : () -> ()
    %barrier3A = arith.constant 0 : index
    tpu.barrier barrier_id(%barrier3A)
    %scan3A = arith.constant 0 : i32
    %scan3A_3 = arith.constant 0 : i32
    %scan3A_4 = arith.constant 4 : i32
    %scan3A_5 = arith.addi %scan3A_3, %scan3A_4 : i32
    %scan3A_6 = arith.constant 1 : i32
    scf.for %scan3A_9 = %scan3A_3 to %scan3A_5 step %scan3A_6  : i32 {
      %mul3A_10 = arith.constant 2560 : i32
      %mul3A_11 = arith.muli %scan3A_9, %mul3A_10 : i32
      "tpu.region"() ({
        %run_scoped3A = tpu.sem_alloc : memref<!tpu.dma_semaphore, #tpu.memory_space<semaphore_mem>>
        %dma_start3A = arith.constant 0 : i32
        %dma_start3A_18 = tpu.memref_slice %arg3[%add3A, %dma_start3A] : memref<32x10240xi32, #tpu.memory_space<hbm>> -> memref<1x10240xi32, #tpu.memory_space<hbm>>
        %dma_start3A_19 = tpu.memref_squeeze %dma_start3A_18 : memref<1x10240xi32, #tpu.memory_space<hbm>> -> memref<10240xi32, #tpu.memory_space<hbm>>
        %dma_start3A_20 = tpu.memref_slice %dma_start3A_19[%mul3A_11] : memref<10240xi32, #tpu.memory_space<hbm>> -> memref<2560xi32, #tpu.memory_space<hbm>>
        %dma_start3A_21 = arith.constant 0 : i32
        %dma_start3A_22 = tpu.memref_slice %arg3[%add3A, %dma_start3A_21] : memref<32x10240xi32, #tpu.memory_space<hbm>> -> memref<1x10240xi32, #tpu.memory_space<hbm>>
        %dma_start3A_23 = tpu.memref_squeeze %dma_start3A_22 : memref<1x10240xi32, #tpu.memory_space<hbm>> -> memref<10240xi32, #tpu.memory_space<hbm>>
        %dma_start3A_24 = tpu.memref_slice %dma_start3A_23[%mul3A_11] : memref<10240xi32, #tpu.memory_space<hbm>> -> memref<2560xi32, #tpu.memory_space<hbm>>
        tpu.enqueue_dma source(%dma_start3A_24 : memref<2560xi32, #tpu.memory_space<hbm>>) target(%arg7 : memref<2560xi32, #tpu.memory_space<vmem>>) target_semaphore(%run_scoped3A : memref<!tpu.dma_semaphore, #tpu.memory_space<semaphore_mem>>)
        %dma_wait3A = arith.constant 0 : i32
        %dma_wait3A_25 = tpu.memref_slice %arg3[%add3A, %dma_wait3A] : memref<32x10240xi32, #tpu.memory_space<hbm>> -> memref<1x10240xi32, #tpu.memory_space<hbm>>
        %dma_wait3A_26 = tpu.memref_squeeze %dma_wait3A_25 : memref<1x10240xi32, #tpu.memory_space<hbm>> -> memref<10240xi32, #tpu.memory_space<hbm>>
        %dma_wait3A_27 = tpu.memref_slice %dma_wait3A_26[%mul3A_11] : memref<10240xi32, #tpu.memory_space<hbm>> -> memref<2560xi32, #tpu.memory_space<hbm>>
        %dma_wait3A_28 = arith.constant 0 : i32
        %dma_wait3A_29 = tpu.memref_slice %arg3[%add3A, %dma_wait3A_28] : memref<32x10240xi32, #tpu.memory_space<hbm>> -> memref<1x10240xi32, #tpu.memory_space<hbm>>
        %dma_wait3A_30 = tpu.memref_squeeze %dma_wait3A_29 : memref<1x10240xi32, #tpu.memory_space<hbm>> -> memref<10240xi32, #tpu.memory_space<hbm>>
        %dma_wait3A_31 = tpu.memref_slice %dma_wait3A_30[%mul3A_11] : memref<10240xi32, #tpu.memory_space<hbm>> -> memref<2560xi32, #tpu.memory_space<hbm>>
        tpu.wait_dma2 semaphore(%run_scoped3A : memref<!tpu.dma_semaphore, #tpu.memory_space<semaphore_mem>>) src(%dma_wait3A_31 : memref<2560xi32, #tpu.memory_space<hbm>>) dst(%arg7 : memref<2560xi32, #tpu.memory_space<vmem>>)
        tpu.yield
      }) : () -> ()
      "tpu.region"() ({
        %run_scoped3A = tpu.sem_alloc : memref<!tpu.dma_semaphore, #tpu.memory_space<semaphore_mem>>
        %dma_start3A = arith.constant 0 : i32
        %dma_start3A_18 = tpu.memref_slice %arg4[%add3A, %dma_start3A] : memref<32x10240xi32, #tpu.memory_space<hbm>> -> memref<1x10240xi32, #tpu.memory_space<hbm>>
        %dma_start3A_19 = tpu.memref_squeeze %dma_start3A_18 : memref<1x10240xi32, #tpu.memory_space<hbm>> -> memref<10240xi32, #tpu.memory_space<hbm>>
        %dma_start3A_20 = tpu.memref_slice %dma_start3A_19[%mul3A_11] : memref<10240xi32, #tpu.memory_space<hbm>> -> memref<2560xi32, #tpu.memory_space<hbm>>
        %dma_start3A_21 = arith.constant 0 : i32
        %dma_start3A_22 = tpu.memref_slice %arg4[%add3A, %dma_start3A_21] : memref<32x10240xi32, #tpu.memory_space<hbm>> -> memref<1x10240xi32, #tpu.memory_space<hbm>>
        %dma_start3A_23 = tpu.memref_squeeze %dma_start3A_22 : memref<1x10240xi32, #tpu.memory_space<hbm>> -> memref<10240xi32, #tpu.memory_space<hbm>>
        %dma_start3A_24 = tpu.memref_slice %dma_start3A_23[%mul3A_11] : memref<10240xi32, #tpu.memory_space<hbm>> -> memref<2560xi32, #tpu.memory_space<hbm>>
        tpu.enqueue_dma source(%dma_start3A_24 : memref<2560xi32, #tpu.memory_space<hbm>>) target(%arg8 : memref<2560xi32, #tpu.memory_space<vmem>>) target_semaphore(%run_scoped3A : memref<!tpu.dma_semaphore, #tpu.memory_space<semaphore_mem>>)
        %dma_wait3A = arith.constant 0 : i32
        %dma_wait3A_25 = tpu.memref_slice %arg4[%add3A, %dma_wait3A] : memref<32x10240xi32, #tpu.memory_space<hbm>> -> memref<1x10240xi32, #tpu.memory_space<hbm>>
        %dma_wait3A_26 = tpu.memref_squeeze %dma_wait3A_25 : memref<1x10240xi32, #tpu.memory_space<hbm>> -> memref<10240xi32, #tpu.memory_space<hbm>>
        %dma_wait3A_27 = tpu.memref_slice %dma_wait3A_26[%mul3A_11] : memref<10240xi32, #tpu.memory_space<hbm>> -> memref<2560xi32, #tpu.memory_space<hbm>>
        %dma_wait3A_28 = arith.constant 0 : i32
        %dma_wait3A_29 = tpu.memref_slice %arg4[%add3A, %dma_wait3A_28] : memref<32x10240xi32, #tpu.memory_space<hbm>> -> memref<1x10240xi32, #tpu.memory_space<hbm>>
        %dma_wait3A_30 = tpu.memref_squeeze %dma_wait3A_29 : memref<1x10240xi32, #tpu.memory_space<hbm>> -> memref<10240xi32, #tpu.memory_space<hbm>>
        %dma_wait3A_31 = tpu.memref_slice %dma_wait3A_30[%mul3A_11] : memref<10240xi32, #tpu.memory_space<hbm>> -> memref<2560xi32, #tpu.memory_space<hbm>>
        tpu.wait_dma2 semaphore(%run_scoped3A : memref<!tpu.dma_semaphore, #tpu.memory_space<semaphore_mem>>) src(%dma_wait3A_31 : memref<2560xi32, #tpu.memory_space<hbm>>) dst(%arg8 : memref<2560xi32, #tpu.memory_space<vmem>>)
        tpu.yield
      }) : () -> ()
      %scan3A_12 = arith.constant 0 : i32
      %scan3A_13 = arith.constant 0 : i32
      %scan3A_14 = arith.constant 8 : i32
      %scan3A_15 = arith.addi %scan3A_13, %scan3A_14 : i32
      %scan3A_16 = arith.constant 1 : i32
      scf.for %scan3A_18 = %scan3A_13 to %scan3A_15 step %scan3A_16  : i32 {
        %mul3A_19 = arith.constant 320 : i32
        %mul3A_20 = arith.muli %scan3A_18, %mul3A_19 : i32
        "tpu.region"() ({
          %run_scoped3A = tpu.sem_alloc : memref<!tpu.dma_semaphore, #tpu.memory_space<semaphore_mem>>
          %dma_start3A = tpu.memref_slice %arg7[%mul3A_20] : memref<2560xi32, #tpu.memory_space<vmem>> -> memref<320xi32, #tpu.memory_space<vmem>>
          %dma_start3A_21 = arith.constant 0 : i32
          %dma_start3A_22 = arith.constant 0 : i32
          %dma_start3A_23 = tpu.memref_slice %arg2[%dma_start3A_21, %dma_start3A_22] : memref<10000x128xf32, #tpu.memory_space<hbm>> -> memref<10000x128xf32, #tpu.memory_space<hbm>>
          tpu.enqueue_indirect_dma source(%dma_start3A_23 : memref<10000x128xf32, #tpu.memory_space<hbm>>) target(%arg9 : memref<320x128xf32, #tpu.memory_space<vmem>>) offsets(%dma_start3A : memref<320xi32, #tpu.memory_space<vmem>>) semaphore(%run_scoped3A : memref<!tpu.dma_semaphore, #tpu.memory_space<semaphore_mem>>)
          %dma_wait3A = tpu.memref_slice %arg7[%mul3A_20] : memref<2560xi32, #tpu.memory_space<vmem>> -> memref<320xi32, #tpu.memory_space<vmem>>
          %dma_wait3A_24 = arith.constant 0 : i32
          %dma_wait3A_25 = arith.constant 0 : i32
          %dma_wait3A_26 = tpu.memref_slice %arg2[%dma_wait3A_24, %dma_wait3A_25] : memref<10000x128xf32, #tpu.memory_space<hbm>> -> memref<10000x128xf32, #tpu.memory_space<hbm>>
          tpu.wait_indirect_dma semaphore(%run_scoped3A : memref<!tpu.dma_semaphore, #tpu.memory_space<semaphore_mem>>) src(%dma_wait3A_26 : memref<10000x128xf32, #tpu.memory_space<hbm>>) dst(%arg9 : memref<320x128xf32, #tpu.memory_space<vmem>>)
          tpu.yield
        }) : () -> ()
        "tpu.region"() ({
          %run_scoped3A = tpu.sem_alloc : memref<!tpu.dma_semaphore, #tpu.memory_space<semaphore_mem>>
          %dma_start3A = tpu.memref_slice %arg8[%mul3A_20] : memref<2560xi32, #tpu.memory_space<vmem>> -> memref<320xi32, #tpu.memory_space<vmem>>
          %dma_start3A_21 = arith.constant 0 : i32
          %dma_start3A_22 = arith.constant 0 : i32
          %dma_start3A_23 = tpu.memref_slice %arg10[%dma_start3A_21, %dma_start3A_22] : memref<10112x128xf32, #tpu.memory_space<vmem_shared>> -> memref<10112x128xf32, #tpu.memory_space<vmem_shared>>
          tpu.enqueue_indirect_dma source(%arg9 : memref<320x128xf32, #tpu.memory_space<vmem>>) target(%dma_start3A_23 : memref<10112x128xf32, #tpu.memory_space<vmem_shared>>) offsets(%dma_start3A : memref<320xi32, #tpu.memory_space<vmem>>) semaphore(%run_scoped3A : memref<!tpu.dma_semaphore, #tpu.memory_space<semaphore_mem>>) {add = true}
          %dma_wait3A = tpu.memref_slice %arg8[%mul3A_20] : memref<2560xi32, #tpu.memory_space<vmem>> -> memref<320xi32, #tpu.memory_space<vmem>>
          %dma_wait3A_24 = arith.constant 0 : i32
          %dma_wait3A_25 = arith.constant 0 : i32
          %dma_wait3A_26 = tpu.memref_slice %arg10[%dma_wait3A_24, %dma_wait3A_25] : memref<10112x128xf32, #tpu.memory_space<vmem_shared>> -> memref<10112x128xf32, #tpu.memory_space<vmem_shared>>
          tpu.wait_indirect_dma semaphore(%run_scoped3A : memref<!tpu.dma_semaphore, #tpu.memory_space<semaphore_mem>>) src(%arg9 : memref<320x128xf32, #tpu.memory_space<vmem>>) dst(%dma_wait3A_26 : memref<10112x128xf32, #tpu.memory_space<vmem_shared>>)
          tpu.yield
        }) : () -> ()
      }
      %scan3A_17 = arith.constant 8 : i32
    }
    %scan3A_7 = arith.constant 4 : i32
    %barrier3A_8 = arith.constant 0 : index
    tpu.barrier barrier_id(%barrier3A_8)
    "tpu.region"() ({
      %run_scoped3A = tpu.sem_alloc : memref<!tpu.dma_semaphore, #tpu.memory_space<semaphore_mem>>
      %dma_start3A = arith.constant 0 : i32
      %dma_start3A_9 = arith.constant 0 : i32
      %dma_start3A_10 = tpu.memref_slice %arg6[%arg0, %dma_start3A, %dma_start3A_9] : memref<2x10112x128xf32, #tpu.memory_space<hbm>> -> memref<1x10112x128xf32, #tpu.memory_space<hbm>>
      %dma_start3A_11 = tpu.memref_squeeze %dma_start3A_10 : memref<1x10112x128xf32, #tpu.memory_space<hbm>> -> memref<10112x128xf32, #tpu.memory_space<hbm>>
      %dma_start3A_12 = arith.constant 0 : i32
      %dma_start3A_13 = tpu.memref_slice %dma_start3A_11[%mul3A_2, %dma_start3A_12] : memref<10112x128xf32, #tpu.memory_space<hbm>> -> memref<632x128xf32, #tpu.memory_space<hbm>>
      %dma_start3A_14 = arith.constant 0 : i32
      %dma_start3A_15 = tpu.memref_slice %arg10[%mul3A_2, %dma_start3A_14] : memref<10112x128xf32, #tpu.memory_space<vmem_shared>> -> memref<632x128xf32, #tpu.memory_space<vmem_shared>>
      tpu.enqueue_dma source(%dma_start3A_15 : memref<632x128xf32, #tpu.memory_space<vmem_shared>>) target(%dma_start3A_13 : memref<632x128xf32, #tpu.memory_space<hbm>>) target_semaphore(%run_scoped3A : memref<!tpu.dma_semaphore, #tpu.memory_space<semaphore_mem>>)
      %dma_wait3A = arith.constant 0 : i32
      %dma_wait3A_16 = arith.constant 0 : i32
      %dma_wait3A_17 = tpu.memref_slice %arg6[%arg0, %dma_wait3A, %dma_wait3A_16] : memref<2x10112x128xf32, #tpu.memory_space<hbm>> -> memref<1x10112x128xf32, #tpu.memory_space<hbm>>
      %dma_wait3A_18 = tpu.memref_squeeze %dma_wait3A_17 : memref<1x10112x128xf32, #tpu.memory_space<hbm>> -> memref<10112x128xf32, #tpu.memory_space<hbm>>
      %dma_wait3A_19 = arith.constant 0 : i32
      %dma_wait3A_20 = tpu.memref_slice %dma_wait3A_18[%mul3A_2, %dma_wait3A_19] : memref<10112x128xf32, #tpu.memory_space<hbm>> -> memref<632x128xf32, #tpu.memory_space<hbm>>
      %dma_wait3A_21 = arith.constant 0 : i32
      %dma_wait3A_22 = tpu.memref_slice %arg10[%mul3A_2, %dma_wait3A_21] : memref<10112x128xf32, #tpu.memory_space<vmem_shared>> -> memref<632x128xf32, #tpu.memory_space<vmem_shared>>
      tpu.wait_dma2 semaphore(%run_scoped3A : memref<!tpu.dma_semaphore, #tpu.memory_space<semaphore_mem>>) src(%dma_wait3A_22 : memref<632x128xf32, #tpu.memory_space<vmem_shared>>) dst(%dma_wait3A_20 : memref<632x128xf32, #tpu.memory_space<hbm>>)
      tpu.yield
    }) : () -> ()
    return
  }
}

#map = affine_map<(d0, d1) -> (0, 0)>
#map1 = affine_map<(d0, d1) -> (0, 0, 0)>
module attributes {stable_mosaic.version = 14 : i64} {
  func.func @_sc_scatter_body(%arg0: i32, %arg1: i32, %arg2: memref<10000x128xf32, #tpu.memory_space<hbm>>, %arg3: memref<32x10240xi32, #tpu.memory_space<hbm>>, %arg4: memref<32x10240xi32, #tpu.memory_space<hbm>>, %arg5: memref<632x128xf32, #tpu.memory_space<hbm>>, %arg6: memref<2x10112x128xf32, #tpu.memory_space<hbm>>, %arg7: memref<2560xi32, #tpu.memory_space<vmem>>, %arg8: memref<2560xi32, #tpu.memory_space<vmem>>, %arg9: memref<320x128xf32, #tpu.memory_space<vmem>>, %arg10: memref<10112x128xf32, #tpu.memory_space<vmem_shared>>) attributes {dimension_semantics = [#tpu.dimension_semantics<core_parallel>, #tpu.dimension_semantics<subcore_parallel>], iteration_bounds = array<i64: 2, 16>, scalar_prefetch = 0 : i64, scratch_operands = 4 : i64, tpu.core_type = #tpu.core_type<sc_vector_subcore>, window_params = [{transform_indices = #map}, {transform_indices = #map}, {transform_indices = #map}, {transform_indices = #map}, {transform_indices = #map1}]} {
    %mul3A = arith.constant 2 : i32
    %mul3A_0 = arith.muli %arg1, %mul3A : i32
    %add3A = arith.addi %mul3A_0, %arg0 : i32
    %mul3A_1 = arith.constant 632 : i32
    %mul3A_2 = arith.muli %arg1, %mul3A_1 : i32
    "tpu.region"() ({
      %run_scoped3A = tpu.sem_alloc : memref<!tpu.dma_semaphore, #tpu.memory_space<semaphore_mem>>
      %dma_start3A = arith.constant 0 : i32
      %dma_start3A_9 = tpu.memref_slice %arg10[%mul3A_2, %dma_start3A] : memref<10112x128xf32, #tpu.memory_space<vmem_shared>> -> memref<632x128xf32, #tpu.memory_space<vmem_shared>>
      tpu.enqueue_dma source(%arg5 : memref<632x128xf32, #tpu.memory_space<hbm>>) target(%dma_start3A_9 : memref<632x128xf32, #tpu.memory_space<vmem_shared>>) target_semaphore(%run_scoped3A : memref<!tpu.dma_semaphore, #tpu.memory_space<semaphore_mem>>)
      %dma_wait3A = arith.constant 0 : i32
      %dma_wait3A_10 = tpu.memref_slice %arg10[%mul3A_2, %dma_wait3A] : memref<10112x128xf32, #tpu.memory_space<vmem_shared>> -> memref<632x128xf32, #tpu.memory_space<vmem_shared>>
      tpu.wait_dma2 semaphore(%run_scoped3A : memref<!tpu.dma_semaphore, #tpu.memory_space<semaphore_mem>>) src(%arg5 : memref<632x128xf32, #tpu.memory_space<hbm>>) dst(%dma_wait3A_10 : memref<632x128xf32, #tpu.memory_space<vmem_shared>>)
      tpu.yield
    }) : () -> ()
    %barrier3A = arith.constant 0 : index
    tpu.barrier barrier_id(%barrier3A)
    %scan3A = arith.constant 0 : i32
    %scan3A_3 = arith.constant 0 : i32
    %scan3A_4 = arith.constant 4 : i32
    %scan3A_5 = arith.addi %scan3A_3, %scan3A_4 : i32
    %scan3A_6 = arith.constant 1 : i32
    scf.for %scan3A_9 = %scan3A_3 to %scan3A_5 step %scan3A_6  : i32 {
      %mul3A_10 = arith.constant 2560 : i32
      %mul3A_11 = arith.muli %scan3A_9, %mul3A_10 : i32
      "tpu.region"() ({
        %run_scoped3A = tpu.sem_alloc : memref<!tpu.dma_semaphore, #tpu.memory_space<semaphore_mem>>
        %dma_start3A = arith.constant 0 : i32
        %dma_start3A_18 = tpu.memref_slice %arg3[%add3A, %dma_start3A] : memref<32x10240xi32, #tpu.memory_space<hbm>> -> memref<1x10240xi32, #tpu.memory_space<hbm>>
        %dma_start3A_19 = tpu.memref_squeeze %dma_start3A_18 : memref<1x10240xi32, #tpu.memory_space<hbm>> -> memref<10240xi32, #tpu.memory_space<hbm>>
        %dma_start3A_20 = tpu.memref_slice %dma_start3A_19[%mul3A_11] : memref<10240xi32, #tpu.memory_space<hbm>> -> memref<2560xi32, #tpu.memory_space<hbm>>
        %dma_start3A_21 = arith.constant 0 : i32
        %dma_start3A_22 = tpu.memref_slice %arg3[%add3A, %dma_start3A_21] : memref<32x10240xi32, #tpu.memory_space<hbm>> -> memref<1x10240xi32, #tpu.memory_space<hbm>>
        %dma_start3A_23 = tpu.memref_squeeze %dma_start3A_22 : memref<1x10240xi32, #tpu.memory_space<hbm>> -> memref<10240xi32, #tpu.memory_space<hbm>>
        %dma_start3A_24 = tpu.memref_slice %dma_start3A_23[%mul3A_11] : memref<10240xi32, #tpu.memory_space<hbm>> -> memref<2560xi32, #tpu.memory_space<hbm>>
        tpu.enqueue_dma source(%dma_start3A_24 : memref<2560xi32, #tpu.memory_space<hbm>>) target(%arg7 : memref<2560xi32, #tpu.memory_space<vmem>>) target_semaphore(%run_scoped3A : memref<!tpu.dma_semaphore, #tpu.memory_space<semaphore_mem>>)
        %dma_wait3A = arith.constant 0 : i32
        %dma_wait3A_25 = tpu.memref_slice %arg3[%add3A, %dma_wait3A] : memref<32x10240xi32, #tpu.memory_space<hbm>> -> memref<1x10240xi32, #tpu.memory_space<hbm>>
        %dma_wait3A_26 = tpu.memref_squeeze %dma_wait3A_25 : memref<1x10240xi32, #tpu.memory_space<hbm>> -> memref<10240xi32, #tpu.memory_space<hbm>>
        %dma_wait3A_27 = tpu.memref_slice %dma_wait3A_26[%mul3A_11] : memref<10240xi32, #tpu.memory_space<hbm>> -> memref<2560xi32, #tpu.memory_space<hbm>>
        %dma_wait3A_28 = arith.constant 0 : i32
        %dma_wait3A_29 = tpu.memref_slice %arg3[%add3A, %dma_wait3A_28] : memref<32x10240xi32, #tpu.memory_space<hbm>> -> memref<1x10240xi32, #tpu.memory_space<hbm>>
        %dma_wait3A_30 = tpu.memref_squeeze %dma_wait3A_29 : memref<1x10240xi32, #tpu.memory_space<hbm>> -> memref<10240xi32, #tpu.memory_space<hbm>>
        %dma_wait3A_31 = tpu.memref_slice %dma_wait3A_30[%mul3A_11] : memref<10240xi32, #tpu.memory_space<hbm>> -> memref<2560xi32, #tpu.memory_space<hbm>>
        tpu.wait_dma2 semaphore(%run_scoped3A : memref<!tpu.dma_semaphore, #tpu.memory_space<semaphore_mem>>) src(%dma_wait3A_31 : memref<2560xi32, #tpu.memory_space<hbm>>) dst(%arg7 : memref<2560xi32, #tpu.memory_space<vmem>>)
        tpu.yield
      }) : () -> ()
      "tpu.region"() ({
        %run_scoped3A = tpu.sem_alloc : memref<!tpu.dma_semaphore, #tpu.memory_space<semaphore_mem>>
        %dma_start3A = arith.constant 0 : i32
        %dma_start3A_18 = tpu.memref_slice %arg4[%add3A, %dma_start3A] : memref<32x10240xi32, #tpu.memory_space<hbm>> -> memref<1x10240xi32, #tpu.memory_space<hbm>>
        %dma_start3A_19 = tpu.memref_squeeze %dma_start3A_18 : memref<1x10240xi32, #tpu.memory_space<hbm>> -> memref<10240xi32, #tpu.memory_space<hbm>>
        %dma_start3A_20 = tpu.memref_slice %dma_start3A_19[%mul3A_11] : memref<10240xi32, #tpu.memory_space<hbm>> -> memref<2560xi32, #tpu.memory_space<hbm>>
        %dma_start3A_21 = arith.constant 0 : i32
        %dma_start3A_22 = tpu.memref_slice %arg4[%add3A, %dma_start3A_21] : memref<32x10240xi32, #tpu.memory_space<hbm>> -> memref<1x10240xi32, #tpu.memory_space<hbm>>
        %dma_start3A_23 = tpu.memref_squeeze %dma_start3A_22 : memref<1x10240xi32, #tpu.memory_space<hbm>> -> memref<10240xi32, #tpu.memory_space<hbm>>
        %dma_start3A_24 = tpu.memref_slice %dma_start3A_23[%mul3A_11] : memref<10240xi32, #tpu.memory_space<hbm>> -> memref<2560xi32, #tpu.memory_space<hbm>>
        tpu.enqueue_dma source(%dma_start3A_24 : memref<2560xi32, #tpu.memory_space<hbm>>) target(%arg8 : memref<2560xi32, #tpu.memory_space<vmem>>) target_semaphore(%run_scoped3A : memref<!tpu.dma_semaphore, #tpu.memory_space<semaphore_mem>>)
        %dma_wait3A = arith.constant 0 : i32
        %dma_wait3A_25 = tpu.memref_slice %arg4[%add3A, %dma_wait3A] : memref<32x10240xi32, #tpu.memory_space<hbm>> -> memref<1x10240xi32, #tpu.memory_space<hbm>>
        %dma_wait3A_26 = tpu.memref_squeeze %dma_wait3A_25 : memref<1x10240xi32, #tpu.memory_space<hbm>> -> memref<10240xi32, #tpu.memory_space<hbm>>
        %dma_wait3A_27 = tpu.memref_slice %dma_wait3A_26[%mul3A_11] : memref<10240xi32, #tpu.memory_space<hbm>> -> memref<2560xi32, #tpu.memory_space<hbm>>
        %dma_wait3A_28 = arith.constant 0 : i32
        %dma_wait3A_29 = tpu.memref_slice %arg4[%add3A, %dma_wait3A_28] : memref<32x10240xi32, #tpu.memory_space<hbm>> -> memref<1x10240xi32, #tpu.memory_space<hbm>>
        %dma_wait3A_30 = tpu.memref_squeeze %dma_wait3A_29 : memref<1x10240xi32, #tpu.memory_space<hbm>> -> memref<10240xi32, #tpu.memory_space<hbm>>
        %dma_wait3A_31 = tpu.memref_slice %dma_wait3A_30[%mul3A_11] : memref<10240xi32, #tpu.memory_space<hbm>> -> memref<2560xi32, #tpu.memory_space<hbm>>
        tpu.wait_dma2 semaphore(%run_scoped3A : memref<!tpu.dma_semaphore, #tpu.memory_space<semaphore_mem>>) src(%dma_wait3A_31 : memref<2560xi32, #tpu.memory_space<hbm>>) dst(%arg8 : memref<2560xi32, #tpu.memory_space<vmem>>)
        tpu.yield
      }) : () -> ()
      %scan3A_12 = arith.constant 0 : i32
      %scan3A_13 = arith.constant 0 : i32
      %scan3A_14 = arith.constant 8 : i32
      %scan3A_15 = arith.addi %scan3A_13, %scan3A_14 : i32
      %scan3A_16 = arith.constant 1 : i32
      scf.for %scan3A_18 = %scan3A_13 to %scan3A_15 step %scan3A_16  : i32 {
        %mul3A_19 = arith.constant 320 : i32
        %mul3A_20 = arith.muli %scan3A_18, %mul3A_19 : i32
        "tpu.region"() ({
          %run_scoped3A = tpu.sem_alloc : memref<!tpu.dma_semaphore, #tpu.memory_space<semaphore_mem>>
          %dma_start3A = tpu.memref_slice %arg7[%mul3A_20] : memref<2560xi32, #tpu.memory_space<vmem>> -> memref<320xi32, #tpu.memory_space<vmem>>
          %dma_start3A_21 = arith.constant 0 : i32
          %dma_start3A_22 = arith.constant 0 : i32
          %dma_start3A_23 = tpu.memref_slice %arg2[%dma_start3A_21, %dma_start3A_22] : memref<10000x128xf32, #tpu.memory_space<hbm>> -> memref<10000x128xf32, #tpu.memory_space<hbm>>
          tpu.enqueue_indirect_dma source(%dma_start3A_23 : memref<10000x128xf32, #tpu.memory_space<hbm>>) target(%arg9 : memref<320x128xf32, #tpu.memory_space<vmem>>) offsets(%dma_start3A : memref<320xi32, #tpu.memory_space<vmem>>) semaphore(%run_scoped3A : memref<!tpu.dma_semaphore, #tpu.memory_space<semaphore_mem>>)
          %dma_wait3A = tpu.memref_slice %arg7[%mul3A_20] : memref<2560xi32, #tpu.memory_space<vmem>> -> memref<320xi32, #tpu.memory_space<vmem>>
          %dma_wait3A_24 = arith.constant 0 : i32
          %dma_wait3A_25 = arith.constant 0 : i32
          %dma_wait3A_26 = tpu.memref_slice %arg2[%dma_wait3A_24, %dma_wait3A_25] : memref<10000x128xf32, #tpu.memory_space<hbm>> -> memref<10000x128xf32, #tpu.memory_space<hbm>>
          tpu.wait_indirect_dma semaphore(%run_scoped3A : memref<!tpu.dma_semaphore, #tpu.memory_space<semaphore_mem>>) src(%dma_wait3A_26 : memref<10000x128xf32, #tpu.memory_space<hbm>>) dst(%arg9 : memref<320x128xf32, #tpu.memory_space<vmem>>)
          tpu.yield
        }) : () -> ()
        "tpu.region"() ({
          %run_scoped3A = tpu.sem_alloc : memref<!tpu.dma_semaphore, #tpu.memory_space<semaphore_mem>>
          %dma_start3A = tpu.memref_slice %arg8[%mul3A_20] : memref<2560xi32, #tpu.memory_space<vmem>> -> memref<320xi32, #tpu.memory_space<vmem>>
          %dma_start3A_21 = arith.constant 0 : i32
          %dma_start3A_22 = arith.constant 0 : i32
          %dma_start3A_23 = tpu.memref_slice %arg10[%dma_start3A_21, %dma_start3A_22] : memref<10112x128xf32, #tpu.memory_space<vmem_shared>> -> memref<10112x128xf32, #tpu.memory_space<vmem_shared>>
          tpu.enqueue_indirect_dma source(%arg9 : memref<320x128xf32, #tpu.memory_space<vmem>>) target(%dma_start3A_23 : memref<10112x128xf32, #tpu.memory_space<vmem_shared>>) offsets(%dma_start3A : memref<320xi32, #tpu.memory_space<vmem>>) semaphore(%run_scoped3A : memref<!tpu.dma_semaphore, #tpu.memory_space<semaphore_mem>>) {add = true}
          %dma_wait3A = tpu.memref_slice %arg8[%mul3A_20] : memref<2560xi32, #tpu.memory_space<vmem>> -> memref<320xi32, #tpu.memory_space<vmem>>
          %dma_wait3A_24 = arith.constant 0 : i32
          %dma_wait3A_25 = arith.constant 0 : i32
          %dma_wait3A_26 = tpu.memref_slice %arg10[%dma_wait3A_24, %dma_wait3A_25] : memref<10112x128xf32, #tpu.memory_space<vmem_shared>> -> memref<10112x128xf32, #tpu.memory_space<vmem_shared>>
          tpu.wait_indirect_dma semaphore(%run_scoped3A : memref<!tpu.dma_semaphore, #tpu.memory_space<semaphore_mem>>) src(%arg9 : memref<320x128xf32, #tpu.memory_space<vmem>>) dst(%dma_wait3A_26 : memref<10112x128xf32, #tpu.memory_space<vmem_shared>>)
          tpu.yield
        }) : () -> ()
      }
      %scan3A_17 = arith.constant 8 : i32
    }
    %scan3A_7 = arith.constant 4 : i32
    %barrier3A_8 = arith.constant 0 : index
    tpu.barrier barrier_id(%barrier3A_8)
    "tpu.region"() ({
      %run_scoped3A = tpu.sem_alloc : memref<!tpu.dma_semaphore, #tpu.memory_space<semaphore_mem>>
      %dma_start3A = arith.constant 0 : i32
      %dma_start3A_9 = arith.constant 0 : i32
      %dma_start3A_10 = tpu.memref_slice %arg6[%arg0, %dma_start3A, %dma_start3A_9] : memref<2x10112x128xf32, #tpu.memory_space<hbm>> -> memref<1x10112x128xf32, #tpu.memory_space<hbm>>
      %dma_start3A_11 = tpu.memref_squeeze %dma_start3A_10 : memref<1x10112x128xf32, #tpu.memory_space<hbm>> -> memref<10112x128xf32, #tpu.memory_space<hbm>>
      %dma_start3A_12 = arith.constant 0 : i32
      %dma_start3A_13 = tpu.memref_slice %dma_start3A_11[%mul3A_2, %dma_start3A_12] : memref<10112x128xf32, #tpu.memory_space<hbm>> -> memref<632x128xf32, #tpu.memory_space<hbm>>
      %dma_start3A_14 = arith.constant 0 : i32
      %dma_start3A_15 = tpu.memref_slice %arg10[%mul3A_2, %dma_start3A_14] : memref<10112x128xf32, #tpu.memory_space<vmem_shared>> -> memref<632x128xf32, #tpu.memory_space<vmem_shared>>
      tpu.enqueue_dma source(%dma_start3A_15 : memref<632x128xf32, #tpu.memory_space<vmem_shared>>) target(%dma_start3A_13 : memref<632x128xf32, #tpu.memory_space<hbm>>) target_semaphore(%run_scoped3A : memref<!tpu.dma_semaphore, #tpu.memory_space<semaphore_mem>>)
      %dma_wait3A = arith.constant 0 : i32
      %dma_wait3A_16 = arith.constant 0 : i32
      %dma_wait3A_17 = tpu.memref_slice %arg6[%arg0, %dma_wait3A, %dma_wait3A_16] : memref<2x10112x128xf32, #tpu.memory_space<hbm>> -> memref<1x10112x128xf32, #tpu.memory_space<hbm>>
      %dma_wait3A_18 = tpu.memref_squeeze %dma_wait3A_17 : memref<1x10112x128xf32, #tpu.memory_space<hbm>> -> memref<10112x128xf32, #tpu.memory_space<hbm>>
      %dma_wait3A_19 = arith.constant 0 : i32
      %dma_wait3A_20 = tpu.memref_slice %dma_wait3A_18[%mul3A_2, %dma_wait3A_19] : memref<10112x128xf32, #tpu.memory_space<hbm>> -> memref<632x128xf32, #tpu.memory_space<hbm>>
      %dma_wait3A_21 = arith.constant 0 : i32
      %dma_wait3A_22 = tpu.memref_slice %arg10[%mul3A_2, %dma_wait3A_21] : memref<10112x128xf32, #tpu.memory_space<vmem_shared>> -> memref<632x128xf32, #tpu.memory_space<vmem_shared>>
      tpu.wait_dma2 semaphore(%run_scoped3A : memref<!tpu.dma_semaphore, #tpu.memory_space<semaphore_mem>>) src(%dma_wait3A_22 : memref<632x128xf32, #tpu.memory_space<vmem_shared>>) dst(%dma_wait3A_20 : memref<632x128xf32, #tpu.memory_space<hbm>>)
      tpu.yield
    }) : () -> ()
    return
  }
}

#map = affine_map<(d0, d1) -> (0, 0)>
#map1 = affine_map<(d0, d1) -> (0, 0, 0)>
module attributes {stable_mosaic.version = 14 : i64} {
  func.func @_sc_scatter_body(%arg0: i32, %arg1: i32, %arg2: memref<10000x128xf32, #tpu.memory_space<hbm>>, %arg3: memref<32x10240xi32, #tpu.memory_space<hbm>>, %arg4: memref<32x10240xi32, #tpu.memory_space<hbm>>, %arg5: memref<632x128xf32, #tpu.memory_space<hbm>>, %arg6: memref<2x10112x128xf32, #tpu.memory_space<hbm>>, %arg7: memref<2560xi32, #tpu.memory_space<vmem>>, %arg8: memref<2560xi32, #tpu.memory_space<vmem>>, %arg9: memref<320x128xf32, #tpu.memory_space<vmem>>, %arg10: memref<10112x128xf32, #tpu.memory_space<vmem_shared>>) attributes {dimension_semantics = [#tpu.dimension_semantics<core_parallel>, #tpu.dimension_semantics<subcore_parallel>], iteration_bounds = array<i64: 2, 16>, scalar_prefetch = 0 : i64, scratch_operands = 4 : i64, tpu.core_type = #tpu.core_type<sc_vector_subcore>, window_params = [{transform_indices = #map}, {transform_indices = #map}, {transform_indices = #map}, {transform_indices = #map}, {transform_indices = #map1}]} {
    %mul3A = arith.constant 2 : i32
    %mul3A_0 = arith.muli %arg1, %mul3A : i32
    %add3A = arith.addi %mul3A_0, %arg0 : i32
    %mul3A_1 = arith.constant 632 : i32
    %mul3A_2 = arith.muli %arg1, %mul3A_1 : i32
    "tpu.region"() ({
      %run_scoped3A = tpu.sem_alloc : memref<!tpu.dma_semaphore, #tpu.memory_space<semaphore_mem>>
      %dma_start3A = arith.constant 0 : i32
      %dma_start3A_9 = tpu.memref_slice %arg10[%mul3A_2, %dma_start3A] : memref<10112x128xf32, #tpu.memory_space<vmem_shared>> -> memref<632x128xf32, #tpu.memory_space<vmem_shared>>
      tpu.enqueue_dma source(%arg5 : memref<632x128xf32, #tpu.memory_space<hbm>>) target(%dma_start3A_9 : memref<632x128xf32, #tpu.memory_space<vmem_shared>>) target_semaphore(%run_scoped3A : memref<!tpu.dma_semaphore, #tpu.memory_space<semaphore_mem>>)
      %dma_wait3A = arith.constant 0 : i32
      %dma_wait3A_10 = tpu.memref_slice %arg10[%mul3A_2, %dma_wait3A] : memref<10112x128xf32, #tpu.memory_space<vmem_shared>> -> memref<632x128xf32, #tpu.memory_space<vmem_shared>>
      tpu.wait_dma2 semaphore(%run_scoped3A : memref<!tpu.dma_semaphore, #tpu.memory_space<semaphore_mem>>) src(%arg5 : memref<632x128xf32, #tpu.memory_space<hbm>>) dst(%dma_wait3A_10 : memref<632x128xf32, #tpu.memory_space<vmem_shared>>)
      tpu.yield
    }) : () -> ()
    %barrier3A = arith.constant 0 : index
    tpu.barrier barrier_id(%barrier3A)
    %scan3A = arith.constant 0 : i32
    %scan3A_3 = arith.constant 0 : i32
    %scan3A_4 = arith.constant 4 : i32
    %scan3A_5 = arith.addi %scan3A_3, %scan3A_4 : i32
    %scan3A_6 = arith.constant 1 : i32
    scf.for %scan3A_9 = %scan3A_3 to %scan3A_5 step %scan3A_6  : i32 {
      %mul3A_10 = arith.constant 2560 : i32
      %mul3A_11 = arith.muli %scan3A_9, %mul3A_10 : i32
      "tpu.region"() ({
        %run_scoped3A = tpu.sem_alloc : memref<!tpu.dma_semaphore, #tpu.memory_space<semaphore_mem>>
        %dma_start3A = arith.constant 0 : i32
        %dma_start3A_18 = tpu.memref_slice %arg3[%add3A, %dma_start3A] : memref<32x10240xi32, #tpu.memory_space<hbm>> -> memref<1x10240xi32, #tpu.memory_space<hbm>>
        %dma_start3A_19 = tpu.memref_squeeze %dma_start3A_18 : memref<1x10240xi32, #tpu.memory_space<hbm>> -> memref<10240xi32, #tpu.memory_space<hbm>>
        %dma_start3A_20 = tpu.memref_slice %dma_start3A_19[%mul3A_11] : memref<10240xi32, #tpu.memory_space<hbm>> -> memref<2560xi32, #tpu.memory_space<hbm>>
        %dma_start3A_21 = arith.constant 0 : i32
        %dma_start3A_22 = tpu.memref_slice %arg3[%add3A, %dma_start3A_21] : memref<32x10240xi32, #tpu.memory_space<hbm>> -> memref<1x10240xi32, #tpu.memory_space<hbm>>
        %dma_start3A_23 = tpu.memref_squeeze %dma_start3A_22 : memref<1x10240xi32, #tpu.memory_space<hbm>> -> memref<10240xi32, #tpu.memory_space<hbm>>
        %dma_start3A_24 = tpu.memref_slice %dma_start3A_23[%mul3A_11] : memref<10240xi32, #tpu.memory_space<hbm>> -> memref<2560xi32, #tpu.memory_space<hbm>>
        tpu.enqueue_dma source(%dma_start3A_24 : memref<2560xi32, #tpu.memory_space<hbm>>) target(%arg7 : memref<2560xi32, #tpu.memory_space<vmem>>) target_semaphore(%run_scoped3A : memref<!tpu.dma_semaphore, #tpu.memory_space<semaphore_mem>>)
        %dma_wait3A = arith.constant 0 : i32
        %dma_wait3A_25 = tpu.memref_slice %arg3[%add3A, %dma_wait3A] : memref<32x10240xi32, #tpu.memory_space<hbm>> -> memref<1x10240xi32, #tpu.memory_space<hbm>>
        %dma_wait3A_26 = tpu.memref_squeeze %dma_wait3A_25 : memref<1x10240xi32, #tpu.memory_space<hbm>> -> memref<10240xi32, #tpu.memory_space<hbm>>
        %dma_wait3A_27 = tpu.memref_slice %dma_wait3A_26[%mul3A_11] : memref<10240xi32, #tpu.memory_space<hbm>> -> memref<2560xi32, #tpu.memory_space<hbm>>
        %dma_wait3A_28 = arith.constant 0 : i32
        %dma_wait3A_29 = tpu.memref_slice %arg3[%add3A, %dma_wait3A_28] : memref<32x10240xi32, #tpu.memory_space<hbm>> -> memref<1x10240xi32, #tpu.memory_space<hbm>>
        %dma_wait3A_30 = tpu.memref_squeeze %dma_wait3A_29 : memref<1x10240xi32, #tpu.memory_space<hbm>> -> memref<10240xi32, #tpu.memory_space<hbm>>
        %dma_wait3A_31 = tpu.memref_slice %dma_wait3A_30[%mul3A_11] : memref<10240xi32, #tpu.memory_space<hbm>> -> memref<2560xi32, #tpu.memory_space<hbm>>
        tpu.wait_dma2 semaphore(%run_scoped3A : memref<!tpu.dma_semaphore, #tpu.memory_space<semaphore_mem>>) src(%dma_wait3A_31 : memref<2560xi32, #tpu.memory_space<hbm>>) dst(%arg7 : memref<2560xi32, #tpu.memory_space<vmem>>)
        tpu.yield
      }) : () -> ()
      "tpu.region"() ({
        %run_scoped3A = tpu.sem_alloc : memref<!tpu.dma_semaphore, #tpu.memory_space<semaphore_mem>>
        %dma_start3A = arith.constant 0 : i32
        %dma_start3A_18 = tpu.memref_slice %arg4[%add3A, %dma_start3A] : memref<32x10240xi32, #tpu.memory_space<hbm>> -> memref<1x10240xi32, #tpu.memory_space<hbm>>
        %dma_start3A_19 = tpu.memref_squeeze %dma_start3A_18 : memref<1x10240xi32, #tpu.memory_space<hbm>> -> memref<10240xi32, #tpu.memory_space<hbm>>
        %dma_start3A_20 = tpu.memref_slice %dma_start3A_19[%mul3A_11] : memref<10240xi32, #tpu.memory_space<hbm>> -> memref<2560xi32, #tpu.memory_space<hbm>>
        %dma_start3A_21 = arith.constant 0 : i32
        %dma_start3A_22 = tpu.memref_slice %arg4[%add3A, %dma_start3A_21] : memref<32x10240xi32, #tpu.memory_space<hbm>> -> memref<1x10240xi32, #tpu.memory_space<hbm>>
        %dma_start3A_23 = tpu.memref_squeeze %dma_start3A_22 : memref<1x10240xi32, #tpu.memory_space<hbm>> -> memref<10240xi32, #tpu.memory_space<hbm>>
        %dma_start3A_24 = tpu.memref_slice %dma_start3A_23[%mul3A_11] : memref<10240xi32, #tpu.memory_space<hbm>> -> memref<2560xi32, #tpu.memory_space<hbm>>
        tpu.enqueue_dma source(%dma_start3A_24 : memref<2560xi32, #tpu.memory_space<hbm>>) target(%arg8 : memref<2560xi32, #tpu.memory_space<vmem>>) target_semaphore(%run_scoped3A : memref<!tpu.dma_semaphore, #tpu.memory_space<semaphore_mem>>)
        %dma_wait3A = arith.constant 0 : i32
        %dma_wait3A_25 = tpu.memref_slice %arg4[%add3A, %dma_wait3A] : memref<32x10240xi32, #tpu.memory_space<hbm>> -> memref<1x10240xi32, #tpu.memory_space<hbm>>
        %dma_wait3A_26 = tpu.memref_squeeze %dma_wait3A_25 : memref<1x10240xi32, #tpu.memory_space<hbm>> -> memref<10240xi32, #tpu.memory_space<hbm>>
        %dma_wait3A_27 = tpu.memref_slice %dma_wait3A_26[%mul3A_11] : memref<10240xi32, #tpu.memory_space<hbm>> -> memref<2560xi32, #tpu.memory_space<hbm>>
        %dma_wait3A_28 = arith.constant 0 : i32
        %dma_wait3A_29 = tpu.memref_slice %arg4[%add3A, %dma_wait3A_28] : memref<32x10240xi32, #tpu.memory_space<hbm>> -> memref<1x10240xi32, #tpu.memory_space<hbm>>
        %dma_wait3A_30 = tpu.memref_squeeze %dma_wait3A_29 : memref<1x10240xi32, #tpu.memory_space<hbm>> -> memref<10240xi32, #tpu.memory_space<hbm>>
        %dma_wait3A_31 = tpu.memref_slice %dma_wait3A_30[%mul3A_11] : memref<10240xi32, #tpu.memory_space<hbm>> -> memref<2560xi32, #tpu.memory_space<hbm>>
        tpu.wait_dma2 semaphore(%run_scoped3A : memref<!tpu.dma_semaphore, #tpu.memory_space<semaphore_mem>>) src(%dma_wait3A_31 : memref<2560xi32, #tpu.memory_space<hbm>>) dst(%arg8 : memref<2560xi32, #tpu.memory_space<vmem>>)
        tpu.yield
      }) : () -> ()
      %scan3A_12 = arith.constant 0 : i32
      %scan3A_13 = arith.constant 0 : i32
      %scan3A_14 = arith.constant 8 : i32
      %scan3A_15 = arith.addi %scan3A_13, %scan3A_14 : i32
      %scan3A_16 = arith.constant 1 : i32
      scf.for %scan3A_18 = %scan3A_13 to %scan3A_15 step %scan3A_16  : i32 {
        %mul3A_19 = arith.constant 320 : i32
        %mul3A_20 = arith.muli %scan3A_18, %mul3A_19 : i32
        "tpu.region"() ({
          %run_scoped3A = tpu.sem_alloc : memref<!tpu.dma_semaphore, #tpu.memory_space<semaphore_mem>>
          %dma_start3A = tpu.memref_slice %arg7[%mul3A_20] : memref<2560xi32, #tpu.memory_space<vmem>> -> memref<320xi32, #tpu.memory_space<vmem>>
          %dma_start3A_21 = arith.constant 0 : i32
          %dma_start3A_22 = arith.constant 0 : i32
          %dma_start3A_23 = tpu.memref_slice %arg2[%dma_start3A_21, %dma_start3A_22] : memref<10000x128xf32, #tpu.memory_space<hbm>> -> memref<10000x128xf32, #tpu.memory_space<hbm>>
          tpu.enqueue_indirect_dma source(%dma_start3A_23 : memref<10000x128xf32, #tpu.memory_space<hbm>>) target(%arg9 : memref<320x128xf32, #tpu.memory_space<vmem>>) offsets(%dma_start3A : memref<320xi32, #tpu.memory_space<vmem>>) semaphore(%run_scoped3A : memref<!tpu.dma_semaphore, #tpu.memory_space<semaphore_mem>>)
          %dma_wait3A = tpu.memref_slice %arg7[%mul3A_20] : memref<2560xi32, #tpu.memory_space<vmem>> -> memref<320xi32, #tpu.memory_space<vmem>>
          %dma_wait3A_24 = arith.constant 0 : i32
          %dma_wait3A_25 = arith.constant 0 : i32
          %dma_wait3A_26 = tpu.memref_slice %arg2[%dma_wait3A_24, %dma_wait3A_25] : memref<10000x128xf32, #tpu.memory_space<hbm>> -> memref<10000x128xf32, #tpu.memory_space<hbm>>
          tpu.wait_indirect_dma semaphore(%run_scoped3A : memref<!tpu.dma_semaphore, #tpu.memory_space<semaphore_mem>>) src(%dma_wait3A_26 : memref<10000x128xf32, #tpu.memory_space<hbm>>) dst(%arg9 : memref<320x128xf32, #tpu.memory_space<vmem>>)
          tpu.yield
        }) : () -> ()
        "tpu.region"() ({
          %run_scoped3A = tpu.sem_alloc : memref<!tpu.dma_semaphore, #tpu.memory_space<semaphore_mem>>
          %dma_start3A = tpu.memref_slice %arg8[%mul3A_20] : memref<2560xi32, #tpu.memory_space<vmem>> -> memref<320xi32, #tpu.memory_space<vmem>>
          %dma_start3A_21 = arith.constant 0 : i32
          %dma_start3A_22 = arith.constant 0 : i32
          %dma_start3A_23 = tpu.memref_slice %arg10[%dma_start3A_21, %dma_start3A_22] : memref<10112x128xf32, #tpu.memory_space<vmem_shared>> -> memref<10112x128xf32, #tpu.memory_space<vmem_shared>>
          tpu.enqueue_indirect_dma source(%arg9 : memref<320x128xf32, #tpu.memory_space<vmem>>) target(%dma_start3A_23 : memref<10112x128xf32, #tpu.memory_space<vmem_shared>>) offsets(%dma_start3A : memref<320xi32, #tpu.memory_space<vmem>>) semaphore(%run_scoped3A : memref<!tpu.dma_semaphore, #tpu.memory_space<semaphore_mem>>) {add = true}
          %dma_wait3A = tpu.memref_slice %arg8[%mul3A_20] : memref<2560xi32, #tpu.memory_space<vmem>> -> memref<320xi32, #tpu.memory_space<vmem>>
          %dma_wait3A_24 = arith.constant 0 : i32
          %dma_wait3A_25 = arith.constant 0 : i32
          %dma_wait3A_26 = tpu.memref_slice %arg10[%dma_wait3A_24, %dma_wait3A_25] : memref<10112x128xf32, #tpu.memory_space<vmem_shared>> -> memref<10112x128xf32, #tpu.memory_space<vmem_shared>>
          tpu.wait_indirect_dma semaphore(%run_scoped3A : memref<!tpu.dma_semaphore, #tpu.memory_space<semaphore_mem>>) src(%arg9 : memref<320x128xf32, #tpu.memory_space<vmem>>) dst(%dma_wait3A_26 : memref<10112x128xf32, #tpu.memory_space<vmem_shared>>)
          tpu.yield
        }) : () -> ()
      }
      %scan3A_17 = arith.constant 8 : i32
    }
    %scan3A_7 = arith.constant 4 : i32
    %barrier3A_8 = arith.constant 0 : index
    tpu.barrier barrier_id(%barrier3A_8)
    "tpu.region"() ({
      %run_scoped3A = tpu.sem_alloc : memref<!tpu.dma_semaphore, #tpu.memory_space<semaphore_mem>>
      %dma_start3A = arith.constant 0 : i32
      %dma_start3A_9 = arith.constant 0 : i32
      %dma_start3A_10 = tpu.memref_slice %arg6[%arg0, %dma_start3A, %dma_start3A_9] : memref<2x10112x128xf32, #tpu.memory_space<hbm>> -> memref<1x10112x128xf32, #tpu.memory_space<hbm>>
      %dma_start3A_11 = tpu.memref_squeeze %dma_start3A_10 : memref<1x10112x128xf32, #tpu.memory_space<hbm>> -> memref<10112x128xf32, #tpu.memory_space<hbm>>
      %dma_start3A_12 = arith.constant 0 : i32
      %dma_start3A_13 = tpu.memref_slice %dma_start3A_11[%mul3A_2, %dma_start3A_12] : memref<10112x128xf32, #tpu.memory_space<hbm>> -> memref<632x128xf32, #tpu.memory_space<hbm>>
      %dma_start3A_14 = arith.constant 0 : i32
      %dma_start3A_15 = tpu.memref_slice %arg10[%mul3A_2, %dma_start3A_14] : memref<10112x128xf32, #tpu.memory_space<vmem_shared>> -> memref<632x128xf32, #tpu.memory_space<vmem_shared>>
      tpu.enqueue_dma source(%dma_start3A_15 : memref<632x128xf32, #tpu.memory_space<vmem_shared>>) target(%dma_start3A_13 : memref<632x128xf32, #tpu.memory_space<hbm>>) target_semaphore(%run_scoped3A : memref<!tpu.dma_semaphore, #tpu.memory_space<semaphore_mem>>)
      %dma_wait3A = arith.constant 0 : i32
      %dma_wait3A_16 = arith.constant 0 : i32
      %dma_wait3A_17 = tpu.memref_slice %arg6[%arg0, %dma_wait3A, %dma_wait3A_16] : memref<2x10112x128xf32, #tpu.memory_space<hbm>> -> memref<1x10112x128xf32, #tpu.memory_space<hbm>>
      %dma_wait3A_18 = tpu.memref_squeeze %dma_wait3A_17 : memref<1x10112x128xf32, #tpu.memory_space<hbm>> -> memref<10112x128xf32, #tpu.memory_space<hbm>>
      %dma_wait3A_19 = arith.constant 0 : i32
      %dma_wait3A_20 = tpu.memref_slice %dma_wait3A_18[%mul3A_2, %dma_wait3A_19] : memref<10112x128xf32, #tpu.memory_space<hbm>> -> memref<632x128xf32, #tpu.memory_space<hbm>>
      %dma_wait3A_21 = arith.constant 0 : i32
      %dma_wait3A_22 = tpu.memref_slice %arg10[%mul3A_2, %dma_wait3A_21] : memref<10112x128xf32, #tpu.memory_space<vmem_shared>> -> memref<632x128xf32, #tpu.memory_space<vmem_shared>>
      tpu.wait_dma2 semaphore(%run_scoped3A : memref<!tpu.dma_semaphore, #tpu.memory_space<semaphore_mem>>) src(%dma_wait3A_22 : memref<632x128xf32, #tpu.memory_space<vmem_shared>>) dst(%dma_wait3A_20 : memref<632x128xf32, #tpu.memory_space<hbm>>)
      tpu.yield
    }) : () -> ()
    return
  }
}

#map = affine_map<(d0, d1) -> (0, 0)>
#map1 = affine_map<(d0, d1) -> (0, 0, 0)>
module attributes {stable_mosaic.version = 14 : i64} {
  func.func @_sc_scatter_body(%arg0: i32, %arg1: i32, %arg2: memref<10000x128xf32, #tpu.memory_space<hbm>>, %arg3: memref<32x10240xi32, #tpu.memory_space<hbm>>, %arg4: memref<32x10240xi32, #tpu.memory_space<hbm>>, %arg5: memref<632x128xf32, #tpu.memory_space<hbm>>, %arg6: memref<2x10112x128xf32, #tpu.memory_space<hbm>>, %arg7: memref<2560xi32, #tpu.memory_space<vmem>>, %arg8: memref<2560xi32, #tpu.memory_space<vmem>>, %arg9: memref<320x128xf32, #tpu.memory_space<vmem>>, %arg10: memref<10112x128xf32, #tpu.memory_space<vmem_shared>>) attributes {dimension_semantics = [#tpu.dimension_semantics<core_parallel>, #tpu.dimension_semantics<subcore_parallel>], iteration_bounds = array<i64: 2, 16>, scalar_prefetch = 0 : i64, scratch_operands = 4 : i64, tpu.core_type = #tpu.core_type<sc_vector_subcore>, window_params = [{transform_indices = #map}, {transform_indices = #map}, {transform_indices = #map}, {transform_indices = #map}, {transform_indices = #map1}]} {
    %mul3A = arith.constant 2 : i32
    %mul3A_0 = arith.muli %arg1, %mul3A : i32
    %add3A = arith.addi %mul3A_0, %arg0 : i32
    %mul3A_1 = arith.constant 632 : i32
    %mul3A_2 = arith.muli %arg1, %mul3A_1 : i32
    "tpu.region"() ({
      %run_scoped3A = tpu.sem_alloc : memref<!tpu.dma_semaphore, #tpu.memory_space<semaphore_mem>>
      %dma_start3A = arith.constant 0 : i32
      %dma_start3A_9 = tpu.memref_slice %arg10[%mul3A_2, %dma_start3A] : memref<10112x128xf32, #tpu.memory_space<vmem_shared>> -> memref<632x128xf32, #tpu.memory_space<vmem_shared>>
      tpu.enqueue_dma source(%arg5 : memref<632x128xf32, #tpu.memory_space<hbm>>) target(%dma_start3A_9 : memref<632x128xf32, #tpu.memory_space<vmem_shared>>) target_semaphore(%run_scoped3A : memref<!tpu.dma_semaphore, #tpu.memory_space<semaphore_mem>>)
      %dma_wait3A = arith.constant 0 : i32
      %dma_wait3A_10 = tpu.memref_slice %arg10[%mul3A_2, %dma_wait3A] : memref<10112x128xf32, #tpu.memory_space<vmem_shared>> -> memref<632x128xf32, #tpu.memory_space<vmem_shared>>
      tpu.wait_dma2 semaphore(%run_scoped3A : memref<!tpu.dma_semaphore, #tpu.memory_space<semaphore_mem>>) src(%arg5 : memref<632x128xf32, #tpu.memory_space<hbm>>) dst(%dma_wait3A_10 : memref<632x128xf32, #tpu.memory_space<vmem_shared>>)
      tpu.yield
    }) : () -> ()
    %barrier3A = arith.constant 0 : index
    tpu.barrier barrier_id(%barrier3A)
    %scan3A = arith.constant 0 : i32
    %scan3A_3 = arith.constant 0 : i32
    %scan3A_4 = arith.constant 4 : i32
    %scan3A_5 = arith.addi %scan3A_3, %scan3A_4 : i32
    %scan3A_6 = arith.constant 1 : i32
    scf.for %scan3A_9 = %scan3A_3 to %scan3A_5 step %scan3A_6  : i32 {
      %mul3A_10 = arith.constant 2560 : i32
      %mul3A_11 = arith.muli %scan3A_9, %mul3A_10 : i32
      "tpu.region"() ({
        %run_scoped3A = tpu.sem_alloc : memref<!tpu.dma_semaphore, #tpu.memory_space<semaphore_mem>>
        %dma_start3A = arith.constant 0 : i32
        %dma_start3A_18 = tpu.memref_slice %arg3[%add3A, %dma_start3A] : memref<32x10240xi32, #tpu.memory_space<hbm>> -> memref<1x10240xi32, #tpu.memory_space<hbm>>
        %dma_start3A_19 = tpu.memref_squeeze %dma_start3A_18 : memref<1x10240xi32, #tpu.memory_space<hbm>> -> memref<10240xi32, #tpu.memory_space<hbm>>
        %dma_start3A_20 = tpu.memref_slice %dma_start3A_19[%mul3A_11] : memref<10240xi32, #tpu.memory_space<hbm>> -> memref<2560xi32, #tpu.memory_space<hbm>>
        %dma_start3A_21 = arith.constant 0 : i32
        %dma_start3A_22 = tpu.memref_slice %arg3[%add3A, %dma_start3A_21] : memref<32x10240xi32, #tpu.memory_space<hbm>> -> memref<1x10240xi32, #tpu.memory_space<hbm>>
        %dma_start3A_23 = tpu.memref_squeeze %dma_start3A_22 : memref<1x10240xi32, #tpu.memory_space<hbm>> -> memref<10240xi32, #tpu.memory_space<hbm>>
        %dma_start3A_24 = tpu.memref_slice %dma_start3A_23[%mul3A_11] : memref<10240xi32, #tpu.memory_space<hbm>> -> memref<2560xi32, #tpu.memory_space<hbm>>
        tpu.enqueue_dma source(%dma_start3A_24 : memref<2560xi32, #tpu.memory_space<hbm>>) target(%arg7 : memref<2560xi32, #tpu.memory_space<vmem>>) target_semaphore(%run_scoped3A : memref<!tpu.dma_semaphore, #tpu.memory_space<semaphore_mem>>)
        %dma_wait3A = arith.constant 0 : i32
        %dma_wait3A_25 = tpu.memref_slice %arg3[%add3A, %dma_wait3A] : memref<32x10240xi32, #tpu.memory_space<hbm>> -> memref<1x10240xi32, #tpu.memory_space<hbm>>
        %dma_wait3A_26 = tpu.memref_squeeze %dma_wait3A_25 : memref<1x10240xi32, #tpu.memory_space<hbm>> -> memref<10240xi32, #tpu.memory_space<hbm>>
        %dma_wait3A_27 = tpu.memref_slice %dma_wait3A_26[%mul3A_11] : memref<10240xi32, #tpu.memory_space<hbm>> -> memref<2560xi32, #tpu.memory_space<hbm>>
        %dma_wait3A_28 = arith.constant 0 : i32
        %dma_wait3A_29 = tpu.memref_slice %arg3[%add3A, %dma_wait3A_28] : memref<32x10240xi32, #tpu.memory_space<hbm>> -> memref<1x10240xi32, #tpu.memory_space<hbm>>
        %dma_wait3A_30 = tpu.memref_squeeze %dma_wait3A_29 : memref<1x10240xi32, #tpu.memory_space<hbm>> -> memref<10240xi32, #tpu.memory_space<hbm>>
        %dma_wait3A_31 = tpu.memref_slice %dma_wait3A_30[%mul3A_11] : memref<10240xi32, #tpu.memory_space<hbm>> -> memref<2560xi32, #tpu.memory_space<hbm>>
        tpu.wait_dma2 semaphore(%run_scoped3A : memref<!tpu.dma_semaphore, #tpu.memory_space<semaphore_mem>>) src(%dma_wait3A_31 : memref<2560xi32, #tpu.memory_space<hbm>>) dst(%arg7 : memref<2560xi32, #tpu.memory_space<vmem>>)
        tpu.yield
      }) : () -> ()
      "tpu.region"() ({
        %run_scoped3A = tpu.sem_alloc : memref<!tpu.dma_semaphore, #tpu.memory_space<semaphore_mem>>
        %dma_start3A = arith.constant 0 : i32
        %dma_start3A_18 = tpu.memref_slice %arg4[%add3A, %dma_start3A] : memref<32x10240xi32, #tpu.memory_space<hbm>> -> memref<1x10240xi32, #tpu.memory_space<hbm>>
        %dma_start3A_19 = tpu.memref_squeeze %dma_start3A_18 : memref<1x10240xi32, #tpu.memory_space<hbm>> -> memref<10240xi32, #tpu.memory_space<hbm>>
        %dma_start3A_20 = tpu.memref_slice %dma_start3A_19[%mul3A_11] : memref<10240xi32, #tpu.memory_space<hbm>> -> memref<2560xi32, #tpu.memory_space<hbm>>
        %dma_start3A_21 = arith.constant 0 : i32
        %dma_start3A_22 = tpu.memref_slice %arg4[%add3A, %dma_start3A_21] : memref<32x10240xi32, #tpu.memory_space<hbm>> -> memref<1x10240xi32, #tpu.memory_space<hbm>>
        %dma_start3A_23 = tpu.memref_squeeze %dma_start3A_22 : memref<1x10240xi32, #tpu.memory_space<hbm>> -> memref<10240xi32, #tpu.memory_space<hbm>>
        %dma_start3A_24 = tpu.memref_slice %dma_start3A_23[%mul3A_11] : memref<10240xi32, #tpu.memory_space<hbm>> -> memref<2560xi32, #tpu.memory_space<hbm>>
        tpu.enqueue_dma source(%dma_start3A_24 : memref<2560xi32, #tpu.memory_space<hbm>>) target(%arg8 : memref<2560xi32, #tpu.memory_space<vmem>>) target_semaphore(%run_scoped3A : memref<!tpu.dma_semaphore, #tpu.memory_space<semaphore_mem>>)
        %dma_wait3A = arith.constant 0 : i32
        %dma_wait3A_25 = tpu.memref_slice %arg4[%add3A, %dma_wait3A] : memref<32x10240xi32, #tpu.memory_space<hbm>> -> memref<1x10240xi32, #tpu.memory_space<hbm>>
        %dma_wait3A_26 = tpu.memref_squeeze %dma_wait3A_25 : memref<1x10240xi32, #tpu.memory_space<hbm>> -> memref<10240xi32, #tpu.memory_space<hbm>>
        %dma_wait3A_27 = tpu.memref_slice %dma_wait3A_26[%mul3A_11] : memref<10240xi32, #tpu.memory_space<hbm>> -> memref<2560xi32, #tpu.memory_space<hbm>>
        %dma_wait3A_28 = arith.constant 0 : i32
        %dma_wait3A_29 = tpu.memref_slice %arg4[%add3A, %dma_wait3A_28] : memref<32x10240xi32, #tpu.memory_space<hbm>> -> memref<1x10240xi32, #tpu.memory_space<hbm>>
        %dma_wait3A_30 = tpu.memref_squeeze %dma_wait3A_29 : memref<1x10240xi32, #tpu.memory_space<hbm>> -> memref<10240xi32, #tpu.memory_space<hbm>>
        %dma_wait3A_31 = tpu.memref_slice %dma_wait3A_30[%mul3A_11] : memref<10240xi32, #tpu.memory_space<hbm>> -> memref<2560xi32, #tpu.memory_space<hbm>>
        tpu.wait_dma2 semaphore(%run_scoped3A : memref<!tpu.dma_semaphore, #tpu.memory_space<semaphore_mem>>) src(%dma_wait3A_31 : memref<2560xi32, #tpu.memory_space<hbm>>) dst(%arg8 : memref<2560xi32, #tpu.memory_space<vmem>>)
        tpu.yield
      }) : () -> ()
      %scan3A_12 = arith.constant 0 : i32
      %scan3A_13 = arith.constant 0 : i32
      %scan3A_14 = arith.constant 8 : i32
      %scan3A_15 = arith.addi %scan3A_13, %scan3A_14 : i32
      %scan3A_16 = arith.constant 1 : i32
      scf.for %scan3A_18 = %scan3A_13 to %scan3A_15 step %scan3A_16  : i32 {
        %mul3A_19 = arith.constant 320 : i32
        %mul3A_20 = arith.muli %scan3A_18, %mul3A_19 : i32
        "tpu.region"() ({
          %run_scoped3A = tpu.sem_alloc : memref<!tpu.dma_semaphore, #tpu.memory_space<semaphore_mem>>
          %dma_start3A = tpu.memref_slice %arg7[%mul3A_20] : memref<2560xi32, #tpu.memory_space<vmem>> -> memref<320xi32, #tpu.memory_space<vmem>>
          %dma_start3A_21 = arith.constant 0 : i32
          %dma_start3A_22 = arith.constant 0 : i32
          %dma_start3A_23 = tpu.memref_slice %arg2[%dma_start3A_21, %dma_start3A_22] : memref<10000x128xf32, #tpu.memory_space<hbm>> -> memref<10000x128xf32, #tpu.memory_space<hbm>>
          tpu.enqueue_indirect_dma source(%dma_start3A_23 : memref<10000x128xf32, #tpu.memory_space<hbm>>) target(%arg9 : memref<320x128xf32, #tpu.memory_space<vmem>>) offsets(%dma_start3A : memref<320xi32, #tpu.memory_space<vmem>>) semaphore(%run_scoped3A : memref<!tpu.dma_semaphore, #tpu.memory_space<semaphore_mem>>)
          %dma_wait3A = tpu.memref_slice %arg7[%mul3A_20] : memref<2560xi32, #tpu.memory_space<vmem>> -> memref<320xi32, #tpu.memory_space<vmem>>
          %dma_wait3A_24 = arith.constant 0 : i32
          %dma_wait3A_25 = arith.constant 0 : i32
          %dma_wait3A_26 = tpu.memref_slice %arg2[%dma_wait3A_24, %dma_wait3A_25] : memref<10000x128xf32, #tpu.memory_space<hbm>> -> memref<10000x128xf32, #tpu.memory_space<hbm>>
          tpu.wait_indirect_dma semaphore(%run_scoped3A : memref<!tpu.dma_semaphore, #tpu.memory_space<semaphore_mem>>) src(%dma_wait3A_26 : memref<10000x128xf32, #tpu.memory_space<hbm>>) dst(%arg9 : memref<320x128xf32, #tpu.memory_space<vmem>>)
          tpu.yield
        }) : () -> ()
        "tpu.region"() ({
          %run_scoped3A = tpu.sem_alloc : memref<!tpu.dma_semaphore, #tpu.memory_space<semaphore_mem>>
          %dma_start3A = tpu.memref_slice %arg8[%mul3A_20] : memref<2560xi32, #tpu.memory_space<vmem>> -> memref<320xi32, #tpu.memory_space<vmem>>
          %dma_start3A_21 = arith.constant 0 : i32
          %dma_start3A_22 = arith.constant 0 : i32
          %dma_start3A_23 = tpu.memref_slice %arg10[%dma_start3A_21, %dma_start3A_22] : memref<10112x128xf32, #tpu.memory_space<vmem_shared>> -> memref<10112x128xf32, #tpu.memory_space<vmem_shared>>
          tpu.enqueue_indirect_dma source(%arg9 : memref<320x128xf32, #tpu.memory_space<vmem>>) target(%dma_start3A_23 : memref<10112x128xf32, #tpu.memory_space<vmem_shared>>) offsets(%dma_start3A : memref<320xi32, #tpu.memory_space<vmem>>) semaphore(%run_scoped3A : memref<!tpu.dma_semaphore, #tpu.memory_space<semaphore_mem>>) {add = true}
          %dma_wait3A = tpu.memref_slice %arg8[%mul3A_20] : memref<2560xi32, #tpu.memory_space<vmem>> -> memref<320xi32, #tpu.memory_space<vmem>>
          %dma_wait3A_24 = arith.constant 0 : i32
          %dma_wait3A_25 = arith.constant 0 : i32
          %dma_wait3A_26 = tpu.memref_slice %arg10[%dma_wait3A_24, %dma_wait3A_25] : memref<10112x128xf32, #tpu.memory_space<vmem_shared>> -> memref<10112x128xf32, #tpu.memory_space<vmem_shared>>
          tpu.wait_indirect_dma semaphore(%run_scoped3A : memref<!tpu.dma_semaphore, #tpu.memory_space<semaphore_mem>>) src(%arg9 : memref<320x128xf32, #tpu.memory_space<vmem>>) dst(%dma_wait3A_26 : memref<10112x128xf32, #tpu.memory_space<vmem_shared>>)
          tpu.yield
        }) : () -> ()
      }
      %scan3A_17 = arith.constant 8 : i32
    }
    %scan3A_7 = arith.constant 4 : i32
    %barrier3A_8 = arith.constant 0 : index
    tpu.barrier barrier_id(%barrier3A_8)
    "tpu.region"() ({
      %run_scoped3A = tpu.sem_alloc : memref<!tpu.dma_semaphore, #tpu.memory_space<semaphore_mem>>
      %dma_start3A = arith.constant 0 : i32
      %dma_start3A_9 = arith.constant 0 : i32
      %dma_start3A_10 = tpu.memref_slice %arg6[%arg0, %dma_start3A, %dma_start3A_9] : memref<2x10112x128xf32, #tpu.memory_space<hbm>> -> memref<1x10112x128xf32, #tpu.memory_space<hbm>>
      %dma_start3A_11 = tpu.memref_squeeze %dma_start3A_10 : memref<1x10112x128xf32, #tpu.memory_space<hbm>> -> memref<10112x128xf32, #tpu.memory_space<hbm>>
      %dma_start3A_12 = arith.constant 0 : i32
      %dma_start3A_13 = tpu.memref_slice %dma_start3A_11[%mul3A_2, %dma_start3A_12] : memref<10112x128xf32, #tpu.memory_space<hbm>> -> memref<632x128xf32, #tpu.memory_space<hbm>>
      %dma_start3A_14 = arith.constant 0 : i32
      %dma_start3A_15 = tpu.memref_slice %arg10[%mul3A_2, %dma_start3A_14] : memref<10112x128xf32, #tpu.memory_space<vmem_shared>> -> memref<632x128xf32, #tpu.memory_space<vmem_shared>>
      tpu.enqueue_dma source(%dma_start3A_15 : memref<632x128xf32, #tpu.memory_space<vmem_shared>>) target(%dma_start3A_13 : memref<632x128xf32, #tpu.memory_space<hbm>>) target_semaphore(%run_scoped3A : memref<!tpu.dma_semaphore, #tpu.memory_space<semaphore_mem>>)
      %dma_wait3A = arith.constant 0 : i32
      %dma_wait3A_16 = arith.constant 0 : i32
      %dma_wait3A_17 = tpu.memref_slice %arg6[%arg0, %dma_wait3A, %dma_wait3A_16] : memref<2x10112x128xf32, #tpu.memory_space<hbm>> -> memref<1x10112x128xf32, #tpu.memory_space<hbm>>
      %dma_wait3A_18 = tpu.memref_squeeze %dma_wait3A_17 : memref<1x10112x128xf32, #tpu.memory_space<hbm>> -> memref<10112x128xf32, #tpu.memory_space<hbm>>
      %dma_wait3A_19 = arith.constant 0 : i32
      %dma_wait3A_20 = tpu.memref_slice %dma_wait3A_18[%mul3A_2, %dma_wait3A_19] : memref<10112x128xf32, #tpu.memory_space<hbm>> -> memref<632x128xf32, #tpu.memory_space<hbm>>
      %dma_wait3A_21 = arith.constant 0 : i32
      %dma_wait3A_22 = tpu.memref_slice %arg10[%mul3A_2, %dma_wait3A_21] : memref<10112x128xf32, #tpu.memory_space<vmem_shared>> -> memref<632x128xf32, #tpu.memory_space<vmem_shared>>
      tpu.wait_dma2 semaphore(%run_scoped3A : memref<!tpu.dma_semaphore, #tpu.memory_space<semaphore_mem>>) src(%dma_wait3A_22 : memref<632x128xf32, #tpu.memory_space<vmem_shared>>) dst(%dma_wait3A_20 : memref<632x128xf32, #tpu.memory_space<hbm>>)
      tpu.yield
    }) : () -> ()
    return
  }
}

module attributes {stable_mosaic.version = 14 : i64} {
  func.func @_init_body(%arg0: memref<10000x128xf32, #tpu.memory_space<vmem>>, %arg1: memref<128x128xf32, #tpu.memory_space<vmem>>, %arg2: memref<1x128xf32, #tpu.memory_space<vmem>>, %arg3: memref<128x128xf32, #tpu.memory_space<vmem>>, %arg4: memref<10000x128xf32, #tpu.memory_space<vmem>>, %arg5: memref<10000x128xf32, #tpu.memory_space<vmem>>) attributes {dimension_semantics = [], scalar_prefetch = 0 : i64, scratch_operands = 0 : i64, tpu.core_type = #tpu.core_type<tc>} {
    %get3A = arith.constant 0 : index
    %get3A_0 = arith.constant 0 : index
    %get3A_1 = vector.load %arg0[%get3A, %get3A_0] : memref<10000x128xf32, #tpu.memory_space<vmem>>, vector<10000x128xf32>
    %get3A_2 = arith.constant 0 : index
    %get3A_3 = arith.constant 0 : index
    %get3A_4 = vector.load %arg1[%get3A_2, %get3A_3] : memref<128x128xf32, #tpu.memory_space<vmem>>, vector<128x128xf32>
    %dot_general3A = arith.constant dense<0.000000e+00> : vector<10000x128xf32>
    %dot_general3A_5 = tpu.matmul %get3A_1, %get3A_4, %dot_general3A {dimension_numbers = #tpu.dot_dimension_numbers<[1], [0], [0], [1], [0, 0, 1, 1], [], []>, transpose_lhs_hint = false} : vector<10000x128xf32>, vector<128x128xf32>, vector<10000x128xf32> -> vector<10000x128xf32>
    %get3A_6 = arith.constant 0 : index
    %get3A_7 = arith.constant 0 : index
    %get3A_8 = vector.load %arg2[%get3A_6, %get3A_7] : memref<1x128xf32, #tpu.memory_space<vmem>>, vector<1x128xf32>
    %add3A = vector.broadcast %get3A_8 : vector<1x128xf32> to vector<10000x128xf32>
    %add3A_9 = arith.addf %dot_general3A_5, %add3A : vector<10000x128xf32>
    %swap3A = arith.constant 0 : index
    %swap3A_10 = arith.constant 0 : index
    %swap3A_11 = vector.load %arg4[%swap3A, %swap3A_10] : memref<10000x128xf32, #tpu.memory_space<vmem>>, vector<10000x128xf32>
    tpu.vector_store %arg4[%swap3A, %swap3A_10], %add3A_9 {strides = array<i32>} : memref<10000x128xf32, #tpu.memory_space<vmem>>, vector<10000x128xf32>,
    %max3A = arith.constant 0.000000e+00 : f32
    %max3A_12 = vector.broadcast %max3A : f32 to vector<10000x128xf32>
    %max3A_13 = arith.maximumf %add3A_9, %max3A_12 : vector<10000x128xf32>
    %get3A_14 = arith.constant 0 : index
    %get3A_15 = arith.constant 0 : index
    %get3A_16 = vector.load %arg3[%get3A_14, %get3A_15] : memref<128x128xf32, #tpu.memory_space<vmem>>, vector<128x128xf32>
    %dot_general3A_17 = arith.constant dense<0.000000e+00> : vector<10000x128xf32>
    %dot_general3A_18 = tpu.matmul %max3A_13, %get3A_16, %dot_general3A_17 {dimension_numbers = #tpu.dot_dimension_numbers<[1], [0], [0], [1], [0, 0, 1, 1], [], []>, transpose_lhs_hint = false} : vector<10000x128xf32>, vector<128x128xf32>, vector<10000x128xf32> -> vector<10000x128xf32>
    %swap3A_19 = arith.constant 0 : index
    %swap3A_20 = arith.constant 0 : index
    %swap3A_21 = vector.load %arg5[%swap3A_19, %swap3A_20] : memref<10000x128xf32, #tpu.memory_space<vmem>>, vector<10000x128xf32>
    tpu.vector_store %arg5[%swap3A_19, %swap3A_20], %dot_general3A_18 {strides = array<i32>} : memref<10000x128xf32, #tpu.memory_space<vmem>>, vector<10000x128xf32>,
    return
  }
}

module attributes {stable_mosaic.version = 14 : i64} {
  func.func @_step_body(%arg0: memref<10000x128xf32, #tpu.memory_space<vmem>>, %arg1: memref<2x10112x128xf32, #tpu.memory_space<vmem>>, %arg2: memref<128x128xf32, #tpu.memory_space<vmem>>, %arg3: memref<10000x128xf32, #tpu.memory_space<vmem>>) attributes {dimension_semantics = [], scalar_prefetch = 0 : i64, scratch_operands = 0 : i64, tpu.core_type = #tpu.core_type<tc>} {
    %get3A = arith.constant 0 : index
    %get3A_0 = arith.constant 0 : index
    %get3A_1 = vector.load %arg0[%get3A, %get3A_0] : memref<10000x128xf32, #tpu.memory_space<vmem>>, vector<10000x128xf32>
    %get3A_2 = arith.constant 0 : index
    %get3A_3 = arith.constant 0 : index
    %get3A_4 = arith.constant 0 : index
    %get3A_5 = vector.load %arg1[%get3A_2, %get3A_3, %get3A_4] : memref<2x10112x128xf32, #tpu.memory_space<vmem>>, vector<1x10000x128xf32>
    %get3A_6 = vector.shape_cast %get3A_5 : vector<1x10000x128xf32> to vector<10000x128xf32>
    %add3A = arith.addf %get3A_1, %get3A_6 : vector<10000x128xf32>
    %get3A_7 = arith.constant 1 : index
    %get3A_8 = arith.constant 0 : index
    %get3A_9 = arith.constant 0 : index
    %get3A_10 = vector.load %arg1[%get3A_7, %get3A_8, %get3A_9] : memref<2x10112x128xf32, #tpu.memory_space<vmem>>, vector<1x10000x128xf32>
    %get3A_11 = vector.shape_cast %get3A_10 : vector<1x10000x128xf32> to vector<10000x128xf32>
    %add3A_12 = arith.addf %add3A, %get3A_11 : vector<10000x128xf32>
    %max3A = arith.constant 0.000000e+00 : f32
    %max3A_13 = vector.broadcast %max3A : f32 to vector<10000x128xf32>
    %max3A_14 = arith.maximumf %add3A_12, %max3A_13 : vector<10000x128xf32>
    %get3A_15 = arith.constant 0 : index
    %get3A_16 = arith.constant 0 : index
    %get3A_17 = vector.load %arg2[%get3A_15, %get3A_16] : memref<128x128xf32, #tpu.memory_space<vmem>>, vector<128x128xf32>
    %dot_general3A = arith.constant dense<0.000000e+00> : vector<10000x128xf32>
    %dot_general3A_18 = tpu.matmul %max3A_14, %get3A_17, %dot_general3A {dimension_numbers = #tpu.dot_dimension_numbers<[1], [0], [0], [1], [0, 0, 1, 1], [], []>, transpose_lhs_hint = false} : vector<10000x128xf32>, vector<128x128xf32>, vector<10000x128xf32> -> vector<10000x128xf32>
    %swap3A = arith.constant 0 : index
    %swap3A_19 = arith.constant 0 : index
    %swap3A_20 = vector.load %arg3[%swap3A, %swap3A_19] : memref<10000x128xf32, #tpu.memory_space<vmem>>, vector<10000x128xf32>
    tpu.vector_store %arg3[%swap3A, %swap3A_19], %dot_general3A_18 {strides = array<i32>} : memref<10000x128xf32, #tpu.memory_space<vmem>>, vector<10000x128xf32>,
    return
  }
}

module attributes {stable_mosaic.version = 14 : i64} {
  func.func @_colsum_body(%arg0: memref<10000x128xf32, #tpu.memory_space<vmem>>, %arg1: memref<2x10112x128xf32, #tpu.memory_space<vmem>>, %arg2: memref<1x128xf32, #tpu.memory_space<vmem>>) attributes {dimension_semantics = [], scalar_prefetch = 0 : i64, scratch_operands = 0 : i64, tpu.core_type = #tpu.core_type<tc>} {
    %get3A = arith.constant 0 : index
    %get3A_0 = arith.constant 0 : index
    %get3A_1 = vector.load %arg0[%get3A, %get3A_0] : memref<10000x128xf32, #tpu.memory_space<vmem>>, vector<10000x128xf32>
    %get3A_2 = arith.constant 0 : index
    %get3A_3 = arith.constant 0 : index
    %get3A_4 = arith.constant 0 : index
    %get3A_5 = vector.load %arg1[%get3A_2, %get3A_3, %get3A_4] : memref<2x10112x128xf32, #tpu.memory_space<vmem>>, vector<1x10000x128xf32>
    %get3A_6 = vector.shape_cast %get3A_5 : vector<1x10000x128xf32> to vector<10000x128xf32>
    %add3A = arith.addf %get3A_1, %get3A_6 : vector<10000x128xf32>
    %get3A_7 = arith.constant 1 : index
    %get3A_8 = arith.constant 0 : index
    %get3A_9 = arith.constant 0 : index
    %get3A_10 = vector.load %arg1[%get3A_7, %get3A_8, %get3A_9] : memref<2x10112x128xf32, #tpu.memory_space<vmem>>, vector<1x10000x128xf32>
    %get3A_11 = vector.shape_cast %get3A_10 : vector<1x10000x128xf32> to vector<10000x128xf32>
    %add3A_12 = arith.addf %add3A, %get3A_11 : vector<10000x128xf32>
    %max3A = arith.constant 0.000000e+00 : f32
    %max3A_13 = vector.broadcast %max3A : f32 to vector<10000x128xf32>
    %max3A_14 = arith.maximumf %add3A_12, %max3A_13 : vector<10000x128xf32>
    %reduce_sum3A = arith.constant dense<0.000000e+00> : vector<128xf32>
    %reduce_sum3A_15 = vector.multi_reduction <add>, %max3A_14, %reduce_sum3A [0] : vector<10000x128xf32> to vector<128xf32>
    %broadcast_in_dim3A = vector.shape_cast %reduce_sum3A_15 : vector<128xf32> to vector<1x128xf32>
    %swap3A = arith.constant 0 : index
    %swap3A_16 = arith.constant 0 : index
    %swap3A_17 = vector.load %arg2[%swap3A, %swap3A_16] : memref<1x128xf32, #tpu.memory_space<vmem>>, vector<1x128xf32>
    tpu.vector_store %arg2[%swap3A, %swap3A_16], %broadcast_in_dim3A {strides = array<i32>} : memref<1x128xf32, #tpu.memory_space<vmem>>, vector<1x128xf32>,
    return
  }
}

module attributes {stable_mosaic.version = 14 : i64} {
  func.func @_final_body(%arg0: memref<1x128xf32, #tpu.memory_space<vmem>>, %arg1: memref<1x128xf32, #tpu.memory_space<vmem>>, %arg2: memref<128x128xf32, #tpu.memory_space<vmem>>, %arg3: memref<1x128xf32, #tpu.memory_space<vmem>>, %arg4: memref<1x1xf32, #tpu.memory_space<vmem>>) attributes {dimension_semantics = [], scalar_prefetch = 0 : i64, scratch_operands = 0 : i64, tpu.core_type = #tpu.core_type<tc>} {
    %get3A = arith.constant 0 : index
    %get3A_0 = arith.constant 0 : index
    %get3A_1 = vector.load %arg0[%get3A, %get3A_0] : memref<1x128xf32, #tpu.memory_space<vmem>>, vector<1x128xf32>
    %get3A_2 = arith.constant 0 : index
    %get3A_3 = arith.constant 0 : index
    %get3A_4 = vector.load %arg2[%get3A_2, %get3A_3] : memref<128x128xf32, #tpu.memory_space<vmem>>, vector<128x128xf32>
    %dot_general3A = arith.constant dense<0.000000e+00> : vector<1x128xf32>
    %dot_general3A_5 = tpu.matmul %get3A_1, %get3A_4, %dot_general3A {dimension_numbers = #tpu.dot_dimension_numbers<[1], [0], [0], [1], [0, 0, 1, 1], [], []>, transpose_lhs_hint = false} : vector<1x128xf32>, vector<128x128xf32>, vector<1x128xf32> -> vector<1x128xf32>
    %get3A_6 = arith.constant 0 : index
    %get3A_7 = arith.constant 0 : index
    %get3A_8 = vector.load %arg3[%get3A_6, %get3A_7] : memref<1x128xf32, #tpu.memory_space<vmem>>, vector<1x128xf32>
    %add3A = arith.addf %dot_general3A_5, %get3A_8 : vector<1x128xf32>
    %get3A_9 = arith.constant 0 : index
    %get3A_10 = arith.constant 0 : index
    %get3A_11 = vector.load %arg1[%get3A_9, %get3A_10] : memref<1x128xf32, #tpu.memory_space<vmem>>, vector<1x128xf32>
    %get3A_12 = arith.constant 0 : index
    %get3A_13 = arith.constant 0 : index
    %get3A_14 = vector.load %arg2[%get3A_12, %get3A_13] : memref<128x128xf32, #tpu.memory_space<vmem>>, vector<128x128xf32>
    %dot_general3A_15 = arith.constant dense<0.000000e+00> : vector<1x128xf32>
    %dot_general3A_16 = tpu.matmul %get3A_11, %get3A_14, %dot_general3A_15 {dimension_numbers = #tpu.dot_dimension_numbers<[1], [0], [0], [1], [0, 0, 1, 1], [], []>, transpose_lhs_hint = false} : vector<1x128xf32>, vector<128x128xf32>, vector<1x128xf32> -> vector<1x128xf32>
    %get3A_17 = arith.constant 0 : index
    %get3A_18 = arith.constant 0 : index
    %get3A_19 = vector.load %arg3[%get3A_17, %get3A_18] : memref<1x128xf32, #tpu.memory_space<vmem>>, vector<1x128xf32>
    %add3A_20 = arith.addf %dot_general3A_16, %get3A_19 : vector<1x128xf32>
    %mul3A = arith.mulf %add3A, %add3A : vector<1x128xf32>
    %reduce_sum3A = vector.shape_cast %mul3A : vector<1x128xf32> to vector<1x1x128xf32>
    %reduce_sum3A_21 = arith.constant dense<0.000000e+00> : vector<1xf32>
    %reduce_sum3A_22 = vector.multi_reduction <add>, %reduce_sum3A, %reduce_sum3A_21 [1, 2] : vector<1x1x128xf32> to vector<1xf32>
    %reduce_sum3A_23 = vector.shape_cast %reduce_sum3A_22 : vector<1xf32> to vector<1x1x1xf32>
    %reduce_sum3A_24 = vector.extract %reduce_sum3A_23[0, 0, 0] : f32 from vector<1x1x1xf32>
    %sqrt3A = math.sqrt %reduce_sum3A_24 : f32
    %max3A = arith.constant 9.99999993E-9 : f32
    %max3A_25 = arith.maximumf %sqrt3A, %max3A : f32
    %mul3A_26 = arith.mulf %add3A_20, %add3A_20 : vector<1x128xf32>
    %reduce_sum3A_27 = vector.shape_cast %mul3A_26 : vector<1x128xf32> to vector<1x1x128xf32>
    %reduce_sum3A_28 = arith.constant dense<0.000000e+00> : vector<1xf32>
    %reduce_sum3A_29 = vector.multi_reduction <add>, %reduce_sum3A_27, %reduce_sum3A_28 [1, 2] : vector<1x1x128xf32> to vector<1xf32>
    %reduce_sum3A_30 = vector.shape_cast %reduce_sum3A_29 : vector<1xf32> to vector<1x1x1xf32>
    %reduce_sum3A_31 = vector.extract %reduce_sum3A_30[0, 0, 0] : f32 from vector<1x1x1xf32>
    %sqrt3A_32 = math.sqrt %reduce_sum3A_31 : f32
    %max3A_33 = arith.constant 9.99999993E-9 : f32
    %max3A_34 = arith.maximumf %sqrt3A_32, %max3A_33 : f32
    %mul3A_35 = arith.mulf %add3A, %add3A_20 : vector<1x128xf32>
    %reduce_sum3A_36 = vector.shape_cast %mul3A_35 : vector<1x128xf32> to vector<1x1x128xf32>
    %reduce_sum3A_37 = arith.constant dense<0.000000e+00> : vector<1xf32>
    %reduce_sum3A_38 = vector.multi_reduction <add>, %reduce_sum3A_36, %reduce_sum3A_37 [1, 2] : vector<1x1x128xf32> to vector<1xf32>
    %reduce_sum3A_39 = vector.shape_cast %reduce_sum3A_38 : vector<1xf32> to vector<1x1x1xf32>
    %reduce_sum3A_40 = vector.extract %reduce_sum3A_39[0, 0, 0] : f32 from vector<1x1x1xf32>
    %mul3A_41 = arith.mulf %max3A_25, %max3A_34 : f32
    %div3A = arith.divf %reduce_sum3A_40, %mul3A_41 : f32
    %reshape3A = vector.broadcast %div3A : f32 to vector<1x1xf32>
    %swap3A = arith.constant 0 : index
    %swap3A_42 = arith.constant 0 : index
    %swap3A_43 = vector.load %arg4[%swap3A, %swap3A_42] : memref<1x1xf32, #tpu.memory_space<vmem>>, vector<1x1xf32>
    tpu.vector_store %arg4[%swap3A, %swap3A_42], %reshape3A {strides = array<i32>} : memref<1x1xf32, #tpu.memory_space<vmem>>, vector<1x1xf32>,
    return
  }
}

</mosaic_0001>

<sc_bundles>
// kernel: kernel.21.cloned.1.call-start
scs
__scs_entry_jumppad:
0x0: {  	(pc) =	sbr.rel $0x88, $3  }
0x1: {  	(tag) =	ssettag $0x0;
	lr =	simm.s32 $0x1  }
0x2: {  	[smem:$0x3F97] =	sst lr;
	_ =	strace $0xD0000000  }
0x3: {  	_ = 	snop  }
0x4: {  	_ = 	snop  }
0x5: {  	_ = 	snop  }
0x6: {  	_ = 	snop  }
0x7: {  	_ = 	snop  }
__scs_overlays_trampoline_lowered:
0x8: {  	[smem:$0x3FA6] =	sst s0  }
0x9: {  	[smem:$0x3FA7] =	sst s1  }
0xa: {  	[smem:$0x3FA8] =	sst s2  }
0xb: {  	[smem:$0x3FA9] =	sst s3  }
0xc: {  	[smem:$0x3FAA] =	sst s4  }
0xd: {  	[smem:$0x3FAB] =	sst s5  }
0xe: {  	[smem:$0x3FAC] =	sst s6  }
0xf: {  	[smem:$0x3FAD] =	sst s7  }
0x10: {  	[smem:$0x3FAE] =	sst s8  }
0x11: {  	[smem:$0x3FAF] =	sst s9;
	s0 =	simm.s32 @!p0 $0x0  }
0x12: {  	s1 =	sld [smem:$0x3F95];
	s0 =	simm.s32 @p0 $0x1  }
0x13: {  	[smem:$0x3FB0] =	sst s0;
	s0 =	simm.s32 @!p1 $0x0  }
0x14: {  	s2 =	sld [smem:$0x3F94];
	s0 =	simm.s32 @p1 $0x1  }
0x15: {  	[smem:$0x3FB1] =	sst s0;
	s0 =	simm.s32 @!p2 $0x0  }
0x16: {  	s3 =	sld [smem:$0x3FDB];
	s0 =	simm.s32 @p2 $0x1  }
0x17: {  	s4 =	simm.s32 $0x1BF5;
	[smem:$0x3FB3] =	sst s0  }
0x18: {  	s0 =	sld [smem:$0x3F96];
	_ =	swait.ge [sflag:s4], $0x0  }
0x19: {  	s7 =	sld [smem:$0x3F97]  }
0x1a: {  	s8 =	sadd.s32 $0xFFFFE003, lr  }
0x1b: {  	s9 =	sadd.s32 $0xFFFFFEF7, lr;
	s5 =	simm.s32 $0xFFFFFFFF;
	p2 =	slt.u32 s8, $0xFFFFF086  }
0x1c: {  	p1 =	slt.u32 s9, $0xF7A;
	s5 =	simm.s32 @!p2 $0x0  }
0x1d: {  	s5 =	simm.s32 @p1 $0x1;
	p0 =	seq.s32 s7, s2  }
0x1e: {  	s7 =	smul.u32 @!p0 $0xF7A, s2;
	p2 =	seq.s32 @!p0 s5, $0x0  }
0x1f: {  	s9 =	smul.u32 $0xF7A, s1;
	s8 =	simm.s32 @!p0 $0x1BF5;
	p2 =	por !p2, p0  }
0x20: {  	[sflag:s8] =	ssyncset.s32 @!p0 $0xFFFFF086;
	s6 =	sadd.s32 @!p0 s3, s7;
	s7 =	simm.s32 @!p0 $0x108  }
0x21: {  	s3 =	sadd.s32 s3, s9;
	s6 =	sadd.s32 @!p0 $0x88, s6;
	s7 =	simm.s32 @p2 $0x1082  }
0x22: {  	[simem:s7], [sflag:s8] =	dma.local @!p0 [hbm:s6], $0xF7A  }
0x23: {  	s9 =	sor.u32 $0xD0000000, s2;
	s6 =	simm.s32 $0x108;
	_ =	swait.ge @!p0 [sflag:s8], $0x0  }
0x24: {  	s3 =	sadd.s32 $0x88, s3;
	s6 =	simm.s32 @!p1 $0x1082;
	[sflag:s4] =	ssyncset.s32 $0xFFFFF086  }
0x25: {  	[simem:s6], [sflag:s4] =	dma.local [hbm:s3], $0xF7A  }
0x26: {  	[smem:$0x3F97] =	sst s1;
	(tag) =	ssettag s2;
	_ =	strace s9  }
0x27: {  	s1 =	sld [smem:$0x3FA7]  }
0x28: {  	s2 =	sld [smem:$0x3FA8]  }
0x29: {  	s4 =	sld [smem:$0x3FAA]  }
0x2a: {  	p0 =	seq.s32 s5, $0x0;
	s5 =	sld [smem:$0x3FAB]  }
0x2b: {  	s6 =	sld [smem:$0x3FAC]  }
0x2c: {  	s7 =	sld [smem:$0x3FAD]  }
0x2d: {  	s3 =	simm.s32 $0x108;
	s8 =	sld [smem:$0x3FAE]  }
0x2e: {  	s3 =	simm.s32 @!p0 $0x1082;
	s9 =	sld [smem:$0x3FAF]  }
0x2f: {  	lr =	sadd.s32 s0, s3;
	s0 =	sld [smem:$0x3FA6]  }
0x30: {  	s3 =	sld [smem:$0x3FA9]  }
0x31: {  	[smem:$0x3FB2] =	sst s10  }
0x32: {  	s10 =	sld [smem:$0x3FB0];
	_ =	sdelay $0x3  }
0x33: {  	p0 =	seq.s32 s10, $0x1;
	s10 =	sld [smem:$0x3FB2];
	_ =	sdelay $0x3  }
0x34: {  	[smem:$0x3FB2] =	sst s10  }
0x35: {  	s10 =	sld [smem:$0x3FB1];
	_ =	sdelay $0x3  }
0x36: {  	p1 =	seq.s32 s10, $0x1;
	s10 =	sld [smem:$0x3FB2];
	_ =	sdelay $0x3  }
0x37: {  	[smem:$0x3FB2] =	sst s10  }
0x38: {  	s10 =	sld [smem:$0x3FB3]  }
0x39: {  	_ = 	snop;
	(pc) =	sbr.ind lr, $3  }
0x3a: {  	_ = 	snop  }
0x3b: {  	_ = 	snop  }
0x3c: {  	p2 =	seq.s32 s10, $0x1;
	s10 =	sld [smem:$0x3FB2]  }
0x3d: {  	_ =	shalt  }
0x3e: {  	_ =	shalt  }
0x3f: {  	_ =	shalt  }
0x40: {  	_ =	shalt  }
0x41: {  	_ =	shalt  }
0x42: {  	_ =	shalt  }
0x43: {  	_ =	shalt  }
0x44: {  	_ =	shalt  }
0x45: {  	_ =	shalt  }
0x46: {  	_ =	shalt  }
0x47: {  	_ =	shalt  }
0x48: {  	_ =	shalt  }
0x49: {  	_ =	shalt  }
0x4a: {  	_ =	shalt  }
0x4b: {  	_ =	shalt  }
0x4c: {  	_ =	shalt  }
0x4d: {  	_ =	shalt  }
0x4e: {  	_ =	shalt  }
0x4f: {  	_ =	shalt  }
0x50: {  	_ =	shalt  }
0x51: {  	_ =	shalt  }
0x52: {  	_ =	shalt  }
0x53: {  	_ =	shalt  }
0x54: {  	_ =	shalt  }
0x55: {  	_ =	shalt  }
0x56: {  	_ =	shalt  }
0x57: {  	_ =	shalt  }
0x58: {  	_ =	shalt  }
0x59: {  	_ =	shalt  }
0x5a: {  	_ =	shalt  }
0x5b: {  	_ =	shalt  }
0x5c: {  	_ =	shalt  }
0x5d: {  	_ =	shalt  }
0x5e: {  	_ =	shalt  }
0x5f: {  	_ =	shalt  }
0x60: {  	_ =	shalt  }
0x61: {  	_ =	shalt  }
0x62: {  	_ =	shalt  }
0x63: {  	_ =	shalt  }
0x64: {  	_ =	shalt  }
0x65: {  	_ =	shalt  }
0x66: {  	_ =	shalt  }
0x67: {  	_ =	shalt  }
0x68: {  	_ =	shalt  }
0x69: {  	_ =	shalt  }
0x6a: {  	_ =	shalt  }
0x6b: {  	_ =	shalt  }
0x6c: {  	_ =	shalt  }
0x6d: {  	_ =	shalt  }
0x6e: {  	_ =	shalt  }
0x6f: {  	_ =	shalt  }
0x70: {  	_ =	shalt  }
0x71: {  	_ =	shalt  }
0x72: {  	_ =	shalt  }
0x73: {  	_ =	shalt  }
0x74: {  	_ =	shalt  }
0x75: {  	_ =	shalt  }
0x76: {  	_ =	shalt  }
0x77: {  	_ =	shalt  }
0x78: {  	_ =	shalt  }
0x79: {  	_ =	shalt  }
0x7a: {  	_ =	shalt  }
0x7b: {  	_ =	shalt  }
0x7c: {  	_ =	shalt  }
0x7d: {  	_ =	shalt  }
0x7e: {  	_ =	shalt  }
0x7f: {  	_ =	shalt  }
0x80: {  	_ =	shalt  }
0x81: {  	_ =	shalt  }
0x82: {  	_ =	shalt  }
0x83: {  	_ =	shalt  }
0x84: {  	_ =	shalt  }
0x85: {  	_ =	shalt  }
0x86: {  	_ =	shalt  }
0x87: {  	_ =	shalt  }
.Lfunc_end0:
.L_simem_size_0:
called_computation_lowered:
.L_overlay_start_0:
0x88: {  	s2 =	sld [smem:$0x3FD9]  }
0x89: {  	s3 =	sld [smem:$0x3FFE];
	_ =	sdelay $0x1  }
0x8a: {  	s1 =	srdreg.scid  }
0x8b: {  	s0 =	sand.u32 $0x1, s1  }
0x8c: {  	s16 =	sshll.u32 s0, $0xA;
	s2 =	sadd.s32 s3, s2  }
0x8d: {  	s2 =	sadd.s32 s2, s16  }
0x8e: {  	[smem:$0x3FBE] =	sst s2  }
0x8f: {  	_ = 	snop  }
0x90: {  	(tm) =	ssettm $0x1  }
0x91: {  	s17 =	sld [smem:$0x3FFB];
	_ =	sdelay $0x3  }
0x92: {  	_ =	strace s17  }
0x93: {  	s2 =	sld [smem:$0x3FFC];
	_ =	sdelay $0x3  }
0x94: {  	_ =	strace s2  }
0x95: {  	s2 =	sld [smem:$0x3FFD];
	_ =	sdelay $0x3  }
0x96: {  	_ =	strace s2  }
0x97: {  	_ =	strace $0x8FFFFFFF  }
0x98: {  	s18 =	sld [smem:$0x3FDB];
	_ =	sdelay $0x1  }
0x99: {  	s19 =	simm.s32 $_scs_section_size  }
0x9a: {  	s4 =	simm.s32 $_size__tile_overlayer_lowered;
	s5 =	simm.s32 $_tile_overlayer_lowered  }
0x9b: {  	s22 =	simm.s32 $0x1BFF;
	s21 =	sshll.u32 s5, $0x1;
	s2 =	sadd.s32 s19, s18  }
0x9c: {  	s6 =	simm.s32 $0x0;
	s20 =	sshll.u32 s4, $0x1;
	s4 =	sadd.s32 s21, s2  }
0x9d: {  	[timem:s6], [sflag:s22] =	dma.local [hbm:s4], s20  }
0x9e: {  	_ =	swait.ge [sflag:s22], s20  }
0x9f: {  	s3 =	ssub.s32 $0x0, s20;
	[sflag:s22] =	ssyncset.done $0x0  }
0xa0: {  	[sflag:s22] =	ssyncadd.s32 s3;
	_ =	sdelay $0x1  }
0xa1: {  	s23 =	simm.s32 $0x1B8B  }
0xa2: {  	_ =	swait.ge [sflag:s23], $0x1  }
0xa3: {  	[sflag:s23] =	ssyncset.done $0x0  }
0xa4: {  	s25 =	simm.s32 $0x1B8E;
	s24 =	sld [smem:$0x3FFE];
	[sflag:s23] =	ssyncadd.s32 $0xFFFFFFFF  }
0xa5: {  	s26 =	simm.s32 $execute0_lowered;
	[smem:$0x3FD2] =	sst s25  }
0xa6: {  	s4 =	sshll.u32 s26, $0x1;
	_ =	strace $0x80000046;
	[dreg:$0x1] =	wrdreg $0xFFFFFFFF  }
0xa7: {  	s28 =	simm.s32 $_size_execute0_lowered;
	s2 =	sadd.s32 s2, s4;
	[dreg:$0x0] =	wrdreg $0x0  }
0xa8: {  	s4 =	sshll.u32 s28, $0x1;
	[dreg:$0x2] =	wrdreg s2  }
0xa9: {  	[dreg:$0x3] =	wrdreg s4  }
0xaa: {  	[dreg:$0x4] =	wrdreg $0xC0  }
0xab: {  	_ =	task [dreg:s6], $0x5FFFF  }
0xac: {  	[dreg:$0x1] =	wrdreg $0xFFFFFFFF  }
0xad: {  	[dreg:$0x0] =	wrdreg $0x60  }
0xae: {  	[dreg:$0x2] =	wrdreg s24  }
0xaf: {  	[dreg:$0x3] =	wrdreg $0xB4000  }
0xb0: {  	[dreg:$0x4] =	wrdreg $0x9  }
0xb1: {  	_ =	task.clear_ibuf [dreg:s6], $0x5FFFF;
	_ =	strace $0x90000046  }
0xb2: {  	s29 =	simm.s32 $0x9;
	_ =	strace $0x80000048  }
0xb3: {  	_ =	swait.ge [sflag:s29], $0x1  }
0xb4: {  	[sflag:s29] =	ssyncadd.s32 $0xFFFFFFFF  }
0xb5: {  	_ =	strace $0x90000048  }
0xb6: {  	_ =	sfence  }
0xb7: {  	s30 =	sld [smem:$0x0];
	_ =	sdelay $0x2  }
0xb8: {  	s31 =	sshll.u32 s1, $0xD;
	s1 =	sshrl.u32 s1, $0x2  }
0xb9: {  	s3 =	sand.u32 $0x4000, s31;
	s1 =	sadd.s32 s1, s30  }
0xba: {  	s0 =	sor.u32 s3, s0;
	s1 =	sshll.u32 s1, $0x11  }
0xbb: {  	s0 =	sor.u32 s1, s0  }
0xbc: {  	s0 =	sadd.s32 $0x8F2B, s0  }
0xbd: {  	[sflag:s0] =	ssyncadd.remote.s32 $0x1  }
0xbe: {  	_ =	sfence.sel $0xFFFF  }
0xbf: {  	[dreg:$0x0] =	wrdreg $0xFFFFFFFF;
	(pc) =	sbr.abs _section_cstart, $3  }
0xc0: {  	[dreg:$0x1] =	wrdreg $0xFFFFFFFF  }
0xc1: {  	_ =	task.clear_ibuf [dreg:s6], $0x2FFFF;
	_ =	strace $0x9FFFFFFF  }
0xc2: {  	(tm) =	ssettm $0x7FFFFFFF  }
0xc3: {  	_ =	shalt  }
tec
execute0_lowered:
.L_overlay_start_1:
0x0: {  	(tag) =	ssettag $0x1  }
0x1: {  	s0 =	rddreg [dreg:$0x0]  }
0x2: {  	s1 =	rddreg [dreg:$0x1];
	s2 =	srdreg.scid  }
0x3: {  	s10 =	stileid.u32;
	s11 =	simm.s32 $0x1;
	s12 =	simm.s32 $0x80  }
0x4: {  	s13 =	simm.s32 $0x400;
	s14 =	simm.s32 $0xA00;
	s15 =	simm.s32 $0x140  }
0x5: {  	s16 =	simm.s32 $0x1400;
	s17 =	simm.s32 $0xB40;
	s18 =	simm.s32 $0x280  }
0x6: {  	s19 =	simm.s32 $0xC80;
	s20 =	simm.s32 $0x3C0;
	s21 =	simm.s32 $0xDC0  }
0x7: {  	s22 =	simm.s32 $0x500;
	s28 =	simm.s32 $0x780;
	s29 =	simm.s32 $0x1180  }
0x8: {  	s30 =	simm.s32 $0x8C0;
	s31 =	simm.s32 $0x12C0;
	s2 =	sand.u32 $0x1, s2  }
0x9: {  	s3 =	sshrl.u32 s10, $0x2;
	s4 =	sshll.u32 s10, $0x8;
	s7 =	smul.u32 $0x4F000, s10  }
0xa: {  	s8 =	sadd.s32 $0x40200, s0;
	s25 =	sshll.u32 s10, $0x6;
	s26 =	smul.u32 $0x2780, s10  }
0xb: {  	s5 =	smul.u32 $0x14000, s3;
	s4 =	sand.u32 $0x300, s4;
	s6 =	sshll.u32 s2, $0x7  }
0xc: {  	s3 =	simm.s32 $0x0;
	s23 =	smul.u32 $0x27800, s2;
	s2 =	ssub.s32 $0x2, s2  }
0xd: {  	s4 =	sor.u32 s6, s4;
	[smem:$0x7FF] =	sst s3;
	s24 =	sshrl.u32 s2, $0x1  }
0xe: {  	s7 =	sshrl.u32 s7, $0x2;
	s6 =	sor.u32 $0x1C01, s25;
	s25 =	simm.s32 $0x640  }
0xf: {  	s4 =	sor.u32 s5, s4;
	_ =	strace $0x80000047;
	[dreg:$0x3] =	wrdreg s8  }
0x10: {  	s2 =	ssub.s32 s2, s24;
	s9 =	sadd.s32 s7, s1;
	[dreg:$0x5] =	wrdreg s6  }
0x11: {  	s5 =	sshrl.u32 s4, $0x3;
	s4 =	sadd.s32 $0x19000, s0;
	s2 =	smax.u32 s2, $0x1  }
0x12: {  	s9 =	sshrl.u32 s9, $0x3;
	s5 =	sadd.s32 s5, s0;
	s0 =	sadd.s32 s23, s0  }
0x13: {  	[dreg:$0x4] =	wrdreg s2;
	s23 =	simm.s32 $0xF00;
	s0 =	sadd.s32 $0x42A00, s0  }
0x14: {  	s2 =	simm.s32 $0x0;
	s7 =	sadd.s32 $0x5000, s5;
	s0 =	sadd.s32 s26, s0  }
0x15: {  	s8 =	sadd.s32 $0xF000, s5;
	s26 =	simm.s32 $0x1040;
	[dreg:$0x6] =	wrdreg s0  }
.LBB2_1:
0x16: {  	s0 =	rddreg [dreg:$0x3]  }
0x17: {  	[spmem:s9], [sflag:s6] =	dma.local [hbm:s0], $0x2780  }
0x18: {  	_ =	swait.ge [sflag:s11], $0x2780  }
0x19: {  	[sflag:s11] =	ssyncset.done $0x0  }
0x1a: {  	[sflag:s11] =	ssyncadd.s32 $0xFFFFD880  }
0x1b: {  	s10 =	smov.u32 s9;
	s9 =	sadd.s32 $0x0, s7;
	[bflag:$0x0] =	sbarrier.arrive $0xFFFF  }
0x1c: {  	[tilespmem:s3], [sflag:$0x1] =	stream.strided.gather [hbm4b:s9+s12], $0xA00, s13, s12, $0x38;
	[tilespmem:$0x1F000] =	vst v63  }
0x1d: {  	_ =	swait.ge [sflag:s11], $0xA00  }
0x1e: {  	[sflag:s11] =	ssyncset.done $0x0  }
0x1f: {  	s24 =	sadd.s32 $0x0, s8;
	[sflag:s11] =	ssyncadd.s32 $0xFFFFF600  }
0x20: {  	[tilespmem:s14], [sflag:$0x1] =	stream.strided.gather [hbm4b:s24+s12], $0xA00, s13, s12, $0x38;
	[tilespmem:$0x1F000] =	vst v63  }
0x21: {  	_ =	swait.ge [sflag:s11], $0xA00  }
0x22: {  	[sflag:s11] =	ssyncset.done $0x0  }
0x23: {  	[sflag:s11] =	ssyncadd.s32 $0xFFFFF600  }
0x24: {  	[tilespmem:s16], [sflag:$0x1] =	stream.indirect.gather [hbm4b:s4+s15], $0x80, s3, s15, $0xb8;
	[tilespmem:$0x1F000] =	vst v63  }
0x25: {  	_ =	swait.ge [sflag:s11], $0xA000  }
0x26: {  	[sflag:s11] =	ssyncset.done $0x0  }
0x27: {  	[sflag:s11] =	ssyncadd.s32 $0xFFFF6000  }
0x28: {  	[spmem:s1] =	stream.indirect.scatter.add.f32 [tilespmem:s16], [sflag:$0x1], $0x80, s14, s15, $0xb8;
	[tilespmem:$0x1F000] =	vst v63  }
0x29: {  	_ =	swait.ge [sflag:s11], $0xA000  }
0x2a: {  	[sflag:s11] =	ssyncset.done $0x0  }
0x2b: {  	[sflag:s11] =	ssyncadd.s32 $0xFFFF6000  }
0x2c: {  	[tilespmem:s16], [sflag:$0x1] =	stream.indirect.gather [hbm4b:s4+s15], $0x80, s15, s15, $0xb8;
	[tilespmem:$0x1F000] =	vst v63  }
0x2d: {  	_ =	swait.ge [sflag:s11], $0xA000  }
0x2e: {  	[sflag:s11] =	ssyncset.done $0x0  }
0x2f: {  	[sflag:s11] =	ssyncadd.s32 $0xFFFF6000  }
0x30: {  	[spmem:s1] =	stream.indirect.scatter.add.f32 [tilespmem:s16], [sflag:$0x1], $0x80, s17, s15, $0xb8;
	[tilespmem:$0x1F000] =	vst v63  }
0x31: {  	_ =	swait.ge [sflag:s11], $0xA000  }
0x32: {  	[sflag:s11] =	ssyncset.done $0x0  }
0x33: {  	[sflag:s11] =	ssyncadd.s32 $0xFFFF6000  }
0x34: {  	[tilespmem:s16], [sflag:$0x1] =	stream.indirect.gather [hbm4b:s4+s15], $0x80, s18, s15, $0xb8;
	[tilespmem:$0x1F000] =	vst v63  }
0x35: {  	_ =	swait.ge [sflag:s11], $0xA000  }
0x36: {  	[sflag:s11] =	ssyncset.done $0x0  }
0x37: {  	[sflag:s11] =	ssyncadd.s32 $0xFFFF6000  }
0x38: {  	[spmem:s1] =	stream.indirect.scatter.add.f32 [tilespmem:s16], [sflag:$0x1], $0x80, s19, s15, $0xb8;
	[tilespmem:$0x1F000] =	vst v63  }
0x39: {  	_ =	swait.ge [sflag:s11], $0xA000  }
0x3a: {  	[sflag:s11] =	ssyncset.done $0x0  }
0x3b: {  	[sflag:s11] =	ssyncadd.s32 $0xFFFF6000  }
0x3c: {  	[tilespmem:s16], [sflag:$0x1] =	stream.indirect.gather [hbm4b:s4+s15], $0x80, s20, s15, $0xb8;
	[tilespmem:$0x1F000] =	vst v63  }
0x3d: {  	_ =	swait.ge [sflag:s11], $0xA000  }
0x3e: {  	[sflag:s11] =	ssyncset.done $0x0  }
0x3f: {  	[sflag:s11] =	ssyncadd.s32 $0xFFFF6000  }
0x40: {  	[spmem:s1] =	stream.indirect.scatter.add.f32 [tilespmem:s16], [sflag:$0x1], $0x80, s21, s15, $0xb8;
	[tilespmem:$0x1F000] =	vst v63  }
0x41: {  	_ =	swait.ge [sflag:s11], $0xA000  }
0x42: {  	[sflag:s11] =	ssyncset.done $0x0  }
0x43: {  	[sflag:s11] =	ssyncadd.s32 $0xFFFF6000  }
0x44: {  	[tilespmem:s16], [sflag:$0x1] =	stream.indirect.gather [hbm4b:s4+s15], $0x80, s22, s15, $0xb8;
	[tilespmem:$0x1F000] =	vst v63  }
0x45: {  	_ =	swait.ge [sflag:s11], $0xA000  }
0x46: {  	[sflag:s11] =	ssyncset.done $0x0  }
0x47: {  	[sflag:s11] =	ssyncadd.s32 $0xFFFF6000  }
0x48: {  	[spmem:s1] =	stream.indirect.scatter.add.f32 [tilespmem:s16], [sflag:$0x1], $0x80, s23, s15, $0xb8;
	[tilespmem:$0x1F000] =	vst v63  }
0x49: {  	_ =	swait.ge [sflag:s11], $0xA000  }
0x4a: {  	[sflag:s11] =	ssyncset.done $0x0  }
0x4b: {  	[sflag:s11] =	ssyncadd.s32 $0xFFFF6000  }
0x4c: {  	[tilespmem:s16], [sflag:$0x1] =	stream.indirect.gather [hbm4b:s4+s15], $0x80, s25, s15, $0xb8;
	[tilespmem:$0x1F000] =	vst v63  }
0x4d: {  	_ =	swait.ge [sflag:s11], $0xA000  }
0x4e: {  	[sflag:s11] =	ssyncset.done $0x0  }
0x4f: {  	[sflag:s11] =	ssyncadd.s32 $0xFFFF6000  }
0x50: {  	[spmem:s1] =	stream.indirect.scatter.add.f32 [tilespmem:s16], [sflag:$0x1], $0x80, s26, s15, $0xb8;
	[tilespmem:$0x1F000] =	vst v63  }
0x51: {  	_ =	swait.ge [sflag:s11], $0xA000  }
0x52: {  	[sflag:s11] =	ssyncset.done $0x0  }
0x53: {  	[sflag:s11] =	ssyncadd.s32 $0xFFFF6000  }
0x54: {  	[tilespmem:s16], [sflag:$0x1] =	stream.indirect.gather [hbm4b:s4+s15], $0x80, s28, s15, $0xb8;
	[tilespmem:$0x1F000] =	vst v63  }
0x55: {  	_ =	swait.ge [sflag:s11], $0xA000  }
0x56: {  	[sflag:s11] =	ssyncset.done $0x0  }
0x57: {  	[sflag:s11] =	ssyncadd.s32 $0xFFFF6000  }
0x58: {  	[spmem:s1] =	stream.indirect.scatter.add.f32 [tilespmem:s16], [sflag:$0x1], $0x80, s29, s15, $0xb8;
	[tilespmem:$0x1F000] =	vst v63  }
0x59: {  	_ =	swait.ge [sflag:s11], $0xA000  }
0x5a: {  	[sflag:s11] =	ssyncset.done $0x0  }
0x5b: {  	[sflag:s11] =	ssyncadd.s32 $0xFFFF6000  }
0x5c: {  	[tilespmem:s16], [sflag:$0x1] =	stream.indirect.gather [hbm4b:s4+s15], $0x80, s30, s15, $0xb8;
	[tilespmem:$0x1F000] =	vst v63  }
0x5d: {  	_ =	swait.ge [sflag:s11], $0xA000  }
0x5e: {  	[sflag:s11] =	ssyncset.done $0x0  }
0x5f: {  	[sflag:s11] =	ssyncadd.s32 $0xFFFF6000  }
0x60: {  	[spmem:s1] =	stream.indirect.scatter.add.f32 [tilespmem:s16], [sflag:$0x1], $0x80, s31, s15, $0xb8;
	[tilespmem:$0x1F000] =	vst v63  }
0x61: {  	_ =	swait.ge [sflag:s11], $0xA000  }
0x62: {  	s5 =	simm.s32 $0x1400;
	s0 =	simm.s32 $0xA00;
	[sflag:s11] =	ssyncset.done $0x0  }
.LBB2_2:
0x63: {  	s24 =	sadd.s32 s0, s7  }
0x64: {  	[sflag:s11] =	ssyncadd.s32 $0xFFFF6000;
	s6 =	smov.u32 s5;
	s9 =	sadd.s32 $0xA00, s5  }
0x65: {  	[tilespmem:s3], [sflag:$0x1] =	stream.strided.gather [hbm4b:s24+s12], $0xA00, s13, s12, $0x38;
	[tilespmem:$0x1F000] =	vst v63  }
0x66: {  	p0 =	sne.s32 s5, $0x1E00;
	_ =	swait.ge [sflag:s11], $0xA00  }
0x67: {  	[sflag:s11] =	ssyncset.done $0x0  }
0x68: {  	s5 =	sadd.s32 s0, s8;
	s0 =	smov.u32 s6;
	[sflag:s11] =	ssyncadd.s32 $0xFFFFF600  }
0x69: {  	[tilespmem:s14], [sflag:$0x1] =	stream.strided.gather [hbm4b:s5+s12], $0xA00, s13, s12, $0x38;
	[tilespmem:$0x1F000] =	vst v63  }
0x6a: {  	_ =	swait.ge [sflag:s11], $0xA00  }
0x6b: {  	[sflag:s11] =	ssyncset.done $0x0  }
0x6c: {  	[sflag:s11] =	ssyncadd.s32 $0xFFFFF600  }
0x6d: {  	[tilespmem:s16], [sflag:$0x1] =	stream.indirect.gather [hbm4b:s4+s15], $0x80, s3, s15, $0xb8;
	[tilespmem:$0x1F000] =	vst v63  }
0x6e: {  	_ =	swait.ge [sflag:s11], $0xA000  }
0x6f: {  	[sflag:s11] =	ssyncset.done $0x0  }
0x70: {  	[sflag:s11] =	ssyncadd.s32 $0xFFFF6000  }
0x71: {  	[spmem:s1] =	stream.indirect.scatter.add.f32 [tilespmem:s16], [sflag:$0x1], $0x80, s14, s15, $0xb8;
	[tilespmem:$0x1F000] =	vst v63  }
0x72: {  	_ =	swait.ge [sflag:s11], $0xA000  }
0x73: {  	[sflag:s11] =	ssyncset.done $0x0  }
0x74: {  	[sflag:s11] =	ssyncadd.s32 $0xFFFF6000  }
0x75: {  	[tilespmem:s16], [sflag:$0x1] =	stream.indirect.gather [hbm4b:s4+s15], $0x80, s15, s15, $0xb8;
	[tilespmem:$0x1F000] =	vst v63  }
0x76: {  	_ =	swait.ge [sflag:s11], $0xA000  }
0x77: {  	[sflag:s11] =	ssyncset.done $0x0  }
0x78: {  	[sflag:s11] =	ssyncadd.s32 $0xFFFF6000  }
0x79: {  	[spmem:s1] =	stream.indirect.scatter.add.f32 [tilespmem:s16], [sflag:$0x1], $0x80, s17, s15, $0xb8;
	[tilespmem:$0x1F000] =	vst v63  }
0x7a: {  	_ =	swait.ge [sflag:s11], $0xA000  }
0x7b: {  	[sflag:s11] =	ssyncset.done $0x0  }
0x7c: {  	[sflag:s11] =	ssyncadd.s32 $0xFFFF6000  }
0x7d: {  	[tilespmem:s16], [sflag:$0x1] =	stream.indirect.gather [hbm4b:s4+s15], $0x80, s18, s15, $0xb8;
	[tilespmem:$0x1F000] =	vst v63  }
0x7e: {  	_ =	swait.ge [sflag:s11], $0xA000  }
0x7f: {  	[sflag:s11] =	ssyncset.done $0x0  }
0x80: {  	[sflag:s11] =	ssyncadd.s32 $0xFFFF6000  }
0x81: {  	[spmem:s1] =	stream.indirect.scatter.add.f32 [tilespmem:s16], [sflag:$0x1], $0x80, s19, s15, $0xb8;
	[tilespmem:$0x1F000] =	vst v63  }
0x82: {  	_ =	swait.ge [sflag:s11], $0xA000  }
0x83: {  	[sflag:s11] =	ssyncset.done $0x0  }
0x84: {  	[sflag:s11] =	ssyncadd.s32 $0xFFFF6000  }
0x85: {  	[tilespmem:s16], [sflag:$0x1] =	stream.indirect.gather [hbm4b:s4+s15], $0x80, s20, s15, $0xb8;
	[tilespmem:$0x1F000] =	vst v63  }
0x86: {  	_ =	swait.ge [sflag:s11], $0xA000  }
0x87: {  	[sflag:s11] =	ssyncset.done $0x0  }
0x88: {  	[sflag:s11] =	ssyncadd.s32 $0xFFFF6000  }
0x89: {  	[spmem:s1] =	stream.indirect.scatter.add.f32 [tilespmem:s16], [sflag:$0x1], $0x80, s21, s15, $0xb8;
	[tilespmem:$0x1F000] =	vst v63  }
0x8a: {  	_ =	swait.ge [sflag:s11], $0xA000  }
0x8b: {  	[sflag:s11] =	ssyncset.done $0x0  }
0x8c: {  	[sflag:s11] =	ssyncadd.s32 $0xFFFF6000  }
0x8d: {  	[tilespmem:s16], [sflag:$0x1] =	stream.indirect.gather [hbm4b:s4+s15], $0x80, s22, s15, $0xb8;
	[tilespmem:$0x1F000] =	vst v63  }
0x8e: {  	_ =	swait.ge [sflag:s11], $0xA000  }
0x8f: {  	[sflag:s11] =	ssyncset.done $0x0  }
0x90: {  	[sflag:s11] =	ssyncadd.s32 $0xFFFF6000  }
0x91: {  	[spmem:s1] =	stream.indirect.scatter.add.f32 [tilespmem:s16], [sflag:$0x1], $0x80, s23, s15, $0xb8;
	[tilespmem:$0x1F000] =	vst v63  }
0x92: {  	_ =	swait.ge [sflag:s11], $0xA000  }
0x93: {  	[sflag:s11] =	ssyncset.done $0x0  }
0x94: {  	[sflag:s11] =	ssyncadd.s32 $0xFFFF6000  }
0x95: {  	[tilespmem:s16], [sflag:$0x1] =	stream.indirect.gather [hbm4b:s4+s15], $0x80, s25, s15, $0xb8;
	[tilespmem:$0x1F000] =	vst v63  }
0x96: {  	_ =	swait.ge [sflag:s11], $0xA000  }
0x97: {  	[sflag:s11] =	ssyncset.done $0x0  }
0x98: {  	[sflag:s11] =	ssyncadd.s32 $0xFFFF6000  }
0x99: {  	[spmem:s1] =	stream.indirect.scatter.add.f32 [tilespmem:s16], [sflag:$0x1], $0x80, s26, s15, $0xb8;
	[tilespmem:$0x1F000] =	vst v63  }
0x9a: {  	_ =	swait.ge [sflag:s11], $0xA000  }
0x9b: {  	[sflag:s11] =	ssyncset.done $0x0  }
0x9c: {  	[sflag:s11] =	ssyncadd.s32 $0xFFFF6000  }
0x9d: {  	[tilespmem:s16], [sflag:$0x1] =	stream.indirect.gather [hbm4b:s4+s15], $0x80, s28, s15, $0xb8;
	[tilespmem:$0x1F000] =	vst v63  }
0x9e: {  	_ =	swait.ge [sflag:s11], $0xA000  }
0x9f: {  	[sflag:s11] =	ssyncset.done $0x0  }
0xa0: {  	[sflag:s11] =	ssyncadd.s32 $0xFFFF6000  }
0xa1: {  	[spmem:s1] =	stream.indirect.scatter.add.f32 [tilespmem:s16], [sflag:$0x1], $0x80, s29, s15, $0xb8;
	[tilespmem:$0x1F000] =	vst v63  }
0xa2: {  	_ =	swait.ge [sflag:s11], $0xA000  }
0xa3: {  	[sflag:s11] =	ssyncset.done $0x0  }
0xa4: {  	[sflag:s11] =	ssyncadd.s32 $0xFFFF6000  }
0xa5: {  	[tilespmem:s16], [sflag:$0x1] =	stream.indirect.gather [hbm4b:s4+s15], $0x80, s30, s15, $0xb8;
	[tilespmem:$0x1F000] =	vst v63  }
0xa6: {  	_ =	swait.ge [sflag:s11], $0xA000  }
.Ltmp0:
0xa7: {  	[sflag:s11] =	ssyncset.done $0x0;
	(pc) =	sbr.rel @p0 .LBB2_2-.Ltmp0, $4  }
0xa8: {  	[sflag:s11] =	ssyncadd.s32 $0xFFFF6000  }
0xa9: {  	[spmem:s1] =	stream.indirect.scatter.add.f32 [tilespmem:s16], [sflag:$0x1], $0x80, s31, s15, $0xb8;
	[tilespmem:$0x1F000] =	vst v63  }
0xaa: {  	_ =	swait.ge [sflag:s11], $0xA000  }
0xab: {  	s5 =	smov.u32 s9;
	[sflag:s11] =	ssyncset.done $0x0  }
0xac: {  	s5 =	sadd.s32 s0, s7;
	[sflag:s11] =	ssyncadd.s32 $0xFFFF6000  }
0xad: {  	[tilespmem:s3], [sflag:$0x1] =	stream.strided.gather [hbm4b:s5+s12], $0xA00, s13, s12, $0x38;
	[tilespmem:$0x1F000] =	vst v63  }
0xae: {  	_ =	swait.ge [sflag:s11], $0xA00  }
0xaf: {  	[sflag:s11] =	ssyncset.done $0x0  }
0xb0: {  	s24 =	sadd.s32 s0, s8;
	[sflag:s11] =	ssyncadd.s32 $0xFFFFF600  }
0xb1: {  	[tilespmem:s14], [sflag:$0x1] =	stream.strided.gather [hbm4b:s24+s12], $0xA00, s13, s12, $0x38;
	[tilespmem:$0x1F000] =	vst v63  }
0xb2: {  	_ =	swait.ge [sflag:s11], $0xA00  }
0xb3: {  	[sflag:s11] =	ssyncset.done $0x0  }
0xb4: {  	[sflag:s11] =	ssyncadd.s32 $0xFFFFF600  }
0xb5: {  	[tilespmem:s16], [sflag:$0x1] =	stream.indirect.gather [hbm4b:s4+s15], $0x80, s3, s15, $0xb8;
	[tilespmem:$0x1F000] =	vst v63  }
0xb6: {  	_ =	swait.ge [sflag:s11], $0xA000  }
0xb7: {  	[sflag:s11] =	ssyncset.done $0x0  }
0xb8: {  	[sflag:s11] =	ssyncadd.s32 $0xFFFF6000  }
0xb9: {  	[spmem:s1] =	stream.indirect.scatter.add.f32 [tilespmem:s16], [sflag:$0x1], $0x80, s14, s15, $0xb8;
	[tilespmem:$0x1F000] =	vst v63  }
0xba: {  	_ =	swait.ge [sflag:s11], $0xA000  }
0xbb: {  	[sflag:s11] =	ssyncset.done $0x0  }
0xbc: {  	[sflag:s11] =	ssyncadd.s32 $0xFFFF6000  }
0xbd: {  	[tilespmem:s16], [sflag:$0x1] =	stream.indirect.gather [hbm4b:s4+s15], $0x80, s15, s15, $0xb8;
	[tilespmem:$0x1F000] =	vst v63  }
0xbe: {  	_ =	swait.ge [sflag:s11], $0xA000  }
0xbf: {  	[sflag:s11] =	ssyncset.done $0x0  }
0xc0: {  	[sflag:s11] =	ssyncadd.s32 $0xFFFF6000  }
0xc1: {  	[spmem:s1] =	stream.indirect.scatter.add.f32 [tilespmem:s16], [sflag:$0x1], $0x80, s17, s15, $0xb8;
	[tilespmem:$0x1F000] =	vst v63  }
0xc2: {  	_ =	swait.ge [sflag:s11], $0xA000  }
0xc3: {  	[sflag:s11] =	ssyncset.done $0x0  }
0xc4: {  	[sflag:s11] =	ssyncadd.s32 $0xFFFF6000  }
0xc5: {  	[tilespmem:s16], [sflag:$0x1] =	stream.indirect.gather [hbm4b:s4+s15], $0x80, s18, s15, $0xb8;
	[tilespmem:$0x1F000] =	vst v63  }
0xc6: {  	_ =	swait.ge [sflag:s11], $0xA000  }
0xc7: {  	[sflag:s11] =	ssyncset.done $0x0  }
0xc8: {  	[sflag:s11] =	ssyncadd.s32 $0xFFFF6000  }
0xc9: {  	[spmem:s1] =	stream.indirect.scatter.add.f32 [tilespmem:s16], [sflag:$0x1], $0x80, s19, s15, $0xb8;
	[tilespmem:$0x1F000] =	vst v63  }
0xca: {  	_ =	swait.ge [sflag:s11], $0xA000  }
0xcb: {  	[sflag:s11] =	ssyncset.done $0x0  }
0xcc: {  	[sflag:s11] =	ssyncadd.s32 $0xFFFF6000  }
0xcd: {  	[tilespmem:s16], [sflag:$0x1] =	stream.indirect.gather [hbm4b:s4+s15], $0x80, s20, s15, $0xb8;
	[tilespmem:$0x1F000] =	vst v63  }
0xce: {  	_ =	swait.ge [sflag:s11], $0xA000  }
0xcf: {  	[sflag:s11] =	ssyncset.done $0x0  }
0xd0: {  	[sflag:s11] =	ssyncadd.s32 $0xFFFF6000  }
0xd1: {  	[spmem:s1] =	stream.indirect.scatter.add.f32 [tilespmem:s16], [sflag:$0x1], $0x80, s21, s15, $0xb8;
	[tilespmem:$0x1F000] =	vst v63  }
0xd2: {  	_ =	swait.ge [sflag:s11], $0xA000  }
0xd3: {  	[sflag:s11] =	ssyncset.done $0x0  }
0xd4: {  	[sflag:s11] =	ssyncadd.s32 $0xFFFF6000  }
0xd5: {  	[tilespmem:s16], [sflag:$0x1] =	stream.indirect.gather [hbm4b:s4+s15], $0x80, s22, s15, $0xb8;
	[tilespmem:$0x1F000] =	vst v63  }
0xd6: {  	_ =	swait.ge [sflag:s11], $0xA000  }
0xd7: {  	[sflag:s11] =	ssyncset.done $0x0  }
0xd8: {  	[sflag:s11] =	ssyncadd.s32 $0xFFFF6000  }
0xd9: {  	[spmem:s1] =	stream.indirect.scatter.add.f32 [tilespmem:s16], [sflag:$0x1], $0x80, s23, s15, $0xb8;
	[tilespmem:$0x1F000] =	vst v63  }
0xda: {  	_ =	swait.ge [sflag:s11], $0xA000  }
0xdb: {  	[sflag:s11] =	ssyncset.done $0x0  }
0xdc: {  	[sflag:s11] =	ssyncadd.s32 $0xFFFF6000  }
0xdd: {  	[tilespmem:s16], [sflag:$0x1] =	stream.indirect.gather [hbm4b:s4+s15], $0x80, s25, s15, $0xb8;
	[tilespmem:$0x1F000] =	vst v63  }
0xde: {  	_ =	swait.ge [sflag:s11], $0xA000  }
0xdf: {  	[sflag:s11] =	ssyncset.done $0x0  }
0xe0: {  	[sflag:s11] =	ssyncadd.s32 $0xFFFF6000  }
0xe1: {  	[spmem:s1] =	stream.indirect.scatter.add.f32 [tilespmem:s16], [sflag:$0x1], $0x80, s26, s15, $0xb8;
	[tilespmem:$0x1F000] =	vst v63  }
0xe2: {  	_ =	swait.ge [sflag:s11], $0xA000  }
0xe3: {  	[sflag:s11] =	ssyncset.done $0x0  }
0xe4: {  	[sflag:s11] =	ssyncadd.s32 $0xFFFF6000  }
0xe5: {  	[tilespmem:s16], [sflag:$0x1] =	stream.indirect.gather [hbm4b:s4+s15], $0x80, s28, s15, $0xb8;
	[tilespmem:$0x1F000] =	vst v63  }
0xe6: {  	_ =	swait.ge [sflag:s11], $0xA000  }
0xe7: {  	[sflag:s11] =	ssyncset.done $0x0  }
0xe8: {  	[sflag:s11] =	ssyncadd.s32 $0xFFFF6000  }
0xe9: {  	[spmem:s1] =	stream.indirect.scatter.add.f32 [tilespmem:s16], [sflag:$0x1], $0x80, s29, s15, $0xb8;
	[tilespmem:$0x1F000] =	vst v63  }
0xea: {  	_ =	swait.ge [sflag:s11], $0xA000  }
0xeb: {  	[sflag:s11] =	ssyncset.done $0x0  }
0xec: {  	[sflag:s11] =	ssyncadd.s32 $0xFFFF6000  }
0xed: {  	[tilespmem:s16], [sflag:$0x1] =	stream.indirect.gather [hbm4b:s4+s15], $0x80, s30, s15, $0xb8;
	[tilespmem:$0x1F000] =	vst v63  }
0xee: {  	_ =	swait.ge [sflag:s11], $0xA000  }
0xef: {  	[sflag:s11] =	ssyncset.done $0x0  }
0xf0: {  	[sflag:s11] =	ssyncadd.s32 $0xFFFF6000  }
0xf1: {  	[spmem:s1] =	stream.indirect.scatter.add.f32 [tilespmem:s16], [sflag:$0x1], $0x80, s31, s15, $0xb8;
	[tilespmem:$0x1F000] =	vst v63  }
0xf2: {  	_ =	swait.ge [sflag:s11], $0xA000  }
0xf3: {  	[sflag:s11] =	ssyncset.done $0x0  }
0xf4: {  	[sflag:s11] =	ssyncadd.s32 $0xFFFF6000  }
0xf5: {  	[bflag:$0x0] =	sbarrier.arrive $0xFFFF  }
0xf6: {  	s6 =	rddreg [dreg:$0x5]  }
0xf7: {  	s5 =	rddreg [dreg:$0x6]  }
0xf8: {  	[hbm:s5], [sflag:s6] =	dma.local [spmem:s10], $0x2780  }
0xf9: {  	_ =	swait.ge [sflag:s11], $0x2780  }
0xfa: {  	s2 =	sadd.s32 $0x1, s2;
	s24 =	rddreg [dreg:$0x4]  }
0xfb: {  	p0 =	sne.s32 s2, s24  }
.Ltmp1:
0xfc: {  	_ = 	snop;
	(pc) =	sbr.rel @p0 .LBB2_1-.Ltmp1, $3  }
0xfd: {  	_ =	sdelay $0x1  }
0xfe: {  	[sflag:s11] =	ssyncset.done $0x0  }
0xff: {  	s9 =	smov.u32 s10;
	[sflag:s11] =	ssyncadd.s32 $0xFFFFD880  }
0x100: {  	_ =	sfence.sel $0x180000  }
0x101: {  	[bflag:$0x0] =	sbarrier.arrive $0xFFFF  }
0x102: {  	_ =	strace $0x90000047  }
0x103: {  	s0 =	stileid.u32;
	[bflag:$0x2] =	sbarrier.arrive $0xFFFF  }
0x104: {  	p0 =	sne.s32 s0, $0x0;
	s0 =	rddreg [dreg:$0x2]  }
0x105: {  	s0 =	sadd.s32 @!p0 $0x100000, s0  }
0x106: {  	[sflag:s0] =	ssyncadd.tile.s32 @!p0 $0x1;
	_ =	shalt  }
.Lfunc_end2:
_tile_overlayer_lowered:
.L_overlay_start_2:
0x107: {  	(tag) =	ssettag $0x2  }
0x108: {  	s0 =	rddreg [dreg:$0x0];
	s2 =	stileid.u32  }
0x109: {  	s1 =	rddreg [dreg:$0x1];
	p0 =	sne.s32 s2, $0x0  }
0x10a: {  	s3 =	rddreg [dreg:$0x2];
	[bflag:$0x3] =	sbarrier.arrive $0xFFFF;
	s2 =	simm.s32 @!p0 $0x1C01  }
0x10b: {  	[timem:s3], [sflag:s2] =	dma.local @!p0 [hbm:s0], s1  }
0x10c: {  	s0 =	simm.s32 @!p0 $0x1  }
0x10d: {  	_ =	swait.ge @!p0 [sflag:s0], s1  }
0x10e: {  	s1 =	ssub.s32 @!p0 $0x0, s1;
	[sflag:s0] =	ssyncset.done @!p0 $0x0  }
0x10f: {  	[sflag:s0] =	ssyncadd.s32 @!p0 s1  }
0x110: {  	[bflag:$0x3] =	sbarrier.arrive $0xFFFF  }
0x111: {  	_ =	shalt  }

// kernel: kernel.24.cloned.1.call-start
scs
__scs_entry_jumppad:
0x0: {  	(pc) =	sbr.rel $0x88, $3  }
0x1: {  	(tag) =	ssettag $0x0;
	lr =	simm.s32 $0x1  }
0x2: {  	[smem:$0x3F97] =	sst lr;
	_ =	strace $0xD0000000  }
0x3: {  	_ = 	snop  }
0x4: {  	_ = 	snop  }
0x5: {  	_ = 	snop  }
0x6: {  	_ = 	snop  }
0x7: {  	_ = 	snop  }
__scs_overlays_trampoline_lowered:
0x8: {  	[smem:$0x3FA6] =	sst s0  }
0x9: {  	[smem:$0x3FA7] =	sst s1  }
0xa: {  	[smem:$0x3FA8] =	sst s2  }
0xb: {  	[smem:$0x3FA9] =	sst s3  }
0xc: {  	[smem:$0x3FAA] =	sst s4  }
0xd: {  	[smem:$0x3FAB] =	sst s5  }
0xe: {  	[smem:$0x3FAC] =	sst s6  }
0xf: {  	[smem:$0x3FAD] =	sst s7  }
0x10: {  	[smem:$0x3FAE] =	sst s8  }
0x11: {  	[smem:$0x3FAF] =	sst s9;
	s0 =	simm.s32 @!p0 $0x0  }
0x12: {  	s1 =	sld [smem:$0x3F95];
	s0 =	simm.s32 @p0 $0x1  }
0x13: {  	[smem:$0x3FB0] =	sst s0;
	s0 =	simm.s32 @!p1 $0x0  }
0x14: {  	s2 =	sld [smem:$0x3F94];
	s0 =	simm.s32 @p1 $0x1  }
0x15: {  	[smem:$0x3FB1] =	sst s0;
	s0 =	simm.s32 @!p2 $0x0  }
0x16: {  	s3 =	sld [smem:$0x3FDB];
	s0 =	simm.s32 @p2 $0x1  }
0x17: {  	s4 =	simm.s32 $0x1BF5;
	[smem:$0x3FB3] =	sst s0  }
0x18: {  	s0 =	sld [smem:$0x3F96];
	_ =	swait.ge [sflag:s4], $0x0  }
0x19: {  	s7 =	sld [smem:$0x3F97]  }
0x1a: {  	s8 =	sadd.s32 $0xFFFFE003, lr  }
0x1b: {  	s9 =	sadd.s32 $0xFFFFFEF7, lr;
	s5 =	simm.s32 $0xFFFFFFFF;
	p2 =	slt.u32 s8, $0xFFFFF086  }
0x1c: {  	p1 =	slt.u32 s9, $0xF7A;
	s5 =	simm.s32 @!p2 $0x0  }
0x1d: {  	s5 =	simm.s32 @p1 $0x1;
	p0 =	seq.s32 s7, s2  }
0x1e: {  	s7 =	smul.u32 @!p0 $0xF7A, s2;
	p2 =	seq.s32 @!p0 s5, $0x0  }
0x1f: {  	s9 =	smul.u32 $0xF7A, s1;
	s8 =	simm.s32 @!p0 $0x1BF5;
	p2 =	por !p2, p0  }
0x20: {  	[sflag:s8] =	ssyncset.s32 @!p0 $0xFFFFF086;
	s6 =	sadd.s32 @!p0 s3, s7;
	s7 =	simm.s32 @!p0 $0x108  }
0x21: {  	s3 =	sadd.s32 s3, s9;
	s6 =	sadd.s32 @!p0 $0x88, s6;
	s7 =	simm.s32 @p2 $0x1082  }
0x22: {  	[simem:s7], [sflag:s8] =	dma.local @!p0 [hbm:s6], $0xF7A  }
0x23: {  	s9 =	sor.u32 $0xD0000000, s2;
	s6 =	simm.s32 $0x108;
	_ =	swait.ge @!p0 [sflag:s8], $0x0  }
0x24: {  	s3 =	sadd.s32 $0x88, s3;
	s6 =	simm.s32 @!p1 $0x1082;
	[sflag:s4] =	ssyncset.s32 $0xFFFFF086  }
0x25: {  	[simem:s6], [sflag:s4] =	dma.local [hbm:s3], $0xF7A  }
0x26: {  	[smem:$0x3F97] =	sst s1;
	(tag) =	ssettag s2;
	_ =	strace s9  }
0x27: {  	s1 =	sld [smem:$0x3FA7]  }
0x28: {  	s2 =	sld [smem:$0x3FA8]  }
0x29: {  	s4 =	sld [smem:$0x3FAA]  }
0x2a: {  	p0 =	seq.s32 s5, $0x0;
	s5 =	sld [smem:$0x3FAB]  }
0x2b: {  	s6 =	sld [smem:$0x3FAC]  }
0x2c: {  	s7 =	sld [smem:$0x3FAD]  }
0x2d: {  	s3 =	simm.s32 $0x108;
	s8 =	sld [smem:$0x3FAE]  }
0x2e: {  	s3 =	simm.s32 @!p0 $0x1082;
	s9 =	sld [smem:$0x3FAF]  }
0x2f: {  	lr =	sadd.s32 s0, s3;
	s0 =	sld [smem:$0x3FA6]  }
0x30: {  	s3 =	sld [smem:$0x3FA9]  }
0x31: {  	[smem:$0x3FB2] =	sst s10  }
0x32: {  	s10 =	sld [smem:$0x3FB0];
	_ =	sdelay $0x3  }
0x33: {  	p0 =	seq.s32 s10, $0x1;
	s10 =	sld [smem:$0x3FB2];
	_ =	sdelay $0x3  }
0x34: {  	[smem:$0x3FB2] =	sst s10  }
0x35: {  	s10 =	sld [smem:$0x3FB1];
	_ =	sdelay $0x3  }
0x36: {  	p1 =	seq.s32 s10, $0x1;
	s10 =	sld [smem:$0x3FB2];
	_ =	sdelay $0x3  }
0x37: {  	[smem:$0x3FB2] =	sst s10  }
0x38: {  	s10 =	sld [smem:$0x3FB3]  }
0x39: {  	_ = 	snop;
	(pc) =	sbr.ind lr, $3  }
0x3a: {  	_ = 	snop  }
0x3b: {  	_ = 	snop  }
0x3c: {  	p2 =	seq.s32 s10, $0x1;
	s10 =	sld [smem:$0x3FB2]  }
0x3d: {  	_ =	shalt  }
0x3e: {  	_ =	shalt  }
0x3f: {  	_ =	shalt  }
0x40: {  	_ =	shalt  }
0x41: {  	_ =	shalt  }
0x42: {  	_ =	shalt  }
0x43: {  	_ =	shalt  }
0x44: {  	_ =	shalt  }
0x45: {  	_ =	shalt  }
0x46: {  	_ =	shalt  }
0x47: {  	_ =	shalt  }
0x48: {  	_ =	shalt  }
0x49: {  	_ =	shalt  }
0x4a: {  	_ =	shalt  }
0x4b: {  	_ =	shalt  }
0x4c: {  	_ =	shalt  }
0x4d: {  	_ =	shalt  }
0x4e: {  	_ =	shalt  }
0x4f: {  	_ =	shalt  }
0x50: {  	_ =	shalt  }
0x51: {  	_ =	shalt  }
0x52: {  	_ =	shalt  }
0x53: {  	_ =	shalt  }
0x54: {  	_ =	shalt  }
0x55: {  	_ =	shalt  }
0x56: {  	_ =	shalt  }
0x57: {  	_ =	shalt  }
0x58: {  	_ =	shalt  }
0x59: {  	_ =	shalt  }
0x5a: {  	_ =	shalt  }
0x5b: {  	_ =	shalt  }
0x5c: {  	_ =	shalt  }
0x5d: {  	_ =	shalt  }
0x5e: {  	_ =	shalt  }
0x5f: {  	_ =	shalt  }
0x60: {  	_ =	shalt  }
0x61: {  	_ =	shalt  }
0x62: {  	_ =	shalt  }
0x63: {  	_ =	shalt  }
0x64: {  	_ =	shalt  }
0x65: {  	_ =	shalt  }
0x66: {  	_ =	shalt  }
0x67: {  	_ =	shalt  }
0x68: {  	_ =	shalt  }
0x69: {  	_ =	shalt  }
0x6a: {  	_ =	shalt  }
0x6b: {  	_ =	shalt  }
0x6c: {  	_ =	shalt  }
0x6d: {  	_ =	shalt  }
0x6e: {  	_ =	shalt  }
0x6f: {  	_ =	shalt  }
0x70: {  	_ =	shalt  }
0x71: {  	_ =	shalt  }
0x72: {  	_ =	shalt  }
0x73: {  	_ =	shalt  }
0x74: {  	_ =	shalt  }
0x75: {  	_ =	shalt  }
0x76: {  	_ =	shalt  }
0x77: {  	_ =	shalt  }
0x78: {  	_ =	shalt  }
0x79: {  	_ =	shalt  }
0x7a: {  	_ =	shalt  }
0x7b: {  	_ =	shalt  }
0x7c: {  	_ =	shalt  }
0x7d: {  	_ =	shalt  }
0x7e: {  	_ =	shalt  }
0x7f: {  	_ =	shalt  }
0x80: {  	_ =	shalt  }
0x81: {  	_ =	shalt  }
0x82: {  	_ =	shalt  }
0x83: {  	_ =	shalt  }
0x84: {  	_ =	shalt  }
0x85: {  	_ =	shalt  }
0x86: {  	_ =	shalt  }
0x87: {  	_ =	shalt  }
.Lfunc_end0:
.L_simem_size_0:
called_computation.1_lowered:
.L_overlay_start_0:
0x88: {  	s2 =	sld [smem:$0x3FD9]  }
0x89: {  	s3 =	sld [smem:$0x3FFE];
	_ =	sdelay $0x1  }
0x8a: {  	s1 =	srdreg.scid  }
0x8b: {  	s0 =	sand.u32 $0x1, s1  }
0x8c: {  	s17 =	sshll.u32 s0, $0xA;
	s2 =	sadd.s32 s3, s2  }
0x8d: {  	s2 =	sadd.s32 s2, s17  }
0x8e: {  	[smem:$0x3FBE] =	sst s2  }
0x8f: {  	_ = 	snop  }
0x90: {  	(tm) =	ssettm $0x1  }
0x91: {  	s18 =	sld [smem:$0x3FFB];
	_ =	sdelay $0x3  }
0x92: {  	_ =	strace s18  }
0x93: {  	s2 =	sld [smem:$0x3FFC];
	_ =	sdelay $0x3  }
0x94: {  	_ =	strace s2  }
0x95: {  	s2 =	sld [smem:$0x3FFD];
	_ =	sdelay $0x3  }
0x96: {  	_ =	strace s2  }
0x97: {  	_ =	strace $0x8FFFFFFF  }
0x98: {  	s19 =	sld [smem:$0x3FDB];
	_ =	sdelay $0x1  }
0x99: {  	s20 =	simm.s32 $_scs_section_size  }
0x9a: {  	s4 =	simm.s32 $_size__tile_overlayer_lowered;
	s5 =	simm.s32 $_tile_overlayer_lowered  }
0x9b: {  	s6 =	simm.s32 $0x1BFF;
	s21 =	sshll.u32 s5, $0x1;
	s3 =	sadd.s32 s20, s19  }
0x9c: {  	s22 =	simm.s32 $0x0;
	s4 =	sshll.u32 s4, $0x1;
	s5 =	sadd.s32 s21, s3  }
0x9d: {  	[timem:s22], [sflag:s6] =	dma.local [hbm:s5], s4  }
0x9e: {  	_ =	swait.ge [sflag:s6], s4  }
0x9f: {  	s4 =	ssub.s32 $0x0, s4;
	[sflag:s6] =	ssyncset.done $0x0  }
0xa0: {  	[sflag:s6] =	ssyncadd.s32 s4;
	_ =	sdelay $0x1  }
0xa1: {  	s23 =	simm.s32 $0x1B8B  }
0xa2: {  	_ =	swait.ge [sflag:s23], $0x1  }
0xa3: {  	[sflag:s23] =	ssyncset.done $0x0  }
0xa4: {  	[sflag:s23] =	ssyncadd.s32 $0xFFFFFFFF  }
0xa5: {  	s4 =	sld [smem:$0x0]  }
0xa6: {  	s5 =	sand.u32 $0xFFFFFFFE, s1  }
0xa7: {  	p0 =	sne.s32 s1, s5  }
0xa8: {  	s5 =	sshll.u32 @p0 s5, $0xE  }
0xa9: {  	s5 =	sadd.s32 @p0 $0x11B8D, s5;
	s6 =	sshll.u32 @p0 s4, $0x11  }
0xaa: {  	s5 =	sor.u32 @p0 s6, s5  }
0xab: {  	[sflag:s5] =	ssyncadd.remote.s32 @p0 $0x1;
	_ =	sdelay $0x1  }
0xac: {  	s5 =	simm.s32 @p0 $0x1B8D  }
0xad: {  	_ =	swait.eq @p0 [sflag:s5], $0x1  }
0xae: {  	[sflag:s5] =	ssyncadd.s32 @p0 $0xFFFFFFFF  }
0xaf: {  	s6 =	sshll.u32 @!p0 s1, $0xE  }
0xb0: {  	s6 =	sor.u32 @!p0 $0x4000, s6;
	s5 =	simm.s32 @!p0 $0x1B8D  }
0xb1: {  	s4 =	sshll.u32 @!p0 s4, $0x11;
	s6 =	sadd.s32 @!p0 $0x11B8D, s6;
	_ =	swait.eq @!p0 [sflag:s5], $0x1  }
0xb2: {  	s4 =	sor.u32 @!p0 s4, s6;
	[sflag:s5] =	ssyncadd.s32 @!p0 $0xFFFFFFFF  }
0xb3: {  	s25 =	simm.s32 $0x1B8E;
	s24 =	sld [smem:$0x3FFE];
	[sflag:s4] =	ssyncadd.remote.s32 @!p0 $0x1  }
0xb4: {  	s26 =	simm.s32 $execute0_lowered;
	[smem:$0x3FD2] =	sst s25  }
0xb5: {  	s5 =	sshll.u32 s26, $0x1;
	_ =	strace $0x8000004C;
	[dreg:$0x1] =	wrdreg $0xFFFFFFFF  }
0xb6: {  	s28 =	simm.s32 $_size_execute0_lowered;
	s3 =	sadd.s32 s3, s5;
	[dreg:$0x0] =	wrdreg $0x0  }
0xb7: {  	s5 =	sshll.u32 s28, $0x1;
	[dreg:$0x2] =	wrdreg s3  }
0xb8: {  	[dreg:$0x3] =	wrdreg s5  }
0xb9: {  	[dreg:$0x4] =	wrdreg $0xC0  }
0xba: {  	_ =	task [dreg:s22], $0x5FFFF  }
0xbb: {  	[dreg:$0x1] =	wrdreg $0xFFFFFFFF  }
0xbc: {  	[dreg:$0x0] =	wrdreg $0x60  }
0xbd: {  	[dreg:$0x2] =	wrdreg s24  }
0xbe: {  	[dreg:$0x3] =	wrdreg $0xB4000  }
0xbf: {  	[dreg:$0x4] =	wrdreg $0x9  }
0xc0: {  	_ =	task.clear_ibuf [dreg:s22], $0x5FFFF;
	_ =	strace $0x9000004C  }
0xc1: {  	s29 =	simm.s32 $0x9;
	_ =	strace $0x8000004E  }
0xc2: {  	_ =	swait.ge [sflag:s29], $0x1  }
0xc3: {  	[sflag:s29] =	ssyncadd.s32 $0xFFFFFFFF  }
0xc4: {  	_ =	strace $0x9000004E  }
0xc5: {  	_ =	sfence  }
0xc6: {  	s30 =	sld [smem:$0x0];
	_ =	sdelay $0x2  }
0xc7: {  	s31 =	sshll.u32 s1, $0xD;
	s1 =	sshrl.u32 s1, $0x2  }
0xc8: {  	s4 =	sand.u32 $0x4000, s31;
	s1 =	sadd.s32 s1, s30  }
0xc9: {  	s0 =	sor.u32 s4, s0;
	s1 =	sshll.u32 s1, $0x11  }
0xca: {  	s0 =	sor.u32 s1, s0  }
0xcb: {  	s0 =	sadd.s32 $0x8F2B, s0  }
0xcc: {  	[sflag:s0] =	ssyncadd.remote.s32 $0x1  }
0xcd: {  	_ =	sfence.sel $0xFFFF  }
0xce: {  	[dreg:$0x0] =	wrdreg $0xFFFFFFFF;
	(pc) =	sbr.abs _section_cstart, $3  }
0xcf: {  	[dreg:$0x1] =	wrdreg $0xFFFFFFFF  }
0xd0: {  	_ =	task.clear_ibuf [dreg:s22], $0x2FFFF;
	_ =	strace $0x9FFFFFFF  }
0xd1: {  	(tm) =	ssettm $0x7FFFFFFF  }
tec
execute0_lowered:
.L_overlay_start_1:
0x0: {  	(tag) =	ssettag $0x1  }
0x1: {  	s0 =	rddreg [dreg:$0x0]  }
0x2: {  	s1 =	rddreg [dreg:$0x1];
	s2 =	srdreg.scid  }
0x3: {  	s10 =	stileid.u32;
	s11 =	simm.s32 $0x1;
	s12 =	simm.s32 $0x80  }
0x4: {  	s13 =	simm.s32 $0x400;
	s14 =	simm.s32 $0xA00;
	s15 =	simm.s32 $0x140  }
0x5: {  	s16 =	simm.s32 $0x1400;
	s17 =	simm.s32 $0xB40;
	s18 =	simm.s32 $0x280  }
0x6: {  	s19 =	simm.s32 $0xC80;
	s20 =	simm.s32 $0x3C0;
	s21 =	simm.s32 $0xDC0  }
0x7: {  	s22 =	simm.s32 $0x500;
	s28 =	simm.s32 $0x780;
	s29 =	simm.s32 $0x1180  }
0x8: {  	s30 =	simm.s32 $0x8C0;
	s31 =	simm.s32 $0x12C0;
	s2 =	sand.u32 $0x1, s2  }
0x9: {  	s3 =	sshrl.u32 s10, $0x2;
	s4 =	sshll.u32 s10, $0x8;
	s7 =	smul.u32 $0x4F000, s10  }
0xa: {  	s8 =	sadd.s32 $0x40200, s0;
	s25 =	sshll.u32 s10, $0x6;
	s26 =	smul.u32 $0x2780, s10  }
0xb: {  	s5 =	smul.u32 $0x14000, s3;
	s4 =	sand.u32 $0x300, s4;
	s6 =	sshll.u32 s2, $0x7  }
0xc: {  	s3 =	simm.s32 $0x0;
	s23 =	smul.u32 $0x27800, s2;
	s2 =	ssub.s32 $0x2, s2  }
0xd: {  	s4 =	sor.u32 s6, s4;
	[smem:$0x7FF] =	sst s3;
	s24 =	sshrl.u32 s2, $0x1  }
0xe: {  	s7 =	sshrl.u32 s7, $0x2;
	s6 =	sor.u32 $0x1C01, s25;
	s25 =	simm.s32 $0x640  }
0xf: {  	s4 =	sor.u32 s5, s4;
	_ =	strace $0x8000004D;
	[dreg:$0x3] =	wrdreg s8  }
0x10: {  	s2 =	ssub.s32 s2, s24;
	s9 =	sadd.s32 s7, s1;
	[dreg:$0x5] =	wrdreg s6  }
0x11: {  	s5 =	sshrl.u32 s4, $0x3;
	s4 =	sadd.s32 $0x19000, s0;
	s2 =	smax.u32 s2, $0x1  }
0x12: {  	s9 =	sshrl.u32 s9, $0x3;
	s5 =	sadd.s32 s5, s0;
	s0 =	sadd.s32 s23, s0  }
0x13: {  	[dreg:$0x4] =	wrdreg s2;
	s23 =	simm.s32 $0xF00;
	s0 =	sadd.s32 $0x42A00, s0  }
0x14: {  	s2 =	simm.s32 $0x0;
	s7 =	sadd.s32 $0x5000, s5;
	s0 =	sadd.s32 s26, s0  }
0x15: {  	s8 =	sadd.s32 $0xF000, s5;
	s26 =	simm.s32 $0x1040;
	[dreg:$0x6] =	wrdreg s0  }
.LBB2_1:
0x16: {  	s0 =	rddreg [dreg:$0x3]  }
0x17: {  	[spmem:s9], [sflag:s6] =	dma.local [hbm:s0], $0x2780  }
0x18: {  	_ =	swait.ge [sflag:s11], $0x2780  }
0x19: {  	[sflag:s11] =	ssyncset.done $0x0  }
0x1a: {  	[sflag:s11] =	ssyncadd.s32 $0xFFFFD880  }
0x1b: {  	s10 =	smov.u32 s9;
	s9 =	sadd.s32 $0x0, s7;
	[bflag:$0x0] =	sbarrier.arrive $0xFFFF  }
0x1c: {  	[tilespmem:s3], [sflag:$0x1] =	stream.strided.gather [hbm4b:s9+s12], $0xA00, s13, s12, $0x38;
	[tilespmem:$0x1F000] =	vst v63  }
0x1d: {  	_ =	swait.ge [sflag:s11], $0xA00  }
0x1e: {  	[sflag:s11] =	ssyncset.done $0x0  }
0x1f: {  	s24 =	sadd.s32 $0x0, s8;
	[sflag:s11] =	ssyncadd.s32 $0xFFFFF600  }
0x20: {  	[tilespmem:s14], [sflag:$0x1] =	stream.strided.gather [hbm4b:s24+s12], $0xA00, s13, s12, $0x38;
	[tilespmem:$0x1F000] =	vst v63  }
0x21: {  	_ =	swait.ge [sflag:s11], $0xA00  }
0x22: {  	[sflag:s11] =	ssyncset.done $0x0  }
0x23: {  	[sflag:s11] =	ssyncadd.s32 $0xFFFFF600  }
0x24: {  	[tilespmem:s16], [sflag:$0x1] =	stream.indirect.gather [hbm4b:s4+s15], $0x80, s3, s15, $0xb8;
	[tilespmem:$0x1F000] =	vst v63  }
0x25: {  	_ =	swait.ge [sflag:s11], $0xA000  }
0x26: {  	[sflag:s11] =	ssyncset.done $0x0  }
0x27: {  	[sflag:s11] =	ssyncadd.s32 $0xFFFF6000  }
0x28: {  	[spmem:s1] =	stream.indirect.scatter.add.f32 [tilespmem:s16], [sflag:$0x1], $0x80, s14, s15, $0xb8;
	[tilespmem:$0x1F000] =	vst v63  }
0x29: {  	_ =	swait.ge [sflag:s11], $0xA000  }
0x2a: {  	[sflag:s11] =	ssyncset.done $0x0  }
0x2b: {  	[sflag:s11] =	ssyncadd.s32 $0xFFFF6000  }
0x2c: {  	[tilespmem:s16], [sflag:$0x1] =	stream.indirect.gather [hbm4b:s4+s15], $0x80, s15, s15, $0xb8;
	[tilespmem:$0x1F000] =	vst v63  }
0x2d: {  	_ =	swait.ge [sflag:s11], $0xA000  }
0x2e: {  	[sflag:s11] =	ssyncset.done $0x0  }
0x2f: {  	[sflag:s11] =	ssyncadd.s32 $0xFFFF6000  }
0x30: {  	[spmem:s1] =	stream.indirect.scatter.add.f32 [tilespmem:s16], [sflag:$0x1], $0x80, s17, s15, $0xb8;
	[tilespmem:$0x1F000] =	vst v63  }
0x31: {  	_ =	swait.ge [sflag:s11], $0xA000  }
0x32: {  	[sflag:s11] =	ssyncset.done $0x0  }
0x33: {  	[sflag:s11] =	ssyncadd.s32 $0xFFFF6000  }
0x34: {  	[tilespmem:s16], [sflag:$0x1] =	stream.indirect.gather [hbm4b:s4+s15], $0x80, s18, s15, $0xb8;
	[tilespmem:$0x1F000] =	vst v63  }
0x35: {  	_ =	swait.ge [sflag:s11], $0xA000  }
0x36: {  	[sflag:s11] =	ssyncset.done $0x0  }
0x37: {  	[sflag:s11] =	ssyncadd.s32 $0xFFFF6000  }
0x38: {  	[spmem:s1] =	stream.indirect.scatter.add.f32 [tilespmem:s16], [sflag:$0x1], $0x80, s19, s15, $0xb8;
	[tilespmem:$0x1F000] =	vst v63  }
0x39: {  	_ =	swait.ge [sflag:s11], $0xA000  }
0x3a: {  	[sflag:s11] =	ssyncset.done $0x0  }
0x3b: {  	[sflag:s11] =	ssyncadd.s32 $0xFFFF6000  }
0x3c: {  	[tilespmem:s16], [sflag:$0x1] =	stream.indirect.gather [hbm4b:s4+s15], $0x80, s20, s15, $0xb8;
	[tilespmem:$0x1F000] =	vst v63  }
0x3d: {  	_ =	swait.ge [sflag:s11], $0xA000  }
0x3e: {  	[sflag:s11] =	ssyncset.done $0x0  }
0x3f: {  	[sflag:s11] =	ssyncadd.s32 $0xFFFF6000  }
0x40: {  	[spmem:s1] =	stream.indirect.scatter.add.f32 [tilespmem:s16], [sflag:$0x1], $0x80, s21, s15, $0xb8;
	[tilespmem:$0x1F000] =	vst v63  }
0x41: {  	_ =	swait.ge [sflag:s11], $0xA000  }
0x42: {  	[sflag:s11] =	ssyncset.done $0x0  }
0x43: {  	[sflag:s11] =	ssyncadd.s32 $0xFFFF6000  }
0x44: {  	[tilespmem:s16], [sflag:$0x1] =	stream.indirect.gather [hbm4b:s4+s15], $0x80, s22, s15, $0xb8;
	[tilespmem:$0x1F000] =	vst v63  }
0x45: {  	_ =	swait.ge [sflag:s11], $0xA000  }
0x46: {  	[sflag:s11] =	ssyncset.done $0x0  }
0x47: {  	[sflag:s11] =	ssyncadd.s32 $0xFFFF6000  }
0x48: {  	[spmem:s1] =	stream.indirect.scatter.add.f32 [tilespmem:s16], [sflag:$0x1], $0x80, s23, s15, $0xb8;
	[tilespmem:$0x1F000] =	vst v63  }
0x49: {  	_ =	swait.ge [sflag:s11], $0xA000  }
0x4a: {  	[sflag:s11] =	ssyncset.done $0x0  }
0x4b: {  	[sflag:s11] =	ssyncadd.s32 $0xFFFF6000  }
0x4c: {  	[tilespmem:s16], [sflag:$0x1] =	stream.indirect.gather [hbm4b:s4+s15], $0x80, s25, s15, $0xb8;
	[tilespmem:$0x1F000] =	vst v63  }
0x4d: {  	_ =	swait.ge [sflag:s11], $0xA000  }
0x4e: {  	[sflag:s11] =	ssyncset.done $0x0  }
0x4f: {  	[sflag:s11] =	ssyncadd.s32 $0xFFFF6000  }
0x50: {  	[spmem:s1] =	stream.indirect.scatter.add.f32 [tilespmem:s16], [sflag:$0x1], $0x80, s26, s15, $0xb8;
	[tilespmem:$0x1F000] =	vst v63  }
0x51: {  	_ =	swait.ge [sflag:s11], $0xA000  }
0x52: {  	[sflag:s11] =	ssyncset.done $0x0  }
0x53: {  	[sflag:s11] =	ssyncadd.s32 $0xFFFF6000  }
0x54: {  	[tilespmem:s16], [sflag:$0x1] =	stream.indirect.gather [hbm4b:s4+s15], $0x80, s28, s15, $0xb8;
	[tilespmem:$0x1F000] =	vst v63  }
0x55: {  	_ =	swait.ge [sflag:s11], $0xA000  }
0x56: {  	[sflag:s11] =	ssyncset.done $0x0  }
0x57: {  	[sflag:s11] =	ssyncadd.s32 $0xFFFF6000  }
0x58: {  	[spmem:s1] =	stream.indirect.scatter.add.f32 [tilespmem:s16], [sflag:$0x1], $0x80, s29, s15, $0xb8;
	[tilespmem:$0x1F000] =	vst v63  }
0x59: {  	_ =	swait.ge [sflag:s11], $0xA000  }
0x5a: {  	[sflag:s11] =	ssyncset.done $0x0  }
0x5b: {  	[sflag:s11] =	ssyncadd.s32 $0xFFFF6000  }
0x5c: {  	[tilespmem:s16], [sflag:$0x1] =	stream.indirect.gather [hbm4b:s4+s15], $0x80, s30, s15, $0xb8;
	[tilespmem:$0x1F000] =	vst v63  }
0x5d: {  	_ =	swait.ge [sflag:s11], $0xA000  }
0x5e: {  	[sflag:s11] =	ssyncset.done $0x0  }
0x5f: {  	[sflag:s11] =	ssyncadd.s32 $0xFFFF6000  }
0x60: {  	[spmem:s1] =	stream.indirect.scatter.add.f32 [tilespmem:s16], [sflag:$0x1], $0x80, s31, s15, $0xb8;
	[tilespmem:$0x1F000] =	vst v63  }
0x61: {  	_ =	swait.ge [sflag:s11], $0xA000  }
0x62: {  	s5 =	simm.s32 $0x1400;
	s0 =	simm.s32 $0xA00;
	[sflag:s11] =	ssyncset.done $0x0  }
.LBB2_2:
0x63: {  	s24 =	sadd.s32 s0, s7  }
0x64: {  	[sflag:s11] =	ssyncadd.s32 $0xFFFF6000;
	s6 =	smov.u32 s5;
	s9 =	sadd.s32 $0xA00, s5  }
0x65: {  	[tilespmem:s3], [sflag:$0x1] =	stream.strided.gather [hbm4b:s24+s12], $0xA00, s13, s12, $0x38;
	[tilespmem:$0x1F000] =	vst v63  }
0x66: {  	p0 =	sne.s32 s5, $0x1E00;
	_ =	swait.ge [sflag:s11], $0xA00  }
0x67: {  	[sflag:s11] =	ssyncset.done $0x0  }
0x68: {  	s5 =	sadd.s32 s0, s8;
	s0 =	smov.u32 s6;
	[sflag:s11] =	ssyncadd.s32 $0xFFFFF600  }
0x69: {  	[tilespmem:s14], [sflag:$0x1] =	stream.strided.gather [hbm4b:s5+s12], $0xA00, s13, s12, $0x38;
	[tilespmem:$0x1F000] =	vst v63  }
0x6a: {  	_ =	swait.ge [sflag:s11], $0xA00  }
0x6b: {  	[sflag:s11] =	ssyncset.done $0x0  }
0x6c: {  	[sflag:s11] =	ssyncadd.s32 $0xFFFFF600  }
0x6d: {  	[tilespmem:s16], [sflag:$0x1] =	stream.indirect.gather [hbm4b:s4+s15], $0x80, s3, s15, $0xb8;
	[tilespmem:$0x1F000] =	vst v63  }
0x6e: {  	_ =	swait.ge [sflag:s11], $0xA000  }
0x6f: {  	[sflag:s11] =	ssyncset.done $0x0  }
0x70: {  	[sflag:s11] =	ssyncadd.s32 $0xFFFF6000  }
0x71: {  	[spmem:s1] =	stream.indirect.scatter.add.f32 [tilespmem:s16], [sflag:$0x1], $0x80, s14, s15, $0xb8;
	[tilespmem:$0x1F000] =	vst v63  }
0x72: {  	_ =	swait.ge [sflag:s11], $0xA000  }
0x73: {  	[sflag:s11] =	ssyncset.done $0x0  }
0x74: {  	[sflag:s11] =	ssyncadd.s32 $0xFFFF6000  }
0x75: {  	[tilespmem:s16], [sflag:$0x1] =	stream.indirect.gather [hbm4b:s4+s15], $0x80, s15, s15, $0xb8;
	[tilespmem:$0x1F000] =	vst v63  }
0x76: {  	_ =	swait.ge [sflag:s11], $0xA000  }
0x77: {  	[sflag:s11] =	ssyncset.done $0x0  }
0x78: {  	[sflag:s11] =	ssyncadd.s32 $0xFFFF6000  }
0x79: {  	[spmem:s1] =	stream.indirect.scatter.add.f32 [tilespmem:s16], [sflag:$0x1], $0x80, s17, s15, $0xb8;
	[tilespmem:$0x1F000] =	vst v63  }
0x7a: {  	_ =	swait.ge [sflag:s11], $0xA000  }
0x7b: {  	[sflag:s11] =	ssyncset.done $0x0  }
0x7c: {  	[sflag:s11] =	ssyncadd.s32 $0xFFFF6000  }
0x7d: {  	[tilespmem:s16], [sflag:$0x1] =	stream.indirect.gather [hbm4b:s4+s15], $0x80, s18, s15, $0xb8;
	[tilespmem:$0x1F000] =	vst v63  }
0x7e: {  	_ =	swait.ge [sflag:s11], $0xA000  }
0x7f: {  	[sflag:s11] =	ssyncset.done $0x0  }
0x80: {  	[sflag:s11] =	ssyncadd.s32 $0xFFFF6000  }
0x81: {  	[spmem:s1] =	stream.indirect.scatter.add.f32 [tilespmem:s16], [sflag:$0x1], $0x80, s19, s15, $0xb8;
	[tilespmem:$0x1F000] =	vst v63  }
0x82: {  	_ =	swait.ge [sflag:s11], $0xA000  }
0x83: {  	[sflag:s11] =	ssyncset.done $0x0  }
0x84: {  	[sflag:s11] =	ssyncadd.s32 $0xFFFF6000  }
0x85: {  	[tilespmem:s16], [sflag:$0x1] =	stream.indirect.gather [hbm4b:s4+s15], $0x80, s20, s15, $0xb8;
	[tilespmem:$0x1F000] =	vst v63  }
0x86: {  	_ =	swait.ge [sflag:s11], $0xA000  }
0x87: {  	[sflag:s11] =	ssyncset.done $0x0  }
0x88: {  	[sflag:s11] =	ssyncadd.s32 $0xFFFF6000  }
0x89: {  	[spmem:s1] =	stream.indirect.scatter.add.f32 [tilespmem:s16], [sflag:$0x1], $0x80, s21, s15, $0xb8;
	[tilespmem:$0x1F000] =	vst v63  }
0x8a: {  	_ =	swait.ge [sflag:s11], $0xA000  }
0x8b: {  	[sflag:s11] =	ssyncset.done $0x0  }
0x8c: {  	[sflag:s11] =	ssyncadd.s32 $0xFFFF6000  }
0x8d: {  	[tilespmem:s16], [sflag:$0x1] =	stream.indirect.gather [hbm4b:s4+s15], $0x80, s22, s15, $0xb8;
	[tilespmem:$0x1F000] =	vst v63  }
0x8e: {  	_ =	swait.ge [sflag:s11], $0xA000  }
0x8f: {  	[sflag:s11] =	ssyncset.done $0x0  }
0x90: {  	[sflag:s11] =	ssyncadd.s32 $0xFFFF6000  }
0x91: {  	[spmem:s1] =	stream.indirect.scatter.add.f32 [tilespmem:s16], [sflag:$0x1], $0x80, s23, s15, $0xb8;
	[tilespmem:$0x1F000] =	vst v63  }
0x92: {  	_ =	swait.ge [sflag:s11], $0xA000  }
0x93: {  	[sflag:s11] =	ssyncset.done $0x0  }
0x94: {  	[sflag:s11] =	ssyncadd.s32 $0xFFFF6000  }
0x95: {  	[tilespmem:s16], [sflag:$0x1] =	stream.indirect.gather [hbm4b:s4+s15], $0x80, s25, s15, $0xb8;
	[tilespmem:$0x1F000] =	vst v63  }
0x96: {  	_ =	swait.ge [sflag:s11], $0xA000  }
0x97: {  	[sflag:s11] =	ssyncset.done $0x0  }
0x98: {  	[sflag:s11] =	ssyncadd.s32 $0xFFFF6000  }
0x99: {  	[spmem:s1] =	stream.indirect.scatter.add.f32 [tilespmem:s16], [sflag:$0x1], $0x80, s26, s15, $0xb8;
	[tilespmem:$0x1F000] =	vst v63  }
0x9a: {  	_ =	swait.ge [sflag:s11], $0xA000  }
0x9b: {  	[sflag:s11] =	ssyncset.done $0x0  }
0x9c: {  	[sflag:s11] =	ssyncadd.s32 $0xFFFF6000  }
0x9d: {  	[tilespmem:s16], [sflag:$0x1] =	stream.indirect.gather [hbm4b:s4+s15], $0x80, s28, s15, $0xb8;
	[tilespmem:$0x1F000] =	vst v63  }
0x9e: {  	_ =	swait.ge [sflag:s11], $0xA000  }
0x9f: {  	[sflag:s11] =	ssyncset.done $0x0  }
0xa0: {  	[sflag:s11] =	ssyncadd.s32 $0xFFFF6000  }
0xa1: {  	[spmem:s1] =	stream.indirect.scatter.add.f32 [tilespmem:s16], [sflag:$0x1], $0x80, s29, s15, $0xb8;
	[tilespmem:$0x1F000] =	vst v63  }
0xa2: {  	_ =	swait.ge [sflag:s11], $0xA000  }
0xa3: {  	[sflag:s11] =	ssyncset.done $0x0  }
0xa4: {  	[sflag:s11] =	ssyncadd.s32 $0xFFFF6000  }
0xa5: {  	[tilespmem:s16], [sflag:$0x1] =	stream.indirect.gather [hbm4b:s4+s15], $0x80, s30, s15, $0xb8;
	[tilespmem:$0x1F000] =	vst v63  }
0xa6: {  	_ =	swait.ge [sflag:s11], $0xA000  }
.Ltmp0:
0xa7: {  	[sflag:s11] =	ssyncset.done $0x0;
	(pc) =	sbr.rel @p0 .LBB2_2-.Ltmp0, $4  }
0xa8: {  	[sflag:s11] =	ssyncadd.s32 $0xFFFF6000  }
0xa9: {  	[spmem:s1] =	stream.indirect.scatter.add.f32 [tilespmem:s16], [sflag:$0x1], $0x80, s31, s15, $0xb8;
	[tilespmem:$0x1F000] =	vst v63  }
0xaa: {  	_ =	swait.ge [sflag:s11], $0xA000  }
0xab: {  	s5 =	smov.u32 s9;
	[sflag:s11] =	ssyncset.done $0x0  }
0xac: {  	s5 =	sadd.s32 s0, s7;
	[sflag:s11] =	ssyncadd.s32 $0xFFFF6000  }
0xad: {  	[tilespmem:s3], [sflag:$0x1] =	stream.strided.gather [hbm4b:s5+s12], $0xA00, s13, s12, $0x38;
	[tilespmem:$0x1F000] =	vst v63  }
0xae: {  	_ =	swait.ge [sflag:s11], $0xA00  }
0xaf: {  	[sflag:s11] =	ssyncset.done $0x0  }
0xb0: {  	s24 =	sadd.s32 s0, s8;
	[sflag:s11] =	ssyncadd.s32 $0xFFFFF600  }
0xb1: {  	[tilespmem:s14], [sflag:$0x1] =	stream.strided.gather [hbm4b:s24+s12], $0xA00, s13, s12, $0x38;
	[tilespmem:$0x1F000] =	vst v63  }
0xb2: {  	_ =	swait.ge [sflag:s11], $0xA00  }
0xb3: {  	[sflag:s11] =	ssyncset.done $0x0  }
0xb4: {  	[sflag:s11] =	ssyncadd.s32 $0xFFFFF600  }
0xb5: {  	[tilespmem:s16], [sflag:$0x1] =	stream.indirect.gather [hbm4b:s4+s15], $0x80, s3, s15, $0xb8;
	[tilespmem:$0x1F000] =	vst v63  }
0xb6: {  	_ =	swait.ge [sflag:s11], $0xA000  }
0xb7: {  	[sflag:s11] =	ssyncset.done $0x0  }
0xb8: {  	[sflag:s11] =	ssyncadd.s32 $0xFFFF6000  }
0xb9: {  	[spmem:s1] =	stream.indirect.scatter.add.f32 [tilespmem:s16], [sflag:$0x1], $0x80, s14, s15, $0xb8;
	[tilespmem:$0x1F000] =	vst v63  }
0xba: {  	_ =	swait.ge [sflag:s11], $0xA000  }
0xbb: {  	[sflag:s11] =	ssyncset.done $0x0  }
0xbc: {  	[sflag:s11] =	ssyncadd.s32 $0xFFFF6000  }
0xbd: {  	[tilespmem:s16], [sflag:$0x1] =	stream.indirect.gather [hbm4b:s4+s15], $0x80, s15, s15, $0xb8;
	[tilespmem:$0x1F000] =	vst v63  }
0xbe: {  	_ =	swait.ge [sflag:s11], $0xA000  }
0xbf: {  	[sflag:s11] =	ssyncset.done $0x0  }
0xc0: {  	[sflag:s11] =	ssyncadd.s32 $0xFFFF6000  }
0xc1: {  	[spmem:s1] =	stream.indirect.scatter.add.f32 [tilespmem:s16], [sflag:$0x1], $0x80, s17, s15, $0xb8;
	[tilespmem:$0x1F000] =	vst v63  }
0xc2: {  	_ =	swait.ge [sflag:s11], $0xA000  }
0xc3: {  	[sflag:s11] =	ssyncset.done $0x0  }
0xc4: {  	[sflag:s11] =	ssyncadd.s32 $0xFFFF6000  }
0xc5: {  	[tilespmem:s16], [sflag:$0x1] =	stream.indirect.gather [hbm4b:s4+s15], $0x80, s18, s15, $0xb8;
	[tilespmem:$0x1F000] =	vst v63  }
0xc6: {  	_ =	swait.ge [sflag:s11], $0xA000  }
0xc7: {  	[sflag:s11] =	ssyncset.done $0x0  }
0xc8: {  	[sflag:s11] =	ssyncadd.s32 $0xFFFF6000  }
0xc9: {  	[spmem:s1] =	stream.indirect.scatter.add.f32 [tilespmem:s16], [sflag:$0x1], $0x80, s19, s15, $0xb8;
	[tilespmem:$0x1F000] =	vst v63  }
0xca: {  	_ =	swait.ge [sflag:s11], $0xA000  }
0xcb: {  	[sflag:s11] =	ssyncset.done $0x0  }
0xcc: {  	[sflag:s11] =	ssyncadd.s32 $0xFFFF6000  }
0xcd: {  	[tilespmem:s16], [sflag:$0x1] =	stream.indirect.gather [hbm4b:s4+s15], $0x80, s20, s15, $0xb8;
	[tilespmem:$0x1F000] =	vst v63  }
0xce: {  	_ =	swait.ge [sflag:s11], $0xA000  }
0xcf: {  	[sflag:s11] =	ssyncset.done $0x0  }
0xd0: {  	[sflag:s11] =	ssyncadd.s32 $0xFFFF6000  }
0xd1: {  	[spmem:s1] =	stream.indirect.scatter.add.f32 [tilespmem:s16], [sflag:$0x1], $0x80, s21, s15, $0xb8;
	[tilespmem:$0x1F000] =	vst v63  }
0xd2: {  	_ =	swait.ge [sflag:s11], $0xA000  }
0xd3: {  	[sflag:s11] =	ssyncset.done $0x0  }
0xd4: {  	[sflag:s11] =	ssyncadd.s32 $0xFFFF6000  }
0xd5: {  	[tilespmem:s16], [sflag:$0x1] =	stream.indirect.gather [hbm4b:s4+s15], $0x80, s22, s15, $0xb8;
	[tilespmem:$0x1F000] =	vst v63  }
0xd6: {  	_ =	swait.ge [sflag:s11], $0xA000  }
0xd7: {  	[sflag:s11] =	ssyncset.done $0x0  }
0xd8: {  	[sflag:s11] =	ssyncadd.s32 $0xFFFF6000  }
0xd9: {  	[spmem:s1] =	stream.indirect.scatter.add.f32 [tilespmem:s16], [sflag:$0x1], $0x80, s23, s15, $0xb8;
	[tilespmem:$0x1F000] =	vst v63  }
0xda: {  	_ =	swait.ge [sflag:s11], $0xA000  }
0xdb: {  	[sflag:s11] =	ssyncset.done $0x0  }
0xdc: {  	[sflag:s11] =	ssyncadd.s32 $0xFFFF6000  }
0xdd: {  	[tilespmem:s16], [sflag:$0x1] =	stream.indirect.gather [hbm4b:s4+s15], $0x80, s25, s15, $0xb8;
	[tilespmem:$0x1F000] =	vst v63  }
0xde: {  	_ =	swait.ge [sflag:s11], $0xA000  }
0xdf: {  	[sflag:s11] =	ssyncset.done $0x0  }
0xe0: {  	[sflag:s11] =	ssyncadd.s32 $0xFFFF6000  }
0xe1: {  	[spmem:s1] =	stream.indirect.scatter.add.f32 [tilespmem:s16], [sflag:$0x1], $0x80, s26, s15, $0xb8;
	[tilespmem:$0x1F000] =	vst v63  }
0xe2: {  	_ =	swait.ge [sflag:s11], $0xA000  }
0xe3: {  	[sflag:s11] =	ssyncset.done $0x0  }
0xe4: {  	[sflag:s11] =	ssyncadd.s32 $0xFFFF6000  }
0xe5: {  	[tilespmem:s16], [sflag:$0x1] =	stream.indirect.gather [hbm4b:s4+s15], $0x80, s28, s15, $0xb8;
	[tilespmem:$0x1F000] =	vst v63  }
0xe6: {  	_ =	swait.ge [sflag:s11], $0xA000  }
0xe7: {  	[sflag:s11] =	ssyncset.done $0x0  }
0xe8: {  	[sflag:s11] =	ssyncadd.s32 $0xFFFF6000  }
0xe9: {  	[spmem:s1] =	stream.indirect.scatter.add.f32 [tilespmem:s16], [sflag:$0x1], $0x80, s29, s15, $0xb8;
	[tilespmem:$0x1F000] =	vst v63  }
0xea: {  	_ =	swait.ge [sflag:s11], $0xA000  }
0xeb: {  	[sflag:s11] =	ssyncset.done $0x0  }
0xec: {  	[sflag:s11] =	ssyncadd.s32 $0xFFFF6000  }
0xed: {  	[tilespmem:s16], [sflag:$0x1] =	stream.indirect.gather [hbm4b:s4+s15], $0x80, s30, s15, $0xb8;
	[tilespmem:$0x1F000] =	vst v63  }
0xee: {  	_ =	swait.ge [sflag:s11], $0xA000  }
0xef: {  	[sflag:s11] =	ssyncset.done $0x0  }
0xf0: {  	[sflag:s11] =	ssyncadd.s32 $0xFFFF6000  }
0xf1: {  	[spmem:s1] =	stream.indirect.scatter.add.f32 [tilespmem:s16], [sflag:$0x1], $0x80, s31, s15, $0xb8;
	[tilespmem:$0x1F000] =	vst v63  }
0xf2: {  	_ =	swait.ge [sflag:s11], $0xA000  }
0xf3: {  	[sflag:s11] =	ssyncset.done $0x0  }
0xf4: {  	[sflag:s11] =	ssyncadd.s32 $0xFFFF6000  }
0xf5: {  	[bflag:$0x0] =	sbarrier.arrive $0xFFFF  }
0xf6: {  	s6 =	rddreg [dreg:$0x5]  }
0xf7: {  	s5 =	rddreg [dreg:$0x6]  }
0xf8: {  	[hbm:s5], [sflag:s6] =	dma.local [spmem:s10], $0x2780  }
0xf9: {  	_ =	swait.ge [sflag:s11], $0x2780  }
0xfa: {  	s2 =	sadd.s32 $0x1, s2;
	s24 =	rddreg [dreg:$0x4]  }
0xfb: {  	p0 =	sne.s32 s2, s24  }
.Ltmp1:
0xfc: {  	_ = 	snop;
	(pc) =	sbr.rel @p0 .LBB2_1-.Ltmp1, $3  }
0xfd: {  	_ =	sdelay $0x1  }
0xfe: {  	[sflag:s11] =	ssyncset.done $0x0  }
0xff: {  	s9 =	smov.u32 s10;
	[sflag:s11] =	ssyncadd.s32 $0xFFFFD880  }
0x100: {  	_ =	sfence.sel $0x180000  }
0x101: {  	[bflag:$0x0] =	sbarrier.arrive $0xFFFF  }
0x102: {  	_ =	strace $0x9000004D  }
0x103: {  	s0 =	stileid.u32;
	[bflag:$0x2] =	sbarrier.arrive $0xFFFF  }
0x104: {  	p0 =	sne.s32 s0, $0x0;
	s0 =	rddreg [dreg:$0x2]  }
0x105: {  	s0 =	sadd.s32 @!p0 $0x100000, s0  }
0x106: {  	[sflag:s0] =	ssyncadd.tile.s32 @!p0 $0x1;
	_ =	shalt  }
.Lfunc_end2:
_tile_overlayer_lowered:
.L_overlay_start_2:
0x107: {  	(tag) =	ssettag $0x2  }
0x108: {  	s0 =	rddreg [dreg:$0x0];
	s2 =	stileid.u32  }
0x109: {  	s1 =	rddreg [dreg:$0x1];
	p0 =	sne.s32 s2, $0x0  }
0x10a: {  	s3 =	rddreg [dreg:$0x2];
	[bflag:$0x3] =	sbarrier.arrive $0xFFFF;
	s2 =	simm.s32 @!p0 $0x1C01  }
0x10b: {  	[timem:s3], [sflag:s2] =	dma.local @!p0 [hbm:s0], s1  }
0x10c: {  	s0 =	simm.s32 @!p0 $0x1  }
0x10d: {  	_ =	swait.ge @!p0 [sflag:s0], s1  }
0x10e: {  	s1 =	ssub.s32 @!p0 $0x0, s1;
	[sflag:s0] =	ssyncset.done @!p0 $0x0  }
0x10f: {  	[sflag:s0] =	ssyncadd.s32 @!p0 s1  }
0x110: {  	[bflag:$0x3] =	sbarrier.arrive $0xFFFF  }
0x111: {  	_ =	shalt  }

// kernel: kernel.27.cloned.1.call-start
scs
__scs_entry_jumppad:
0x0: {  	(pc) =	sbr.rel $0x88, $3  }
0x1: {  	(tag) =	ssettag $0x0;
	lr =	simm.s32 $0x1  }
0x2: {  	[smem:$0x3F97] =	sst lr;
	_ =	strace $0xD0000000  }
0x3: {  	_ = 	snop  }
0x4: {  	_ = 	snop  }
0x5: {  	_ = 	snop  }
0x6: {  	_ = 	snop  }
0x7: {  	_ = 	snop  }
__scs_overlays_trampoline_lowered:
0x8: {  	[smem:$0x3FA6] =	sst s0  }
0x9: {  	[smem:$0x3FA7] =	sst s1  }
0xa: {  	[smem:$0x3FA8] =	sst s2  }
0xb: {  	[smem:$0x3FA9] =	sst s3  }
0xc: {  	[smem:$0x3FAA] =	sst s4  }
0xd: {  	[smem:$0x3FAB] =	sst s5  }
0xe: {  	[smem:$0x3FAC] =	sst s6  }
0xf: {  	[smem:$0x3FAD] =	sst s7  }
0x10: {  	[smem:$0x3FAE] =	sst s8  }
0x11: {  	[smem:$0x3FAF] =	sst s9;
	s0 =	simm.s32 @!p0 $0x0  }
0x12: {  	s1 =	sld [smem:$0x3F95];
	s0 =	simm.s32 @p0 $0x1  }
0x13: {  	[smem:$0x3FB0] =	sst s0;
	s0 =	simm.s32 @!p1 $0x0  }
0x14: {  	s2 =	sld [smem:$0x3F94];
	s0 =	simm.s32 @p1 $0x1  }
0x15: {  	[smem:$0x3FB1] =	sst s0;
	s0 =	simm.s32 @!p2 $0x0  }
0x16: {  	s3 =	sld [smem:$0x3FDB];
	s0 =	simm.s32 @p2 $0x1  }
0x17: {  	s4 =	simm.s32 $0x1BF5;
	[smem:$0x3FB3] =	sst s0  }
0x18: {  	s0 =	sld [smem:$0x3F96];
	_ =	swait.ge [sflag:s4], $0x0  }
0x19: {  	s7 =	sld [smem:$0x3F97]  }
0x1a: {  	s8 =	sadd.s32 $0xFFFFE003, lr  }
0x1b: {  	s9 =	sadd.s32 $0xFFFFFEF7, lr;
	s5 =	simm.s32 $0xFFFFFFFF;
	p2 =	slt.u32 s8, $0xFFFFF086  }
0x1c: {  	p1 =	slt.u32 s9, $0xF7A;
	s5 =	simm.s32 @!p2 $0x0  }
0x1d: {  	s5 =	simm.s32 @p1 $0x1;
	p0 =	seq.s32 s7, s2  }
0x1e: {  	s7 =	smul.u32 @!p0 $0xF7A, s2;
	p2 =	seq.s32 @!p0 s5, $0x0  }
0x1f: {  	s9 =	smul.u32 $0xF7A, s1;
	s8 =	simm.s32 @!p0 $0x1BF5;
	p2 =	por !p2, p0  }
0x20: {  	[sflag:s8] =	ssyncset.s32 @!p0 $0xFFFFF086;
	s6 =	sadd.s32 @!p0 s3, s7;
	s7 =	simm.s32 @!p0 $0x108  }
0x21: {  	s3 =	sadd.s32 s3, s9;
	s6 =	sadd.s32 @!p0 $0x88, s6;
	s7 =	simm.s32 @p2 $0x1082  }
0x22: {  	[simem:s7], [sflag:s8] =	dma.local @!p0 [hbm:s6], $0xF7A  }
0x23: {  	s9 =	sor.u32 $0xD0000000, s2;
	s6 =	simm.s32 $0x108;
	_ =	swait.ge @!p0 [sflag:s8], $0x0  }
0x24: {  	s3 =	sadd.s32 $0x88, s3;
	s6 =	simm.s32 @!p1 $0x1082;
	[sflag:s4] =	ssyncset.s32 $0xFFFFF086  }
0x25: {  	[simem:s6], [sflag:s4] =	dma.local [hbm:s3], $0xF7A  }
0x26: {  	[smem:$0x3F97] =	sst s1;
	(tag) =	ssettag s2;
	_ =	strace s9  }
0x27: {  	s1 =	sld [smem:$0x3FA7]  }
0x28: {  	s2 =	sld [smem:$0x3FA8]  }
0x29: {  	s4 =	sld [smem:$0x3FAA]  }
0x2a: {  	p0 =	seq.s32 s5, $0x0;
	s5 =	sld [smem:$0x3FAB]  }
0x2b: {  	s6 =	sld [smem:$0x3FAC]  }
0x2c: {  	s7 =	sld [smem:$0x3FAD]  }
0x2d: {  	s3 =	simm.s32 $0x108;
	s8 =	sld [smem:$0x3FAE]  }
0x2e: {  	s3 =	simm.s32 @!p0 $0x1082;
	s9 =	sld [smem:$0x3FAF]  }
0x2f: {  	lr =	sadd.s32 s0, s3;
	s0 =	sld [smem:$0x3FA6]  }
0x30: {  	s3 =	sld [smem:$0x3FA9]  }
0x31: {  	[smem:$0x3FB2] =	sst s10  }
0x32: {  	s10 =	sld [smem:$0x3FB0];
	_ =	sdelay $0x3  }
0x33: {  	p0 =	seq.s32 s10, $0x1;
	s10 =	sld [smem:$0x3FB2];
	_ =	sdelay $0x3  }
0x34: {  	[smem:$0x3FB2] =	sst s10  }
0x35: {  	s10 =	sld [smem:$0x3FB1];
	_ =	sdelay $0x3  }
0x36: {  	p1 =	seq.s32 s10, $0x1;
	s10 =	sld [smem:$0x3FB2];
	_ =	sdelay $0x3  }
0x37: {  	[smem:$0x3FB2] =	sst s10  }
0x38: {  	s10 =	sld [smem:$0x3FB3]  }
0x39: {  	_ = 	snop;
	(pc) =	sbr.ind lr, $3  }
0x3a: {  	_ = 	snop  }
0x3b: {  	_ = 	snop  }
0x3c: {  	p2 =	seq.s32 s10, $0x1;
	s10 =	sld [smem:$0x3FB2]  }
0x3d: {  	_ =	shalt  }
0x3e: {  	_ =	shalt  }
0x3f: {  	_ =	shalt  }
0x40: {  	_ =	shalt  }
0x41: {  	_ =	shalt  }
0x42: {  	_ =	shalt  }
0x43: {  	_ =	shalt  }
0x44: {  	_ =	shalt  }
0x45: {  	_ =	shalt  }
0x46: {  	_ =	shalt  }
0x47: {  	_ =	shalt  }
0x48: {  	_ =	shalt  }
0x49: {  	_ =	shalt  }
0x4a: {  	_ =	shalt  }
0x4b: {  	_ =	shalt  }
0x4c: {  	_ =	shalt  }
0x4d: {  	_ =	shalt  }
0x4e: {  	_ =	shalt  }
0x4f: {  	_ =	shalt  }
0x50: {  	_ =	shalt  }
0x51: {  	_ =	shalt  }
0x52: {  	_ =	shalt  }
0x53: {  	_ =	shalt  }
0x54: {  	_ =	shalt  }
0x55: {  	_ =	shalt  }
0x56: {  	_ =	shalt  }
0x57: {  	_ =	shalt  }
0x58: {  	_ =	shalt  }
0x59: {  	_ =	shalt  }
0x5a: {  	_ =	shalt  }
0x5b: {  	_ =	shalt  }
0x5c: {  	_ =	shalt  }
0x5d: {  	_ =	shalt  }
0x5e: {  	_ =	shalt  }
0x5f: {  	_ =	shalt  }
0x60: {  	_ =	shalt  }
0x61: {  	_ =	shalt  }
0x62: {  	_ =	shalt  }
0x63: {  	_ =	shalt  }
0x64: {  	_ =	shalt  }
0x65: {  	_ =	shalt  }
0x66: {  	_ =	shalt  }
0x67: {  	_ =	shalt  }
0x68: {  	_ =	shalt  }
0x69: {  	_ =	shalt  }
0x6a: {  	_ =	shalt  }
0x6b: {  	_ =	shalt  }
0x6c: {  	_ =	shalt  }
0x6d: {  	_ =	shalt  }
0x6e: {  	_ =	shalt  }
0x6f: {  	_ =	shalt  }
0x70: {  	_ =	shalt  }
0x71: {  	_ =	shalt  }
0x72: {  	_ =	shalt  }
0x73: {  	_ =	shalt  }
0x74: {  	_ =	shalt  }
0x75: {  	_ =	shalt  }
0x76: {  	_ =	shalt  }
0x77: {  	_ =	shalt  }
0x78: {  	_ =	shalt  }
0x79: {  	_ =	shalt  }
0x7a: {  	_ =	shalt  }
0x7b: {  	_ =	shalt  }
0x7c: {  	_ =	shalt  }
0x7d: {  	_ =	shalt  }
0x7e: {  	_ =	shalt  }
0x7f: {  	_ =	shalt  }
0x80: {  	_ =	shalt  }
0x81: {  	_ =	shalt  }
0x82: {  	_ =	shalt  }
0x83: {  	_ =	shalt  }
0x84: {  	_ =	shalt  }
0x85: {  	_ =	shalt  }
0x86: {  	_ =	shalt  }
0x87: {  	_ =	shalt  }
.Lfunc_end0:
.L_simem_size_0:
called_computation.2_lowered:
.L_overlay_start_0:
0x88: {  	s2 =	sld [smem:$0x3FD9]  }
0x89: {  	s3 =	sld [smem:$0x3FFE];
	_ =	sdelay $0x1  }
0x8a: {  	s1 =	srdreg.scid  }
0x8b: {  	s0 =	sand.u32 $0x1, s1  }
0x8c: {  	s17 =	sshll.u32 s0, $0xA;
	s2 =	sadd.s32 s3, s2  }
0x8d: {  	s2 =	sadd.s32 s2, s17  }
0x8e: {  	[smem:$0x3FBE] =	sst s2  }
0x8f: {  	_ = 	snop  }
0x90: {  	(tm) =	ssettm $0x1  }
0x91: {  	s18 =	sld [smem:$0x3FFB];
	_ =	sdelay $0x3  }
0x92: {  	_ =	strace s18  }
0x93: {  	s2 =	sld [smem:$0x3FFC];
	_ =	sdelay $0x3  }
0x94: {  	_ =	strace s2  }
0x95: {  	s2 =	sld [smem:$0x3FFD];
	_ =	sdelay $0x3  }
0x96: {  	_ =	strace s2  }
0x97: {  	_ =	strace $0x8FFFFFFF  }
0x98: {  	s19 =	sld [smem:$0x3FDB];
	_ =	sdelay $0x1  }
0x99: {  	s20 =	simm.s32 $_scs_section_size  }
0x9a: {  	s4 =	simm.s32 $_size__tile_overlayer_lowered;
	s5 =	simm.s32 $_tile_overlayer_lowered  }
0x9b: {  	s6 =	simm.s32 $0x1BFF;
	s21 =	sshll.u32 s5, $0x1;
	s3 =	sadd.s32 s20, s19  }
0x9c: {  	s22 =	simm.s32 $0x0;
	s4 =	sshll.u32 s4, $0x1;
	s5 =	sadd.s32 s21, s3  }
0x9d: {  	[timem:s22], [sflag:s6] =	dma.local [hbm:s5], s4  }
0x9e: {  	_ =	swait.ge [sflag:s6], s4  }
0x9f: {  	s4 =	ssub.s32 $0x0, s4;
	[sflag:s6] =	ssyncset.done $0x0  }
0xa0: {  	[sflag:s6] =	ssyncadd.s32 s4;
	_ =	sdelay $0x1  }
0xa1: {  	s23 =	simm.s32 $0x1B8B  }
0xa2: {  	_ =	swait.ge [sflag:s23], $0x1  }
0xa3: {  	[sflag:s23] =	ssyncset.done $0x0  }
0xa4: {  	[sflag:s23] =	ssyncadd.s32 $0xFFFFFFFF  }
0xa5: {  	s4 =	sld [smem:$0x0]  }
0xa6: {  	s5 =	sand.u32 $0xFFFFFFFE, s1  }
0xa7: {  	p0 =	sne.s32 s1, s5  }
0xa8: {  	s5 =	sshll.u32 @p0 s5, $0xE  }
0xa9: {  	s5 =	sadd.s32 @p0 $0x11B8D, s5;
	s6 =	sshll.u32 @p0 s4, $0x11  }
0xaa: {  	s5 =	sor.u32 @p0 s6, s5  }
0xab: {  	[sflag:s5] =	ssyncadd.remote.s32 @p0 $0x1;
	_ =	sdelay $0x1  }
0xac: {  	s5 =	simm.s32 @p0 $0x1B8D  }
0xad: {  	_ =	swait.eq @p0 [sflag:s5], $0x1  }
0xae: {  	[sflag:s5] =	ssyncadd.s32 @p0 $0xFFFFFFFF  }
0xaf: {  	s6 =	sshll.u32 @!p0 s1, $0xE  }
0xb0: {  	s6 =	sor.u32 @!p0 $0x4000, s6;
	s5 =	simm.s32 @!p0 $0x1B8D  }
0xb1: {  	s4 =	sshll.u32 @!p0 s4, $0x11;
	s6 =	sadd.s32 @!p0 $0x11B8D, s6;
	_ =	swait.eq @!p0 [sflag:s5], $0x1  }
0xb2: {  	s4 =	sor.u32 @!p0 s4, s6;
	[sflag:s5] =	ssyncadd.s32 @!p0 $0xFFFFFFFF  }
0xb3: {  	s25 =	simm.s32 $0x1B8E;
	s24 =	sld [smem:$0x3FFE];
	[sflag:s4] =	ssyncadd.remote.s32 @!p0 $0x1  }
0xb4: {  	s26 =	simm.s32 $execute0_lowered;
	[smem:$0x3FD2] =	sst s25  }
0xb5: {  	s5 =	sshll.u32 s26, $0x1;
	_ =	strace $0x80000052;
	[dreg:$0x1] =	wrdreg $0xFFFFFFFF  }
0xb6: {  	s28 =	simm.s32 $_size_execute0_lowered;
	s3 =	sadd.s32 s3, s5;
	[dreg:$0x0] =	wrdreg $0x0  }
0xb7: {  	s5 =	sshll.u32 s28, $0x1;
	[dreg:$0x2] =	wrdreg s3  }
0xb8: {  	[dreg:$0x3] =	wrdreg s5  }
0xb9: {  	[dreg:$0x4] =	wrdreg $0xC0  }
0xba: {  	_ =	task [dreg:s22], $0x5FFFF  }
0xbb: {  	[dreg:$0x1] =	wrdreg $0xFFFFFFFF  }
0xbc: {  	[dreg:$0x0] =	wrdreg $0x60  }
0xbd: {  	[dreg:$0x2] =	wrdreg s24  }
0xbe: {  	[dreg:$0x3] =	wrdreg $0xB4000  }
0xbf: {  	[dreg:$0x4] =	wrdreg $0x9  }
0xc0: {  	_ =	task.clear_ibuf [dreg:s22], $0x5FFFF;
	_ =	strace $0x90000052  }
0xc1: {  	s29 =	simm.s32 $0x9;
	_ =	strace $0x80000054  }
0xc2: {  	_ =	swait.ge [sflag:s29], $0x1  }
0xc3: {  	[sflag:s29] =	ssyncadd.s32 $0xFFFFFFFF  }
0xc4: {  	_ =	strace $0x90000054  }
0xc5: {  	_ =	sfence  }
0xc6: {  	s30 =	sld [smem:$0x0];
	_ =	sdelay $0x2  }
0xc7: {  	s31 =	sshll.u32 s1, $0xD;
	s1 =	sshrl.u32 s1, $0x2  }
0xc8: {  	s4 =	sand.u32 $0x4000, s31;
	s1 =	sadd.s32 s1, s30  }
0xc9: {  	s0 =	sor.u32 s4, s0;
	s1 =	sshll.u32 s1, $0x11  }
0xca: {  	s0 =	sor.u32 s1, s0  }
0xcb: {  	s0 =	sadd.s32 $0x8F2B, s0  }
0xcc: {  	[sflag:s0] =	ssyncadd.remote.s32 $0x1  }
0xcd: {  	_ =	sfence.sel $0xFFFF  }
0xce: {  	[dreg:$0x0] =	wrdreg $0xFFFFFFFF;
	(pc) =	sbr.abs _section_cstart, $3  }
0xcf: {  	[dreg:$0x1] =	wrdreg $0xFFFFFFFF  }
0xd0: {  	_ =	task.clear_ibuf [dreg:s22], $0x2FFFF;
	_ =	strace $0x9FFFFFFF  }
0xd1: {  	(tm) =	ssettm $0x7FFFFFFF  }
tec
execute0_lowered:
.L_overlay_start_1:
0x0: {  	(tag) =	ssettag $0x1  }
0x1: {  	s0 =	rddreg [dreg:$0x0]  }
0x2: {  	s1 =	rddreg [dreg:$0x1];
	s2 =	srdreg.scid  }
0x3: {  	s10 =	stileid.u32;
	s11 =	simm.s32 $0x1;
	s12 =	simm.s32 $0x80  }
0x4: {  	s13 =	simm.s32 $0x400;
	s14 =	simm.s32 $0xA00;
	s15 =	simm.s32 $0x140  }
0x5: {  	s16 =	simm.s32 $0x1400;
	s17 =	simm.s32 $0xB40;
	s18 =	simm.s32 $0x280  }
0x6: {  	s19 =	simm.s32 $0xC80;
	s20 =	simm.s32 $0x3C0;
	s21 =	simm.s32 $0xDC0  }
0x7: {  	s22 =	simm.s32 $0x500;
	s28 =	simm.s32 $0x780;
	s29 =	simm.s32 $0x1180  }
0x8: {  	s30 =	simm.s32 $0x8C0;
	s31 =	simm.s32 $0x12C0;
	s2 =	sand.u32 $0x1, s2  }
0x9: {  	s3 =	sshrl.u32 s10, $0x2;
	s4 =	sshll.u32 s10, $0x8;
	s7 =	smul.u32 $0x4F000, s10  }
0xa: {  	s8 =	sadd.s32 $0x40200, s0;
	s25 =	sshll.u32 s10, $0x6;
	s26 =	smul.u32 $0x2780, s10  }
0xb: {  	s5 =	smul.u32 $0x14000, s3;
	s4 =	sand.u32 $0x300, s4;
	s6 =	sshll.u32 s2, $0x7  }
0xc: {  	s3 =	simm.s32 $0x0;
	s23 =	smul.u32 $0x27800, s2;
	s2 =	ssub.s32 $0x2, s2  }
0xd: {  	s4 =	sor.u32 s6, s4;
	[smem:$0x7FF] =	sst s3;
	s24 =	sshrl.u32 s2, $0x1  }
0xe: {  	s7 =	sshrl.u32 s7, $0x2;
	s6 =	sor.u32 $0x1C01, s25;
	s25 =	simm.s32 $0x640  }
0xf: {  	s4 =	sor.u32 s5, s4;
	_ =	strace $0x80000053;
	[dreg:$0x3] =	wrdreg s8  }
0x10: {  	s2 =	ssub.s32 s2, s24;
	s9 =	sadd.s32 s7, s1;
	[dreg:$0x5] =	wrdreg s6  }
0x11: {  	s5 =	sshrl.u32 s4, $0x3;
	s4 =	sadd.s32 $0x19000, s0;
	s2 =	smax.u32 s2, $0x1  }
0x12: {  	s9 =	sshrl.u32 s9, $0x3;
	s5 =	sadd.s32 s5, s0;
	s0 =	sadd.s32 s23, s0  }
0x13: {  	[dreg:$0x4] =	wrdreg s2;
	s23 =	simm.s32 $0xF00;
	s0 =	sadd.s32 $0x42A00, s0  }
0x14: {  	s2 =	simm.s32 $0x0;
	s7 =	sadd.s32 $0x5000, s5;
	s0 =	sadd.s32 s26, s0  }
0x15: {  	s8 =	sadd.s32 $0xF000, s5;
	s26 =	simm.s32 $0x1040;
	[dreg:$0x6] =	wrdreg s0  }
.LBB2_1:
0x16: {  	s0 =	rddreg [dreg:$0x3]  }
0x17: {  	[spmem:s9], [sflag:s6] =	dma.local [hbm:s0], $0x2780  }
0x18: {  	_ =	swait.ge [sflag:s11], $0x2780  }
0x19: {  	[sflag:s11] =	ssyncset.done $0x0  }
0x1a: {  	[sflag:s11] =	ssyncadd.s32 $0xFFFFD880  }
0x1b: {  	s10 =	smov.u32 s9;
	s9 =	sadd.s32 $0x0, s7;
	[bflag:$0x0] =	sbarrier.arrive $0xFFFF  }
0x1c: {  	[tilespmem:s3], [sflag:$0x1] =	stream.strided.gather [hbm4b:s9+s12], $0xA00, s13, s12, $0x38;
	[tilespmem:$0x1F000] =	vst v63  }
0x1d: {  	_ =	swait.ge [sflag:s11], $0xA00  }
0x1e: {  	[sflag:s11] =	ssyncset.done $0x0  }
0x1f: {  	s24 =	sadd.s32 $0x0, s8;
	[sflag:s11] =	ssyncadd.s32 $0xFFFFF600  }
0x20: {  	[tilespmem:s14], [sflag:$0x1] =	stream.strided.gather [hbm4b:s24+s12], $0xA00, s13, s12, $0x38;
	[tilespmem:$0x1F000] =	vst v63  }
0x21: {  	_ =	swait.ge [sflag:s11], $0xA00  }
0x22: {  	[sflag:s11] =	ssyncset.done $0x0  }
0x23: {  	[sflag:s11] =	ssyncadd.s32 $0xFFFFF600  }
0x24: {  	[tilespmem:s16], [sflag:$0x1] =	stream.indirect.gather [hbm4b:s4+s15], $0x80, s3, s15, $0xb8;
	[tilespmem:$0x1F000] =	vst v63  }
0x25: {  	_ =	swait.ge [sflag:s11], $0xA000  }
0x26: {  	[sflag:s11] =	ssyncset.done $0x0  }
0x27: {  	[sflag:s11] =	ssyncadd.s32 $0xFFFF6000  }
0x28: {  	[spmem:s1] =	stream.indirect.scatter.add.f32 [tilespmem:s16], [sflag:$0x1], $0x80, s14, s15, $0xb8;
	[tilespmem:$0x1F000] =	vst v63  }
0x29: {  	_ =	swait.ge [sflag:s11], $0xA000  }
0x2a: {  	[sflag:s11] =	ssyncset.done $0x0  }
0x2b: {  	[sflag:s11] =	ssyncadd.s32 $0xFFFF6000  }
0x2c: {  	[tilespmem:s16], [sflag:$0x1] =	stream.indirect.gather [hbm4b:s4+s15], $0x80, s15, s15, $0xb8;
	[tilespmem:$0x1F000] =	vst v63  }
0x2d: {  	_ =	swait.ge [sflag:s11], $0xA000  }
0x2e: {  	[sflag:s11] =	ssyncset.done $0x0  }
0x2f: {  	[sflag:s11] =	ssyncadd.s32 $0xFFFF6000  }
0x30: {  	[spmem:s1] =	stream.indirect.scatter.add.f32 [tilespmem:s16], [sflag:$0x1], $0x80, s17, s15, $0xb8;
	[tilespmem:$0x1F000] =	vst v63  }
0x31: {  	_ =	swait.ge [sflag:s11], $0xA000  }
0x32: {  	[sflag:s11] =	ssyncset.done $0x0  }
0x33: {  	[sflag:s11] =	ssyncadd.s32 $0xFFFF6000  }
0x34: {  	[tilespmem:s16], [sflag:$0x1] =	stream.indirect.gather [hbm4b:s4+s15], $0x80, s18, s15, $0xb8;
	[tilespmem:$0x1F000] =	vst v63  }
0x35: {  	_ =	swait.ge [sflag:s11], $0xA000  }
0x36: {  	[sflag:s11] =	ssyncset.done $0x0  }
0x37: {  	[sflag:s11] =	ssyncadd.s32 $0xFFFF6000  }
0x38: {  	[spmem:s1] =	stream.indirect.scatter.add.f32 [tilespmem:s16], [sflag:$0x1], $0x80, s19, s15, $0xb8;
	[tilespmem:$0x1F000] =	vst v63  }
0x39: {  	_ =	swait.ge [sflag:s11], $0xA000  }
0x3a: {  	[sflag:s11] =	ssyncset.done $0x0  }
0x3b: {  	[sflag:s11] =	ssyncadd.s32 $0xFFFF6000  }
0x3c: {  	[tilespmem:s16], [sflag:$0x1] =	stream.indirect.gather [hbm4b:s4+s15], $0x80, s20, s15, $0xb8;
	[tilespmem:$0x1F000] =	vst v63  }
0x3d: {  	_ =	swait.ge [sflag:s11], $0xA000  }
0x3e: {  	[sflag:s11] =	ssyncset.done $0x0  }
0x3f: {  	[sflag:s11] =	ssyncadd.s32 $0xFFFF6000  }
0x40: {  	[spmem:s1] =	stream.indirect.scatter.add.f32 [tilespmem:s16], [sflag:$0x1], $0x80, s21, s15, $0xb8;
	[tilespmem:$0x1F000] =	vst v63  }
0x41: {  	_ =	swait.ge [sflag:s11], $0xA000  }
0x42: {  	[sflag:s11] =	ssyncset.done $0x0  }
0x43: {  	[sflag:s11] =	ssyncadd.s32 $0xFFFF6000  }
0x44: {  	[tilespmem:s16], [sflag:$0x1] =	stream.indirect.gather [hbm4b:s4+s15], $0x80, s22, s15, $0xb8;
	[tilespmem:$0x1F000] =	vst v63  }
0x45: {  	_ =	swait.ge [sflag:s11], $0xA000  }
0x46: {  	[sflag:s11] =	ssyncset.done $0x0  }
0x47: {  	[sflag:s11] =	ssyncadd.s32 $0xFFFF6000  }
0x48: {  	[spmem:s1] =	stream.indirect.scatter.add.f32 [tilespmem:s16], [sflag:$0x1], $0x80, s23, s15, $0xb8;
	[tilespmem:$0x1F000] =	vst v63  }
0x49: {  	_ =	swait.ge [sflag:s11], $0xA000  }
0x4a: {  	[sflag:s11] =	ssyncset.done $0x0  }
0x4b: {  	[sflag:s11] =	ssyncadd.s32 $0xFFFF6000  }
0x4c: {  	[tilespmem:s16], [sflag:$0x1] =	stream.indirect.gather [hbm4b:s4+s15], $0x80, s25, s15, $0xb8;
	[tilespmem:$0x1F000] =	vst v63  }
0x4d: {  	_ =	swait.ge [sflag:s11], $0xA000  }
0x4e: {  	[sflag:s11] =	ssyncset.done $0x0  }
0x4f: {  	[sflag:s11] =	ssyncadd.s32 $0xFFFF6000  }
0x50: {  	[spmem:s1] =	stream.indirect.scatter.add.f32 [tilespmem:s16], [sflag:$0x1], $0x80, s26, s15, $0xb8;
	[tilespmem:$0x1F000] =	vst v63  }
0x51: {  	_ =	swait.ge [sflag:s11], $0xA000  }
0x52: {  	[sflag:s11] =	ssyncset.done $0x0  }
0x53: {  	[sflag:s11] =	ssyncadd.s32 $0xFFFF6000  }
0x54: {  	[tilespmem:s16], [sflag:$0x1] =	stream.indirect.gather [hbm4b:s4+s15], $0x80, s28, s15, $0xb8;
	[tilespmem:$0x1F000] =	vst v63  }
0x55: {  	_ =	swait.ge [sflag:s11], $0xA000  }
0x56: {  	[sflag:s11] =	ssyncset.done $0x0  }
0x57: {  	[sflag:s11] =	ssyncadd.s32 $0xFFFF6000  }
0x58: {  	[spmem:s1] =	stream.indirect.scatter.add.f32 [tilespmem:s16], [sflag:$0x1], $0x80, s29, s15, $0xb8;
	[tilespmem:$0x1F000] =	vst v63  }
0x59: {  	_ =	swait.ge [sflag:s11], $0xA000  }
0x5a: {  	[sflag:s11] =	ssyncset.done $0x0  }
0x5b: {  	[sflag:s11] =	ssyncadd.s32 $0xFFFF6000  }
0x5c: {  	[tilespmem:s16], [sflag:$0x1] =	stream.indirect.gather [hbm4b:s4+s15], $0x80, s30, s15, $0xb8;
	[tilespmem:$0x1F000] =	vst v63  }
0x5d: {  	_ =	swait.ge [sflag:s11], $0xA000  }
0x5e: {  	[sflag:s11] =	ssyncset.done $0x0  }
0x5f: {  	[sflag:s11] =	ssyncadd.s32 $0xFFFF6000  }
0x60: {  	[spmem:s1] =	stream.indirect.scatter.add.f32 [tilespmem:s16], [sflag:$0x1], $0x80, s31, s15, $0xb8;
	[tilespmem:$0x1F000] =	vst v63  }
0x61: {  	_ =	swait.ge [sflag:s11], $0xA000  }
0x62: {  	s5 =	simm.s32 $0x1400;
	s0 =	simm.s32 $0xA00;
	[sflag:s11] =	ssyncset.done $0x0  }
.LBB2_2:
0x63: {  	s24 =	sadd.s32 s0, s7  }
0x64: {  	[sflag:s11] =	ssyncadd.s32 $0xFFFF6000;
	s6 =	smov.u32 s5;
	s9 =	sadd.s32 $0xA00, s5  }
0x65: {  	[tilespmem:s3], [sflag:$0x1] =	stream.strided.gather [hbm4b:s24+s12], $0xA00, s13, s12, $0x38;
	[tilespmem:$0x1F000] =	vst v63  }
0x66: {  	p0 =	sne.s32 s5, $0x1E00;
	_ =	swait.ge [sflag:s11], $0xA00  }
0x67: {  	[sflag:s11] =	ssyncset.done $0x0  }
0x68: {  	s5 =	sadd.s32 s0, s8;
	s0 =	smov.u32 s6;
	[sflag:s11] =	ssyncadd.s32 $0xFFFFF600  }
0x69: {  	[tilespmem:s14], [sflag:$0x1] =	stream.strided.gather [hbm4b:s5+s12], $0xA00, s13, s12, $0x38;
	[tilespmem:$0x1F000] =	vst v63  }
0x6a: {  	_ =	swait.ge [sflag:s11], $0xA00  }
0x6b: {  	[sflag:s11] =	ssyncset.done $0x0  }
0x6c: {  	[sflag:s11] =	ssyncadd.s32 $0xFFFFF600  }
0x6d: {  	[tilespmem:s16], [sflag:$0x1] =	stream.indirect.gather [hbm4b:s4+s15], $0x80, s3, s15, $0xb8;
	[tilespmem:$0x1F000] =	vst v63  }
0x6e: {  	_ =	swait.ge [sflag:s11], $0xA000  }
0x6f: {  	[sflag:s11] =	ssyncset.done $0x0  }
0x70: {  	[sflag:s11] =	ssyncadd.s32 $0xFFFF6000  }
0x71: {  	[spmem:s1] =	stream.indirect.scatter.add.f32 [tilespmem:s16], [sflag:$0x1], $0x80, s14, s15, $0xb8;
	[tilespmem:$0x1F000] =	vst v63  }
0x72: {  	_ =	swait.ge [sflag:s11], $0xA000  }
0x73: {  	[sflag:s11] =	ssyncset.done $0x0  }
0x74: {  	[sflag:s11] =	ssyncadd.s32 $0xFFFF6000  }
0x75: {  	[tilespmem:s16], [sflag:$0x1] =	stream.indirect.gather [hbm4b:s4+s15], $0x80, s15, s15, $0xb8;
	[tilespmem:$0x1F000] =	vst v63  }
0x76: {  	_ =	swait.ge [sflag:s11], $0xA000  }
0x77: {  	[sflag:s11] =	ssyncset.done $0x0  }
0x78: {  	[sflag:s11] =	ssyncadd.s32 $0xFFFF6000  }
0x79: {  	[spmem:s1] =	stream.indirect.scatter.add.f32 [tilespmem:s16], [sflag:$0x1], $0x80, s17, s15, $0xb8;
	[tilespmem:$0x1F000] =	vst v63  }
0x7a: {  	_ =	swait.ge [sflag:s11], $0xA000  }
0x7b: {  	[sflag:s11] =	ssyncset.done $0x0  }
0x7c: {  	[sflag:s11] =	ssyncadd.s32 $0xFFFF6000  }
0x7d: {  	[tilespmem:s16], [sflag:$0x1] =	stream.indirect.gather [hbm4b:s4+s15], $0x80, s18, s15, $0xb8;
	[tilespmem:$0x1F000] =	vst v63  }
0x7e: {  	_ =	swait.ge [sflag:s11], $0xA000  }
0x7f: {  	[sflag:s11] =	ssyncset.done $0x0  }
0x80: {  	[sflag:s11] =	ssyncadd.s32 $0xFFFF6000  }
0x81: {  	[spmem:s1] =	stream.indirect.scatter.add.f32 [tilespmem:s16], [sflag:$0x1], $0x80, s19, s15, $0xb8;
	[tilespmem:$0x1F000] =	vst v63  }
0x82: {  	_ =	swait.ge [sflag:s11], $0xA000  }
0x83: {  	[sflag:s11] =	ssyncset.done $0x0  }
0x84: {  	[sflag:s11] =	ssyncadd.s32 $0xFFFF6000  }
0x85: {  	[tilespmem:s16], [sflag:$0x1] =	stream.indirect.gather [hbm4b:s4+s15], $0x80, s20, s15, $0xb8;
	[tilespmem:$0x1F000] =	vst v63  }
0x86: {  	_ =	swait.ge [sflag:s11], $0xA000  }
0x87: {  	[sflag:s11] =	ssyncset.done $0x0  }
0x88: {  	[sflag:s11] =	ssyncadd.s32 $0xFFFF6000  }
0x89: {  	[spmem:s1] =	stream.indirect.scatter.add.f32 [tilespmem:s16], [sflag:$0x1], $0x80, s21, s15, $0xb8;
	[tilespmem:$0x1F000] =	vst v63  }
0x8a: {  	_ =	swait.ge [sflag:s11], $0xA000  }
0x8b: {  	[sflag:s11] =	ssyncset.done $0x0  }
0x8c: {  	[sflag:s11] =	ssyncadd.s32 $0xFFFF6000  }
0x8d: {  	[tilespmem:s16], [sflag:$0x1] =	stream.indirect.gather [hbm4b:s4+s15], $0x80, s22, s15, $0xb8;
	[tilespmem:$0x1F000] =	vst v63  }
0x8e: {  	_ =	swait.ge [sflag:s11], $0xA000  }
0x8f: {  	[sflag:s11] =	ssyncset.done $0x0  }
0x90: {  	[sflag:s11] =	ssyncadd.s32 $0xFFFF6000  }
0x91: {  	[spmem:s1] =	stream.indirect.scatter.add.f32 [tilespmem:s16], [sflag:$0x1], $0x80, s23, s15, $0xb8;
	[tilespmem:$0x1F000] =	vst v63  }
0x92: {  	_ =	swait.ge [sflag:s11], $0xA000  }
0x93: {  	[sflag:s11] =	ssyncset.done $0x0  }
0x94: {  	[sflag:s11] =	ssyncadd.s32 $0xFFFF6000  }
0x95: {  	[tilespmem:s16], [sflag:$0x1] =	stream.indirect.gather [hbm4b:s4+s15], $0x80, s25, s15, $0xb8;
	[tilespmem:$0x1F000] =	vst v63  }
0x96: {  	_ =	swait.ge [sflag:s11], $0xA000  }
0x97: {  	[sflag:s11] =	ssyncset.done $0x0  }
0x98: {  	[sflag:s11] =	ssyncadd.s32 $0xFFFF6000  }
0x99: {  	[spmem:s1] =	stream.indirect.scatter.add.f32 [tilespmem:s16], [sflag:$0x1], $0x80, s26, s15, $0xb8;
	[tilespmem:$0x1F000] =	vst v63  }
0x9a: {  	_ =	swait.ge [sflag:s11], $0xA000  }
0x9b: {  	[sflag:s11] =	ssyncset.done $0x0  }
0x9c: {  	[sflag:s11] =	ssyncadd.s32 $0xFFFF6000  }
0x9d: {  	[tilespmem:s16], [sflag:$0x1] =	stream.indirect.gather [hbm4b:s4+s15], $0x80, s28, s15, $0xb8;
	[tilespmem:$0x1F000] =	vst v63  }
0x9e: {  	_ =	swait.ge [sflag:s11], $0xA000  }
0x9f: {  	[sflag:s11] =	ssyncset.done $0x0  }
0xa0: {  	[sflag:s11] =	ssyncadd.s32 $0xFFFF6000  }
0xa1: {  	[spmem:s1] =	stream.indirect.scatter.add.f32 [tilespmem:s16], [sflag:$0x1], $0x80, s29, s15, $0xb8;
	[tilespmem:$0x1F000] =	vst v63  }
0xa2: {  	_ =	swait.ge [sflag:s11], $0xA000  }
0xa3: {  	[sflag:s11] =	ssyncset.done $0x0  }
0xa4: {  	[sflag:s11] =	ssyncadd.s32 $0xFFFF6000  }
0xa5: {  	[tilespmem:s16], [sflag:$0x1] =	stream.indirect.gather [hbm4b:s4+s15], $0x80, s30, s15, $0xb8;
	[tilespmem:$0x1F000] =	vst v63  }
0xa6: {  	_ =	swait.ge [sflag:s11], $0xA000  }
.Ltmp0:
0xa7: {  	[sflag:s11] =	ssyncset.done $0x0;
	(pc) =	sbr.rel @p0 .LBB2_2-.Ltmp0, $4  }
0xa8: {  	[sflag:s11] =	ssyncadd.s32 $0xFFFF6000  }
0xa9: {  	[spmem:s1] =	stream.indirect.scatter.add.f32 [tilespmem:s16], [sflag:$0x1], $0x80, s31, s15, $0xb8;
	[tilespmem:$0x1F000] =	vst v63  }
0xaa: {  	_ =	swait.ge [sflag:s11], $0xA000  }
0xab: {  	s5 =	smov.u32 s9;
	[sflag:s11] =	ssyncset.done $0x0  }
0xac: {  	s5 =	sadd.s32 s0, s7;
	[sflag:s11] =	ssyncadd.s32 $0xFFFF6000  }
0xad: {  	[tilespmem:s3], [sflag:$0x1] =	stream.strided.gather [hbm4b:s5+s12], $0xA00, s13, s12, $0x38;
	[tilespmem:$0x1F000] =	vst v63  }
0xae: {  	_ =	swait.ge [sflag:s11], $0xA00  }
0xaf: {  	[sflag:s11] =	ssyncset.done $0x0  }
0xb0: {  	s24 =	sadd.s32 s0, s8;
	[sflag:s11] =	ssyncadd.s32 $0xFFFFF600  }
0xb1: {  	[tilespmem:s14], [sflag:$0x1] =	stream.strided.gather [hbm4b:s24+s12], $0xA00, s13, s12, $0x38;
	[tilespmem:$0x1F000] =	vst v63  }
0xb2: {  	_ =	swait.ge [sflag:s11], $0xA00  }
0xb3: {  	[sflag:s11] =	ssyncset.done $0x0  }
0xb4: {  	[sflag:s11] =	ssyncadd.s32 $0xFFFFF600  }
0xb5: {  	[tilespmem:s16], [sflag:$0x1] =	stream.indirect.gather [hbm4b:s4+s15], $0x80, s3, s15, $0xb8;
	[tilespmem:$0x1F000] =	vst v63  }
0xb6: {  	_ =	swait.ge [sflag:s11], $0xA000  }
0xb7: {  	[sflag:s11] =	ssyncset.done $0x0  }
0xb8: {  	[sflag:s11] =	ssyncadd.s32 $0xFFFF6000  }
0xb9: {  	[spmem:s1] =	stream.indirect.scatter.add.f32 [tilespmem:s16], [sflag:$0x1], $0x80, s14, s15, $0xb8;
	[tilespmem:$0x1F000] =	vst v63  }
0xba: {  	_ =	swait.ge [sflag:s11], $0xA000  }
0xbb: {  	[sflag:s11] =	ssyncset.done $0x0  }
0xbc: {  	[sflag:s11] =	ssyncadd.s32 $0xFFFF6000  }
0xbd: {  	[tilespmem:s16], [sflag:$0x1] =	stream.indirect.gather [hbm4b:s4+s15], $0x80, s15, s15, $0xb8;
	[tilespmem:$0x1F000] =	vst v63  }
0xbe: {  	_ =	swait.ge [sflag:s11], $0xA000  }
0xbf: {  	[sflag:s11] =	ssyncset.done $0x0  }
0xc0: {  	[sflag:s11] =	ssyncadd.s32 $0xFFFF6000  }
0xc1: {  	[spmem:s1] =	stream.indirect.scatter.add.f32 [tilespmem:s16], [sflag:$0x1], $0x80, s17, s15, $0xb8;
	[tilespmem:$0x1F000] =	vst v63  }
0xc2: {  	_ =	swait.ge [sflag:s11], $0xA000  }
0xc3: {  	[sflag:s11] =	ssyncset.done $0x0  }
0xc4: {  	[sflag:s11] =	ssyncadd.s32 $0xFFFF6000  }
0xc5: {  	[tilespmem:s16], [sflag:$0x1] =	stream.indirect.gather [hbm4b:s4+s15], $0x80, s18, s15, $0xb8;
	[tilespmem:$0x1F000] =	vst v63  }
0xc6: {  	_ =	swait.ge [sflag:s11], $0xA000  }
0xc7: {  	[sflag:s11] =	ssyncset.done $0x0  }
0xc8: {  	[sflag:s11] =	ssyncadd.s32 $0xFFFF6000  }
0xc9: {  	[spmem:s1] =	stream.indirect.scatter.add.f32 [tilespmem:s16], [sflag:$0x1], $0x80, s19, s15, $0xb8;
	[tilespmem:$0x1F000] =	vst v63  }
0xca: {  	_ =	swait.ge [sflag:s11], $0xA000  }
0xcb: {  	[sflag:s11] =	ssyncset.done $0x0  }
0xcc: {  	[sflag:s11] =	ssyncadd.s32 $0xFFFF6000  }
0xcd: {  	[tilespmem:s16], [sflag:$0x1] =	stream.indirect.gather [hbm4b:s4+s15], $0x80, s20, s15, $0xb8;
	[tilespmem:$0x1F000] =	vst v63  }
0xce: {  	_ =	swait.ge [sflag:s11], $0xA000  }
0xcf: {  	[sflag:s11] =	ssyncset.done $0x0  }
0xd0: {  	[sflag:s11] =	ssyncadd.s32 $0xFFFF6000  }
0xd1: {  	[spmem:s1] =	stream.indirect.scatter.add.f32 [tilespmem:s16], [sflag:$0x1], $0x80, s21, s15, $0xb8;
	[tilespmem:$0x1F000] =	vst v63  }
0xd2: {  	_ =	swait.ge [sflag:s11], $0xA000  }
0xd3: {  	[sflag:s11] =	ssyncset.done $0x0  }
0xd4: {  	[sflag:s11] =	ssyncadd.s32 $0xFFFF6000  }
0xd5: {  	[tilespmem:s16], [sflag:$0x1] =	stream.indirect.gather [hbm4b:s4+s15], $0x80, s22, s15, $0xb8;
	[tilespmem:$0x1F000] =	vst v63  }
0xd6: {  	_ =	swait.ge [sflag:s11], $0xA000  }
0xd7: {  	[sflag:s11] =	ssyncset.done $0x0  }
0xd8: {  	[sflag:s11] =	ssyncadd.s32 $0xFFFF6000  }
0xd9: {  	[spmem:s1] =	stream.indirect.scatter.add.f32 [tilespmem:s16], [sflag:$0x1], $0x80, s23, s15, $0xb8;
	[tilespmem:$0x1F000] =	vst v63  }
0xda: {  	_ =	swait.ge [sflag:s11], $0xA000  }
0xdb: {  	[sflag:s11] =	ssyncset.done $0x0  }
0xdc: {  	[sflag:s11] =	ssyncadd.s32 $0xFFFF6000  }
0xdd: {  	[tilespmem:s16], [sflag:$0x1] =	stream.indirect.gather [hbm4b:s4+s15], $0x80, s25, s15, $0xb8;
	[tilespmem:$0x1F000] =	vst v63  }
0xde: {  	_ =	swait.ge [sflag:s11], $0xA000  }
0xdf: {  	[sflag:s11] =	ssyncset.done $0x0  }
0xe0: {  	[sflag:s11] =	ssyncadd.s32 $0xFFFF6000  }
0xe1: {  	[spmem:s1] =	stream.indirect.scatter.add.f32 [tilespmem:s16], [sflag:$0x1], $0x80, s26, s15, $0xb8;
	[tilespmem:$0x1F000] =	vst v63  }
0xe2: {  	_ =	swait.ge [sflag:s11], $0xA000  }
0xe3: {  	[sflag:s11] =	ssyncset.done $0x0  }
0xe4: {  	[sflag:s11] =	ssyncadd.s32 $0xFFFF6000  }
0xe5: {  	[tilespmem:s16], [sflag:$0x1] =	stream.indirect.gather [hbm4b:s4+s15], $0x80, s28, s15, $0xb8;
	[tilespmem:$0x1F000] =	vst v63  }
0xe6: {  	_ =	swait.ge [sflag:s11], $0xA000  }
0xe7: {  	[sflag:s11] =	ssyncset.done $0x0  }
0xe8: {  	[sflag:s11] =	ssyncadd.s32 $0xFFFF6000  }
0xe9: {  	[spmem:s1] =	stream.indirect.scatter.add.f32 [tilespmem:s16], [sflag:$0x1], $0x80, s29, s15, $0xb8;
	[tilespmem:$0x1F000] =	vst v63  }
0xea: {  	_ =	swait.ge [sflag:s11], $0xA000  }
0xeb: {  	[sflag:s11] =	ssyncset.done $0x0  }
0xec: {  	[sflag:s11] =	ssyncadd.s32 $0xFFFF6000  }
0xed: {  	[tilespmem:s16], [sflag:$0x1] =	stream.indirect.gather [hbm4b:s4+s15], $0x80, s30, s15, $0xb8;
	[tilespmem:$0x1F000] =	vst v63  }
0xee: {  	_ =	swait.ge [sflag:s11], $0xA000  }
0xef: {  	[sflag:s11] =	ssyncset.done $0x0  }
0xf0: {  	[sflag:s11] =	ssyncadd.s32 $0xFFFF6000  }
0xf1: {  	[spmem:s1] =	stream.indirect.scatter.add.f32 [tilespmem:s16], [sflag:$0x1], $0x80, s31, s15, $0xb8;
	[tilespmem:$0x1F000] =	vst v63  }
0xf2: {  	_ =	swait.ge [sflag:s11], $0xA000  }
0xf3: {  	[sflag:s11] =	ssyncset.done $0x0  }
0xf4: {  	[sflag:s11] =	ssyncadd.s32 $0xFFFF6000  }
0xf5: {  	[bflag:$0x0] =	sbarrier.arrive $0xFFFF  }
0xf6: {  	s6 =	rddreg [dreg:$0x5]  }
0xf7: {  	s5 =	rddreg [dreg:$0x6]  }
0xf8: {  	[hbm:s5], [sflag:s6] =	dma.local [spmem:s10], $0x2780  }
0xf9: {  	_ =	swait.ge [sflag:s11], $0x2780  }
0xfa: {  	s2 =	sadd.s32 $0x1, s2;
	s24 =	rddreg [dreg:$0x4]  }
0xfb: {  	p0 =	sne.s32 s2, s24  }
.Ltmp1:
0xfc: {  	_ = 	snop;
	(pc) =	sbr.rel @p0 .LBB2_1-.Ltmp1, $3  }
0xfd: {  	_ =	sdelay $0x1  }
0xfe: {  	[sflag:s11] =	ssyncset.done $0x0  }
0xff: {  	s9 =	smov.u32 s10;
	[sflag:s11] =	ssyncadd.s32 $0xFFFFD880  }
0x100: {  	_ =	sfence.sel $0x180000  }
0x101: {  	[bflag:$0x0] =	sbarrier.arrive $0xFFFF  }
0x102: {  	_ =	strace $0x90000053  }
0x103: {  	s0 =	stileid.u32;
	[bflag:$0x2] =	sbarrier.arrive $0xFFFF  }
0x104: {  	p0 =	sne.s32 s0, $0x0;
	s0 =	rddreg [dreg:$0x2]  }
0x105: {  	s0 =	sadd.s32 @!p0 $0x100000, s0  }
0x106: {  	[sflag:s0] =	ssyncadd.tile.s32 @!p0 $0x1;
	_ =	shalt  }
.Lfunc_end2:
_tile_overlayer_lowered:
.L_overlay_start_2:
0x107: {  	(tag) =	ssettag $0x2  }
0x108: {  	s0 =	rddreg [dreg:$0x0];
	s2 =	stileid.u32  }
0x109: {  	s1 =	rddreg [dreg:$0x1];
	p0 =	sne.s32 s2, $0x0  }
0x10a: {  	s3 =	rddreg [dreg:$0x2];
	[bflag:$0x3] =	sbarrier.arrive $0xFFFF;
	s2 =	simm.s32 @!p0 $0x1C01  }
0x10b: {  	[timem:s3], [sflag:s2] =	dma.local @!p0 [hbm:s0], s1  }
0x10c: {  	s0 =	simm.s32 @!p0 $0x1  }
0x10d: {  	_ =	swait.ge @!p0 [sflag:s0], s1  }
0x10e: {  	s1 =	ssub.s32 @!p0 $0x0, s1;
	[sflag:s0] =	ssyncset.done @!p0 $0x0  }
0x10f: {  	[sflag:s0] =	ssyncadd.s32 @!p0 s1  }
0x110: {  	[bflag:$0x3] =	sbarrier.arrive $0xFFFF  }
0x111: {  	_ =	shalt  }

// kernel: kernel.30.cloned.1.call-start
scs
__scs_entry_jumppad:
0x0: {  	(pc) =	sbr.rel $0x88, $3  }
0x1: {  	(tag) =	ssettag $0x0;
	lr =	simm.s32 $0x1  }
0x2: {  	[smem:$0x3F97] =	sst lr;
	_ =	strace $0xD0000000  }
0x3: {  	_ = 	snop  }
0x4: {  	_ = 	snop  }
0x5: {  	_ = 	snop  }
0x6: {  	_ = 	snop  }
0x7: {  	_ = 	snop  }
__scs_overlays_trampoline_lowered:
0x8: {  	[smem:$0x3FA6] =	sst s0  }
0x9: {  	[smem:$0x3FA7] =	sst s1  }
0xa: {  	[smem:$0x3FA8] =	sst s2  }
0xb: {  	[smem:$0x3FA9] =	sst s3  }
0xc: {  	[smem:$0x3FAA] =	sst s4  }
0xd: {  	[smem:$0x3FAB] =	sst s5  }
0xe: {  	[smem:$0x3FAC] =	sst s6  }
0xf: {  	[smem:$0x3FAD] =	sst s7  }
0x10: {  	[smem:$0x3FAE] =	sst s8  }
0x11: {  	[smem:$0x3FAF] =	sst s9;
	s0 =	simm.s32 @!p0 $0x0  }
0x12: {  	s1 =	sld [smem:$0x3F95];
	s0 =	simm.s32 @p0 $0x1  }
0x13: {  	[smem:$0x3FB0] =	sst s0;
	s0 =	simm.s32 @!p1 $0x0  }
0x14: {  	s2 =	sld [smem:$0x3F94];
	s0 =	simm.s32 @p1 $0x1  }
0x15: {  	[smem:$0x3FB1] =	sst s0;
	s0 =	simm.s32 @!p2 $0x0  }
0x16: {  	s3 =	sld [smem:$0x3FDB];
	s0 =	simm.s32 @p2 $0x1  }
0x17: {  	s4 =	simm.s32 $0x1BF5;
	[smem:$0x3FB3] =	sst s0  }
0x18: {  	s0 =	sld [smem:$0x3F96];
	_ =	swait.ge [sflag:s4], $0x0  }
0x19: {  	s7 =	sld [smem:$0x3F97]  }
0x1a: {  	s8 =	sadd.s32 $0xFFFFE003, lr  }
0x1b: {  	s9 =	sadd.s32 $0xFFFFFEF7, lr;
	s5 =	simm.s32 $0xFFFFFFFF;
	p2 =	slt.u32 s8, $0xFFFFF086  }
0x1c: {  	p1 =	slt.u32 s9, $0xF7A;
	s5 =	simm.s32 @!p2 $0x0  }
0x1d: {  	s5 =	simm.s32 @p1 $0x1;
	p0 =	seq.s32 s7, s2  }
0x1e: {  	s7 =	smul.u32 @!p0 $0xF7A, s2;
	p2 =	seq.s32 @!p0 s5, $0x0  }
0x1f: {  	s9 =	smul.u32 $0xF7A, s1;
	s8 =	simm.s32 @!p0 $0x1BF5;
	p2 =	por !p2, p0  }
0x20: {  	[sflag:s8] =	ssyncset.s32 @!p0 $0xFFFFF086;
	s6 =	sadd.s32 @!p0 s3, s7;
	s7 =	simm.s32 @!p0 $0x108  }
0x21: {  	s3 =	sadd.s32 s3, s9;
	s6 =	sadd.s32 @!p0 $0x88, s6;
	s7 =	simm.s32 @p2 $0x1082  }
0x22: {  	[simem:s7], [sflag:s8] =	dma.local @!p0 [hbm:s6], $0xF7A  }
0x23: {  	s9 =	sor.u32 $0xD0000000, s2;
	s6 =	simm.s32 $0x108;
	_ =	swait.ge @!p0 [sflag:s8], $0x0  }
0x24: {  	s3 =	sadd.s32 $0x88, s3;
	s6 =	simm.s32 @!p1 $0x1082;
	[sflag:s4] =	ssyncset.s32 $0xFFFFF086  }
0x25: {  	[simem:s6], [sflag:s4] =	dma.local [hbm:s3], $0xF7A  }
0x26: {  	[smem:$0x3F97] =	sst s1;
	(tag) =	ssettag s2;
	_ =	strace s9  }
0x27: {  	s1 =	sld [smem:$0x3FA7]  }
0x28: {  	s2 =	sld [smem:$0x3FA8]  }
0x29: {  	s4 =	sld [smem:$0x3FAA]  }
0x2a: {  	p0 =	seq.s32 s5, $0x0;
	s5 =	sld [smem:$0x3FAB]  }
0x2b: {  	s6 =	sld [smem:$0x3FAC]  }
0x2c: {  	s7 =	sld [smem:$0x3FAD]  }
0x2d: {  	s3 =	simm.s32 $0x108;
	s8 =	sld [smem:$0x3FAE]  }
0x2e: {  	s3 =	simm.s32 @!p0 $0x1082;
	s9 =	sld [smem:$0x3FAF]  }
0x2f: {  	lr =	sadd.s32 s0, s3;
	s0 =	sld [smem:$0x3FA6]  }
0x30: {  	s3 =	sld [smem:$0x3FA9]  }
0x31: {  	[smem:$0x3FB2] =	sst s10  }
0x32: {  	s10 =	sld [smem:$0x3FB0];
	_ =	sdelay $0x3  }
0x33: {  	p0 =	seq.s32 s10, $0x1;
	s10 =	sld [smem:$0x3FB2];
	_ =	sdelay $0x3  }
0x34: {  	[smem:$0x3FB2] =	sst s10  }
0x35: {  	s10 =	sld [smem:$0x3FB1];
	_ =	sdelay $0x3  }
0x36: {  	p1 =	seq.s32 s10, $0x1;
	s10 =	sld [smem:$0x3FB2];
	_ =	sdelay $0x3  }
0x37: {  	[smem:$0x3FB2] =	sst s10  }
0x38: {  	s10 =	sld [smem:$0x3FB3]  }
0x39: {  	_ = 	snop;
	(pc) =	sbr.ind lr, $3  }
0x3a: {  	_ = 	snop  }
0x3b: {  	_ = 	snop  }
0x3c: {  	p2 =	seq.s32 s10, $0x1;
	s10 =	sld [smem:$0x3FB2]  }
0x3d: {  	_ =	shalt  }
0x3e: {  	_ =	shalt  }
0x3f: {  	_ =	shalt  }
0x40: {  	_ =	shalt  }
0x41: {  	_ =	shalt  }
0x42: {  	_ =	shalt  }
0x43: {  	_ =	shalt  }
0x44: {  	_ =	shalt  }
0x45: {  	_ =	shalt  }
0x46: {  	_ =	shalt  }
0x47: {  	_ =	shalt  }
0x48: {  	_ =	shalt  }
0x49: {  	_ =	shalt  }
0x4a: {  	_ =	shalt  }
0x4b: {  	_ =	shalt  }
0x4c: {  	_ =	shalt  }
0x4d: {  	_ =	shalt  }
0x4e: {  	_ =	shalt  }
0x4f: {  	_ =	shalt  }
0x50: {  	_ =	shalt  }
0x51: {  	_ =	shalt  }
0x52: {  	_ =	shalt  }
0x53: {  	_ =	shalt  }
0x54: {  	_ =	shalt  }
0x55: {  	_ =	shalt  }
0x56: {  	_ =	shalt  }
0x57: {  	_ =	shalt  }
0x58: {  	_ =	shalt  }
0x59: {  	_ =	shalt  }
0x5a: {  	_ =	shalt  }
0x5b: {  	_ =	shalt  }
0x5c: {  	_ =	shalt  }
0x5d: {  	_ =	shalt  }
0x5e: {  	_ =	shalt  }
0x5f: {  	_ =	shalt  }
0x60: {  	_ =	shalt  }
0x61: {  	_ =	shalt  }
0x62: {  	_ =	shalt  }
0x63: {  	_ =	shalt  }
0x64: {  	_ =	shalt  }
0x65: {  	_ =	shalt  }
0x66: {  	_ =	shalt  }
0x67: {  	_ =	shalt  }
0x68: {  	_ =	shalt  }
0x69: {  	_ =	shalt  }
0x6a: {  	_ =	shalt  }
0x6b: {  	_ =	shalt  }
0x6c: {  	_ =	shalt  }
0x6d: {  	_ =	shalt  }
0x6e: {  	_ =	shalt  }
0x6f: {  	_ =	shalt  }
0x70: {  	_ =	shalt  }
0x71: {  	_ =	shalt  }
0x72: {  	_ =	shalt  }
0x73: {  	_ =	shalt  }
0x74: {  	_ =	shalt  }
0x75: {  	_ =	shalt  }
0x76: {  	_ =	shalt  }
0x77: {  	_ =	shalt  }
0x78: {  	_ =	shalt  }
0x79: {  	_ =	shalt  }
0x7a: {  	_ =	shalt  }
0x7b: {  	_ =	shalt  }
0x7c: {  	_ =	shalt  }
0x7d: {  	_ =	shalt  }
0x7e: {  	_ =	shalt  }
0x7f: {  	_ =	shalt  }
0x80: {  	_ =	shalt  }
0x81: {  	_ =	shalt  }
0x82: {  	_ =	shalt  }
0x83: {  	_ =	shalt  }
0x84: {  	_ =	shalt  }
0x85: {  	_ =	shalt  }
0x86: {  	_ =	shalt  }
0x87: {  	_ =	shalt  }
.Lfunc_end0:
.L_simem_size_0:
called_computation.3_lowered:
.L_overlay_start_0:
0x88: {  	s2 =	sld [smem:$0x3FD9]  }
0x89: {  	s3 =	sld [smem:$0x3FFE];
	_ =	sdelay $0x1  }
0x8a: {  	s1 =	srdreg.scid  }
0x8b: {  	s0 =	sand.u32 $0x1, s1  }
0x8c: {  	s17 =	sshll.u32 s0, $0xA;
	s2 =	sadd.s32 s3, s2  }
0x8d: {  	s2 =	sadd.s32 s2, s17  }
0x8e: {  	[smem:$0x3FBE] =	sst s2  }
0x8f: {  	_ = 	snop  }
0x90: {  	(tm) =	ssettm $0x1  }
0x91: {  	s18 =	sld [smem:$0x3FFB];
	_ =	sdelay $0x3  }
0x92: {  	_ =	strace s18  }
0x93: {  	s2 =	sld [smem:$0x3FFC];
	_ =	sdelay $0x3  }
0x94: {  	_ =	strace s2  }
0x95: {  	s2 =	sld [smem:$0x3FFD];
	_ =	sdelay $0x3  }
0x96: {  	_ =	strace s2  }
0x97: {  	_ =	strace $0x8FFFFFFF  }
0x98: {  	s19 =	sld [smem:$0x3FDB];
	_ =	sdelay $0x1  }
0x99: {  	s20 =	simm.s32 $_scs_section_size  }
0x9a: {  	s4 =	simm.s32 $_size__tile_overlayer_lowered;
	s5 =	simm.s32 $_tile_overlayer_lowered  }
0x9b: {  	s6 =	simm.s32 $0x1BFF;
	s21 =	sshll.u32 s5, $0x1;
	s3 =	sadd.s32 s20, s19  }
0x9c: {  	s22 =	simm.s32 $0x0;
	s4 =	sshll.u32 s4, $0x1;
	s5 =	sadd.s32 s21, s3  }
0x9d: {  	[timem:s22], [sflag:s6] =	dma.local [hbm:s5], s4  }
0x9e: {  	_ =	swait.ge [sflag:s6], s4  }
0x9f: {  	s4 =	ssub.s32 $0x0, s4;
	[sflag:s6] =	ssyncset.done $0x0  }
0xa0: {  	[sflag:s6] =	ssyncadd.s32 s4;
	_ =	sdelay $0x1  }
0xa1: {  	s23 =	simm.s32 $0x1B8B  }
0xa2: {  	_ =	swait.ge [sflag:s23], $0x1  }
0xa3: {  	[sflag:s23] =	ssyncset.done $0x0  }
0xa4: {  	[sflag:s23] =	ssyncadd.s32 $0xFFFFFFFF  }
0xa5: {  	s4 =	sld [smem:$0x0]  }
0xa6: {  	s5 =	sand.u32 $0xFFFFFFFE, s1  }
0xa7: {  	p0 =	sne.s32 s1, s5  }
0xa8: {  	s5 =	sshll.u32 @p0 s5, $0xE  }
0xa9: {  	s5 =	sadd.s32 @p0 $0x11B8D, s5;
	s6 =	sshll.u32 @p0 s4, $0x11  }
0xaa: {  	s5 =	sor.u32 @p0 s6, s5  }
0xab: {  	[sflag:s5] =	ssyncadd.remote.s32 @p0 $0x1;
	_ =	sdelay $0x1  }
0xac: {  	s5 =	simm.s32 @p0 $0x1B8D  }
0xad: {  	_ =	swait.eq @p0 [sflag:s5], $0x1  }
0xae: {  	[sflag:s5] =	ssyncadd.s32 @p0 $0xFFFFFFFF  }
0xaf: {  	s6 =	sshll.u32 @!p0 s1, $0xE  }
0xb0: {  	s6 =	sor.u32 @!p0 $0x4000, s6;
	s5 =	simm.s32 @!p0 $0x1B8D  }
0xb1: {  	s4 =	sshll.u32 @!p0 s4, $0x11;
	s6 =	sadd.s32 @!p0 $0x11B8D, s6;
	_ =	swait.eq @!p0 [sflag:s5], $0x1  }
0xb2: {  	s4 =	sor.u32 @!p0 s4, s6;
	[sflag:s5] =	ssyncadd.s32 @!p0 $0xFFFFFFFF  }
0xb3: {  	s25 =	simm.s32 $0x1B8E;
	s24 =	sld [smem:$0x3FFE];
	[sflag:s4] =	ssyncadd.remote.s32 @!p0 $0x1  }
0xb4: {  	s26 =	simm.s32 $execute0_lowered;
	[smem:$0x3FD2] =	sst s25  }
0xb5: {  	s5 =	sshll.u32 s26, $0x1;
	_ =	strace $0x80000058;
	[dreg:$0x1] =	wrdreg $0xFFFFFFFF  }
0xb6: {  	s28 =	simm.s32 $_size_execute0_lowered;
	s3 =	sadd.s32 s3, s5;
	[dreg:$0x0] =	wrdreg $0x0  }
0xb7: {  	s5 =	sshll.u32 s28, $0x1;
	[dreg:$0x2] =	wrdreg s3  }
0xb8: {  	[dreg:$0x3] =	wrdreg s5  }
0xb9: {  	[dreg:$0x4] =	wrdreg $0xC0  }
0xba: {  	_ =	task [dreg:s22], $0x5FFFF  }
0xbb: {  	[dreg:$0x1] =	wrdreg $0xFFFFFFFF  }
0xbc: {  	[dreg:$0x0] =	wrdreg $0x60  }
0xbd: {  	[dreg:$0x2] =	wrdreg s24  }
0xbe: {  	[dreg:$0x3] =	wrdreg $0xB4000  }
0xbf: {  	[dreg:$0x4] =	wrdreg $0x9  }
0xc0: {  	_ =	task.clear_ibuf [dreg:s22], $0x5FFFF;
	_ =	strace $0x90000058  }
0xc1: {  	s29 =	simm.s32 $0x9;
	_ =	strace $0x8000005A  }
0xc2: {  	_ =	swait.ge [sflag:s29], $0x1  }
0xc3: {  	[sflag:s29] =	ssyncadd.s32 $0xFFFFFFFF  }
0xc4: {  	_ =	strace $0x9000005A  }
0xc5: {  	_ =	sfence  }
0xc6: {  	s30 =	sld [smem:$0x0];
	_ =	sdelay $0x2  }
0xc7: {  	s31 =	sshll.u32 s1, $0xD;
	s1 =	sshrl.u32 s1, $0x2  }
0xc8: {  	s4 =	sand.u32 $0x4000, s31;
	s1 =	sadd.s32 s1, s30  }
0xc9: {  	s0 =	sor.u32 s4, s0;
	s1 =	sshll.u32 s1, $0x11  }
0xca: {  	s0 =	sor.u32 s1, s0  }
0xcb: {  	s0 =	sadd.s32 $0x8F2B, s0  }
0xcc: {  	[sflag:s0] =	ssyncadd.remote.s32 $0x1  }
0xcd: {  	_ =	sfence.sel $0xFFFF  }
0xce: {  	[dreg:$0x0] =	wrdreg $0xFFFFFFFF;
	(pc) =	sbr.abs _section_cstart, $3  }
0xcf: {  	[dreg:$0x1] =	wrdreg $0xFFFFFFFF  }
0xd0: {  	_ =	task.clear_ibuf [dreg:s22], $0x2FFFF;
	_ =	strace $0x9FFFFFFF  }
0xd1: {  	(tm) =	ssettm $0x7FFFFFFF  }
tec
execute0_lowered:
.L_overlay_start_1:
0x0: {  	(tag) =	ssettag $0x1  }
0x1: {  	s0 =	rddreg [dreg:$0x0]  }
0x2: {  	s1 =	rddreg [dreg:$0x1];
	s2 =	srdreg.scid  }
0x3: {  	s10 =	stileid.u32;
	s11 =	simm.s32 $0x1;
	s12 =	simm.s32 $0x80  }
0x4: {  	s13 =	simm.s32 $0x400;
	s14 =	simm.s32 $0xA00;
	s15 =	simm.s32 $0x140  }
0x5: {  	s16 =	simm.s32 $0x1400;
	s17 =	simm.s32 $0xB40;
	s18 =	simm.s32 $0x280  }
0x6: {  	s19 =	simm.s32 $0xC80;
	s20 =	simm.s32 $0x3C0;
	s21 =	simm.s32 $0xDC0  }
0x7: {  	s22 =	simm.s32 $0x500;
	s28 =	simm.s32 $0x780;
	s29 =	simm.s32 $0x1180  }
0x8: {  	s30 =	simm.s32 $0x8C0;
	s31 =	simm.s32 $0x12C0;
	s2 =	sand.u32 $0x1, s2  }
0x9: {  	s3 =	sshrl.u32 s10, $0x2;
	s4 =	sshll.u32 s10, $0x8;
	s7 =	smul.u32 $0x4F000, s10  }
0xa: {  	s8 =	sadd.s32 $0x40200, s0;
	s25 =	sshll.u32 s10, $0x6;
	s26 =	smul.u32 $0x2780, s10  }
0xb: {  	s5 =	smul.u32 $0x14000, s3;
	s4 =	sand.u32 $0x300, s4;
	s6 =	sshll.u32 s2, $0x7  }
0xc: {  	s3 =	simm.s32 $0x0;
	s23 =	smul.u32 $0x27800, s2;
	s2 =	ssub.s32 $0x2, s2  }
0xd: {  	s4 =	sor.u32 s6, s4;
	[smem:$0x7FF] =	sst s3;
	s24 =	sshrl.u32 s2, $0x1  }
0xe: {  	s7 =	sshrl.u32 s7, $0x2;
	s6 =	sor.u32 $0x1C01, s25;
	s25 =	simm.s32 $0x640  }
0xf: {  	s4 =	sor.u32 s5, s4;
	_ =	strace $0x80000059;
	[dreg:$0x3] =	wrdreg s8  }
0x10: {  	s2 =	ssub.s32 s2, s24;
	s9 =	sadd.s32 s7, s1;
	[dreg:$0x5] =	wrdreg s6  }
0x11: {  	s5 =	sshrl.u32 s4, $0x3;
	s4 =	sadd.s32 $0x19000, s0;
	s2 =	smax.u32 s2, $0x1  }
0x12: {  	s9 =	sshrl.u32 s9, $0x3;
	s5 =	sadd.s32 s5, s0;
	s0 =	sadd.s32 s23, s0  }
0x13: {  	[dreg:$0x4] =	wrdreg s2;
	s23 =	simm.s32 $0xF00;
	s0 =	sadd.s32 $0x42A00, s0  }
0x14: {  	s2 =	simm.s32 $0x0;
	s7 =	sadd.s32 $0x5000, s5;
	s0 =	sadd.s32 s26, s0  }
0x15: {  	s8 =	sadd.s32 $0xF000, s5;
	s26 =	simm.s32 $0x1040;
	[dreg:$0x6] =	wrdreg s0  }
.LBB2_1:
0x16: {  	s0 =	rddreg [dreg:$0x3]  }
0x17: {  	[spmem:s9], [sflag:s6] =	dma.local [hbm:s0], $0x2780  }
0x18: {  	_ =	swait.ge [sflag:s11], $0x2780  }
0x19: {  	[sflag:s11] =	ssyncset.done $0x0  }
0x1a: {  	[sflag:s11] =	ssyncadd.s32 $0xFFFFD880  }
0x1b: {  	s10 =	smov.u32 s9;
	s9 =	sadd.s32 $0x0, s7;
	[bflag:$0x0] =	sbarrier.arrive $0xFFFF  }
0x1c: {  	[tilespmem:s3], [sflag:$0x1] =	stream.strided.gather [hbm4b:s9+s12], $0xA00, s13, s12, $0x38;
	[tilespmem:$0x1F000] =	vst v63  }
0x1d: {  	_ =	swait.ge [sflag:s11], $0xA00  }
0x1e: {  	[sflag:s11] =	ssyncset.done $0x0  }
0x1f: {  	s24 =	sadd.s32 $0x0, s8;
	[sflag:s11] =	ssyncadd.s32 $0xFFFFF600  }
0x20: {  	[tilespmem:s14], [sflag:$0x1] =	stream.strided.gather [hbm4b:s24+s12], $0xA00, s13, s12, $0x38;
	[tilespmem:$0x1F000] =	vst v63  }
0x21: {  	_ =	swait.ge [sflag:s11], $0xA00  }
0x22: {  	[sflag:s11] =	ssyncset.done $0x0  }
0x23: {  	[sflag:s11] =	ssyncadd.s32 $0xFFFFF600  }
0x24: {  	[tilespmem:s16], [sflag:$0x1] =	stream.indirect.gather [hbm4b:s4+s15], $0x80, s3, s15, $0xb8;
	[tilespmem:$0x1F000] =	vst v63  }
0x25: {  	_ =	swait.ge [sflag:s11], $0xA000  }
0x26: {  	[sflag:s11] =	ssyncset.done $0x0  }
0x27: {  	[sflag:s11] =	ssyncadd.s32 $0xFFFF6000  }
0x28: {  	[spmem:s1] =	stream.indirect.scatter.add.f32 [tilespmem:s16], [sflag:$0x1], $0x80, s14, s15, $0xb8;
	[tilespmem:$0x1F000] =	vst v63  }
0x29: {  	_ =	swait.ge [sflag:s11], $0xA000  }
0x2a: {  	[sflag:s11] =	ssyncset.done $0x0  }
0x2b: {  	[sflag:s11] =	ssyncadd.s32 $0xFFFF6000  }
0x2c: {  	[tilespmem:s16], [sflag:$0x1] =	stream.indirect.gather [hbm4b:s4+s15], $0x80, s15, s15, $0xb8;
	[tilespmem:$0x1F000] =	vst v63  }
0x2d: {  	_ =	swait.ge [sflag:s11], $0xA000  }
0x2e: {  	[sflag:s11] =	ssyncset.done $0x0  }
0x2f: {  	[sflag:s11] =	ssyncadd.s32 $0xFFFF6000  }
0x30: {  	[spmem:s1] =	stream.indirect.scatter.add.f32 [tilespmem:s16], [sflag:$0x1], $0x80, s17, s15, $0xb8;
	[tilespmem:$0x1F000] =	vst v63  }
0x31: {  	_ =	swait.ge [sflag:s11], $0xA000  }
0x32: {  	[sflag:s11] =	ssyncset.done $0x0  }
0x33: {  	[sflag:s11] =	ssyncadd.s32 $0xFFFF6000  }
0x34: {  	[tilespmem:s16], [sflag:$0x1] =	stream.indirect.gather [hbm4b:s4+s15], $0x80, s18, s15, $0xb8;
	[tilespmem:$0x1F000] =	vst v63  }
0x35: {  	_ =	swait.ge [sflag:s11], $0xA000  }
0x36: {  	[sflag:s11] =	ssyncset.done $0x0  }
0x37: {  	[sflag:s11] =	ssyncadd.s32 $0xFFFF6000  }
0x38: {  	[spmem:s1] =	stream.indirect.scatter.add.f32 [tilespmem:s16], [sflag:$0x1], $0x80, s19, s15, $0xb8;
	[tilespmem:$0x1F000] =	vst v63  }
0x39: {  	_ =	swait.ge [sflag:s11], $0xA000  }
0x3a: {  	[sflag:s11] =	ssyncset.done $0x0  }
0x3b: {  	[sflag:s11] =	ssyncadd.s32 $0xFFFF6000  }
0x3c: {  	[tilespmem:s16], [sflag:$0x1] =	stream.indirect.gather [hbm4b:s4+s15], $0x80, s20, s15, $0xb8;
	[tilespmem:$0x1F000] =	vst v63  }
0x3d: {  	_ =	swait.ge [sflag:s11], $0xA000  }
0x3e: {  	[sflag:s11] =	ssyncset.done $0x0  }
0x3f: {  	[sflag:s11] =	ssyncadd.s32 $0xFFFF6000  }
0x40: {  	[spmem:s1] =	stream.indirect.scatter.add.f32 [tilespmem:s16], [sflag:$0x1], $0x80, s21, s15, $0xb8;
	[tilespmem:$0x1F000] =	vst v63  }
0x41: {  	_ =	swait.ge [sflag:s11], $0xA000  }
0x42: {  	[sflag:s11] =	ssyncset.done $0x0  }
0x43: {  	[sflag:s11] =	ssyncadd.s32 $0xFFFF6000  }
0x44: {  	[tilespmem:s16], [sflag:$0x1] =	stream.indirect.gather [hbm4b:s4+s15], $0x80, s22, s15, $0xb8;
	[tilespmem:$0x1F000] =	vst v63  }
0x45: {  	_ =	swait.ge [sflag:s11], $0xA000  }
0x46: {  	[sflag:s11] =	ssyncset.done $0x0  }
0x47: {  	[sflag:s11] =	ssyncadd.s32 $0xFFFF6000  }
0x48: {  	[spmem:s1] =	stream.indirect.scatter.add.f32 [tilespmem:s16], [sflag:$0x1], $0x80, s23, s15, $0xb8;
	[tilespmem:$0x1F000] =	vst v63  }
0x49: {  	_ =	swait.ge [sflag:s11], $0xA000  }
0x4a: {  	[sflag:s11] =	ssyncset.done $0x0  }
0x4b: {  	[sflag:s11] =	ssyncadd.s32 $0xFFFF6000  }
0x4c: {  	[tilespmem:s16], [sflag:$0x1] =	stream.indirect.gather [hbm4b:s4+s15], $0x80, s25, s15, $0xb8;
	[tilespmem:$0x1F000] =	vst v63  }
0x4d: {  	_ =	swait.ge [sflag:s11], $0xA000  }
0x4e: {  	[sflag:s11] =	ssyncset.done $0x0  }
0x4f: {  	[sflag:s11] =	ssyncadd.s32 $0xFFFF6000  }
0x50: {  	[spmem:s1] =	stream.indirect.scatter.add.f32 [tilespmem:s16], [sflag:$0x1], $0x80, s26, s15, $0xb8;
	[tilespmem:$0x1F000] =	vst v63  }
0x51: {  	_ =	swait.ge [sflag:s11], $0xA000  }
0x52: {  	[sflag:s11] =	ssyncset.done $0x0  }
0x53: {  	[sflag:s11] =	ssyncadd.s32 $0xFFFF6000  }
0x54: {  	[tilespmem:s16], [sflag:$0x1] =	stream.indirect.gather [hbm4b:s4+s15], $0x80, s28, s15, $0xb8;
	[tilespmem:$0x1F000] =	vst v63  }
0x55: {  	_ =	swait.ge [sflag:s11], $0xA000  }
0x56: {  	[sflag:s11] =	ssyncset.done $0x0  }
0x57: {  	[sflag:s11] =	ssyncadd.s32 $0xFFFF6000  }
0x58: {  	[spmem:s1] =	stream.indirect.scatter.add.f32 [tilespmem:s16], [sflag:$0x1], $0x80, s29, s15, $0xb8;
	[tilespmem:$0x1F000] =	vst v63  }
0x59: {  	_ =	swait.ge [sflag:s11], $0xA000  }
0x5a: {  	[sflag:s11] =	ssyncset.done $0x0  }
0x5b: {  	[sflag:s11] =	ssyncadd.s32 $0xFFFF6000  }
0x5c: {  	[tilespmem:s16], [sflag:$0x1] =	stream.indirect.gather [hbm4b:s4+s15], $0x80, s30, s15, $0xb8;
	[tilespmem:$0x1F000] =	vst v63  }
0x5d: {  	_ =	swait.ge [sflag:s11], $0xA000  }
0x5e: {  	[sflag:s11] =	ssyncset.done $0x0  }
0x5f: {  	[sflag:s11] =	ssyncadd.s32 $0xFFFF6000  }
0x60: {  	[spmem:s1] =	stream.indirect.scatter.add.f32 [tilespmem:s16], [sflag:$0x1], $0x80, s31, s15, $0xb8;
	[tilespmem:$0x1F000] =	vst v63  }
0x61: {  	_ =	swait.ge [sflag:s11], $0xA000  }
0x62: {  	s5 =	simm.s32 $0x1400;
	s0 =	simm.s32 $0xA00;
	[sflag:s11] =	ssyncset.done $0x0  }
.LBB2_2:
0x63: {  	s24 =	sadd.s32 s0, s7  }
0x64: {  	[sflag:s11] =	ssyncadd.s32 $0xFFFF6000;
	s6 =	smov.u32 s5;
	s9 =	sadd.s32 $0xA00, s5  }
0x65: {  	[tilespmem:s3], [sflag:$0x1] =	stream.strided.gather [hbm4b:s24+s12], $0xA00, s13, s12, $0x38;
	[tilespmem:$0x1F000] =	vst v63  }
0x66: {  	p0 =	sne.s32 s5, $0x1E00;
	_ =	swait.ge [sflag:s11], $0xA00  }
0x67: {  	[sflag:s11] =	ssyncset.done $0x0  }
0x68: {  	s5 =	sadd.s32 s0, s8;
	s0 =	smov.u32 s6;
	[sflag:s11] =	ssyncadd.s32 $0xFFFFF600  }
0x69: {  	[tilespmem:s14], [sflag:$0x1] =	stream.strided.gather [hbm4b:s5+s12], $0xA00, s13, s12, $0x38;
	[tilespmem:$0x1F000] =	vst v63  }
0x6a: {  	_ =	swait.ge [sflag:s11], $0xA00  }
0x6b: {  	[sflag:s11] =	ssyncset.done $0x0  }
0x6c: {  	[sflag:s11] =	ssyncadd.s32 $0xFFFFF600  }
0x6d: {  	[tilespmem:s16], [sflag:$0x1] =	stream.indirect.gather [hbm4b:s4+s15], $0x80, s3, s15, $0xb8;
	[tilespmem:$0x1F000] =	vst v63  }
0x6e: {  	_ =	swait.ge [sflag:s11], $0xA000  }
0x6f: {  	[sflag:s11] =	ssyncset.done $0x0  }
0x70: {  	[sflag:s11] =	ssyncadd.s32 $0xFFFF6000  }
0x71: {  	[spmem:s1] =	stream.indirect.scatter.add.f32 [tilespmem:s16], [sflag:$0x1], $0x80, s14, s15, $0xb8;
	[tilespmem:$0x1F000] =	vst v63  }
0x72: {  	_ =	swait.ge [sflag:s11], $0xA000  }
0x73: {  	[sflag:s11] =	ssyncset.done $0x0  }
0x74: {  	[sflag:s11] =	ssyncadd.s32 $0xFFFF6000  }
0x75: {  	[tilespmem:s16], [sflag:$0x1] =	stream.indirect.gather [hbm4b:s4+s15], $0x80, s15, s15, $0xb8;
	[tilespmem:$0x1F000] =	vst v63  }
0x76: {  	_ =	swait.ge [sflag:s11], $0xA000  }
0x77: {  	[sflag:s11] =	ssyncset.done $0x0  }
0x78: {  	[sflag:s11] =	ssyncadd.s32 $0xFFFF6000  }
0x79: {  	[spmem:s1] =	stream.indirect.scatter.add.f32 [tilespmem:s16], [sflag:$0x1], $0x80, s17, s15, $0xb8;
	[tilespmem:$0x1F000] =	vst v63  }
0x7a: {  	_ =	swait.ge [sflag:s11], $0xA000  }
0x7b: {  	[sflag:s11] =	ssyncset.done $0x0  }
0x7c: {  	[sflag:s11] =	ssyncadd.s32 $0xFFFF6000  }
0x7d: {  	[tilespmem:s16], [sflag:$0x1] =	stream.indirect.gather [hbm4b:s4+s15], $0x80, s18, s15, $0xb8;
	[tilespmem:$0x1F000] =	vst v63  }
0x7e: {  	_ =	swait.ge [sflag:s11], $0xA000  }
0x7f: {  	[sflag:s11] =	ssyncset.done $0x0  }
0x80: {  	[sflag:s11] =	ssyncadd.s32 $0xFFFF6000  }
0x81: {  	[spmem:s1] =	stream.indirect.scatter.add.f32 [tilespmem:s16], [sflag:$0x1], $0x80, s19, s15, $0xb8;
	[tilespmem:$0x1F000] =	vst v63  }
0x82: {  	_ =	swait.ge [sflag:s11], $0xA000  }
0x83: {  	[sflag:s11] =	ssyncset.done $0x0  }
0x84: {  	[sflag:s11] =	ssyncadd.s32 $0xFFFF6000  }
0x85: {  	[tilespmem:s16], [sflag:$0x1] =	stream.indirect.gather [hbm4b:s4+s15], $0x80, s20, s15, $0xb8;
	[tilespmem:$0x1F000] =	vst v63  }
0x86: {  	_ =	swait.ge [sflag:s11], $0xA000  }
0x87: {  	[sflag:s11] =	ssyncset.done $0x0  }
0x88: {  	[sflag:s11] =	ssyncadd.s32 $0xFFFF6000  }
0x89: {  	[spmem:s1] =	stream.indirect.scatter.add.f32 [tilespmem:s16], [sflag:$0x1], $0x80, s21, s15, $0xb8;
	[tilespmem:$0x1F000] =	vst v63  }
0x8a: {  	_ =	swait.ge [sflag:s11], $0xA000  }
0x8b: {  	[sflag:s11] =	ssyncset.done $0x0  }
0x8c: {  	[sflag:s11] =	ssyncadd.s32 $0xFFFF6000  }
0x8d: {  	[tilespmem:s16], [sflag:$0x1] =	stream.indirect.gather [hbm4b:s4+s15], $0x80, s22, s15, $0xb8;
	[tilespmem:$0x1F000] =	vst v63  }
0x8e: {  	_ =	swait.ge [sflag:s11], $0xA000  }
0x8f: {  	[sflag:s11] =	ssyncset.done $0x0  }
0x90: {  	[sflag:s11] =	ssyncadd.s32 $0xFFFF6000  }
0x91: {  	[spmem:s1] =	stream.indirect.scatter.add.f32 [tilespmem:s16], [sflag:$0x1], $0x80, s23, s15, $0xb8;
	[tilespmem:$0x1F000] =	vst v63  }
0x92: {  	_ =	swait.ge [sflag:s11], $0xA000  }
0x93: {  	[sflag:s11] =	ssyncset.done $0x0  }
0x94: {  	[sflag:s11] =	ssyncadd.s32 $0xFFFF6000  }
0x95: {  	[tilespmem:s16], [sflag:$0x1] =	stream.indirect.gather [hbm4b:s4+s15], $0x80, s25, s15, $0xb8;
	[tilespmem:$0x1F000] =	vst v63  }
0x96: {  	_ =	swait.ge [sflag:s11], $0xA000  }
0x97: {  	[sflag:s11] =	ssyncset.done $0x0  }
0x98: {  	[sflag:s11] =	ssyncadd.s32 $0xFFFF6000  }
0x99: {  	[spmem:s1] =	stream.indirect.scatter.add.f32 [tilespmem:s16], [sflag:$0x1], $0x80, s26, s15, $0xb8;
	[tilespmem:$0x1F000] =	vst v63  }
0x9a: {  	_ =	swait.ge [sflag:s11], $0xA000  }
0x9b: {  	[sflag:s11] =	ssyncset.done $0x0  }
0x9c: {  	[sflag:s11] =	ssyncadd.s32 $0xFFFF6000  }
0x9d: {  	[tilespmem:s16], [sflag:$0x1] =	stream.indirect.gather [hbm4b:s4+s15], $0x80, s28, s15, $0xb8;
	[tilespmem:$0x1F000] =	vst v63  }
0x9e: {  	_ =	swait.ge [sflag:s11], $0xA000  }
0x9f: {  	[sflag:s11] =	ssyncset.done $0x0  }
0xa0: {  	[sflag:s11] =	ssyncadd.s32 $0xFFFF6000  }
0xa1: {  	[spmem:s1] =	stream.indirect.scatter.add.f32 [tilespmem:s16], [sflag:$0x1], $0x80, s29, s15, $0xb8;
	[tilespmem:$0x1F000] =	vst v63  }
0xa2: {  	_ =	swait.ge [sflag:s11], $0xA000  }
0xa3: {  	[sflag:s11] =	ssyncset.done $0x0  }
0xa4: {  	[sflag:s11] =	ssyncadd.s32 $0xFFFF6000  }
0xa5: {  	[tilespmem:s16], [sflag:$0x1] =	stream.indirect.gather [hbm4b:s4+s15], $0x80, s30, s15, $0xb8;
	[tilespmem:$0x1F000] =	vst v63  }
0xa6: {  	_ =	swait.ge [sflag:s11], $0xA000  }
.Ltmp0:
0xa7: {  	[sflag:s11] =	ssyncset.done $0x0;
	(pc) =	sbr.rel @p0 .LBB2_2-.Ltmp0, $4  }
0xa8: {  	[sflag:s11] =	ssyncadd.s32 $0xFFFF6000  }
0xa9: {  	[spmem:s1] =	stream.indirect.scatter.add.f32 [tilespmem:s16], [sflag:$0x1], $0x80, s31, s15, $0xb8;
	[tilespmem:$0x1F000] =	vst v63  }
0xaa: {  	_ =	swait.ge [sflag:s11], $0xA000  }
0xab: {  	s5 =	smov.u32 s9;
	[sflag:s11] =	ssyncset.done $0x0  }
0xac: {  	s5 =	sadd.s32 s0, s7;
	[sflag:s11] =	ssyncadd.s32 $0xFFFF6000  }
0xad: {  	[tilespmem:s3], [sflag:$0x1] =	stream.strided.gather [hbm4b:s5+s12], $0xA00, s13, s12, $0x38;
	[tilespmem:$0x1F000] =	vst v63  }
0xae: {  	_ =	swait.ge [sflag:s11], $0xA00  }
0xaf: {  	[sflag:s11] =	ssyncset.done $0x0  }
0xb0: {  	s24 =	sadd.s32 s0, s8;
	[sflag:s11] =	ssyncadd.s32 $0xFFFFF600  }
0xb1: {  	[tilespmem:s14], [sflag:$0x1] =	stream.strided.gather [hbm4b:s24+s12], $0xA00, s13, s12, $0x38;
	[tilespmem:$0x1F000] =	vst v63  }
0xb2: {  	_ =	swait.ge [sflag:s11], $0xA00  }
0xb3: {  	[sflag:s11] =	ssyncset.done $0x0  }
0xb4: {  	[sflag:s11] =	ssyncadd.s32 $0xFFFFF600  }
0xb5: {  	[tilespmem:s16], [sflag:$0x1] =	stream.indirect.gather [hbm4b:s4+s15], $0x80, s3, s15, $0xb8;
	[tilespmem:$0x1F000] =	vst v63  }
0xb6: {  	_ =	swait.ge [sflag:s11], $0xA000  }
0xb7: {  	[sflag:s11] =	ssyncset.done $0x0  }
0xb8: {  	[sflag:s11] =	ssyncadd.s32 $0xFFFF6000  }
0xb9: {  	[spmem:s1] =	stream.indirect.scatter.add.f32 [tilespmem:s16], [sflag:$0x1], $0x80, s14, s15, $0xb8;
	[tilespmem:$0x1F000] =	vst v63  }
0xba: {  	_ =	swait.ge [sflag:s11], $0xA000  }
0xbb: {  	[sflag:s11] =	ssyncset.done $0x0  }
0xbc: {  	[sflag:s11] =	ssyncadd.s32 $0xFFFF6000  }
0xbd: {  	[tilespmem:s16], [sflag:$0x1] =	stream.indirect.gather [hbm4b:s4+s15], $0x80, s15, s15, $0xb8;
	[tilespmem:$0x1F000] =	vst v63  }
0xbe: {  	_ =	swait.ge [sflag:s11], $0xA000  }
0xbf: {  	[sflag:s11] =	ssyncset.done $0x0  }
0xc0: {  	[sflag:s11] =	ssyncadd.s32 $0xFFFF6000  }
0xc1: {  	[spmem:s1] =	stream.indirect.scatter.add.f32 [tilespmem:s16], [sflag:$0x1], $0x80, s17, s15, $0xb8;
	[tilespmem:$0x1F000] =	vst v63  }
0xc2: {  	_ =	swait.ge [sflag:s11], $0xA000  }
0xc3: {  	[sflag:s11] =	ssyncset.done $0x0  }
0xc4: {  	[sflag:s11] =	ssyncadd.s32 $0xFFFF6000  }
0xc5: {  	[tilespmem:s16], [sflag:$0x1] =	stream.indirect.gather [hbm4b:s4+s15], $0x80, s18, s15, $0xb8;
	[tilespmem:$0x1F000] =	vst v63  }
0xc6: {  	_ =	swait.ge [sflag:s11], $0xA000  }
0xc7: {  	[sflag:s11] =	ssyncset.done $0x0  }
0xc8: {  	[sflag:s11] =	ssyncadd.s32 $0xFFFF6000  }
0xc9: {  	[spmem:s1] =	stream.indirect.scatter.add.f32 [tilespmem:s16], [sflag:$0x1], $0x80, s19, s15, $0xb8;
	[tilespmem:$0x1F000] =	vst v63  }
0xca: {  	_ =	swait.ge [sflag:s11], $0xA000  }
0xcb: {  	[sflag:s11] =	ssyncset.done $0x0  }
0xcc: {  	[sflag:s11] =	ssyncadd.s32 $0xFFFF6000  }
0xcd: {  	[tilespmem:s16], [sflag:$0x1] =	stream.indirect.gather [hbm4b:s4+s15], $0x80, s20, s15, $0xb8;
	[tilespmem:$0x1F000] =	vst v63  }
0xce: {  	_ =	swait.ge [sflag:s11], $0xA000  }
0xcf: {  	[sflag:s11] =	ssyncset.done $0x0  }
0xd0: {  	[sflag:s11] =	ssyncadd.s32 $0xFFFF6000  }
0xd1: {  	[spmem:s1] =	stream.indirect.scatter.add.f32 [tilespmem:s16], [sflag:$0x1], $0x80, s21, s15, $0xb8;
	[tilespmem:$0x1F000] =	vst v63  }
0xd2: {  	_ =	swait.ge [sflag:s11], $0xA000  }
0xd3: {  	[sflag:s11] =	ssyncset.done $0x0  }
0xd4: {  	[sflag:s11] =	ssyncadd.s32 $0xFFFF6000  }
0xd5: {  	[tilespmem:s16], [sflag:$0x1] =	stream.indirect.gather [hbm4b:s4+s15], $0x80, s22, s15, $0xb8;
	[tilespmem:$0x1F000] =	vst v63  }
0xd6: {  	_ =	swait.ge [sflag:s11], $0xA000  }
0xd7: {  	[sflag:s11] =	ssyncset.done $0x0  }
0xd8: {  	[sflag:s11] =	ssyncadd.s32 $0xFFFF6000  }
0xd9: {  	[spmem:s1] =	stream.indirect.scatter.add.f32 [tilespmem:s16], [sflag:$0x1], $0x80, s23, s15, $0xb8;
	[tilespmem:$0x1F000] =	vst v63  }
0xda: {  	_ =	swait.ge [sflag:s11], $0xA000  }
0xdb: {  	[sflag:s11] =	ssyncset.done $0x0  }
0xdc: {  	[sflag:s11] =	ssyncadd.s32 $0xFFFF6000  }
0xdd: {  	[tilespmem:s16], [sflag:$0x1] =	stream.indirect.gather [hbm4b:s4+s15], $0x80, s25, s15, $0xb8;
	[tilespmem:$0x1F000] =	vst v63  }
0xde: {  	_ =	swait.ge [sflag:s11], $0xA000  }
0xdf: {  	[sflag:s11] =	ssyncset.done $0x0  }
0xe0: {  	[sflag:s11] =	ssyncadd.s32 $0xFFFF6000  }
0xe1: {  	[spmem:s1] =	stream.indirect.scatter.add.f32 [tilespmem:s16], [sflag:$0x1], $0x80, s26, s15, $0xb8;
	[tilespmem:$0x1F000] =	vst v63  }
0xe2: {  	_ =	swait.ge [sflag:s11], $0xA000  }
0xe3: {  	[sflag:s11] =	ssyncset.done $0x0  }
0xe4: {  	[sflag:s11] =	ssyncadd.s32 $0xFFFF6000  }
0xe5: {  	[tilespmem:s16], [sflag:$0x1] =	stream.indirect.gather [hbm4b:s4+s15], $0x80, s28, s15, $0xb8;
	[tilespmem:$0x1F000] =	vst v63  }
0xe6: {  	_ =	swait.ge [sflag:s11], $0xA000  }
0xe7: {  	[sflag:s11] =	ssyncset.done $0x0  }
0xe8: {  	[sflag:s11] =	ssyncadd.s32 $0xFFFF6000  }
0xe9: {  	[spmem:s1] =	stream.indirect.scatter.add.f32 [tilespmem:s16], [sflag:$0x1], $0x80, s29, s15, $0xb8;
	[tilespmem:$0x1F000] =	vst v63  }
0xea: {  	_ =	swait.ge [sflag:s11], $0xA000  }
0xeb: {  	[sflag:s11] =	ssyncset.done $0x0  }
0xec: {  	[sflag:s11] =	ssyncadd.s32 $0xFFFF6000  }
0xed: {  	[tilespmem:s16], [sflag:$0x1] =	stream.indirect.gather [hbm4b:s4+s15], $0x80, s30, s15, $0xb8;
	[tilespmem:$0x1F000] =	vst v63  }
0xee: {  	_ =	swait.ge [sflag:s11], $0xA000  }
0xef: {  	[sflag:s11] =	ssyncset.done $0x0  }
0xf0: {  	[sflag:s11] =	ssyncadd.s32 $0xFFFF6000  }
0xf1: {  	[spmem:s1] =	stream.indirect.scatter.add.f32 [tilespmem:s16], [sflag:$0x1], $0x80, s31, s15, $0xb8;
	[tilespmem:$0x1F000] =	vst v63  }
0xf2: {  	_ =	swait.ge [sflag:s11], $0xA000  }
0xf3: {  	[sflag:s11] =	ssyncset.done $0x0  }
0xf4: {  	[sflag:s11] =	ssyncadd.s32 $0xFFFF6000  }
0xf5: {  	[bflag:$0x0] =	sbarrier.arrive $0xFFFF  }
0xf6: {  	s6 =	rddreg [dreg:$0x5]  }
0xf7: {  	s5 =	rddreg [dreg:$0x6]  }
0xf8: {  	[hbm:s5], [sflag:s6] =	dma.local [spmem:s10], $0x2780  }
0xf9: {  	_ =	swait.ge [sflag:s11], $0x2780  }
0xfa: {  	s2 =	sadd.s32 $0x1, s2;
	s24 =	rddreg [dreg:$0x4]  }
0xfb: {  	p0 =	sne.s32 s2, s24  }
.Ltmp1:
0xfc: {  	_ = 	snop;
	(pc) =	sbr.rel @p0 .LBB2_1-.Ltmp1, $3  }
0xfd: {  	_ =	sdelay $0x1  }
0xfe: {  	[sflag:s11] =	ssyncset.done $0x0  }
0xff: {  	s9 =	smov.u32 s10;
	[sflag:s11] =	ssyncadd.s32 $0xFFFFD880  }
0x100: {  	_ =	sfence.sel $0x180000  }
0x101: {  	[bflag:$0x0] =	sbarrier.arrive $0xFFFF  }
0x102: {  	_ =	strace $0x90000059  }
0x103: {  	s0 =	stileid.u32;
	[bflag:$0x2] =	sbarrier.arrive $0xFFFF  }
0x104: {  	p0 =	sne.s32 s0, $0x0;
	s0 =	rddreg [dreg:$0x2]  }
0x105: {  	s0 =	sadd.s32 @!p0 $0x100000, s0  }
0x106: {  	[sflag:s0] =	ssyncadd.tile.s32 @!p0 $0x1;
	_ =	shalt  }
.Lfunc_end2:
_tile_overlayer_lowered:
.L_overlay_start_2:
0x107: {  	(tag) =	ssettag $0x2  }
0x108: {  	s0 =	rddreg [dreg:$0x0];
	s2 =	stileid.u32  }
0x109: {  	s1 =	rddreg [dreg:$0x1];
	p0 =	sne.s32 s2, $0x0  }
0x10a: {  	s3 =	rddreg [dreg:$0x2];
	[bflag:$0x3] =	sbarrier.arrive $0xFFFF;
	s2 =	simm.s32 @!p0 $0x1C01  }
0x10b: {  	[timem:s3], [sflag:s2] =	dma.local @!p0 [hbm:s0], s1  }
0x10c: {  	s0 =	simm.s32 @!p0 $0x1  }
0x10d: {  	_ =	swait.ge @!p0 [sflag:s0], s1  }
0x10e: {  	s1 =	ssub.s32 @!p0 $0x0, s1;
	[sflag:s0] =	ssyncset.done @!p0 $0x0  }
0x10f: {  	[sflag:s0] =	ssyncadd.s32 @!p0 s1  }
0x110: {  	[bflag:$0x3] =	sbarrier.arrive $0xFFFF  }
0x111: {  	_ =	shalt  }

// kernel: kernel.33.cloned.1.call-start
scs
__scs_entry_jumppad:
0x0: {  	(pc) =	sbr.rel $0x88, $3  }
0x1: {  	(tag) =	ssettag $0x0;
	lr =	simm.s32 $0x1  }
0x2: {  	[smem:$0x3F97] =	sst lr;
	_ =	strace $0xD0000000  }
0x3: {  	_ = 	snop  }
0x4: {  	_ = 	snop  }
0x5: {  	_ = 	snop  }
0x6: {  	_ = 	snop  }
0x7: {  	_ = 	snop  }
__scs_overlays_trampoline_lowered:
0x8: {  	[smem:$0x3FA6] =	sst s0  }
0x9: {  	[smem:$0x3FA7] =	sst s1  }
0xa: {  	[smem:$0x3FA8] =	sst s2  }
0xb: {  	[smem:$0x3FA9] =	sst s3  }
0xc: {  	[smem:$0x3FAA] =	sst s4  }
0xd: {  	[smem:$0x3FAB] =	sst s5  }
0xe: {  	[smem:$0x3FAC] =	sst s6  }
0xf: {  	[smem:$0x3FAD] =	sst s7  }
0x10: {  	[smem:$0x3FAE] =	sst s8  }
0x11: {  	[smem:$0x3FAF] =	sst s9;
	s0 =	simm.s32 @!p0 $0x0  }
0x12: {  	s1 =	sld [smem:$0x3F95];
	s0 =	simm.s32 @p0 $0x1  }
0x13: {  	[smem:$0x3FB0] =	sst s0;
	s0 =	simm.s32 @!p1 $0x0  }
0x14: {  	s2 =	sld [smem:$0x3F94];
	s0 =	simm.s32 @p1 $0x1  }
0x15: {  	[smem:$0x3FB1] =	sst s0;
	s0 =	simm.s32 @!p2 $0x0  }
0x16: {  	s3 =	sld [smem:$0x3FDB];
	s0 =	simm.s32 @p2 $0x1  }
0x17: {  	s4 =	simm.s32 $0x1BF5;
	[smem:$0x3FB3] =	sst s0  }
0x18: {  	s0 =	sld [smem:$0x3F96];
	_ =	swait.ge [sflag:s4], $0x0  }
0x19: {  	s7 =	sld [smem:$0x3F97]  }
0x1a: {  	s8 =	sadd.s32 $0xFFFFE003, lr  }
0x1b: {  	s9 =	sadd.s32 $0xFFFFFEF7, lr;
	s5 =	simm.s32 $0xFFFFFFFF;
	p2 =	slt.u32 s8, $0xFFFFF086  }
0x1c: {  	p1 =	slt.u32 s9, $0xF7A;
	s5 =	simm.s32 @!p2 $0x0  }
0x1d: {  	s5 =	simm.s32 @p1 $0x1;
	p0 =	seq.s32 s7, s2  }
0x1e: {  	s7 =	smul.u32 @!p0 $0xF7A, s2;
	p2 =	seq.s32 @!p0 s5, $0x0  }
0x1f: {  	s9 =	smul.u32 $0xF7A, s1;
	s8 =	simm.s32 @!p0 $0x1BF5;
	p2 =	por !p2, p0  }
0x20: {  	[sflag:s8] =	ssyncset.s32 @!p0 $0xFFFFF086;
	s6 =	sadd.s32 @!p0 s3, s7;
	s7 =	simm.s32 @!p0 $0x108  }
0x21: {  	s3 =	sadd.s32 s3, s9;
	s6 =	sadd.s32 @!p0 $0x88, s6;
	s7 =	simm.s32 @p2 $0x1082  }
0x22: {  	[simem:s7], [sflag:s8] =	dma.local @!p0 [hbm:s6], $0xF7A  }
0x23: {  	s9 =	sor.u32 $0xD0000000, s2;
	s6 =	simm.s32 $0x108;
	_ =	swait.ge @!p0 [sflag:s8], $0x0  }
0x24: {  	s3 =	sadd.s32 $0x88, s3;
	s6 =	simm.s32 @!p1 $0x1082;
	[sflag:s4] =	ssyncset.s32 $0xFFFFF086  }
0x25: {  	[simem:s6], [sflag:s4] =	dma.local [hbm:s3], $0xF7A  }
0x26: {  	[smem:$0x3F97] =	sst s1;
	(tag) =	ssettag s2;
	_ =	strace s9  }
0x27: {  	s1 =	sld [smem:$0x3FA7]  }
0x28: {  	s2 =	sld [smem:$0x3FA8]  }
0x29: {  	s4 =	sld [smem:$0x3FAA]  }
0x2a: {  	p0 =	seq.s32 s5, $0x0;
	s5 =	sld [smem:$0x3FAB]  }
0x2b: {  	s6 =	sld [smem:$0x3FAC]  }
0x2c: {  	s7 =	sld [smem:$0x3FAD]  }
0x2d: {  	s3 =	simm.s32 $0x108;
	s8 =	sld [smem:$0x3FAE]  }
0x2e: {  	s3 =	simm.s32 @!p0 $0x1082;
	s9 =	sld [smem:$0x3FAF]  }
0x2f: {  	lr =	sadd.s32 s0, s3;
	s0 =	sld [smem:$0x3FA6]  }
0x30: {  	s3 =	sld [smem:$0x3FA9]  }
0x31: {  	[smem:$0x3FB2] =	sst s10  }
0x32: {  	s10 =	sld [smem:$0x3FB0];
	_ =	sdelay $0x3  }
0x33: {  	p0 =	seq.s32 s10, $0x1;
	s10 =	sld [smem:$0x3FB2];
	_ =	sdelay $0x3  }
0x34: {  	[smem:$0x3FB2] =	sst s10  }
0x35: {  	s10 =	sld [smem:$0x3FB1];
	_ =	sdelay $0x3  }
0x36: {  	p1 =	seq.s32 s10, $0x1;
	s10 =	sld [smem:$0x3FB2];
	_ =	sdelay $0x3  }
0x37: {  	[smem:$0x3FB2] =	sst s10  }
0x38: {  	s10 =	sld [smem:$0x3FB3]  }
0x39: {  	_ = 	snop;
	(pc) =	sbr.ind lr, $3  }
0x3a: {  	_ = 	snop  }
0x3b: {  	_ = 	snop  }
0x3c: {  	p2 =	seq.s32 s10, $0x1;
	s10 =	sld [smem:$0x3FB2]  }
0x3d: {  	_ =	shalt  }
0x3e: {  	_ =	shalt  }
0x3f: {  	_ =	shalt  }
0x40: {  	_ =	shalt  }
0x41: {  	_ =	shalt  }
0x42: {  	_ =	shalt  }
0x43: {  	_ =	shalt  }
0x44: {  	_ =	shalt  }
0x45: {  	_ =	shalt  }
0x46: {  	_ =	shalt  }
0x47: {  	_ =	shalt  }
0x48: {  	_ =	shalt  }
0x49: {  	_ =	shalt  }
0x4a: {  	_ =	shalt  }
0x4b: {  	_ =	shalt  }
0x4c: {  	_ =	shalt  }
0x4d: {  	_ =	shalt  }
0x4e: {  	_ =	shalt  }
0x4f: {  	_ =	shalt  }
0x50: {  	_ =	shalt  }
0x51: {  	_ =	shalt  }
0x52: {  	_ =	shalt  }
0x53: {  	_ =	shalt  }
0x54: {  	_ =	shalt  }
0x55: {  	_ =	shalt  }
0x56: {  	_ =	shalt  }
0x57: {  	_ =	shalt  }
0x58: {  	_ =	shalt  }
0x59: {  	_ =	shalt  }
0x5a: {  	_ =	shalt  }
0x5b: {  	_ =	shalt  }
0x5c: {  	_ =	shalt  }
0x5d: {  	_ =	shalt  }
0x5e: {  	_ =	shalt  }
0x5f: {  	_ =	shalt  }
0x60: {  	_ =	shalt  }
0x61: {  	_ =	shalt  }
0x62: {  	_ =	shalt  }
0x63: {  	_ =	shalt  }
0x64: {  	_ =	shalt  }
0x65: {  	_ =	shalt  }
0x66: {  	_ =	shalt  }
0x67: {  	_ =	shalt  }
0x68: {  	_ =	shalt  }
0x69: {  	_ =	shalt  }
0x6a: {  	_ =	shalt  }
0x6b: {  	_ =	shalt  }
0x6c: {  	_ =	shalt  }
0x6d: {  	_ =	shalt  }
0x6e: {  	_ =	shalt  }
0x6f: {  	_ =	shalt  }
0x70: {  	_ =	shalt  }
0x71: {  	_ =	shalt  }
0x72: {  	_ =	shalt  }
0x73: {  	_ =	shalt  }
0x74: {  	_ =	shalt  }
0x75: {  	_ =	shalt  }
0x76: {  	_ =	shalt  }
0x77: {  	_ =	shalt  }
0x78: {  	_ =	shalt  }
0x79: {  	_ =	shalt  }
0x7a: {  	_ =	shalt  }
0x7b: {  	_ =	shalt  }
0x7c: {  	_ =	shalt  }
0x7d: {  	_ =	shalt  }
0x7e: {  	_ =	shalt  }
0x7f: {  	_ =	shalt  }
0x80: {  	_ =	shalt  }
0x81: {  	_ =	shalt  }
0x82: {  	_ =	shalt  }
0x83: {  	_ =	shalt  }
0x84: {  	_ =	shalt  }
0x85: {  	_ =	shalt  }
0x86: {  	_ =	shalt  }
0x87: {  	_ =	shalt  }
.Lfunc_end0:
.L_simem_size_0:
called_computation.4_lowered:
.L_overlay_start_0:
0x88: {  	s2 =	sld [smem:$0x3FD9]  }
0x89: {  	s3 =	sld [smem:$0x3FFE];
	_ =	sdelay $0x1  }
0x8a: {  	s1 =	srdreg.scid  }
0x8b: {  	s0 =	sand.u32 $0x1, s1  }
0x8c: {  	s17 =	sshll.u32 s0, $0xA;
	s2 =	sadd.s32 s3, s2  }
0x8d: {  	s2 =	sadd.s32 s2, s17  }
0x8e: {  	[smem:$0x3FBE] =	sst s2  }
0x8f: {  	_ = 	snop  }
0x90: {  	(tm) =	ssettm $0x1  }
0x91: {  	s18 =	sld [smem:$0x3FFB];
	_ =	sdelay $0x3  }
0x92: {  	_ =	strace s18  }
0x93: {  	s2 =	sld [smem:$0x3FFC];
	_ =	sdelay $0x3  }
0x94: {  	_ =	strace s2  }
0x95: {  	s2 =	sld [smem:$0x3FFD];
	_ =	sdelay $0x3  }
0x96: {  	_ =	strace s2  }
0x97: {  	_ =	strace $0x8FFFFFFF  }
0x98: {  	s19 =	sld [smem:$0x3FDB];
	_ =	sdelay $0x1  }
0x99: {  	s20 =	simm.s32 $_scs_section_size  }
0x9a: {  	s4 =	simm.s32 $_size__tile_overlayer_lowered;
	s5 =	simm.s32 $_tile_overlayer_lowered  }
0x9b: {  	s6 =	simm.s32 $0x1BFF;
	s21 =	sshll.u32 s5, $0x1;
	s3 =	sadd.s32 s20, s19  }
0x9c: {  	s22 =	simm.s32 $0x0;
	s4 =	sshll.u32 s4, $0x1;
	s5 =	sadd.s32 s21, s3  }
0x9d: {  	[timem:s22], [sflag:s6] =	dma.local [hbm:s5], s4  }
0x9e: {  	_ =	swait.ge [sflag:s6], s4  }
0x9f: {  	s4 =	ssub.s32 $0x0, s4;
	[sflag:s6] =	ssyncset.done $0x0  }
0xa0: {  	[sflag:s6] =	ssyncadd.s32 s4;
	_ =	sdelay $0x1  }
0xa1: {  	s23 =	simm.s32 $0x1B8B  }
0xa2: {  	_ =	swait.ge [sflag:s23], $0x1  }
0xa3: {  	[sflag:s23] =	ssyncset.done $0x0  }
0xa4: {  	[sflag:s23] =	ssyncadd.s32 $0xFFFFFFFF  }
0xa5: {  	s4 =	sld [smem:$0x0]  }
0xa6: {  	s5 =	sand.u32 $0xFFFFFFFE, s1  }
0xa7: {  	p0 =	sne.s32 s1, s5  }
0xa8: {  	s5 =	sshll.u32 @p0 s5, $0xE  }
0xa9: {  	s5 =	sadd.s32 @p0 $0x11B8D, s5;
	s6 =	sshll.u32 @p0 s4, $0x11  }
0xaa: {  	s5 =	sor.u32 @p0 s6, s5  }
0xab: {  	[sflag:s5] =	ssyncadd.remote.s32 @p0 $0x1;
	_ =	sdelay $0x1  }
0xac: {  	s5 =	simm.s32 @p0 $0x1B8D  }
0xad: {  	_ =	swait.eq @p0 [sflag:s5], $0x1  }
0xae: {  	[sflag:s5] =	ssyncadd.s32 @p0 $0xFFFFFFFF  }
0xaf: {  	s6 =	sshll.u32 @!p0 s1, $0xE  }
0xb0: {  	s6 =	sor.u32 @!p0 $0x4000, s6;
	s5 =	simm.s32 @!p0 $0x1B8D  }
0xb1: {  	s4 =	sshll.u32 @!p0 s4, $0x11;
	s6 =	sadd.s32 @!p0 $0x11B8D, s6;
	_ =	swait.eq @!p0 [sflag:s5], $0x1  }
0xb2: {  	s4 =	sor.u32 @!p0 s4, s6;
	[sflag:s5] =	ssyncadd.s32 @!p0 $0xFFFFFFFF  }
0xb3: {  	s25 =	simm.s32 $0x1B8E;
	s24 =	sld [smem:$0x3FFE];
	[sflag:s4] =	ssyncadd.remote.s32 @!p0 $0x1  }
0xb4: {  	s26 =	simm.s32 $execute0_lowered;
	[smem:$0x3FD2] =	sst s25  }
0xb5: {  	s5 =	sshll.u32 s26, $0x1;
	_ =	strace $0x80000049;
	[dreg:$0x1] =	wrdreg $0xFFFFFFFF  }
0xb6: {  	s28 =	simm.s32 $_size_execute0_lowered;
	s3 =	sadd.s32 s3, s5;
	[dreg:$0x0] =	wrdreg $0x0  }
0xb7: {  	s5 =	sshll.u32 s28, $0x1;
	[dreg:$0x2] =	wrdreg s3  }
0xb8: {  	[dreg:$0x3] =	wrdreg s5  }
0xb9: {  	[dreg:$0x4] =	wrdreg $0xC0  }
0xba: {  	_ =	task [dreg:s22], $0x5FFFF  }
0xbb: {  	[dreg:$0x1] =	wrdreg $0xFFFFFFFF  }
0xbc: {  	[dreg:$0x0] =	wrdreg $0x60  }
0xbd: {  	[dreg:$0x2] =	wrdreg s24  }
0xbe: {  	[dreg:$0x3] =	wrdreg $0xB4000  }
0xbf: {  	[dreg:$0x4] =	wrdreg $0xA  }
0xc0: {  	_ =	task.clear_ibuf [dreg:s22], $0x5FFFF;
	_ =	strace $0x90000049  }
0xc1: {  	s29 =	simm.s32 $0xA;
	_ =	strace $0x8000004B  }
0xc2: {  	_ =	swait.ge [sflag:s29], $0x1  }
0xc3: {  	[sflag:s29] =	ssyncadd.s32 $0xFFFFFFFF  }
0xc4: {  	_ =	strace $0x9000004B  }
0xc5: {  	_ =	sfence  }
0xc6: {  	s30 =	sld [smem:$0x0];
	_ =	sdelay $0x2  }
0xc7: {  	s31 =	sshll.u32 s1, $0xD;
	s1 =	sshrl.u32 s1, $0x2  }
0xc8: {  	s4 =	sand.u32 $0x4000, s31;
	s1 =	sadd.s32 s1, s30  }
0xc9: {  	s0 =	sor.u32 s4, s0;
	s1 =	sshll.u32 s1, $0x11  }
0xca: {  	s0 =	sor.u32 s1, s0  }
0xcb: {  	s0 =	sadd.s32 $0x8F2B, s0  }
0xcc: {  	[sflag:s0] =	ssyncadd.remote.s32 $0x1  }
0xcd: {  	_ =	sfence.sel $0xFFFF  }
0xce: {  	[dreg:$0x0] =	wrdreg $0xFFFFFFFF;
	(pc) =	sbr.abs _section_cstart, $3  }
0xcf: {  	[dreg:$0x1] =	wrdreg $0xFFFFFFFF  }
0xd0: {  	_ =	task.clear_ibuf [dreg:s22], $0x2FFFF;
	_ =	strace $0x9FFFFFFF  }
0xd1: {  	(tm) =	ssettm $0x7FFFFFFF  }
tec
execute0_lowered:
.L_overlay_start_1:
0x0: {  	(tag) =	ssettag $0x1  }
0x1: {  	s0 =	rddreg [dreg:$0x0]  }
0x2: {  	s1 =	rddreg [dreg:$0x1];
	s2 =	srdreg.scid  }
0x3: {  	s10 =	stileid.u32;
	s11 =	simm.s32 $0x1;
	s12 =	simm.s32 $0x80  }
0x4: {  	s13 =	simm.s32 $0x400;
	s14 =	simm.s32 $0xA00;
	s15 =	simm.s32 $0x140  }
0x5: {  	s16 =	simm.s32 $0x1400;
	s17 =	simm.s32 $0xB40;
	s18 =	simm.s32 $0x280  }
0x6: {  	s19 =	simm.s32 $0xC80;
	s20 =	simm.s32 $0x3C0;
	s21 =	simm.s32 $0xDC0  }
0x7: {  	s22 =	simm.s32 $0x500;
	s28 =	simm.s32 $0x780;
	s29 =	simm.s32 $0x1180  }
0x8: {  	s30 =	simm.s32 $0x8C0;
	s31 =	simm.s32 $0x12C0;
	s2 =	sand.u32 $0x1, s2  }
0x9: {  	s3 =	sshrl.u32 s10, $0x2;
	s4 =	sshll.u32 s10, $0x8;
	s7 =	smul.u32 $0x4F000, s10  }
0xa: {  	s8 =	sadd.s32 $0x40200, s0;
	s25 =	sshll.u32 s10, $0x6;
	s26 =	smul.u32 $0x2780, s10  }
0xb: {  	s5 =	smul.u32 $0x14000, s3;
	s4 =	sand.u32 $0x300, s4;
	s6 =	sshll.u32 s2, $0x7  }
0xc: {  	s3 =	simm.s32 $0x0;
	s23 =	smul.u32 $0x27800, s2;
	s2 =	ssub.s32 $0x2, s2  }
0xd: {  	s4 =	sor.u32 s6, s4;
	[smem:$0x7FF] =	sst s3;
	s24 =	sshrl.u32 s2, $0x1  }
0xe: {  	s7 =	sshrl.u32 s7, $0x2;
	s6 =	sor.u32 $0x1C01, s25;
	s25 =	simm.s32 $0x640  }
0xf: {  	s4 =	sor.u32 s5, s4;
	_ =	strace $0x8000004A;
	[dreg:$0x3] =	wrdreg s8  }
0x10: {  	s2 =	ssub.s32 s2, s24;
	s9 =	sadd.s32 s7, s1;
	[dreg:$0x5] =	wrdreg s6  }
0x11: {  	s5 =	sshrl.u32 s4, $0x3;
	s4 =	sadd.s32 $0x91A00, s0;
	s2 =	smax.u32 s2, $0x1  }
0x12: {  	s9 =	sshrl.u32 s9, $0x3;
	s5 =	sadd.s32 s5, s0;
	s0 =	sadd.s32 s23, s0  }
0x13: {  	[dreg:$0x4] =	wrdreg s2;
	s23 =	simm.s32 $0xF00;
	s0 =	sadd.s32 $0xCCC00, s0  }
0x14: {  	s2 =	simm.s32 $0x0;
	s7 =	sadd.s32 $0xB8C00, s5;
	s0 =	sadd.s32 s26, s0  }
0x15: {  	s8 =	sadd.s32 $0xC2C00, s5;
	s26 =	simm.s32 $0x1040;
	[dreg:$0x6] =	wrdreg s0  }
.LBB2_1:
0x16: {  	s0 =	rddreg [dreg:$0x3]  }
0x17: {  	[spmem:s9], [sflag:s6] =	dma.local [hbm:s0], $0x2780  }
0x18: {  	_ =	swait.ge [sflag:s11], $0x2780  }
0x19: {  	[sflag:s11] =	ssyncset.done $0x0  }
0x1a: {  	[sflag:s11] =	ssyncadd.s32 $0xFFFFD880  }
0x1b: {  	s10 =	smov.u32 s9;
	s9 =	sadd.s32 $0x0, s7;
	[bflag:$0x0] =	sbarrier.arrive $0xFFFF  }
0x1c: {  	[tilespmem:s3], [sflag:$0x1] =	stream.strided.gather [hbm4b:s9+s12], $0xA00, s13, s12, $0x38;
	[tilespmem:$0x1F000] =	vst v63  }
0x1d: {  	_ =	swait.ge [sflag:s11], $0xA00  }
0x1e: {  	[sflag:s11] =	ssyncset.done $0x0  }
0x1f: {  	s24 =	sadd.s32 $0x0, s8;
	[sflag:s11] =	ssyncadd.s32 $0xFFFFF600  }
0x20: {  	[tilespmem:s14], [sflag:$0x1] =	stream.strided.gather [hbm4b:s24+s12], $0xA00, s13, s12, $0x38;
	[tilespmem:$0x1F000] =	vst v63  }
0x21: {  	_ =	swait.ge [sflag:s11], $0xA00  }
0x22: {  	[sflag:s11] =	ssyncset.done $0x0  }
0x23: {  	[sflag:s11] =	ssyncadd.s32 $0xFFFFF600  }
0x24: {  	[tilespmem:s16], [sflag:$0x1] =	stream.indirect.gather [hbm4b:s4+s15], $0x80, s3, s15, $0xb8;
	[tilespmem:$0x1F000] =	vst v63  }
0x25: {  	_ =	swait.ge [sflag:s11], $0xA000  }
0x26: {  	[sflag:s11] =	ssyncset.done $0x0  }
0x27: {  	[sflag:s11] =	ssyncadd.s32 $0xFFFF6000  }
0x28: {  	[spmem:s1] =	stream.indirect.scatter.add.f32 [tilespmem:s16], [sflag:$0x1], $0x80, s14, s15, $0xb8;
	[tilespmem:$0x1F000] =	vst v63  }
0x29: {  	_ =	swait.ge [sflag:s11], $0xA000  }
0x2a: {  	[sflag:s11] =	ssyncset.done $0x0  }
0x2b: {  	[sflag:s11] =	ssyncadd.s32 $0xFFFF6000  }
0x2c: {  	[tilespmem:s16], [sflag:$0x1] =	stream.indirect.gather [hbm4b:s4+s15], $0x80, s15, s15, $0xb8;
	[tilespmem:$0x1F000] =	vst v63  }
0x2d: {  	_ =	swait.ge [sflag:s11], $0xA000  }
0x2e: {  	[sflag:s11] =	ssyncset.done $0x0  }
0x2f: {  	[sflag:s11] =	ssyncadd.s32 $0xFFFF6000  }
0x30: {  	[spmem:s1] =	stream.indirect.scatter.add.f32 [tilespmem:s16], [sflag:$0x1], $0x80, s17, s15, $0xb8;
	[tilespmem:$0x1F000] =	vst v63  }
0x31: {  	_ =	swait.ge [sflag:s11], $0xA000  }
0x32: {  	[sflag:s11] =	ssyncset.done $0x0  }
0x33: {  	[sflag:s11] =	ssyncadd.s32 $0xFFFF6000  }
0x34: {  	[tilespmem:s16], [sflag:$0x1] =	stream.indirect.gather [hbm4b:s4+s15], $0x80, s18, s15, $0xb8;
	[tilespmem:$0x1F000] =	vst v63  }
0x35: {  	_ =	swait.ge [sflag:s11], $0xA000  }
0x36: {  	[sflag:s11] =	ssyncset.done $0x0  }
0x37: {  	[sflag:s11] =	ssyncadd.s32 $0xFFFF6000  }
0x38: {  	[spmem:s1] =	stream.indirect.scatter.add.f32 [tilespmem:s16], [sflag:$0x1], $0x80, s19, s15, $0xb8;
	[tilespmem:$0x1F000] =	vst v63  }
0x39: {  	_ =	swait.ge [sflag:s11], $0xA000  }
0x3a: {  	[sflag:s11] =	ssyncset.done $0x0  }
0x3b: {  	[sflag:s11] =	ssyncadd.s32 $0xFFFF6000  }
0x3c: {  	[tilespmem:s16], [sflag:$0x1] =	stream.indirect.gather [hbm4b:s4+s15], $0x80, s20, s15, $0xb8;
	[tilespmem:$0x1F000] =	vst v63  }
0x3d: {  	_ =	swait.ge [sflag:s11], $0xA000  }
0x3e: {  	[sflag:s11] =	ssyncset.done $0x0  }
0x3f: {  	[sflag:s11] =	ssyncadd.s32 $0xFFFF6000  }
0x40: {  	[spmem:s1] =	stream.indirect.scatter.add.f32 [tilespmem:s16], [sflag:$0x1], $0x80, s21, s15, $0xb8;
	[tilespmem:$0x1F000] =	vst v63  }
0x41: {  	_ =	swait.ge [sflag:s11], $0xA000  }
0x42: {  	[sflag:s11] =	ssyncset.done $0x0  }
0x43: {  	[sflag:s11] =	ssyncadd.s32 $0xFFFF6000  }
0x44: {  	[tilespmem:s16], [sflag:$0x1] =	stream.indirect.gather [hbm4b:s4+s15], $0x80, s22, s15, $0xb8;
	[tilespmem:$0x1F000] =	vst v63  }
0x45: {  	_ =	swait.ge [sflag:s11], $0xA000  }
0x46: {  	[sflag:s11] =	ssyncset.done $0x0  }
0x47: {  	[sflag:s11] =	ssyncadd.s32 $0xFFFF6000  }
0x48: {  	[spmem:s1] =	stream.indirect.scatter.add.f32 [tilespmem:s16], [sflag:$0x1], $0x80, s23, s15, $0xb8;
	[tilespmem:$0x1F000] =	vst v63  }
0x49: {  	_ =	swait.ge [sflag:s11], $0xA000  }
0x4a: {  	[sflag:s11] =	ssyncset.done $0x0  }
0x4b: {  	[sflag:s11] =	ssyncadd.s32 $0xFFFF6000  }
0x4c: {  	[tilespmem:s16], [sflag:$0x1] =	stream.indirect.gather [hbm4b:s4+s15], $0x80, s25, s15, $0xb8;
	[tilespmem:$0x1F000] =	vst v63  }
0x4d: {  	_ =	swait.ge [sflag:s11], $0xA000  }
0x4e: {  	[sflag:s11] =	ssyncset.done $0x0  }
0x4f: {  	[sflag:s11] =	ssyncadd.s32 $0xFFFF6000  }
0x50: {  	[spmem:s1] =	stream.indirect.scatter.add.f32 [tilespmem:s16], [sflag:$0x1], $0x80, s26, s15, $0xb8;
	[tilespmem:$0x1F000] =	vst v63  }
0x51: {  	_ =	swait.ge [sflag:s11], $0xA000  }
0x52: {  	[sflag:s11] =	ssyncset.done $0x0  }
0x53: {  	[sflag:s11] =	ssyncadd.s32 $0xFFFF6000  }
0x54: {  	[tilespmem:s16], [sflag:$0x1] =	stream.indirect.gather [hbm4b:s4+s15], $0x80, s28, s15, $0xb8;
	[tilespmem:$0x1F000] =	vst v63  }
0x55: {  	_ =	swait.ge [sflag:s11], $0xA000  }
0x56: {  	[sflag:s11] =	ssyncset.done $0x0  }
0x57: {  	[sflag:s11] =	ssyncadd.s32 $0xFFFF6000  }
0x58: {  	[spmem:s1] =	stream.indirect.scatter.add.f32 [tilespmem:s16], [sflag:$0x1], $0x80, s29, s15, $0xb8;
	[tilespmem:$0x1F000] =	vst v63  }
0x59: {  	_ =	swait.ge [sflag:s11], $0xA000  }
0x5a: {  	[sflag:s11] =	ssyncset.done $0x0  }
0x5b: {  	[sflag:s11] =	ssyncadd.s32 $0xFFFF6000  }
0x5c: {  	[tilespmem:s16], [sflag:$0x1] =	stream.indirect.gather [hbm4b:s4+s15], $0x80, s30, s15, $0xb8;
	[tilespmem:$0x1F000] =	vst v63  }
0x5d: {  	_ =	swait.ge [sflag:s11], $0xA000  }
0x5e: {  	[sflag:s11] =	ssyncset.done $0x0  }
0x5f: {  	[sflag:s11] =	ssyncadd.s32 $0xFFFF6000  }
0x60: {  	[spmem:s1] =	stream.indirect.scatter.add.f32 [tilespmem:s16], [sflag:$0x1], $0x80, s31, s15, $0xb8;
	[tilespmem:$0x1F000] =	vst v63  }
0x61: {  	_ =	swait.ge [sflag:s11], $0xA000  }
0x62: {  	s5 =	simm.s32 $0x1400;
	s0 =	simm.s32 $0xA00;
	[sflag:s11] =	ssyncset.done $0x0  }
.LBB2_2:
0x63: {  	s24 =	sadd.s32 s0, s7  }
0x64: {  	[sflag:s11] =	ssyncadd.s32 $0xFFFF6000;
	s6 =	smov.u32 s5;
	s9 =	sadd.s32 $0xA00, s5  }
0x65: {  	[tilespmem:s3], [sflag:$0x1] =	stream.strided.gather [hbm4b:s24+s12], $0xA00, s13, s12, $0x38;
	[tilespmem:$0x1F000] =	vst v63  }
0x66: {  	p0 =	sne.s32 s5, $0x1E00;
	_ =	swait.ge [sflag:s11], $0xA00  }
0x67: {  	[sflag:s11] =	ssyncset.done $0x0  }
0x68: {  	s5 =	sadd.s32 s0, s8;
	s0 =	smov.u32 s6;
	[sflag:s11] =	ssyncadd.s32 $0xFFFFF600  }
0x69: {  	[tilespmem:s14], [sflag:$0x1] =	stream.strided.gather [hbm4b:s5+s12], $0xA00, s13, s12, $0x38;
	[tilespmem:$0x1F000] =	vst v63  }
0x6a: {  	_ =	swait.ge [sflag:s11], $0xA00  }
0x6b: {  	[sflag:s11] =	ssyncset.done $0x0  }
0x6c: {  	[sflag:s11] =	ssyncadd.s32 $0xFFFFF600  }
0x6d: {  	[tilespmem:s16], [sflag:$0x1] =	stream.indirect.gather [hbm4b:s4+s15], $0x80, s3, s15, $0xb8;
	[tilespmem:$0x1F000] =	vst v63  }
0x6e: {  	_ =	swait.ge [sflag:s11], $0xA000  }
0x6f: {  	[sflag:s11] =	ssyncset.done $0x0  }
0x70: {  	[sflag:s11] =	ssyncadd.s32 $0xFFFF6000  }
0x71: {  	[spmem:s1] =	stream.indirect.scatter.add.f32 [tilespmem:s16], [sflag:$0x1], $0x80, s14, s15, $0xb8;
	[tilespmem:$0x1F000] =	vst v63  }
0x72: {  	_ =	swait.ge [sflag:s11], $0xA000  }
0x73: {  	[sflag:s11] =	ssyncset.done $0x0  }
0x74: {  	[sflag:s11] =	ssyncadd.s32 $0xFFFF6000  }
0x75: {  	[tilespmem:s16], [sflag:$0x1] =	stream.indirect.gather [hbm4b:s4+s15], $0x80, s15, s15, $0xb8;
	[tilespmem:$0x1F000] =	vst v63  }
0x76: {  	_ =	swait.ge [sflag:s11], $0xA000  }
0x77: {  	[sflag:s11] =	ssyncset.done $0x0  }
0x78: {  	[sflag:s11] =	ssyncadd.s32 $0xFFFF6000  }
0x79: {  	[spmem:s1] =	stream.indirect.scatter.add.f32 [tilespmem:s16], [sflag:$0x1], $0x80, s17, s15, $0xb8;
	[tilespmem:$0x1F000] =	vst v63  }
0x7a: {  	_ =	swait.ge [sflag:s11], $0xA000  }
0x7b: {  	[sflag:s11] =	ssyncset.done $0x0  }
0x7c: {  	[sflag:s11] =	ssyncadd.s32 $0xFFFF6000  }
0x7d: {  	[tilespmem:s16], [sflag:$0x1] =	stream.indirect.gather [hbm4b:s4+s15], $0x80, s18, s15, $0xb8;
	[tilespmem:$0x1F000] =	vst v63  }
0x7e: {  	_ =	swait.ge [sflag:s11], $0xA000  }
0x7f: {  	[sflag:s11] =	ssyncset.done $0x0  }
0x80: {  	[sflag:s11] =	ssyncadd.s32 $0xFFFF6000  }
0x81: {  	[spmem:s1] =	stream.indirect.scatter.add.f32 [tilespmem:s16], [sflag:$0x1], $0x80, s19, s15, $0xb8;
	[tilespmem:$0x1F000] =	vst v63  }
0x82: {  	_ =	swait.ge [sflag:s11], $0xA000  }
0x83: {  	[sflag:s11] =	ssyncset.done $0x0  }
0x84: {  	[sflag:s11] =	ssyncadd.s32 $0xFFFF6000  }
0x85: {  	[tilespmem:s16], [sflag:$0x1] =	stream.indirect.gather [hbm4b:s4+s15], $0x80, s20, s15, $0xb8;
	[tilespmem:$0x1F000] =	vst v63  }
0x86: {  	_ =	swait.ge [sflag:s11], $0xA000  }
0x87: {  	[sflag:s11] =	ssyncset.done $0x0  }
0x88: {  	[sflag:s11] =	ssyncadd.s32 $0xFFFF6000  }
0x89: {  	[spmem:s1] =	stream.indirect.scatter.add.f32 [tilespmem:s16], [sflag:$0x1], $0x80, s21, s15, $0xb8;
	[tilespmem:$0x1F000] =	vst v63  }
0x8a: {  	_ =	swait.ge [sflag:s11], $0xA000  }
0x8b: {  	[sflag:s11] =	ssyncset.done $0x0  }
0x8c: {  	[sflag:s11] =	ssyncadd.s32 $0xFFFF6000  }
0x8d: {  	[tilespmem:s16], [sflag:$0x1] =	stream.indirect.gather [hbm4b:s4+s15], $0x80, s22, s15, $0xb8;
	[tilespmem:$0x1F000] =	vst v63  }
0x8e: {  	_ =	swait.ge [sflag:s11], $0xA000  }
0x8f: {  	[sflag:s11] =	ssyncset.done $0x0  }
0x90: {  	[sflag:s11] =	ssyncadd.s32 $0xFFFF6000  }
0x91: {  	[spmem:s1] =	stream.indirect.scatter.add.f32 [tilespmem:s16], [sflag:$0x1], $0x80, s23, s15, $0xb8;
	[tilespmem:$0x1F000] =	vst v63  }
0x92: {  	_ =	swait.ge [sflag:s11], $0xA000  }
0x93: {  	[sflag:s11] =	ssyncset.done $0x0  }
0x94: {  	[sflag:s11] =	ssyncadd.s32 $0xFFFF6000  }
0x95: {  	[tilespmem:s16], [sflag:$0x1] =	stream.indirect.gather [hbm4b:s4+s15], $0x80, s25, s15, $0xb8;
	[tilespmem:$0x1F000] =	vst v63  }
0x96: {  	_ =	swait.ge [sflag:s11], $0xA000  }
0x97: {  	[sflag:s11] =	ssyncset.done $0x0  }
0x98: {  	[sflag:s11] =	ssyncadd.s32 $0xFFFF6000  }
0x99: {  	[spmem:s1] =	stream.indirect.scatter.add.f32 [tilespmem:s16], [sflag:$0x1], $0x80, s26, s15, $0xb8;
	[tilespmem:$0x1F000] =	vst v63  }
0x9a: {  	_ =	swait.ge [sflag:s11], $0xA000  }
0x9b: {  	[sflag:s11] =	ssyncset.done $0x0  }
0x9c: {  	[sflag:s11] =	ssyncadd.s32 $0xFFFF6000  }
0x9d: {  	[tilespmem:s16], [sflag:$0x1] =	stream.indirect.gather [hbm4b:s4+s15], $0x80, s28, s15, $0xb8;
	[tilespmem:$0x1F000] =	vst v63  }
0x9e: {  	_ =	swait.ge [sflag:s11], $0xA000  }
0x9f: {  	[sflag:s11] =	ssyncset.done $0x0  }
0xa0: {  	[sflag:s11] =	ssyncadd.s32 $0xFFFF6000  }
0xa1: {  	[spmem:s1] =	stream.indirect.scatter.add.f32 [tilespmem:s16], [sflag:$0x1], $0x80, s29, s15, $0xb8;
	[tilespmem:$0x1F000] =	vst v63  }
0xa2: {  	_ =	swait.ge [sflag:s11], $0xA000  }
0xa3: {  	[sflag:s11] =	ssyncset.done $0x0  }
0xa4: {  	[sflag:s11] =	ssyncadd.s32 $0xFFFF6000  }
0xa5: {  	[tilespmem:s16], [sflag:$0x1] =	stream.indirect.gather [hbm4b:s4+s15], $0x80, s30, s15, $0xb8;
	[tilespmem:$0x1F000] =	vst v63  }
0xa6: {  	_ =	swait.ge [sflag:s11], $0xA000  }
.Ltmp0:
0xa7: {  	[sflag:s11] =	ssyncset.done $0x0;
	(pc) =	sbr.rel @p0 .LBB2_2-.Ltmp0, $4  }
0xa8: {  	[sflag:s11] =	ssyncadd.s32 $0xFFFF6000  }
0xa9: {  	[spmem:s1] =	stream.indirect.scatter.add.f32 [tilespmem:s16], [sflag:$0x1], $0x80, s31, s15, $0xb8;
	[tilespmem:$0x1F000] =	vst v63  }
0xaa: {  	_ =	swait.ge [sflag:s11], $0xA000  }
0xab: {  	s5 =	smov.u32 s9;
	[sflag:s11] =	ssyncset.done $0x0  }
0xac: {  	s5 =	sadd.s32 s0, s7;
	[sflag:s11] =	ssyncadd.s32 $0xFFFF6000  }
0xad: {  	[tilespmem:s3], [sflag:$0x1] =	stream.strided.gather [hbm4b:s5+s12], $0xA00, s13, s12, $0x38;
	[tilespmem:$0x1F000] =	vst v63  }
0xae: {  	_ =	swait.ge [sflag:s11], $0xA00  }
0xaf: {  	[sflag:s11] =	ssyncset.done $0x0  }
0xb0: {  	s24 =	sadd.s32 s0, s8;
	[sflag:s11] =	ssyncadd.s32 $0xFFFFF600  }
0xb1: {  	[tilespmem:s14], [sflag:$0x1] =	stream.strided.gather [hbm4b:s24+s12], $0xA00, s13, s12, $0x38;
	[tilespmem:$0x1F000] =	vst v63  }
0xb2: {  	_ =	swait.ge [sflag:s11], $0xA00  }
0xb3: {  	[sflag:s11] =	ssyncset.done $0x0  }
0xb4: {  	[sflag:s11] =	ssyncadd.s32 $0xFFFFF600  }
0xb5: {  	[tilespmem:s16], [sflag:$0x1] =	stream.indirect.gather [hbm4b:s4+s15], $0x80, s3, s15, $0xb8;
	[tilespmem:$0x1F000] =	vst v63  }
0xb6: {  	_ =	swait.ge [sflag:s11], $0xA000  }
0xb7: {  	[sflag:s11] =	ssyncset.done $0x0  }
0xb8: {  	[sflag:s11] =	ssyncadd.s32 $0xFFFF6000  }
0xb9: {  	[spmem:s1] =	stream.indirect.scatter.add.f32 [tilespmem:s16], [sflag:$0x1], $0x80, s14, s15, $0xb8;
	[tilespmem:$0x1F000] =	vst v63  }
0xba: {  	_ =	swait.ge [sflag:s11], $0xA000  }
0xbb: {  	[sflag:s11] =	ssyncset.done $0x0  }
0xbc: {  	[sflag:s11] =	ssyncadd.s32 $0xFFFF6000  }
0xbd: {  	[tilespmem:s16], [sflag:$0x1] =	stream.indirect.gather [hbm4b:s4+s15], $0x80, s15, s15, $0xb8;
	[tilespmem:$0x1F000] =	vst v63  }
0xbe: {  	_ =	swait.ge [sflag:s11], $0xA000  }
0xbf: {  	[sflag:s11] =	ssyncset.done $0x0  }
0xc0: {  	[sflag:s11] =	ssyncadd.s32 $0xFFFF6000  }
0xc1: {  	[spmem:s1] =	stream.indirect.scatter.add.f32 [tilespmem:s16], [sflag:$0x1], $0x80, s17, s15, $0xb8;
	[tilespmem:$0x1F000] =	vst v63  }
0xc2: {  	_ =	swait.ge [sflag:s11], $0xA000  }
0xc3: {  	[sflag:s11] =	ssyncset.done $0x0  }
0xc4: {  	[sflag:s11] =	ssyncadd.s32 $0xFFFF6000  }
0xc5: {  	[tilespmem:s16], [sflag:$0x1] =	stream.indirect.gather [hbm4b:s4+s15], $0x80, s18, s15, $0xb8;
	[tilespmem:$0x1F000] =	vst v63  }
0xc6: {  	_ =	swait.ge [sflag:s11], $0xA000  }
0xc7: {  	[sflag:s11] =	ssyncset.done $0x0  }
0xc8: {  	[sflag:s11] =	ssyncadd.s32 $0xFFFF6000  }
0xc9: {  	[spmem:s1] =	stream.indirect.scatter.add.f32 [tilespmem:s16], [sflag:$0x1], $0x80, s19, s15, $0xb8;
	[tilespmem:$0x1F000] =	vst v63  }
0xca: {  	_ =	swait.ge [sflag:s11], $0xA000  }
0xcb: {  	[sflag:s11] =	ssyncset.done $0x0  }
0xcc: {  	[sflag:s11] =	ssyncadd.s32 $0xFFFF6000  }
0xcd: {  	[tilespmem:s16], [sflag:$0x1] =	stream.indirect.gather [hbm4b:s4+s15], $0x80, s20, s15, $0xb8;
	[tilespmem:$0x1F000] =	vst v63  }
0xce: {  	_ =	swait.ge [sflag:s11], $0xA000  }
0xcf: {  	[sflag:s11] =	ssyncset.done $0x0  }
0xd0: {  	[sflag:s11] =	ssyncadd.s32 $0xFFFF6000  }
0xd1: {  	[spmem:s1] =	stream.indirect.scatter.add.f32 [tilespmem:s16], [sflag:$0x1], $0x80, s21, s15, $0xb8;
	[tilespmem:$0x1F000] =	vst v63  }
0xd2: {  	_ =	swait.ge [sflag:s11], $0xA000  }
0xd3: {  	[sflag:s11] =	ssyncset.done $0x0  }
0xd4: {  	[sflag:s11] =	ssyncadd.s32 $0xFFFF6000  }
0xd5: {  	[tilespmem:s16], [sflag:$0x1] =	stream.indirect.gather [hbm4b:s4+s15], $0x80, s22, s15, $0xb8;
	[tilespmem:$0x1F000] =	vst v63  }
0xd6: {  	_ =	swait.ge [sflag:s11], $0xA000  }
0xd7: {  	[sflag:s11] =	ssyncset.done $0x0  }
0xd8: {  	[sflag:s11] =	ssyncadd.s32 $0xFFFF6000  }
0xd9: {  	[spmem:s1] =	stream.indirect.scatter.add.f32 [tilespmem:s16], [sflag:$0x1], $0x80, s23, s15, $0xb8;
	[tilespmem:$0x1F000] =	vst v63  }
0xda: {  	_ =	swait.ge [sflag:s11], $0xA000  }
0xdb: {  	[sflag:s11] =	ssyncset.done $0x0  }
0xdc: {  	[sflag:s11] =	ssyncadd.s32 $0xFFFF6000  }
0xdd: {  	[tilespmem:s16], [sflag:$0x1] =	stream.indirect.gather [hbm4b:s4+s15], $0x80, s25, s15, $0xb8;
	[tilespmem:$0x1F000] =	vst v63  }
0xde: {  	_ =	swait.ge [sflag:s11], $0xA000  }
0xdf: {  	[sflag:s11] =	ssyncset.done $0x0  }
0xe0: {  	[sflag:s11] =	ssyncadd.s32 $0xFFFF6000  }
0xe1: {  	[spmem:s1] =	stream.indirect.scatter.add.f32 [tilespmem:s16], [sflag:$0x1], $0x80, s26, s15, $0xb8;
	[tilespmem:$0x1F000] =	vst v63  }
0xe2: {  	_ =	swait.ge [sflag:s11], $0xA000  }
0xe3: {  	[sflag:s11] =	ssyncset.done $0x0  }
0xe4: {  	[sflag:s11] =	ssyncadd.s32 $0xFFFF6000  }
0xe5: {  	[tilespmem:s16], [sflag:$0x1] =	stream.indirect.gather [hbm4b:s4+s15], $0x80, s28, s15, $0xb8;
	[tilespmem:$0x1F000] =	vst v63  }
0xe6: {  	_ =	swait.ge [sflag:s11], $0xA000  }
0xe7: {  	[sflag:s11] =	ssyncset.done $0x0  }
0xe8: {  	[sflag:s11] =	ssyncadd.s32 $0xFFFF6000  }
0xe9: {  	[spmem:s1] =	stream.indirect.scatter.add.f32 [tilespmem:s16], [sflag:$0x1], $0x80, s29, s15, $0xb8;
	[tilespmem:$0x1F000] =	vst v63  }
0xea: {  	_ =	swait.ge [sflag:s11], $0xA000  }
0xeb: {  	[sflag:s11] =	ssyncset.done $0x0  }
0xec: {  	[sflag:s11] =	ssyncadd.s32 $0xFFFF6000  }
0xed: {  	[tilespmem:s16], [sflag:$0x1] =	stream.indirect.gather [hbm4b:s4+s15], $0x80, s30, s15, $0xb8;
	[tilespmem:$0x1F000] =	vst v63  }
0xee: {  	_ =	swait.ge [sflag:s11], $0xA000  }
0xef: {  	[sflag:s11] =	ssyncset.done $0x0  }
0xf0: {  	[sflag:s11] =	ssyncadd.s32 $0xFFFF6000  }
0xf1: {  	[spmem:s1] =	stream.indirect.scatter.add.f32 [tilespmem:s16], [sflag:$0x1], $0x80, s31, s15, $0xb8;
	[tilespmem:$0x1F000] =	vst v63  }
0xf2: {  	_ =	swait.ge [sflag:s11], $0xA000  }
0xf3: {  	[sflag:s11] =	ssyncset.done $0x0  }
0xf4: {  	[sflag:s11] =	ssyncadd.s32 $0xFFFF6000  }
0xf5: {  	[bflag:$0x0] =	sbarrier.arrive $0xFFFF  }
0xf6: {  	s6 =	rddreg [dreg:$0x5]  }
0xf7: {  	s5 =	rddreg [dreg:$0x6]  }
0xf8: {  	[hbm:s5], [sflag:s6] =	dma.local [spmem:s10], $0x2780  }
0xf9: {  	_ =	swait.ge [sflag:s11], $0x2780  }
0xfa: {  	s2 =	sadd.s32 $0x1, s2;
	s24 =	rddreg [dreg:$0x4]  }
0xfb: {  	p0 =	sne.s32 s2, s24  }
.Ltmp1:
0xfc: {  	_ = 	snop;
	(pc) =	sbr.rel @p0 .LBB2_1-.Ltmp1, $3  }
0xfd: {  	_ =	sdelay $0x1  }
0xfe: {  	[sflag:s11] =	ssyncset.done $0x0  }
0xff: {  	s9 =	smov.u32 s10;
	[sflag:s11] =	ssyncadd.s32 $0xFFFFD880  }
0x100: {  	_ =	sfence.sel $0x180000  }
0x101: {  	[bflag:$0x0] =	sbarrier.arrive $0xFFFF  }
0x102: {  	_ =	strace $0x9000004A  }
0x103: {  	s0 =	stileid.u32;
	[bflag:$0x2] =	sbarrier.arrive $0xFFFF  }
0x104: {  	p0 =	sne.s32 s0, $0x0;
	s0 =	rddreg [dreg:$0x2]  }
0x105: {  	s0 =	sadd.s32 @!p0 $0x100000, s0  }
0x106: {  	[sflag:s0] =	ssyncadd.tile.s32 @!p0 $0x1;
	_ =	shalt  }
.Lfunc_end2:
_tile_overlayer_lowered:
.L_overlay_start_2:
0x107: {  	(tag) =	ssettag $0x2  }
0x108: {  	s0 =	rddreg [dreg:$0x0];
	s2 =	stileid.u32  }
0x109: {  	s1 =	rddreg [dreg:$0x1];
	p0 =	sne.s32 s2, $0x0  }
0x10a: {  	s3 =	rddreg [dreg:$0x2];
	[bflag:$0x3] =	sbarrier.arrive $0xFFFF;
	s2 =	simm.s32 @!p0 $0x1C01  }
0x10b: {  	[timem:s3], [sflag:s2] =	dma.local @!p0 [hbm:s0], s1  }
0x10c: {  	s0 =	simm.s32 @!p0 $0x1  }
0x10d: {  	_ =	swait.ge @!p0 [sflag:s0], s1  }
0x10e: {  	s1 =	ssub.s32 @!p0 $0x0, s1;
	[sflag:s0] =	ssyncset.done @!p0 $0x0  }
0x10f: {  	[sflag:s0] =	ssyncadd.s32 @!p0 s1  }
0x110: {  	[bflag:$0x3] =	sbarrier.arrive $0xFFFF  }
0x111: {  	_ =	shalt  }

// kernel: kernel.36.cloned.1.call-start
scs
__scs_entry_jumppad:
0x0: {  	(pc) =	sbr.rel $0x88, $3  }
0x1: {  	(tag) =	ssettag $0x0;
	lr =	simm.s32 $0x1  }
0x2: {  	[smem:$0x3F97] =	sst lr;
	_ =	strace $0xD0000000  }
0x3: {  	_ = 	snop  }
0x4: {  	_ = 	snop  }
0x5: {  	_ = 	snop  }
0x6: {  	_ = 	snop  }
0x7: {  	_ = 	snop  }
__scs_overlays_trampoline_lowered:
0x8: {  	[smem:$0x3FA6] =	sst s0  }
0x9: {  	[smem:$0x3FA7] =	sst s1  }
0xa: {  	[smem:$0x3FA8] =	sst s2  }
0xb: {  	[smem:$0x3FA9] =	sst s3  }
0xc: {  	[smem:$0x3FAA] =	sst s4  }
0xd: {  	[smem:$0x3FAB] =	sst s5  }
0xe: {  	[smem:$0x3FAC] =	sst s6  }
0xf: {  	[smem:$0x3FAD] =	sst s7  }
0x10: {  	[smem:$0x3FAE] =	sst s8  }
0x11: {  	[smem:$0x3FAF] =	sst s9;
	s0 =	simm.s32 @!p0 $0x0  }
0x12: {  	s1 =	sld [smem:$0x3F95];
	s0 =	simm.s32 @p0 $0x1  }
0x13: {  	[smem:$0x3FB0] =	sst s0;
	s0 =	simm.s32 @!p1 $0x0  }
0x14: {  	s2 =	sld [smem:$0x3F94];
	s0 =	simm.s32 @p1 $0x1  }
0x15: {  	[smem:$0x3FB1] =	sst s0;
	s0 =	simm.s32 @!p2 $0x0  }
0x16: {  	s3 =	sld [smem:$0x3FDB];
	s0 =	simm.s32 @p2 $0x1  }
0x17: {  	s4 =	simm.s32 $0x1BF5;
	[smem:$0x3FB3] =	sst s0  }
0x18: {  	s0 =	sld [smem:$0x3F96];
	_ =	swait.ge [sflag:s4], $0x0  }
0x19: {  	s7 =	sld [smem:$0x3F97]  }
0x1a: {  	s8 =	sadd.s32 $0xFFFFE003, lr  }
0x1b: {  	s9 =	sadd.s32 $0xFFFFFEF7, lr;
	s5 =	simm.s32 $0xFFFFFFFF;
	p2 =	slt.u32 s8, $0xFFFFF086  }
0x1c: {  	p1 =	slt.u32 s9, $0xF7A;
	s5 =	simm.s32 @!p2 $0x0  }
0x1d: {  	s5 =	simm.s32 @p1 $0x1;
	p0 =	seq.s32 s7, s2  }
0x1e: {  	s7 =	smul.u32 @!p0 $0xF7A, s2;
	p2 =	seq.s32 @!p0 s5, $0x0  }
0x1f: {  	s9 =	smul.u32 $0xF7A, s1;
	s8 =	simm.s32 @!p0 $0x1BF5;
	p2 =	por !p2, p0  }
0x20: {  	[sflag:s8] =	ssyncset.s32 @!p0 $0xFFFFF086;
	s6 =	sadd.s32 @!p0 s3, s7;
	s7 =	simm.s32 @!p0 $0x108  }
0x21: {  	s3 =	sadd.s32 s3, s9;
	s6 =	sadd.s32 @!p0 $0x88, s6;
	s7 =	simm.s32 @p2 $0x1082  }
0x22: {  	[simem:s7], [sflag:s8] =	dma.local @!p0 [hbm:s6], $0xF7A  }
0x23: {  	s9 =	sor.u32 $0xD0000000, s2;
	s6 =	simm.s32 $0x108;
	_ =	swait.ge @!p0 [sflag:s8], $0x0  }
0x24: {  	s3 =	sadd.s32 $0x88, s3;
	s6 =	simm.s32 @!p1 $0x1082;
	[sflag:s4] =	ssyncset.s32 $0xFFFFF086  }
0x25: {  	[simem:s6], [sflag:s4] =	dma.local [hbm:s3], $0xF7A  }
0x26: {  	[smem:$0x3F97] =	sst s1;
	(tag) =	ssettag s2;
	_ =	strace s9  }
0x27: {  	s1 =	sld [smem:$0x3FA7]  }
0x28: {  	s2 =	sld [smem:$0x3FA8]  }
0x29: {  	s4 =	sld [smem:$0x3FAA]  }
0x2a: {  	p0 =	seq.s32 s5, $0x0;
	s5 =	sld [smem:$0x3FAB]  }
0x2b: {  	s6 =	sld [smem:$0x3FAC]  }
0x2c: {  	s7 =	sld [smem:$0x3FAD]  }
0x2d: {  	s3 =	simm.s32 $0x108;
	s8 =	sld [smem:$0x3FAE]  }
0x2e: {  	s3 =	simm.s32 @!p0 $0x1082;
	s9 =	sld [smem:$0x3FAF]  }
0x2f: {  	lr =	sadd.s32 s0, s3;
	s0 =	sld [smem:$0x3FA6]  }
0x30: {  	s3 =	sld [smem:$0x3FA9]  }
0x31: {  	[smem:$0x3FB2] =	sst s10  }
0x32: {  	s10 =	sld [smem:$0x3FB0];
	_ =	sdelay $0x3  }
0x33: {  	p0 =	seq.s32 s10, $0x1;
	s10 =	sld [smem:$0x3FB2];
	_ =	sdelay $0x3  }
0x34: {  	[smem:$0x3FB2] =	sst s10  }
0x35: {  	s10 =	sld [smem:$0x3FB1];
	_ =	sdelay $0x3  }
0x36: {  	p1 =	seq.s32 s10, $0x1;
	s10 =	sld [smem:$0x3FB2];
	_ =	sdelay $0x3  }
0x37: {  	[smem:$0x3FB2] =	sst s10  }
0x38: {  	s10 =	sld [smem:$0x3FB3]  }
0x39: {  	_ = 	snop;
	(pc) =	sbr.ind lr, $3  }
0x3a: {  	_ = 	snop  }
0x3b: {  	_ = 	snop  }
0x3c: {  	p2 =	seq.s32 s10, $0x1;
	s10 =	sld [smem:$0x3FB2]  }
0x3d: {  	_ =	shalt  }
0x3e: {  	_ =	shalt  }
0x3f: {  	_ =	shalt  }
0x40: {  	_ =	shalt  }
0x41: {  	_ =	shalt  }
0x42: {  	_ =	shalt  }
0x43: {  	_ =	shalt  }
0x44: {  	_ =	shalt  }
0x45: {  	_ =	shalt  }
0x46: {  	_ =	shalt  }
0x47: {  	_ =	shalt  }
0x48: {  	_ =	shalt  }
0x49: {  	_ =	shalt  }
0x4a: {  	_ =	shalt  }
0x4b: {  	_ =	shalt  }
0x4c: {  	_ =	shalt  }
0x4d: {  	_ =	shalt  }
0x4e: {  	_ =	shalt  }
0x4f: {  	_ =	shalt  }
0x50: {  	_ =	shalt  }
0x51: {  	_ =	shalt  }
0x52: {  	_ =	shalt  }
0x53: {  	_ =	shalt  }
0x54: {  	_ =	shalt  }
0x55: {  	_ =	shalt  }
0x56: {  	_ =	shalt  }
0x57: {  	_ =	shalt  }
0x58: {  	_ =	shalt  }
0x59: {  	_ =	shalt  }
0x5a: {  	_ =	shalt  }
0x5b: {  	_ =	shalt  }
0x5c: {  	_ =	shalt  }
0x5d: {  	_ =	shalt  }
0x5e: {  	_ =	shalt  }
0x5f: {  	_ =	shalt  }
0x60: {  	_ =	shalt  }
0x61: {  	_ =	shalt  }
0x62: {  	_ =	shalt  }
0x63: {  	_ =	shalt  }
0x64: {  	_ =	shalt  }
0x65: {  	_ =	shalt  }
0x66: {  	_ =	shalt  }
0x67: {  	_ =	shalt  }
0x68: {  	_ =	shalt  }
0x69: {  	_ =	shalt  }
0x6a: {  	_ =	shalt  }
0x6b: {  	_ =	shalt  }
0x6c: {  	_ =	shalt  }
0x6d: {  	_ =	shalt  }
0x6e: {  	_ =	shalt  }
0x6f: {  	_ =	shalt  }
0x70: {  	_ =	shalt  }
0x71: {  	_ =	shalt  }
0x72: {  	_ =	shalt  }
0x73: {  	_ =	shalt  }
0x74: {  	_ =	shalt  }
0x75: {  	_ =	shalt  }
0x76: {  	_ =	shalt  }
0x77: {  	_ =	shalt  }
0x78: {  	_ =	shalt  }
0x79: {  	_ =	shalt  }
0x7a: {  	_ =	shalt  }
0x7b: {  	_ =	shalt  }
0x7c: {  	_ =	shalt  }
0x7d: {  	_ =	shalt  }
0x7e: {  	_ =	shalt  }
0x7f: {  	_ =	shalt  }
0x80: {  	_ =	shalt  }
0x81: {  	_ =	shalt  }
0x82: {  	_ =	shalt  }
0x83: {  	_ =	shalt  }
0x84: {  	_ =	shalt  }
0x85: {  	_ =	shalt  }
0x86: {  	_ =	shalt  }
0x87: {  	_ =	shalt  }
.Lfunc_end0:
.L_simem_size_0:
called_computation.5_lowered:
.L_overlay_start_0:
0x88: {  	s2 =	sld [smem:$0x3FD9]  }
0x89: {  	s3 =	sld [smem:$0x3FFE];
	_ =	sdelay $0x1  }
0x8a: {  	s1 =	srdreg.scid  }
0x8b: {  	s0 =	sand.u32 $0x1, s1  }
0x8c: {  	s17 =	sshll.u32 s0, $0xA;
	s2 =	sadd.s32 s3, s2  }
0x8d: {  	s2 =	sadd.s32 s2, s17  }
0x8e: {  	[smem:$0x3FBE] =	sst s2  }
0x8f: {  	_ = 	snop  }
0x90: {  	(tm) =	ssettm $0x1  }
0x91: {  	s18 =	sld [smem:$0x3FFB];
	_ =	sdelay $0x3  }
0x92: {  	_ =	strace s18  }
0x93: {  	s2 =	sld [smem:$0x3FFC];
	_ =	sdelay $0x3  }
0x94: {  	_ =	strace s2  }
0x95: {  	s2 =	sld [smem:$0x3FFD];
	_ =	sdelay $0x3  }
0x96: {  	_ =	strace s2  }
0x97: {  	_ =	strace $0x8FFFFFFF  }
0x98: {  	s19 =	sld [smem:$0x3FDB];
	_ =	sdelay $0x1  }
0x99: {  	s20 =	simm.s32 $_scs_section_size  }
0x9a: {  	s4 =	simm.s32 $_size__tile_overlayer_lowered;
	s5 =	simm.s32 $_tile_overlayer_lowered  }
0x9b: {  	s6 =	simm.s32 $0x1BFF;
	s21 =	sshll.u32 s5, $0x1;
	s3 =	sadd.s32 s20, s19  }
0x9c: {  	s22 =	simm.s32 $0x0;
	s4 =	sshll.u32 s4, $0x1;
	s5 =	sadd.s32 s21, s3  }
0x9d: {  	[timem:s22], [sflag:s6] =	dma.local [hbm:s5], s4  }
0x9e: {  	_ =	swait.ge [sflag:s6], s4  }
0x9f: {  	s4 =	ssub.s32 $0x0, s4;
	[sflag:s6] =	ssyncset.done $0x0  }
0xa0: {  	[sflag:s6] =	ssyncadd.s32 s4;
	_ =	sdelay $0x1  }
0xa1: {  	s23 =	simm.s32 $0x1B8B  }
0xa2: {  	_ =	swait.ge [sflag:s23], $0x1  }
0xa3: {  	[sflag:s23] =	ssyncset.done $0x0  }
0xa4: {  	[sflag:s23] =	ssyncadd.s32 $0xFFFFFFFF  }
0xa5: {  	s4 =	sld [smem:$0x0]  }
0xa6: {  	s5 =	sand.u32 $0xFFFFFFFE, s1  }
0xa7: {  	p0 =	sne.s32 s1, s5  }
0xa8: {  	s5 =	sshll.u32 @p0 s5, $0xE  }
0xa9: {  	s5 =	sadd.s32 @p0 $0x11B8D, s5;
	s6 =	sshll.u32 @p0 s4, $0x11  }
0xaa: {  	s5 =	sor.u32 @p0 s6, s5  }
0xab: {  	[sflag:s5] =	ssyncadd.remote.s32 @p0 $0x1;
	_ =	sdelay $0x1  }
0xac: {  	s5 =	simm.s32 @p0 $0x1B8D  }
0xad: {  	_ =	swait.eq @p0 [sflag:s5], $0x1  }
0xae: {  	[sflag:s5] =	ssyncadd.s32 @p0 $0xFFFFFFFF  }
0xaf: {  	s6 =	sshll.u32 @!p0 s1, $0xE  }
0xb0: {  	s6 =	sor.u32 @!p0 $0x4000, s6;
	s5 =	simm.s32 @!p0 $0x1B8D  }
0xb1: {  	s4 =	sshll.u32 @!p0 s4, $0x11;
	s6 =	sadd.s32 @!p0 $0x11B8D, s6;
	_ =	swait.eq @!p0 [sflag:s5], $0x1  }
0xb2: {  	s4 =	sor.u32 @!p0 s4, s6;
	[sflag:s5] =	ssyncadd.s32 @!p0 $0xFFFFFFFF  }
0xb3: {  	s25 =	simm.s32 $0x1B8E;
	s24 =	sld [smem:$0x3FFE];
	[sflag:s4] =	ssyncadd.remote.s32 @!p0 $0x1  }
0xb4: {  	s26 =	simm.s32 $execute0_lowered;
	[smem:$0x3FD2] =	sst s25  }
0xb5: {  	s5 =	sshll.u32 s26, $0x1;
	_ =	strace $0x8000004F;
	[dreg:$0x1] =	wrdreg $0xFFFFFFFF  }
0xb6: {  	s28 =	simm.s32 $_size_execute0_lowered;
	s3 =	sadd.s32 s3, s5;
	[dreg:$0x0] =	wrdreg $0x0  }
0xb7: {  	s5 =	sshll.u32 s28, $0x1;
	[dreg:$0x2] =	wrdreg s3  }
0xb8: {  	[dreg:$0x3] =	wrdreg s5  }
0xb9: {  	[dreg:$0x4] =	wrdreg $0xC0  }
0xba: {  	_ =	task [dreg:s22], $0x5FFFF  }
0xbb: {  	[dreg:$0x1] =	wrdreg $0xFFFFFFFF  }
0xbc: {  	[dreg:$0x0] =	wrdreg $0x60  }
0xbd: {  	[dreg:$0x2] =	wrdreg s24  }
0xbe: {  	[dreg:$0x3] =	wrdreg $0xB4000  }
0xbf: {  	[dreg:$0x4] =	wrdreg $0xA  }
0xc0: {  	_ =	task.clear_ibuf [dreg:s22], $0x5FFFF;
	_ =	strace $0x9000004F  }
0xc1: {  	s29 =	simm.s32 $0xA;
	_ =	strace $0x80000051  }
0xc2: {  	_ =	swait.ge [sflag:s29], $0x1  }
0xc3: {  	[sflag:s29] =	ssyncadd.s32 $0xFFFFFFFF  }
0xc4: {  	_ =	strace $0x90000051  }
0xc5: {  	_ =	sfence  }
0xc6: {  	s30 =	sld [smem:$0x0];
	_ =	sdelay $0x2  }
0xc7: {  	s31 =	sshll.u32 s1, $0xD;
	s1 =	sshrl.u32 s1, $0x2  }
0xc8: {  	s4 =	sand.u32 $0x4000, s31;
	s1 =	sadd.s32 s1, s30  }
0xc9: {  	s0 =	sor.u32 s4, s0;
	s1 =	sshll.u32 s1, $0x11  }
0xca: {  	s0 =	sor.u32 s1, s0  }
0xcb: {  	s0 =	sadd.s32 $0x8F2B, s0  }
0xcc: {  	[sflag:s0] =	ssyncadd.remote.s32 $0x1  }
0xcd: {  	_ =	sfence.sel $0xFFFF  }
0xce: {  	[dreg:$0x0] =	wrdreg $0xFFFFFFFF;
	(pc) =	sbr.abs _section_cstart, $3  }
0xcf: {  	[dreg:$0x1] =	wrdreg $0xFFFFFFFF  }
0xd0: {  	_ =	task.clear_ibuf [dreg:s22], $0x2FFFF;
	_ =	strace $0x9FFFFFFF  }
0xd1: {  	(tm) =	ssettm $0x7FFFFFFF  }
tec
execute0_lowered:
.L_overlay_start_1:
0x0: {  	(tag) =	ssettag $0x1  }
0x1: {  	s0 =	rddreg [dreg:$0x0]  }
0x2: {  	s1 =	rddreg [dreg:$0x1];
	s2 =	srdreg.scid  }
0x3: {  	s10 =	stileid.u32;
	s11 =	simm.s32 $0x1;
	s12 =	simm.s32 $0x80  }
0x4: {  	s13 =	simm.s32 $0x400;
	s14 =	simm.s32 $0xA00;
	s15 =	simm.s32 $0x140  }
0x5: {  	s16 =	simm.s32 $0x1400;
	s17 =	simm.s32 $0xB40;
	s18 =	simm.s32 $0x280  }
0x6: {  	s19 =	simm.s32 $0xC80;
	s20 =	simm.s32 $0x3C0;
	s21 =	simm.s32 $0xDC0  }
0x7: {  	s22 =	simm.s32 $0x500;
	s28 =	simm.s32 $0x780;
	s29 =	simm.s32 $0x1180  }
0x8: {  	s30 =	simm.s32 $0x8C0;
	s31 =	simm.s32 $0x12C0;
	s2 =	sand.u32 $0x1, s2  }
0x9: {  	s3 =	sshrl.u32 s10, $0x2;
	s4 =	sshll.u32 s10, $0x8;
	s7 =	smul.u32 $0x4F000, s10  }
0xa: {  	s8 =	sadd.s32 $0x40200, s0;
	s25 =	sshll.u32 s10, $0x6;
	s26 =	smul.u32 $0x2780, s10  }
0xb: {  	s5 =	smul.u32 $0x14000, s3;
	s4 =	sand.u32 $0x300, s4;
	s6 =	sshll.u32 s2, $0x7  }
0xc: {  	s3 =	simm.s32 $0x0;
	s23 =	smul.u32 $0x27800, s2;
	s2 =	ssub.s32 $0x2, s2  }
0xd: {  	s4 =	sor.u32 s6, s4;
	[smem:$0x7FF] =	sst s3;
	s24 =	sshrl.u32 s2, $0x1  }
0xe: {  	s7 =	sshrl.u32 s7, $0x2;
	s6 =	sor.u32 $0x1C01, s25;
	s25 =	simm.s32 $0x640  }
0xf: {  	s4 =	sor.u32 s5, s4;
	_ =	strace $0x80000050;
	[dreg:$0x3] =	wrdreg s8  }
0x10: {  	s2 =	ssub.s32 s2, s24;
	s9 =	sadd.s32 s7, s1;
	[dreg:$0x5] =	wrdreg s6  }
0x11: {  	s5 =	sshrl.u32 s4, $0x3;
	s4 =	sadd.s32 $0x91A00, s0;
	s2 =	smax.u32 s2, $0x1  }
0x12: {  	s9 =	sshrl.u32 s9, $0x3;
	s5 =	sadd.s32 s5, s0;
	s0 =	sadd.s32 s23, s0  }
0x13: {  	[dreg:$0x4] =	wrdreg s2;
	s23 =	simm.s32 $0xF00;
	s0 =	sadd.s32 $0xCCC00, s0  }
0x14: {  	s2 =	simm.s32 $0x0;
	s7 =	sadd.s32 $0xB8C00, s5;
	s0 =	sadd.s32 s26, s0  }
0x15: {  	s8 =	sadd.s32 $0xC2C00, s5;
	s26 =	simm.s32 $0x1040;
	[dreg:$0x6] =	wrdreg s0  }
.LBB2_1:
0x16: {  	s0 =	rddreg [dreg:$0x3]  }
0x17: {  	[spmem:s9], [sflag:s6] =	dma.local [hbm:s0], $0x2780  }
0x18: {  	_ =	swait.ge [sflag:s11], $0x2780  }
0x19: {  	[sflag:s11] =	ssyncset.done $0x0  }
0x1a: {  	[sflag:s11] =	ssyncadd.s32 $0xFFFFD880  }
0x1b: {  	s10 =	smov.u32 s9;
	s9 =	sadd.s32 $0x0, s7;
	[bflag:$0x0] =	sbarrier.arrive $0xFFFF  }
0x1c: {  	[tilespmem:s3], [sflag:$0x1] =	stream.strided.gather [hbm4b:s9+s12], $0xA00, s13, s12, $0x38;
	[tilespmem:$0x1F000] =	vst v63  }
0x1d: {  	_ =	swait.ge [sflag:s11], $0xA00  }
0x1e: {  	[sflag:s11] =	ssyncset.done $0x0  }
0x1f: {  	s24 =	sadd.s32 $0x0, s8;
	[sflag:s11] =	ssyncadd.s32 $0xFFFFF600  }
0x20: {  	[tilespmem:s14], [sflag:$0x1] =	stream.strided.gather [hbm4b:s24+s12], $0xA00, s13, s12, $0x38;
	[tilespmem:$0x1F000] =	vst v63  }
0x21: {  	_ =	swait.ge [sflag:s11], $0xA00  }
0x22: {  	[sflag:s11] =	ssyncset.done $0x0  }
0x23: {  	[sflag:s11] =	ssyncadd.s32 $0xFFFFF600  }
0x24: {  	[tilespmem:s16], [sflag:$0x1] =	stream.indirect.gather [hbm4b:s4+s15], $0x80, s3, s15, $0xb8;
	[tilespmem:$0x1F000] =	vst v63  }
0x25: {  	_ =	swait.ge [sflag:s11], $0xA000  }
0x26: {  	[sflag:s11] =	ssyncset.done $0x0  }
0x27: {  	[sflag:s11] =	ssyncadd.s32 $0xFFFF6000  }
0x28: {  	[spmem:s1] =	stream.indirect.scatter.add.f32 [tilespmem:s16], [sflag:$0x1], $0x80, s14, s15, $0xb8;
	[tilespmem:$0x1F000] =	vst v63  }
0x29: {  	_ =	swait.ge [sflag:s11], $0xA000  }
0x2a: {  	[sflag:s11] =	ssyncset.done $0x0  }
0x2b: {  	[sflag:s11] =	ssyncadd.s32 $0xFFFF6000  }
0x2c: {  	[tilespmem:s16], [sflag:$0x1] =	stream.indirect.gather [hbm4b:s4+s15], $0x80, s15, s15, $0xb8;
	[tilespmem:$0x1F000] =	vst v63  }
0x2d: {  	_ =	swait.ge [sflag:s11], $0xA000  }
0x2e: {  	[sflag:s11] =	ssyncset.done $0x0  }
0x2f: {  	[sflag:s11] =	ssyncadd.s32 $0xFFFF6000  }
0x30: {  	[spmem:s1] =	stream.indirect.scatter.add.f32 [tilespmem:s16], [sflag:$0x1], $0x80, s17, s15, $0xb8;
	[tilespmem:$0x1F000] =	vst v63  }
0x31: {  	_ =	swait.ge [sflag:s11], $0xA000  }
0x32: {  	[sflag:s11] =	ssyncset.done $0x0  }
0x33: {  	[sflag:s11] =	ssyncadd.s32 $0xFFFF6000  }
0x34: {  	[tilespmem:s16], [sflag:$0x1] =	stream.indirect.gather [hbm4b:s4+s15], $0x80, s18, s15, $0xb8;
	[tilespmem:$0x1F000] =	vst v63  }
0x35: {  	_ =	swait.ge [sflag:s11], $0xA000  }
0x36: {  	[sflag:s11] =	ssyncset.done $0x0  }
0x37: {  	[sflag:s11] =	ssyncadd.s32 $0xFFFF6000  }
0x38: {  	[spmem:s1] =	stream.indirect.scatter.add.f32 [tilespmem:s16], [sflag:$0x1], $0x80, s19, s15, $0xb8;
	[tilespmem:$0x1F000] =	vst v63  }
0x39: {  	_ =	swait.ge [sflag:s11], $0xA000  }
0x3a: {  	[sflag:s11] =	ssyncset.done $0x0  }
0x3b: {  	[sflag:s11] =	ssyncadd.s32 $0xFFFF6000  }
0x3c: {  	[tilespmem:s16], [sflag:$0x1] =	stream.indirect.gather [hbm4b:s4+s15], $0x80, s20, s15, $0xb8;
	[tilespmem:$0x1F000] =	vst v63  }
0x3d: {  	_ =	swait.ge [sflag:s11], $0xA000  }
0x3e: {  	[sflag:s11] =	ssyncset.done $0x0  }
0x3f: {  	[sflag:s11] =	ssyncadd.s32 $0xFFFF6000  }
0x40: {  	[spmem:s1] =	stream.indirect.scatter.add.f32 [tilespmem:s16], [sflag:$0x1], $0x80, s21, s15, $0xb8;
	[tilespmem:$0x1F000] =	vst v63  }
0x41: {  	_ =	swait.ge [sflag:s11], $0xA000  }
0x42: {  	[sflag:s11] =	ssyncset.done $0x0  }
0x43: {  	[sflag:s11] =	ssyncadd.s32 $0xFFFF6000  }
0x44: {  	[tilespmem:s16], [sflag:$0x1] =	stream.indirect.gather [hbm4b:s4+s15], $0x80, s22, s15, $0xb8;
	[tilespmem:$0x1F000] =	vst v63  }
0x45: {  	_ =	swait.ge [sflag:s11], $0xA000  }
0x46: {  	[sflag:s11] =	ssyncset.done $0x0  }
0x47: {  	[sflag:s11] =	ssyncadd.s32 $0xFFFF6000  }
0x48: {  	[spmem:s1] =	stream.indirect.scatter.add.f32 [tilespmem:s16], [sflag:$0x1], $0x80, s23, s15, $0xb8;
	[tilespmem:$0x1F000] =	vst v63  }
0x49: {  	_ =	swait.ge [sflag:s11], $0xA000  }
0x4a: {  	[sflag:s11] =	ssyncset.done $0x0  }
0x4b: {  	[sflag:s11] =	ssyncadd.s32 $0xFFFF6000  }
0x4c: {  	[tilespmem:s16], [sflag:$0x1] =	stream.indirect.gather [hbm4b:s4+s15], $0x80, s25, s15, $0xb8;
	[tilespmem:$0x1F000] =	vst v63  }
0x4d: {  	_ =	swait.ge [sflag:s11], $0xA000  }
0x4e: {  	[sflag:s11] =	ssyncset.done $0x0  }
0x4f: {  	[sflag:s11] =	ssyncadd.s32 $0xFFFF6000  }
0x50: {  	[spmem:s1] =	stream.indirect.scatter.add.f32 [tilespmem:s16], [sflag:$0x1], $0x80, s26, s15, $0xb8;
	[tilespmem:$0x1F000] =	vst v63  }
0x51: {  	_ =	swait.ge [sflag:s11], $0xA000  }
0x52: {  	[sflag:s11] =	ssyncset.done $0x0  }
0x53: {  	[sflag:s11] =	ssyncadd.s32 $0xFFFF6000  }
0x54: {  	[tilespmem:s16], [sflag:$0x1] =	stream.indirect.gather [hbm4b:s4+s15], $0x80, s28, s15, $0xb8;
	[tilespmem:$0x1F000] =	vst v63  }
0x55: {  	_ =	swait.ge [sflag:s11], $0xA000  }
0x56: {  	[sflag:s11] =	ssyncset.done $0x0  }
0x57: {  	[sflag:s11] =	ssyncadd.s32 $0xFFFF6000  }
0x58: {  	[spmem:s1] =	stream.indirect.scatter.add.f32 [tilespmem:s16], [sflag:$0x1], $0x80, s29, s15, $0xb8;
	[tilespmem:$0x1F000] =	vst v63  }
0x59: {  	_ =	swait.ge [sflag:s11], $0xA000  }
0x5a: {  	[sflag:s11] =	ssyncset.done $0x0  }
0x5b: {  	[sflag:s11] =	ssyncadd.s32 $0xFFFF6000  }
0x5c: {  	[tilespmem:s16], [sflag:$0x1] =	stream.indirect.gather [hbm4b:s4+s15], $0x80, s30, s15, $0xb8;
	[tilespmem:$0x1F000] =	vst v63  }
0x5d: {  	_ =	swait.ge [sflag:s11], $0xA000  }
0x5e: {  	[sflag:s11] =	ssyncset.done $0x0  }
0x5f: {  	[sflag:s11] =	ssyncadd.s32 $0xFFFF6000  }
0x60: {  	[spmem:s1] =	stream.indirect.scatter.add.f32 [tilespmem:s16], [sflag:$0x1], $0x80, s31, s15, $0xb8;
	[tilespmem:$0x1F000] =	vst v63  }
0x61: {  	_ =	swait.ge [sflag:s11], $0xA000  }
0x62: {  	s5 =	simm.s32 $0x1400;
	s0 =	simm.s32 $0xA00;
	[sflag:s11] =	ssyncset.done $0x0  }
.LBB2_2:
0x63: {  	s24 =	sadd.s32 s0, s7  }
0x64: {  	[sflag:s11] =	ssyncadd.s32 $0xFFFF6000;
	s6 =	smov.u32 s5;
	s9 =	sadd.s32 $0xA00, s5  }
0x65: {  	[tilespmem:s3], [sflag:$0x1] =	stream.strided.gather [hbm4b:s24+s12], $0xA00, s13, s12, $0x38;
	[tilespmem:$0x1F000] =	vst v63  }
0x66: {  	p0 =	sne.s32 s5, $0x1E00;
	_ =	swait.ge [sflag:s11], $0xA00  }
0x67: {  	[sflag:s11] =	ssyncset.done $0x0  }
0x68: {  	s5 =	sadd.s32 s0, s8;
	s0 =	smov.u32 s6;
	[sflag:s11] =	ssyncadd.s32 $0xFFFFF600  }
0x69: {  	[tilespmem:s14], [sflag:$0x1] =	stream.strided.gather [hbm4b:s5+s12], $0xA00, s13, s12, $0x38;
	[tilespmem:$0x1F000] =	vst v63  }
0x6a: {  	_ =	swait.ge [sflag:s11], $0xA00  }
0x6b: {  	[sflag:s11] =	ssyncset.done $0x0  }
0x6c: {  	[sflag:s11] =	ssyncadd.s32 $0xFFFFF600  }
0x6d: {  	[tilespmem:s16], [sflag:$0x1] =	stream.indirect.gather [hbm4b:s4+s15], $0x80, s3, s15, $0xb8;
	[tilespmem:$0x1F000] =	vst v63  }
0x6e: {  	_ =	swait.ge [sflag:s11], $0xA000  }
0x6f: {  	[sflag:s11] =	ssyncset.done $0x0  }
0x70: {  	[sflag:s11] =	ssyncadd.s32 $0xFFFF6000  }
0x71: {  	[spmem:s1] =	stream.indirect.scatter.add.f32 [tilespmem:s16], [sflag:$0x1], $0x80, s14, s15, $0xb8;
	[tilespmem:$0x1F000] =	vst v63  }
0x72: {  	_ =	swait.ge [sflag:s11], $0xA000  }
0x73: {  	[sflag:s11] =	ssyncset.done $0x0  }
0x74: {  	[sflag:s11] =	ssyncadd.s32 $0xFFFF6000  }
0x75: {  	[tilespmem:s16], [sflag:$0x1] =	stream.indirect.gather [hbm4b:s4+s15], $0x80, s15, s15, $0xb8;
	[tilespmem:$0x1F000] =	vst v63  }
0x76: {  	_ =	swait.ge [sflag:s11], $0xA000  }
0x77: {  	[sflag:s11] =	ssyncset.done $0x0  }
0x78: {  	[sflag:s11] =	ssyncadd.s32 $0xFFFF6000  }
0x79: {  	[spmem:s1] =	stream.indirect.scatter.add.f32 [tilespmem:s16], [sflag:$0x1], $0x80, s17, s15, $0xb8;
	[tilespmem:$0x1F000] =	vst v63  }
0x7a: {  	_ =	swait.ge [sflag:s11], $0xA000  }
0x7b: {  	[sflag:s11] =	ssyncset.done $0x0  }
0x7c: {  	[sflag:s11] =	ssyncadd.s32 $0xFFFF6000  }
0x7d: {  	[tilespmem:s16], [sflag:$0x1] =	stream.indirect.gather [hbm4b:s4+s15], $0x80, s18, s15, $0xb8;
	[tilespmem:$0x1F000] =	vst v63  }
0x7e: {  	_ =	swait.ge [sflag:s11], $0xA000  }
0x7f: {  	[sflag:s11] =	ssyncset.done $0x0  }
0x80: {  	[sflag:s11] =	ssyncadd.s32 $0xFFFF6000  }
0x81: {  	[spmem:s1] =	stream.indirect.scatter.add.f32 [tilespmem:s16], [sflag:$0x1], $0x80, s19, s15, $0xb8;
	[tilespmem:$0x1F000] =	vst v63  }
0x82: {  	_ =	swait.ge [sflag:s11], $0xA000  }
0x83: {  	[sflag:s11] =	ssyncset.done $0x0  }
0x84: {  	[sflag:s11] =	ssyncadd.s32 $0xFFFF6000  }
0x85: {  	[tilespmem:s16], [sflag:$0x1] =	stream.indirect.gather [hbm4b:s4+s15], $0x80, s20, s15, $0xb8;
	[tilespmem:$0x1F000] =	vst v63  }
0x86: {  	_ =	swait.ge [sflag:s11], $0xA000  }
0x87: {  	[sflag:s11] =	ssyncset.done $0x0  }
0x88: {  	[sflag:s11] =	ssyncadd.s32 $0xFFFF6000  }
0x89: {  	[spmem:s1] =	stream.indirect.scatter.add.f32 [tilespmem:s16], [sflag:$0x1], $0x80, s21, s15, $0xb8;
	[tilespmem:$0x1F000] =	vst v63  }
0x8a: {  	_ =	swait.ge [sflag:s11], $0xA000  }
0x8b: {  	[sflag:s11] =	ssyncset.done $0x0  }
0x8c: {  	[sflag:s11] =	ssyncadd.s32 $0xFFFF6000  }
0x8d: {  	[tilespmem:s16], [sflag:$0x1] =	stream.indirect.gather [hbm4b:s4+s15], $0x80, s22, s15, $0xb8;
	[tilespmem:$0x1F000] =	vst v63  }
0x8e: {  	_ =	swait.ge [sflag:s11], $0xA000  }
0x8f: {  	[sflag:s11] =	ssyncset.done $0x0  }
0x90: {  	[sflag:s11] =	ssyncadd.s32 $0xFFFF6000  }
0x91: {  	[spmem:s1] =	stream.indirect.scatter.add.f32 [tilespmem:s16], [sflag:$0x1], $0x80, s23, s15, $0xb8;
	[tilespmem:$0x1F000] =	vst v63  }
0x92: {  	_ =	swait.ge [sflag:s11], $0xA000  }
0x93: {  	[sflag:s11] =	ssyncset.done $0x0  }
0x94: {  	[sflag:s11] =	ssyncadd.s32 $0xFFFF6000  }
0x95: {  	[tilespmem:s16], [sflag:$0x1] =	stream.indirect.gather [hbm4b:s4+s15], $0x80, s25, s15, $0xb8;
	[tilespmem:$0x1F000] =	vst v63  }
0x96: {  	_ =	swait.ge [sflag:s11], $0xA000  }
0x97: {  	[sflag:s11] =	ssyncset.done $0x0  }
0x98: {  	[sflag:s11] =	ssyncadd.s32 $0xFFFF6000  }
0x99: {  	[spmem:s1] =	stream.indirect.scatter.add.f32 [tilespmem:s16], [sflag:$0x1], $0x80, s26, s15, $0xb8;
	[tilespmem:$0x1F000] =	vst v63  }
0x9a: {  	_ =	swait.ge [sflag:s11], $0xA000  }
0x9b: {  	[sflag:s11] =	ssyncset.done $0x0  }
0x9c: {  	[sflag:s11] =	ssyncadd.s32 $0xFFFF6000  }
0x9d: {  	[tilespmem:s16], [sflag:$0x1] =	stream.indirect.gather [hbm4b:s4+s15], $0x80, s28, s15, $0xb8;
	[tilespmem:$0x1F000] =	vst v63  }
0x9e: {  	_ =	swait.ge [sflag:s11], $0xA000  }
0x9f: {  	[sflag:s11] =	ssyncset.done $0x0  }
0xa0: {  	[sflag:s11] =	ssyncadd.s32 $0xFFFF6000  }
0xa1: {  	[spmem:s1] =	stream.indirect.scatter.add.f32 [tilespmem:s16], [sflag:$0x1], $0x80, s29, s15, $0xb8;
	[tilespmem:$0x1F000] =	vst v63  }
0xa2: {  	_ =	swait.ge [sflag:s11], $0xA000  }
0xa3: {  	[sflag:s11] =	ssyncset.done $0x0  }
0xa4: {  	[sflag:s11] =	ssyncadd.s32 $0xFFFF6000  }
0xa5: {  	[tilespmem:s16], [sflag:$0x1] =	stream.indirect.gather [hbm4b:s4+s15], $0x80, s30, s15, $0xb8;
	[tilespmem:$0x1F000] =	vst v63  }
0xa6: {  	_ =	swait.ge [sflag:s11], $0xA000  }
.Ltmp0:
0xa7: {  	[sflag:s11] =	ssyncset.done $0x0;
	(pc) =	sbr.rel @p0 .LBB2_2-.Ltmp0, $4  }
0xa8: {  	[sflag:s11] =	ssyncadd.s32 $0xFFFF6000  }
0xa9: {  	[spmem:s1] =	stream.indirect.scatter.add.f32 [tilespmem:s16], [sflag:$0x1], $0x80, s31, s15, $0xb8;
	[tilespmem:$0x1F000] =	vst v63  }
0xaa: {  	_ =	swait.ge [sflag:s11], $0xA000  }
0xab: {  	s5 =	smov.u32 s9;
	[sflag:s11] =	ssyncset.done $0x0  }
0xac: {  	s5 =	sadd.s32 s0, s7;
	[sflag:s11] =	ssyncadd.s32 $0xFFFF6000  }
0xad: {  	[tilespmem:s3], [sflag:$0x1] =	stream.strided.gather [hbm4b:s5+s12], $0xA00, s13, s12, $0x38;
	[tilespmem:$0x1F000] =	vst v63  }
0xae: {  	_ =	swait.ge [sflag:s11], $0xA00  }
0xaf: {  	[sflag:s11] =	ssyncset.done $0x0  }
0xb0: {  	s24 =	sadd.s32 s0, s8;
	[sflag:s11] =	ssyncadd.s32 $0xFFFFF600  }
0xb1: {  	[tilespmem:s14], [sflag:$0x1] =	stream.strided.gather [hbm4b:s24+s12], $0xA00, s13, s12, $0x38;
	[tilespmem:$0x1F000] =	vst v63  }
0xb2: {  	_ =	swait.ge [sflag:s11], $0xA00  }
0xb3: {  	[sflag:s11] =	ssyncset.done $0x0  }
0xb4: {  	[sflag:s11] =	ssyncadd.s32 $0xFFFFF600  }
0xb5: {  	[tilespmem:s16], [sflag:$0x1] =	stream.indirect.gather [hbm4b:s4+s15], $0x80, s3, s15, $0xb8;
	[tilespmem:$0x1F000] =	vst v63  }
0xb6: {  	_ =	swait.ge [sflag:s11], $0xA000  }
0xb7: {  	[sflag:s11] =	ssyncset.done $0x0  }
0xb8: {  	[sflag:s11] =	ssyncadd.s32 $0xFFFF6000  }
0xb9: {  	[spmem:s1] =	stream.indirect.scatter.add.f32 [tilespmem:s16], [sflag:$0x1], $0x80, s14, s15, $0xb8;
	[tilespmem:$0x1F000] =	vst v63  }
0xba: {  	_ =	swait.ge [sflag:s11], $0xA000  }
0xbb: {  	[sflag:s11] =	ssyncset.done $0x0  }
0xbc: {  	[sflag:s11] =	ssyncadd.s32 $0xFFFF6000  }
0xbd: {  	[tilespmem:s16], [sflag:$0x1] =	stream.indirect.gather [hbm4b:s4+s15], $0x80, s15, s15, $0xb8;
	[tilespmem:$0x1F000] =	vst v63  }
0xbe: {  	_ =	swait.ge [sflag:s11], $0xA000  }
0xbf: {  	[sflag:s11] =	ssyncset.done $0x0  }
0xc0: {  	[sflag:s11] =	ssyncadd.s32 $0xFFFF6000  }
0xc1: {  	[spmem:s1] =	stream.indirect.scatter.add.f32 [tilespmem:s16], [sflag:$0x1], $0x80, s17, s15, $0xb8;
	[tilespmem:$0x1F000] =	vst v63  }
0xc2: {  	_ =	swait.ge [sflag:s11], $0xA000  }
0xc3: {  	[sflag:s11] =	ssyncset.done $0x0  }
0xc4: {  	[sflag:s11] =	ssyncadd.s32 $0xFFFF6000  }
0xc5: {  	[tilespmem:s16], [sflag:$0x1] =	stream.indirect.gather [hbm4b:s4+s15], $0x80, s18, s15, $0xb8;
	[tilespmem:$0x1F000] =	vst v63  }
0xc6: {  	_ =	swait.ge [sflag:s11], $0xA000  }
0xc7: {  	[sflag:s11] =	ssyncset.done $0x0  }
0xc8: {  	[sflag:s11] =	ssyncadd.s32 $0xFFFF6000  }
0xc9: {  	[spmem:s1] =	stream.indirect.scatter.add.f32 [tilespmem:s16], [sflag:$0x1], $0x80, s19, s15, $0xb8;
	[tilespmem:$0x1F000] =	vst v63  }
0xca: {  	_ =	swait.ge [sflag:s11], $0xA000  }
0xcb: {  	[sflag:s11] =	ssyncset.done $0x0  }
0xcc: {  	[sflag:s11] =	ssyncadd.s32 $0xFFFF6000  }
0xcd: {  	[tilespmem:s16], [sflag:$0x1] =	stream.indirect.gather [hbm4b:s4+s15], $0x80, s20, s15, $0xb8;
	[tilespmem:$0x1F000] =	vst v63  }
0xce: {  	_ =	swait.ge [sflag:s11], $0xA000  }
0xcf: {  	[sflag:s11] =	ssyncset.done $0x0  }
0xd0: {  	[sflag:s11] =	ssyncadd.s32 $0xFFFF6000  }
0xd1: {  	[spmem:s1] =	stream.indirect.scatter.add.f32 [tilespmem:s16], [sflag:$0x1], $0x80, s21, s15, $0xb8;
	[tilespmem:$0x1F000] =	vst v63  }
0xd2: {  	_ =	swait.ge [sflag:s11], $0xA000  }
0xd3: {  	[sflag:s11] =	ssyncset.done $0x0  }
0xd4: {  	[sflag:s11] =	ssyncadd.s32 $0xFFFF6000  }
0xd5: {  	[tilespmem:s16], [sflag:$0x1] =	stream.indirect.gather [hbm4b:s4+s15], $0x80, s22, s15, $0xb8;
	[tilespmem:$0x1F000] =	vst v63  }
0xd6: {  	_ =	swait.ge [sflag:s11], $0xA000  }
0xd7: {  	[sflag:s11] =	ssyncset.done $0x0  }
0xd8: {  	[sflag:s11] =	ssyncadd.s32 $0xFFFF6000  }
0xd9: {  	[spmem:s1] =	stream.indirect.scatter.add.f32 [tilespmem:s16], [sflag:$0x1], $0x80, s23, s15, $0xb8;
	[tilespmem:$0x1F000] =	vst v63  }
0xda: {  	_ =	swait.ge [sflag:s11], $0xA000  }
0xdb: {  	[sflag:s11] =	ssyncset.done $0x0  }
0xdc: {  	[sflag:s11] =	ssyncadd.s32 $0xFFFF6000  }
0xdd: {  	[tilespmem:s16], [sflag:$0x1] =	stream.indirect.gather [hbm4b:s4+s15], $0x80, s25, s15, $0xb8;
	[tilespmem:$0x1F000] =	vst v63  }
0xde: {  	_ =	swait.ge [sflag:s11], $0xA000  }
0xdf: {  	[sflag:s11] =	ssyncset.done $0x0  }
0xe0: {  	[sflag:s11] =	ssyncadd.s32 $0xFFFF6000  }
0xe1: {  	[spmem:s1] =	stream.indirect.scatter.add.f32 [tilespmem:s16], [sflag:$0x1], $0x80, s26, s15, $0xb8;
	[tilespmem:$0x1F000] =	vst v63  }
0xe2: {  	_ =	swait.ge [sflag:s11], $0xA000  }
0xe3: {  	[sflag:s11] =	ssyncset.done $0x0  }
0xe4: {  	[sflag:s11] =	ssyncadd.s32 $0xFFFF6000  }
0xe5: {  	[tilespmem:s16], [sflag:$0x1] =	stream.indirect.gather [hbm4b:s4+s15], $0x80, s28, s15, $0xb8;
	[tilespmem:$0x1F000] =	vst v63  }
0xe6: {  	_ =	swait.ge [sflag:s11], $0xA000  }
0xe7: {  	[sflag:s11] =	ssyncset.done $0x0  }
0xe8: {  	[sflag:s11] =	ssyncadd.s32 $0xFFFF6000  }
0xe9: {  	[spmem:s1] =	stream.indirect.scatter.add.f32 [tilespmem:s16], [sflag:$0x1], $0x80, s29, s15, $0xb8;
	[tilespmem:$0x1F000] =	vst v63  }
0xea: {  	_ =	swait.ge [sflag:s11], $0xA000  }
0xeb: {  	[sflag:s11] =	ssyncset.done $0x0  }
0xec: {  	[sflag:s11] =	ssyncadd.s32 $0xFFFF6000  }
0xed: {  	[tilespmem:s16], [sflag:$0x1] =	stream.indirect.gather [hbm4b:s4+s15], $0x80, s30, s15, $0xb8;
	[tilespmem:$0x1F000] =	vst v63  }
0xee: {  	_ =	swait.ge [sflag:s11], $0xA000  }
0xef: {  	[sflag:s11] =	ssyncset.done $0x0  }
0xf0: {  	[sflag:s11] =	ssyncadd.s32 $0xFFFF6000  }
0xf1: {  	[spmem:s1] =	stream.indirect.scatter.add.f32 [tilespmem:s16], [sflag:$0x1], $0x80, s31, s15, $0xb8;
	[tilespmem:$0x1F000] =	vst v63  }
0xf2: {  	_ =	swait.ge [sflag:s11], $0xA000  }
0xf3: {  	[sflag:s11] =	ssyncset.done $0x0  }
0xf4: {  	[sflag:s11] =	ssyncadd.s32 $0xFFFF6000  }
0xf5: {  	[bflag:$0x0] =	sbarrier.arrive $0xFFFF  }
0xf6: {  	s6 =	rddreg [dreg:$0x5]  }
0xf7: {  	s5 =	rddreg [dreg:$0x6]  }
0xf8: {  	[hbm:s5], [sflag:s6] =	dma.local [spmem:s10], $0x2780  }
0xf9: {  	_ =	swait.ge [sflag:s11], $0x2780  }
0xfa: {  	s2 =	sadd.s32 $0x1, s2;
	s24 =	rddreg [dreg:$0x4]  }
0xfb: {  	p0 =	sne.s32 s2, s24  }
.Ltmp1:
0xfc: {  	_ = 	snop;
	(pc) =	sbr.rel @p0 .LBB2_1-.Ltmp1, $3  }
0xfd: {  	_ =	sdelay $0x1  }
0xfe: {  	[sflag:s11] =	ssyncset.done $0x0  }
0xff: {  	s9 =	smov.u32 s10;
	[sflag:s11] =	ssyncadd.s32 $0xFFFFD880  }
0x100: {  	_ =	sfence.sel $0x180000  }
0x101: {  	[bflag:$0x0] =	sbarrier.arrive $0xFFFF  }
0x102: {  	_ =	strace $0x90000050  }
0x103: {  	s0 =	stileid.u32;
	[bflag:$0x2] =	sbarrier.arrive $0xFFFF  }
0x104: {  	p0 =	sne.s32 s0, $0x0;
	s0 =	rddreg [dreg:$0x2]  }
0x105: {  	s0 =	sadd.s32 @!p0 $0x100000, s0  }
0x106: {  	[sflag:s0] =	ssyncadd.tile.s32 @!p0 $0x1;
	_ =	shalt  }
.Lfunc_end2:
_tile_overlayer_lowered:
.L_overlay_start_2:
0x107: {  	(tag) =	ssettag $0x2  }
0x108: {  	s0 =	rddreg [dreg:$0x0];
	s2 =	stileid.u32  }
0x109: {  	s1 =	rddreg [dreg:$0x1];
	p0 =	sne.s32 s2, $0x0  }
0x10a: {  	s3 =	rddreg [dreg:$0x2];
	[bflag:$0x3] =	sbarrier.arrive $0xFFFF;
	s2 =	simm.s32 @!p0 $0x1C01  }
0x10b: {  	[timem:s3], [sflag:s2] =	dma.local @!p0 [hbm:s0], s1  }
0x10c: {  	s0 =	simm.s32 @!p0 $0x1  }
0x10d: {  	_ =	swait.ge @!p0 [sflag:s0], s1  }
0x10e: {  	s1 =	ssub.s32 @!p0 $0x0, s1;
	[sflag:s0] =	ssyncset.done @!p0 $0x0  }
0x10f: {  	[sflag:s0] =	ssyncadd.s32 @!p0 s1  }
0x110: {  	[bflag:$0x3] =	sbarrier.arrive $0xFFFF  }
0x111: {  	_ =	shalt  }

// kernel: kernel.39.cloned.1.call-start
scs
__scs_entry_jumppad:
0x0: {  	(pc) =	sbr.rel $0x88, $3  }
0x1: {  	(tag) =	ssettag $0x0;
	lr =	simm.s32 $0x1  }
0x2: {  	[smem:$0x3F97] =	sst lr;
	_ =	strace $0xD0000000  }
0x3: {  	_ = 	snop  }
0x4: {  	_ = 	snop  }
0x5: {  	_ = 	snop  }
0x6: {  	_ = 	snop  }
0x7: {  	_ = 	snop  }
__scs_overlays_trampoline_lowered:
0x8: {  	[smem:$0x3FA6] =	sst s0  }
0x9: {  	[smem:$0x3FA7] =	sst s1  }
0xa: {  	[smem:$0x3FA8] =	sst s2  }
0xb: {  	[smem:$0x3FA9] =	sst s3  }
0xc: {  	[smem:$0x3FAA] =	sst s4  }
0xd: {  	[smem:$0x3FAB] =	sst s5  }
0xe: {  	[smem:$0x3FAC] =	sst s6  }
0xf: {  	[smem:$0x3FAD] =	sst s7  }
0x10: {  	[smem:$0x3FAE] =	sst s8  }
0x11: {  	[smem:$0x3FAF] =	sst s9;
	s0 =	simm.s32 @!p0 $0x0  }
0x12: {  	s1 =	sld [smem:$0x3F95];
	s0 =	simm.s32 @p0 $0x1  }
0x13: {  	[smem:$0x3FB0] =	sst s0;
	s0 =	simm.s32 @!p1 $0x0  }
0x14: {  	s2 =	sld [smem:$0x3F94];
	s0 =	simm.s32 @p1 $0x1  }
0x15: {  	[smem:$0x3FB1] =	sst s0;
	s0 =	simm.s32 @!p2 $0x0  }
0x16: {  	s3 =	sld [smem:$0x3FDB];
	s0 =	simm.s32 @p2 $0x1  }
0x17: {  	s4 =	simm.s32 $0x1BF5;
	[smem:$0x3FB3] =	sst s0  }
0x18: {  	s0 =	sld [smem:$0x3F96];
	_ =	swait.ge [sflag:s4], $0x0  }
0x19: {  	s7 =	sld [smem:$0x3F97]  }
0x1a: {  	s8 =	sadd.s32 $0xFFFFE003, lr  }
0x1b: {  	s9 =	sadd.s32 $0xFFFFFEF7, lr;
	s5 =	simm.s32 $0xFFFFFFFF;
	p2 =	slt.u32 s8, $0xFFFFF086  }
0x1c: {  	p1 =	slt.u32 s9, $0xF7A;
	s5 =	simm.s32 @!p2 $0x0  }
0x1d: {  	s5 =	simm.s32 @p1 $0x1;
	p0 =	seq.s32 s7, s2  }
0x1e: {  	s7 =	smul.u32 @!p0 $0xF7A, s2;
	p2 =	seq.s32 @!p0 s5, $0x0  }
0x1f: {  	s9 =	smul.u32 $0xF7A, s1;
	s8 =	simm.s32 @!p0 $0x1BF5;
	p2 =	por !p2, p0  }
0x20: {  	[sflag:s8] =	ssyncset.s32 @!p0 $0xFFFFF086;
	s6 =	sadd.s32 @!p0 s3, s7;
	s7 =	simm.s32 @!p0 $0x108  }
0x21: {  	s3 =	sadd.s32 s3, s9;
	s6 =	sadd.s32 @!p0 $0x88, s6;
	s7 =	simm.s32 @p2 $0x1082  }
0x22: {  	[simem:s7], [sflag:s8] =	dma.local @!p0 [hbm:s6], $0xF7A  }
0x23: {  	s9 =	sor.u32 $0xD0000000, s2;
	s6 =	simm.s32 $0x108;
	_ =	swait.ge @!p0 [sflag:s8], $0x0  }
0x24: {  	s3 =	sadd.s32 $0x88, s3;
	s6 =	simm.s32 @!p1 $0x1082;
	[sflag:s4] =	ssyncset.s32 $0xFFFFF086  }
0x25: {  	[simem:s6], [sflag:s4] =	dma.local [hbm:s3], $0xF7A  }
0x26: {  	[smem:$0x3F97] =	sst s1;
	(tag) =	ssettag s2;
	_ =	strace s9  }
0x27: {  	s1 =	sld [smem:$0x3FA7]  }
0x28: {  	s2 =	sld [smem:$0x3FA8]  }
0x29: {  	s4 =	sld [smem:$0x3FAA]  }
0x2a: {  	p0 =	seq.s32 s5, $0x0;
	s5 =	sld [smem:$0x3FAB]  }
0x2b: {  	s6 =	sld [smem:$0x3FAC]  }
0x2c: {  	s7 =	sld [smem:$0x3FAD]  }
0x2d: {  	s3 =	simm.s32 $0x108;
	s8 =	sld [smem:$0x3FAE]  }
0x2e: {  	s3 =	simm.s32 @!p0 $0x1082;
	s9 =	sld [smem:$0x3FAF]  }
0x2f: {  	lr =	sadd.s32 s0, s3;
	s0 =	sld [smem:$0x3FA6]  }
0x30: {  	s3 =	sld [smem:$0x3FA9]  }
0x31: {  	[smem:$0x3FB2] =	sst s10  }
0x32: {  	s10 =	sld [smem:$0x3FB0];
	_ =	sdelay $0x3  }
0x33: {  	p0 =	seq.s32 s10, $0x1;
	s10 =	sld [smem:$0x3FB2];
	_ =	sdelay $0x3  }
0x34: {  	[smem:$0x3FB2] =	sst s10  }
0x35: {  	s10 =	sld [smem:$0x3FB1];
	_ =	sdelay $0x3  }
0x36: {  	p1 =	seq.s32 s10, $0x1;
	s10 =	sld [smem:$0x3FB2];
	_ =	sdelay $0x3  }
0x37: {  	[smem:$0x3FB2] =	sst s10  }
0x38: {  	s10 =	sld [smem:$0x3FB3]  }
0x39: {  	_ = 	snop;
	(pc) =	sbr.ind lr, $3  }
0x3a: {  	_ = 	snop  }
0x3b: {  	_ = 	snop  }
0x3c: {  	p2 =	seq.s32 s10, $0x1;
	s10 =	sld [smem:$0x3FB2]  }
0x3d: {  	_ =	shalt  }
0x3e: {  	_ =	shalt  }
0x3f: {  	_ =	shalt  }
0x40: {  	_ =	shalt  }
0x41: {  	_ =	shalt  }
0x42: {  	_ =	shalt  }
0x43: {  	_ =	shalt  }
0x44: {  	_ =	shalt  }
0x45: {  	_ =	shalt  }
0x46: {  	_ =	shalt  }
0x47: {  	_ =	shalt  }
0x48: {  	_ =	shalt  }
0x49: {  	_ =	shalt  }
0x4a: {  	_ =	shalt  }
0x4b: {  	_ =	shalt  }
0x4c: {  	_ =	shalt  }
0x4d: {  	_ =	shalt  }
0x4e: {  	_ =	shalt  }
0x4f: {  	_ =	shalt  }
0x50: {  	_ =	shalt  }
0x51: {  	_ =	shalt  }
0x52: {  	_ =	shalt  }
0x53: {  	_ =	shalt  }
0x54: {  	_ =	shalt  }
0x55: {  	_ =	shalt  }
0x56: {  	_ =	shalt  }
0x57: {  	_ =	shalt  }
0x58: {  	_ =	shalt  }
0x59: {  	_ =	shalt  }
0x5a: {  	_ =	shalt  }
0x5b: {  	_ =	shalt  }
0x5c: {  	_ =	shalt  }
0x5d: {  	_ =	shalt  }
0x5e: {  	_ =	shalt  }
0x5f: {  	_ =	shalt  }
0x60: {  	_ =	shalt  }
0x61: {  	_ =	shalt  }
0x62: {  	_ =	shalt  }
0x63: {  	_ =	shalt  }
0x64: {  	_ =	shalt  }
0x65: {  	_ =	shalt  }
0x66: {  	_ =	shalt  }
0x67: {  	_ =	shalt  }
0x68: {  	_ =	shalt  }
0x69: {  	_ =	shalt  }
0x6a: {  	_ =	shalt  }
0x6b: {  	_ =	shalt  }
0x6c: {  	_ =	shalt  }
0x6d: {  	_ =	shalt  }
0x6e: {  	_ =	shalt  }
0x6f: {  	_ =	shalt  }
0x70: {  	_ =	shalt  }
0x71: {  	_ =	shalt  }
0x72: {  	_ =	shalt  }
0x73: {  	_ =	shalt  }
0x74: {  	_ =	shalt  }
0x75: {  	_ =	shalt  }
0x76: {  	_ =	shalt  }
0x77: {  	_ =	shalt  }
0x78: {  	_ =	shalt  }
0x79: {  	_ =	shalt  }
0x7a: {  	_ =	shalt  }
0x7b: {  	_ =	shalt  }
0x7c: {  	_ =	shalt  }
0x7d: {  	_ =	shalt  }
0x7e: {  	_ =	shalt  }
0x7f: {  	_ =	shalt  }
0x80: {  	_ =	shalt  }
0x81: {  	_ =	shalt  }
0x82: {  	_ =	shalt  }
0x83: {  	_ =	shalt  }
0x84: {  	_ =	shalt  }
0x85: {  	_ =	shalt  }
0x86: {  	_ =	shalt  }
0x87: {  	_ =	shalt  }
.Lfunc_end0:
.L_simem_size_0:
called_computation.6_lowered:
.L_overlay_start_0:
0x88: {  	s2 =	sld [smem:$0x3FD9]  }
0x89: {  	s3 =	sld [smem:$0x3FFE];
	_ =	sdelay $0x1  }
0x8a: {  	s1 =	srdreg.scid  }
0x8b: {  	s0 =	sand.u32 $0x1, s1  }
0x8c: {  	s17 =	sshll.u32 s0, $0xA;
	s2 =	sadd.s32 s3, s2  }
0x8d: {  	s2 =	sadd.s32 s2, s17  }
0x8e: {  	[smem:$0x3FBE] =	sst s2  }
0x8f: {  	_ = 	snop  }
0x90: {  	(tm) =	ssettm $0x1  }
0x91: {  	s18 =	sld [smem:$0x3FFB];
	_ =	sdelay $0x3  }
0x92: {  	_ =	strace s18  }
0x93: {  	s2 =	sld [smem:$0x3FFC];
	_ =	sdelay $0x3  }
0x94: {  	_ =	strace s2  }
0x95: {  	s2 =	sld [smem:$0x3FFD];
	_ =	sdelay $0x3  }
0x96: {  	_ =	strace s2  }
0x97: {  	_ =	strace $0x8FFFFFFF  }
0x98: {  	s19 =	sld [smem:$0x3FDB];
	_ =	sdelay $0x1  }
0x99: {  	s20 =	simm.s32 $_scs_section_size  }
0x9a: {  	s4 =	simm.s32 $_size__tile_overlayer_lowered;
	s5 =	simm.s32 $_tile_overlayer_lowered  }
0x9b: {  	s6 =	simm.s32 $0x1BFF;
	s21 =	sshll.u32 s5, $0x1;
	s3 =	sadd.s32 s20, s19  }
0x9c: {  	s22 =	simm.s32 $0x0;
	s4 =	sshll.u32 s4, $0x1;
	s5 =	sadd.s32 s21, s3  }
0x9d: {  	[timem:s22], [sflag:s6] =	dma.local [hbm:s5], s4  }
0x9e: {  	_ =	swait.ge [sflag:s6], s4  }
0x9f: {  	s4 =	ssub.s32 $0x0, s4;
	[sflag:s6] =	ssyncset.done $0x0  }
0xa0: {  	[sflag:s6] =	ssyncadd.s32 s4;
	_ =	sdelay $0x1  }
0xa1: {  	s23 =	simm.s32 $0x1B8B  }
0xa2: {  	_ =	swait.ge [sflag:s23], $0x1  }
0xa3: {  	[sflag:s23] =	ssyncset.done $0x0  }
0xa4: {  	[sflag:s23] =	ssyncadd.s32 $0xFFFFFFFF  }
0xa5: {  	s4 =	sld [smem:$0x0]  }
0xa6: {  	s5 =	sand.u32 $0xFFFFFFFE, s1  }
0xa7: {  	p0 =	sne.s32 s1, s5  }
0xa8: {  	s5 =	sshll.u32 @p0 s5, $0xE  }
0xa9: {  	s5 =	sadd.s32 @p0 $0x11B8D, s5;
	s6 =	sshll.u32 @p0 s4, $0x11  }
0xaa: {  	s5 =	sor.u32 @p0 s6, s5  }
0xab: {  	[sflag:s5] =	ssyncadd.remote.s32 @p0 $0x1;
	_ =	sdelay $0x1  }
0xac: {  	s5 =	simm.s32 @p0 $0x1B8D  }
0xad: {  	_ =	swait.eq @p0 [sflag:s5], $0x1  }
0xae: {  	[sflag:s5] =	ssyncadd.s32 @p0 $0xFFFFFFFF  }
0xaf: {  	s6 =	sshll.u32 @!p0 s1, $0xE  }
0xb0: {  	s6 =	sor.u32 @!p0 $0x4000, s6;
	s5 =	simm.s32 @!p0 $0x1B8D  }
0xb1: {  	s4 =	sshll.u32 @!p0 s4, $0x11;
	s6 =	sadd.s32 @!p0 $0x11B8D, s6;
	_ =	swait.eq @!p0 [sflag:s5], $0x1  }
0xb2: {  	s4 =	sor.u32 @!p0 s4, s6;
	[sflag:s5] =	ssyncadd.s32 @!p0 $0xFFFFFFFF  }
0xb3: {  	s25 =	simm.s32 $0x1B8E;
	s24 =	sld [smem:$0x3FFE];
	[sflag:s4] =	ssyncadd.remote.s32 @!p0 $0x1  }
0xb4: {  	s26 =	simm.s32 $execute0_lowered;
	[smem:$0x3FD2] =	sst s25  }
0xb5: {  	s5 =	sshll.u32 s26, $0x1;
	_ =	strace $0x80000055;
	[dreg:$0x1] =	wrdreg $0xFFFFFFFF  }
0xb6: {  	s28 =	simm.s32 $_size_execute0_lowered;
	s3 =	sadd.s32 s3, s5;
	[dreg:$0x0] =	wrdreg $0x0  }
0xb7: {  	s5 =	sshll.u32 s28, $0x1;
	[dreg:$0x2] =	wrdreg s3  }
0xb8: {  	[dreg:$0x3] =	wrdreg s5  }
0xb9: {  	[dreg:$0x4] =	wrdreg $0xC0  }
0xba: {  	_ =	task [dreg:s22], $0x5FFFF  }
0xbb: {  	[dreg:$0x1] =	wrdreg $0xFFFFFFFF  }
0xbc: {  	[dreg:$0x0] =	wrdreg $0x60  }
0xbd: {  	[dreg:$0x2] =	wrdreg s24  }
0xbe: {  	[dreg:$0x3] =	wrdreg $0xB4000  }
0xbf: {  	[dreg:$0x4] =	wrdreg $0xA  }
0xc0: {  	_ =	task.clear_ibuf [dreg:s22], $0x5FFFF;
	_ =	strace $0x90000055  }
0xc1: {  	s29 =	simm.s32 $0xA;
	_ =	strace $0x80000057  }
0xc2: {  	_ =	swait.ge [sflag:s29], $0x1  }
0xc3: {  	[sflag:s29] =	ssyncadd.s32 $0xFFFFFFFF  }
0xc4: {  	_ =	strace $0x90000057  }
0xc5: {  	_ =	sfence  }
0xc6: {  	s30 =	sld [smem:$0x0];
	_ =	sdelay $0x2  }
0xc7: {  	s31 =	sshll.u32 s1, $0xD;
	s1 =	sshrl.u32 s1, $0x2  }
0xc8: {  	s4 =	sand.u32 $0x4000, s31;
	s1 =	sadd.s32 s1, s30  }
0xc9: {  	s0 =	sor.u32 s4, s0;
	s1 =	sshll.u32 s1, $0x11  }
0xca: {  	s0 =	sor.u32 s1, s0  }
0xcb: {  	s0 =	sadd.s32 $0x8F2B, s0  }
0xcc: {  	[sflag:s0] =	ssyncadd.remote.s32 $0x1  }
0xcd: {  	_ =	sfence.sel $0xFFFF  }
0xce: {  	[dreg:$0x0] =	wrdreg $0xFFFFFFFF;
	(pc) =	sbr.abs _section_cstart, $3  }
0xcf: {  	[dreg:$0x1] =	wrdreg $0xFFFFFFFF  }
0xd0: {  	_ =	task.clear_ibuf [dreg:s22], $0x2FFFF;
	_ =	strace $0x9FFFFFFF  }
0xd1: {  	(tm) =	ssettm $0x7FFFFFFF  }
tec
execute0_lowered:
.L_overlay_start_1:
0x0: {  	(tag) =	ssettag $0x1  }
0x1: {  	s0 =	rddreg [dreg:$0x0]  }
0x2: {  	s1 =	rddreg [dreg:$0x1];
	s2 =	srdreg.scid  }
0x3: {  	s10 =	stileid.u32;
	s11 =	simm.s32 $0x1;
	s12 =	simm.s32 $0x80  }
0x4: {  	s13 =	simm.s32 $0x400;
	s14 =	simm.s32 $0xA00;
	s15 =	simm.s32 $0x140  }
0x5: {  	s16 =	simm.s32 $0x1400;
	s17 =	simm.s32 $0xB40;
	s18 =	simm.s32 $0x280  }
0x6: {  	s19 =	simm.s32 $0xC80;
	s20 =	simm.s32 $0x3C0;
	s21 =	simm.s32 $0xDC0  }
0x7: {  	s22 =	simm.s32 $0x500;
	s28 =	simm.s32 $0x780;
	s29 =	simm.s32 $0x1180  }
0x8: {  	s30 =	simm.s32 $0x8C0;
	s31 =	simm.s32 $0x12C0;
	s2 =	sand.u32 $0x1, s2  }
0x9: {  	s3 =	sshrl.u32 s10, $0x2;
	s4 =	sshll.u32 s10, $0x8;
	s7 =	smul.u32 $0x4F000, s10  }
0xa: {  	s8 =	sadd.s32 $0x40200, s0;
	s25 =	sshll.u32 s10, $0x6;
	s26 =	smul.u32 $0x2780, s10  }
0xb: {  	s5 =	smul.u32 $0x14000, s3;
	s4 =	sand.u32 $0x300, s4;
	s6 =	sshll.u32 s2, $0x7  }
0xc: {  	s3 =	simm.s32 $0x0;
	s23 =	smul.u32 $0x27800, s2;
	s2 =	ssub.s32 $0x2, s2  }
0xd: {  	s4 =	sor.u32 s6, s4;
	[smem:$0x7FF] =	sst s3;
	s24 =	sshrl.u32 s2, $0x1  }
0xe: {  	s7 =	sshrl.u32 s7, $0x2;
	s6 =	sor.u32 $0x1C01, s25;
	s25 =	simm.s32 $0x640  }
0xf: {  	s4 =	sor.u32 s5, s4;
	_ =	strace $0x80000056;
	[dreg:$0x3] =	wrdreg s8  }
0x10: {  	s2 =	ssub.s32 s2, s24;
	s9 =	sadd.s32 s7, s1;
	[dreg:$0x5] =	wrdreg s6  }
0x11: {  	s5 =	sshrl.u32 s4, $0x3;
	s4 =	sadd.s32 $0x91A00, s0;
	s2 =	smax.u32 s2, $0x1  }
0x12: {  	s9 =	sshrl.u32 s9, $0x3;
	s5 =	sadd.s32 s5, s0;
	s0 =	sadd.s32 s23, s0  }
0x13: {  	[dreg:$0x4] =	wrdreg s2;
	s23 =	simm.s32 $0xF00;
	s0 =	sadd.s32 $0xCCC00, s0  }
0x14: {  	s2 =	simm.s32 $0x0;
	s7 =	sadd.s32 $0xB8C00, s5;
	s0 =	sadd.s32 s26, s0  }
0x15: {  	s8 =	sadd.s32 $0xC2C00, s5;
	s26 =	simm.s32 $0x1040;
	[dreg:$0x6] =	wrdreg s0  }
.LBB2_1:
0x16: {  	s0 =	rddreg [dreg:$0x3]  }
0x17: {  	[spmem:s9], [sflag:s6] =	dma.local [hbm:s0], $0x2780  }
0x18: {  	_ =	swait.ge [sflag:s11], $0x2780  }
0x19: {  	[sflag:s11] =	ssyncset.done $0x0  }
0x1a: {  	[sflag:s11] =	ssyncadd.s32 $0xFFFFD880  }
0x1b: {  	s10 =	smov.u32 s9;
	s9 =	sadd.s32 $0x0, s7;
	[bflag:$0x0] =	sbarrier.arrive $0xFFFF  }
0x1c: {  	[tilespmem:s3], [sflag:$0x1] =	stream.strided.gather [hbm4b:s9+s12], $0xA00, s13, s12, $0x38;
	[tilespmem:$0x1F000] =	vst v63  }
0x1d: {  	_ =	swait.ge [sflag:s11], $0xA00  }
0x1e: {  	[sflag:s11] =	ssyncset.done $0x0  }
0x1f: {  	s24 =	sadd.s32 $0x0, s8;
	[sflag:s11] =	ssyncadd.s32 $0xFFFFF600  }
0x20: {  	[tilespmem:s14], [sflag:$0x1] =	stream.strided.gather [hbm4b:s24+s12], $0xA00, s13, s12, $0x38;
	[tilespmem:$0x1F000] =	vst v63  }
0x21: {  	_ =	swait.ge [sflag:s11], $0xA00  }
0x22: {  	[sflag:s11] =	ssyncset.done $0x0  }
0x23: {  	[sflag:s11] =	ssyncadd.s32 $0xFFFFF600  }
0x24: {  	[tilespmem:s16], [sflag:$0x1] =	stream.indirect.gather [hbm4b:s4+s15], $0x80, s3, s15, $0xb8;
	[tilespmem:$0x1F000] =	vst v63  }
0x25: {  	_ =	swait.ge [sflag:s11], $0xA000  }
0x26: {  	[sflag:s11] =	ssyncset.done $0x0  }
0x27: {  	[sflag:s11] =	ssyncadd.s32 $0xFFFF6000  }
0x28: {  	[spmem:s1] =	stream.indirect.scatter.add.f32 [tilespmem:s16], [sflag:$0x1], $0x80, s14, s15, $0xb8;
	[tilespmem:$0x1F000] =	vst v63  }
0x29: {  	_ =	swait.ge [sflag:s11], $0xA000  }
0x2a: {  	[sflag:s11] =	ssyncset.done $0x0  }
0x2b: {  	[sflag:s11] =	ssyncadd.s32 $0xFFFF6000  }
0x2c: {  	[tilespmem:s16], [sflag:$0x1] =	stream.indirect.gather [hbm4b:s4+s15], $0x80, s15, s15, $0xb8;
	[tilespmem:$0x1F000] =	vst v63  }
0x2d: {  	_ =	swait.ge [sflag:s11], $0xA000  }
0x2e: {  	[sflag:s11] =	ssyncset.done $0x0  }
0x2f: {  	[sflag:s11] =	ssyncadd.s32 $0xFFFF6000  }
0x30: {  	[spmem:s1] =	stream.indirect.scatter.add.f32 [tilespmem:s16], [sflag:$0x1], $0x80, s17, s15, $0xb8;
	[tilespmem:$0x1F000] =	vst v63  }
0x31: {  	_ =	swait.ge [sflag:s11], $0xA000  }
0x32: {  	[sflag:s11] =	ssyncset.done $0x0  }
0x33: {  	[sflag:s11] =	ssyncadd.s32 $0xFFFF6000  }
0x34: {  	[tilespmem:s16], [sflag:$0x1] =	stream.indirect.gather [hbm4b:s4+s15], $0x80, s18, s15, $0xb8;
	[tilespmem:$0x1F000] =	vst v63  }
0x35: {  	_ =	swait.ge [sflag:s11], $0xA000  }
0x36: {  	[sflag:s11] =	ssyncset.done $0x0  }
0x37: {  	[sflag:s11] =	ssyncadd.s32 $0xFFFF6000  }
0x38: {  	[spmem:s1] =	stream.indirect.scatter.add.f32 [tilespmem:s16], [sflag:$0x1], $0x80, s19, s15, $0xb8;
	[tilespmem:$0x1F000] =	vst v63  }
0x39: {  	_ =	swait.ge [sflag:s11], $0xA000  }
0x3a: {  	[sflag:s11] =	ssyncset.done $0x0  }
0x3b: {  	[sflag:s11] =	ssyncadd.s32 $0xFFFF6000  }
0x3c: {  	[tilespmem:s16], [sflag:$0x1] =	stream.indirect.gather [hbm4b:s4+s15], $0x80, s20, s15, $0xb8;
	[tilespmem:$0x1F000] =	vst v63  }
0x3d: {  	_ =	swait.ge [sflag:s11], $0xA000  }
0x3e: {  	[sflag:s11] =	ssyncset.done $0x0  }
0x3f: {  	[sflag:s11] =	ssyncadd.s32 $0xFFFF6000  }
0x40: {  	[spmem:s1] =	stream.indirect.scatter.add.f32 [tilespmem:s16], [sflag:$0x1], $0x80, s21, s15, $0xb8;
	[tilespmem:$0x1F000] =	vst v63  }
0x41: {  	_ =	swait.ge [sflag:s11], $0xA000  }
0x42: {  	[sflag:s11] =	ssyncset.done $0x0  }
0x43: {  	[sflag:s11] =	ssyncadd.s32 $0xFFFF6000  }
0x44: {  	[tilespmem:s16], [sflag:$0x1] =	stream.indirect.gather [hbm4b:s4+s15], $0x80, s22, s15, $0xb8;
	[tilespmem:$0x1F000] =	vst v63  }
0x45: {  	_ =	swait.ge [sflag:s11], $0xA000  }
0x46: {  	[sflag:s11] =	ssyncset.done $0x0  }
0x47: {  	[sflag:s11] =	ssyncadd.s32 $0xFFFF6000  }
0x48: {  	[spmem:s1] =	stream.indirect.scatter.add.f32 [tilespmem:s16], [sflag:$0x1], $0x80, s23, s15, $0xb8;
	[tilespmem:$0x1F000] =	vst v63  }
0x49: {  	_ =	swait.ge [sflag:s11], $0xA000  }
0x4a: {  	[sflag:s11] =	ssyncset.done $0x0  }
0x4b: {  	[sflag:s11] =	ssyncadd.s32 $0xFFFF6000  }
0x4c: {  	[tilespmem:s16], [sflag:$0x1] =	stream.indirect.gather [hbm4b:s4+s15], $0x80, s25, s15, $0xb8;
	[tilespmem:$0x1F000] =	vst v63  }
0x4d: {  	_ =	swait.ge [sflag:s11], $0xA000  }
0x4e: {  	[sflag:s11] =	ssyncset.done $0x0  }
0x4f: {  	[sflag:s11] =	ssyncadd.s32 $0xFFFF6000  }
0x50: {  	[spmem:s1] =	stream.indirect.scatter.add.f32 [tilespmem:s16], [sflag:$0x1], $0x80, s26, s15, $0xb8;
	[tilespmem:$0x1F000] =	vst v63  }
0x51: {  	_ =	swait.ge [sflag:s11], $0xA000  }
0x52: {  	[sflag:s11] =	ssyncset.done $0x0  }
0x53: {  	[sflag:s11] =	ssyncadd.s32 $0xFFFF6000  }
0x54: {  	[tilespmem:s16], [sflag:$0x1] =	stream.indirect.gather [hbm4b:s4+s15], $0x80, s28, s15, $0xb8;
	[tilespmem:$0x1F000] =	vst v63  }
0x55: {  	_ =	swait.ge [sflag:s11], $0xA000  }
0x56: {  	[sflag:s11] =	ssyncset.done $0x0  }
0x57: {  	[sflag:s11] =	ssyncadd.s32 $0xFFFF6000  }
0x58: {  	[spmem:s1] =	stream.indirect.scatter.add.f32 [tilespmem:s16], [sflag:$0x1], $0x80, s29, s15, $0xb8;
	[tilespmem:$0x1F000] =	vst v63  }
0x59: {  	_ =	swait.ge [sflag:s11], $0xA000  }
0x5a: {  	[sflag:s11] =	ssyncset.done $0x0  }
0x5b: {  	[sflag:s11] =	ssyncadd.s32 $0xFFFF6000  }
0x5c: {  	[tilespmem:s16], [sflag:$0x1] =	stream.indirect.gather [hbm4b:s4+s15], $0x80, s30, s15, $0xb8;
	[tilespmem:$0x1F000] =	vst v63  }
0x5d: {  	_ =	swait.ge [sflag:s11], $0xA000  }
0x5e: {  	[sflag:s11] =	ssyncset.done $0x0  }
0x5f: {  	[sflag:s11] =	ssyncadd.s32 $0xFFFF6000  }
0x60: {  	[spmem:s1] =	stream.indirect.scatter.add.f32 [tilespmem:s16], [sflag:$0x1], $0x80, s31, s15, $0xb8;
	[tilespmem:$0x1F000] =	vst v63  }
0x61: {  	_ =	swait.ge [sflag:s11], $0xA000  }
0x62: {  	s5 =	simm.s32 $0x1400;
	s0 =	simm.s32 $0xA00;
	[sflag:s11] =	ssyncset.done $0x0  }
.LBB2_2:
0x63: {  	s24 =	sadd.s32 s0, s7  }
0x64: {  	[sflag:s11] =	ssyncadd.s32 $0xFFFF6000;
	s6 =	smov.u32 s5;
	s9 =	sadd.s32 $0xA00, s5  }
0x65: {  	[tilespmem:s3], [sflag:$0x1] =	stream.strided.gather [hbm4b:s24+s12], $0xA00, s13, s12, $0x38;
	[tilespmem:$0x1F000] =	vst v63  }
0x66: {  	p0 =	sne.s32 s5, $0x1E00;
	_ =	swait.ge [sflag:s11], $0xA00  }
0x67: {  	[sflag:s11] =	ssyncset.done $0x0  }
0x68: {  	s5 =	sadd.s32 s0, s8;
	s0 =	smov.u32 s6;
	[sflag:s11] =	ssyncadd.s32 $0xFFFFF600  }
0x69: {  	[tilespmem:s14], [sflag:$0x1] =	stream.strided.gather [hbm4b:s5+s12], $0xA00, s13, s12, $0x38;
	[tilespmem:$0x1F000] =	vst v63  }
0x6a: {  	_ =	swait.ge [sflag:s11], $0xA00  }
0x6b: {  	[sflag:s11] =	ssyncset.done $0x0  }
0x6c: {  	[sflag:s11] =	ssyncadd.s32 $0xFFFFF600  }
0x6d: {  	[tilespmem:s16], [sflag:$0x1] =	stream.indirect.gather [hbm4b:s4+s15], $0x80, s3, s15, $0xb8;
	[tilespmem:$0x1F000] =	vst v63  }
0x6e: {  	_ =	swait.ge [sflag:s11], $0xA000  }
0x6f: {  	[sflag:s11] =	ssyncset.done $0x0  }
0x70: {  	[sflag:s11] =	ssyncadd.s32 $0xFFFF6000  }
0x71: {  	[spmem:s1] =	stream.indirect.scatter.add.f32 [tilespmem:s16], [sflag:$0x1], $0x80, s14, s15, $0xb8;
	[tilespmem:$0x1F000] =	vst v63  }
0x72: {  	_ =	swait.ge [sflag:s11], $0xA000  }
0x73: {  	[sflag:s11] =	ssyncset.done $0x0  }
0x74: {  	[sflag:s11] =	ssyncadd.s32 $0xFFFF6000  }
0x75: {  	[tilespmem:s16], [sflag:$0x1] =	stream.indirect.gather [hbm4b:s4+s15], $0x80, s15, s15, $0xb8;
	[tilespmem:$0x1F000] =	vst v63  }
0x76: {  	_ =	swait.ge [sflag:s11], $0xA000  }
0x77: {  	[sflag:s11] =	ssyncset.done $0x0  }
0x78: {  	[sflag:s11] =	ssyncadd.s32 $0xFFFF6000  }
0x79: {  	[spmem:s1] =	stream.indirect.scatter.add.f32 [tilespmem:s16], [sflag:$0x1], $0x80, s17, s15, $0xb8;
	[tilespmem:$0x1F000] =	vst v63  }
0x7a: {  	_ =	swait.ge [sflag:s11], $0xA000  }
0x7b: {  	[sflag:s11] =	ssyncset.done $0x0  }
0x7c: {  	[sflag:s11] =	ssyncadd.s32 $0xFFFF6000  }
0x7d: {  	[tilespmem:s16], [sflag:$0x1] =	stream.indirect.gather [hbm4b:s4+s15], $0x80, s18, s15, $0xb8;
	[tilespmem:$0x1F000] =	vst v63  }
0x7e: {  	_ =	swait.ge [sflag:s11], $0xA000  }
0x7f: {  	[sflag:s11] =	ssyncset.done $0x0  }
0x80: {  	[sflag:s11] =	ssyncadd.s32 $0xFFFF6000  }
0x81: {  	[spmem:s1] =	stream.indirect.scatter.add.f32 [tilespmem:s16], [sflag:$0x1], $0x80, s19, s15, $0xb8;
	[tilespmem:$0x1F000] =	vst v63  }
0x82: {  	_ =	swait.ge [sflag:s11], $0xA000  }
0x83: {  	[sflag:s11] =	ssyncset.done $0x0  }
0x84: {  	[sflag:s11] =	ssyncadd.s32 $0xFFFF6000  }
0x85: {  	[tilespmem:s16], [sflag:$0x1] =	stream.indirect.gather [hbm4b:s4+s15], $0x80, s20, s15, $0xb8;
	[tilespmem:$0x1F000] =	vst v63  }
0x86: {  	_ =	swait.ge [sflag:s11], $0xA000  }
0x87: {  	[sflag:s11] =	ssyncset.done $0x0  }
0x88: {  	[sflag:s11] =	ssyncadd.s32 $0xFFFF6000  }
0x89: {  	[spmem:s1] =	stream.indirect.scatter.add.f32 [tilespmem:s16], [sflag:$0x1], $0x80, s21, s15, $0xb8;
	[tilespmem:$0x1F000] =	vst v63  }
0x8a: {  	_ =	swait.ge [sflag:s11], $0xA000  }
0x8b: {  	[sflag:s11] =	ssyncset.done $0x0  }
0x8c: {  	[sflag:s11] =	ssyncadd.s32 $0xFFFF6000  }
0x8d: {  	[tilespmem:s16], [sflag:$0x1] =	stream.indirect.gather [hbm4b:s4+s15], $0x80, s22, s15, $0xb8;
	[tilespmem:$0x1F000] =	vst v63  }
0x8e: {  	_ =	swait.ge [sflag:s11], $0xA000  }
0x8f: {  	[sflag:s11] =	ssyncset.done $0x0  }
0x90: {  	[sflag:s11] =	ssyncadd.s32 $0xFFFF6000  }
0x91: {  	[spmem:s1] =	stream.indirect.scatter.add.f32 [tilespmem:s16], [sflag:$0x1], $0x80, s23, s15, $0xb8;
	[tilespmem:$0x1F000] =	vst v63  }
0x92: {  	_ =	swait.ge [sflag:s11], $0xA000  }
0x93: {  	[sflag:s11] =	ssyncset.done $0x0  }
0x94: {  	[sflag:s11] =	ssyncadd.s32 $0xFFFF6000  }
0x95: {  	[tilespmem:s16], [sflag:$0x1] =	stream.indirect.gather [hbm4b:s4+s15], $0x80, s25, s15, $0xb8;
	[tilespmem:$0x1F000] =	vst v63  }
0x96: {  	_ =	swait.ge [sflag:s11], $0xA000  }
0x97: {  	[sflag:s11] =	ssyncset.done $0x0  }
0x98: {  	[sflag:s11] =	ssyncadd.s32 $0xFFFF6000  }
0x99: {  	[spmem:s1] =	stream.indirect.scatter.add.f32 [tilespmem:s16], [sflag:$0x1], $0x80, s26, s15, $0xb8;
	[tilespmem:$0x1F000] =	vst v63  }
0x9a: {  	_ =	swait.ge [sflag:s11], $0xA000  }
0x9b: {  	[sflag:s11] =	ssyncset.done $0x0  }
0x9c: {  	[sflag:s11] =	ssyncadd.s32 $0xFFFF6000  }
0x9d: {  	[tilespmem:s16], [sflag:$0x1] =	stream.indirect.gather [hbm4b:s4+s15], $0x80, s28, s15, $0xb8;
	[tilespmem:$0x1F000] =	vst v63  }
0x9e: {  	_ =	swait.ge [sflag:s11], $0xA000  }
0x9f: {  	[sflag:s11] =	ssyncset.done $0x0  }
0xa0: {  	[sflag:s11] =	ssyncadd.s32 $0xFFFF6000  }
0xa1: {  	[spmem:s1] =	stream.indirect.scatter.add.f32 [tilespmem:s16], [sflag:$0x1], $0x80, s29, s15, $0xb8;
	[tilespmem:$0x1F000] =	vst v63  }
0xa2: {  	_ =	swait.ge [sflag:s11], $0xA000  }
0xa3: {  	[sflag:s11] =	ssyncset.done $0x0  }
0xa4: {  	[sflag:s11] =	ssyncadd.s32 $0xFFFF6000  }
0xa5: {  	[tilespmem:s16], [sflag:$0x1] =	stream.indirect.gather [hbm4b:s4+s15], $0x80, s30, s15, $0xb8;
	[tilespmem:$0x1F000] =	vst v63  }
0xa6: {  	_ =	swait.ge [sflag:s11], $0xA000  }
.Ltmp0:
0xa7: {  	[sflag:s11] =	ssyncset.done $0x0;
	(pc) =	sbr.rel @p0 .LBB2_2-.Ltmp0, $4  }
0xa8: {  	[sflag:s11] =	ssyncadd.s32 $0xFFFF6000  }
0xa9: {  	[spmem:s1] =	stream.indirect.scatter.add.f32 [tilespmem:s16], [sflag:$0x1], $0x80, s31, s15, $0xb8;
	[tilespmem:$0x1F000] =	vst v63  }
0xaa: {  	_ =	swait.ge [sflag:s11], $0xA000  }
0xab: {  	s5 =	smov.u32 s9;
	[sflag:s11] =	ssyncset.done $0x0  }
0xac: {  	s5 =	sadd.s32 s0, s7;
	[sflag:s11] =	ssyncadd.s32 $0xFFFF6000  }
0xad: {  	[tilespmem:s3], [sflag:$0x1] =	stream.strided.gather [hbm4b:s5+s12], $0xA00, s13, s12, $0x38;
	[tilespmem:$0x1F000] =	vst v63  }
0xae: {  	_ =	swait.ge [sflag:s11], $0xA00  }
0xaf: {  	[sflag:s11] =	ssyncset.done $0x0  }
0xb0: {  	s24 =	sadd.s32 s0, s8;
	[sflag:s11] =	ssyncadd.s32 $0xFFFFF600  }
0xb1: {  	[tilespmem:s14], [sflag:$0x1] =	stream.strided.gather [hbm4b:s24+s12], $0xA00, s13, s12, $0x38;
	[tilespmem:$0x1F000] =	vst v63  }
0xb2: {  	_ =	swait.ge [sflag:s11], $0xA00  }
0xb3: {  	[sflag:s11] =	ssyncset.done $0x0  }
0xb4: {  	[sflag:s11] =	ssyncadd.s32 $0xFFFFF600  }
0xb5: {  	[tilespmem:s16], [sflag:$0x1] =	stream.indirect.gather [hbm4b:s4+s15], $0x80, s3, s15, $0xb8;
	[tilespmem:$0x1F000] =	vst v63  }
0xb6: {  	_ =	swait.ge [sflag:s11], $0xA000  }
0xb7: {  	[sflag:s11] =	ssyncset.done $0x0  }
0xb8: {  	[sflag:s11] =	ssyncadd.s32 $0xFFFF6000  }
0xb9: {  	[spmem:s1] =	stream.indirect.scatter.add.f32 [tilespmem:s16], [sflag:$0x1], $0x80, s14, s15, $0xb8;
	[tilespmem:$0x1F000] =	vst v63  }
0xba: {  	_ =	swait.ge [sflag:s11], $0xA000  }
0xbb: {  	[sflag:s11] =	ssyncset.done $0x0  }
0xbc: {  	[sflag:s11] =	ssyncadd.s32 $0xFFFF6000  }
0xbd: {  	[tilespmem:s16], [sflag:$0x1] =	stream.indirect.gather [hbm4b:s4+s15], $0x80, s15, s15, $0xb8;
	[tilespmem:$0x1F000] =	vst v63  }
0xbe: {  	_ =	swait.ge [sflag:s11], $0xA000  }
0xbf: {  	[sflag:s11] =	ssyncset.done $0x0  }
0xc0: {  	[sflag:s11] =	ssyncadd.s32 $0xFFFF6000  }
0xc1: {  	[spmem:s1] =	stream.indirect.scatter.add.f32 [tilespmem:s16], [sflag:$0x1], $0x80, s17, s15, $0xb8;
	[tilespmem:$0x1F000] =	vst v63  }
0xc2: {  	_ =	swait.ge [sflag:s11], $0xA000  }
0xc3: {  	[sflag:s11] =	ssyncset.done $0x0  }
0xc4: {  	[sflag:s11] =	ssyncadd.s32 $0xFFFF6000  }
0xc5: {  	[tilespmem:s16], [sflag:$0x1] =	stream.indirect.gather [hbm4b:s4+s15], $0x80, s18, s15, $0xb8;
	[tilespmem:$0x1F000] =	vst v63  }
0xc6: {  	_ =	swait.ge [sflag:s11], $0xA000  }
0xc7: {  	[sflag:s11] =	ssyncset.done $0x0  }
0xc8: {  	[sflag:s11] =	ssyncadd.s32 $0xFFFF6000  }
0xc9: {  	[spmem:s1] =	stream.indirect.scatter.add.f32 [tilespmem:s16], [sflag:$0x1], $0x80, s19, s15, $0xb8;
	[tilespmem:$0x1F000] =	vst v63  }
0xca: {  	_ =	swait.ge [sflag:s11], $0xA000  }
0xcb: {  	[sflag:s11] =	ssyncset.done $0x0  }
0xcc: {  	[sflag:s11] =	ssyncadd.s32 $0xFFFF6000  }
0xcd: {  	[tilespmem:s16], [sflag:$0x1] =	stream.indirect.gather [hbm4b:s4+s15], $0x80, s20, s15, $0xb8;
	[tilespmem:$0x1F000] =	vst v63  }
0xce: {  	_ =	swait.ge [sflag:s11], $0xA000  }
0xcf: {  	[sflag:s11] =	ssyncset.done $0x0  }
0xd0: {  	[sflag:s11] =	ssyncadd.s32 $0xFFFF6000  }
0xd1: {  	[spmem:s1] =	stream.indirect.scatter.add.f32 [tilespmem:s16], [sflag:$0x1], $0x80, s21, s15, $0xb8;
	[tilespmem:$0x1F000] =	vst v63  }
0xd2: {  	_ =	swait.ge [sflag:s11], $0xA000  }
0xd3: {  	[sflag:s11] =	ssyncset.done $0x0  }
0xd4: {  	[sflag:s11] =	ssyncadd.s32 $0xFFFF6000  }
0xd5: {  	[tilespmem:s16], [sflag:$0x1] =	stream.indirect.gather [hbm4b:s4+s15], $0x80, s22, s15, $0xb8;
	[tilespmem:$0x1F000] =	vst v63  }
0xd6: {  	_ =	swait.ge [sflag:s11], $0xA000  }
0xd7: {  	[sflag:s11] =	ssyncset.done $0x0  }
0xd8: {  	[sflag:s11] =	ssyncadd.s32 $0xFFFF6000  }
0xd9: {  	[spmem:s1] =	stream.indirect.scatter.add.f32 [tilespmem:s16], [sflag:$0x1], $0x80, s23, s15, $0xb8;
	[tilespmem:$0x1F000] =	vst v63  }
0xda: {  	_ =	swait.ge [sflag:s11], $0xA000  }
0xdb: {  	[sflag:s11] =	ssyncset.done $0x0  }
0xdc: {  	[sflag:s11] =	ssyncadd.s32 $0xFFFF6000  }
0xdd: {  	[tilespmem:s16], [sflag:$0x1] =	stream.indirect.gather [hbm4b:s4+s15], $0x80, s25, s15, $0xb8;
	[tilespmem:$0x1F000] =	vst v63  }
0xde: {  	_ =	swait.ge [sflag:s11], $0xA000  }
0xdf: {  	[sflag:s11] =	ssyncset.done $0x0  }
0xe0: {  	[sflag:s11] =	ssyncadd.s32 $0xFFFF6000  }
0xe1: {  	[spmem:s1] =	stream.indirect.scatter.add.f32 [tilespmem:s16], [sflag:$0x1], $0x80, s26, s15, $0xb8;
	[tilespmem:$0x1F000] =	vst v63  }
0xe2: {  	_ =	swait.ge [sflag:s11], $0xA000  }
0xe3: {  	[sflag:s11] =	ssyncset.done $0x0  }
0xe4: {  	[sflag:s11] =	ssyncadd.s32 $0xFFFF6000  }
0xe5: {  	[tilespmem:s16], [sflag:$0x1] =	stream.indirect.gather [hbm4b:s4+s15], $0x80, s28, s15, $0xb8;
	[tilespmem:$0x1F000] =	vst v63  }
0xe6: {  	_ =	swait.ge [sflag:s11], $0xA000  }
0xe7: {  	[sflag:s11] =	ssyncset.done $0x0  }
0xe8: {  	[sflag:s11] =	ssyncadd.s32 $0xFFFF6000  }
0xe9: {  	[spmem:s1] =	stream.indirect.scatter.add.f32 [tilespmem:s16], [sflag:$0x1], $0x80, s29, s15, $0xb8;
	[tilespmem:$0x1F000] =	vst v63  }
0xea: {  	_ =	swait.ge [sflag:s11], $0xA000  }
0xeb: {  	[sflag:s11] =	ssyncset.done $0x0  }
0xec: {  	[sflag:s11] =	ssyncadd.s32 $0xFFFF6000  }
0xed: {  	[tilespmem:s16], [sflag:$0x1] =	stream.indirect.gather [hbm4b:s4+s15], $0x80, s30, s15, $0xb8;
	[tilespmem:$0x1F000] =	vst v63  }
0xee: {  	_ =	swait.ge [sflag:s11], $0xA000  }
0xef: {  	[sflag:s11] =	ssyncset.done $0x0  }
0xf0: {  	[sflag:s11] =	ssyncadd.s32 $0xFFFF6000  }
0xf1: {  	[spmem:s1] =	stream.indirect.scatter.add.f32 [tilespmem:s16], [sflag:$0x1], $0x80, s31, s15, $0xb8;
	[tilespmem:$0x1F000] =	vst v63  }
0xf2: {  	_ =	swait.ge [sflag:s11], $0xA000  }
0xf3: {  	[sflag:s11] =	ssyncset.done $0x0  }
0xf4: {  	[sflag:s11] =	ssyncadd.s32 $0xFFFF6000  }
0xf5: {  	[bflag:$0x0] =	sbarrier.arrive $0xFFFF  }
0xf6: {  	s6 =	rddreg [dreg:$0x5]  }
0xf7: {  	s5 =	rddreg [dreg:$0x6]  }
0xf8: {  	[hbm:s5], [sflag:s6] =	dma.local [spmem:s10], $0x2780  }
0xf9: {  	_ =	swait.ge [sflag:s11], $0x2780  }
0xfa: {  	s2 =	sadd.s32 $0x1, s2;
	s24 =	rddreg [dreg:$0x4]  }
0xfb: {  	p0 =	sne.s32 s2, s24  }
.Ltmp1:
0xfc: {  	_ = 	snop;
	(pc) =	sbr.rel @p0 .LBB2_1-.Ltmp1, $3  }
0xfd: {  	_ =	sdelay $0x1  }
0xfe: {  	[sflag:s11] =	ssyncset.done $0x0  }
0xff: {  	s9 =	smov.u32 s10;
	[sflag:s11] =	ssyncadd.s32 $0xFFFFD880  }
0x100: {  	_ =	sfence.sel $0x180000  }
0x101: {  	[bflag:$0x0] =	sbarrier.arrive $0xFFFF  }
0x102: {  	_ =	strace $0x90000056  }
0x103: {  	s0 =	stileid.u32;
	[bflag:$0x2] =	sbarrier.arrive $0xFFFF  }
0x104: {  	p0 =	sne.s32 s0, $0x0;
	s0 =	rddreg [dreg:$0x2]  }
0x105: {  	s0 =	sadd.s32 @!p0 $0x100000, s0  }
0x106: {  	[sflag:s0] =	ssyncadd.tile.s32 @!p0 $0x1;
	_ =	shalt  }
.Lfunc_end2:
_tile_overlayer_lowered:
.L_overlay_start_2:
0x107: {  	(tag) =	ssettag $0x2  }
0x108: {  	s0 =	rddreg [dreg:$0x0];
	s2 =	stileid.u32  }
0x109: {  	s1 =	rddreg [dreg:$0x1];
	p0 =	sne.s32 s2, $0x0  }
0x10a: {  	s3 =	rddreg [dreg:$0x2];
	[bflag:$0x3] =	sbarrier.arrive $0xFFFF;
	s2 =	simm.s32 @!p0 $0x1C01  }
0x10b: {  	[timem:s3], [sflag:s2] =	dma.local @!p0 [hbm:s0], s1  }
0x10c: {  	s0 =	simm.s32 @!p0 $0x1  }
0x10d: {  	_ =	swait.ge @!p0 [sflag:s0], s1  }
0x10e: {  	s1 =	ssub.s32 @!p0 $0x0, s1;
	[sflag:s0] =	ssyncset.done @!p0 $0x0  }
0x10f: {  	[sflag:s0] =	ssyncadd.s32 @!p0 s1  }
0x110: {  	[bflag:$0x3] =	sbarrier.arrive $0xFFFF  }
0x111: {  	_ =	shalt  }

// kernel: kernel.42.cloned.1.call-start
scs
__scs_entry_jumppad:
0x0: {  	(pc) =	sbr.rel $0x88, $3  }
0x1: {  	(tag) =	ssettag $0x0;
	lr =	simm.s32 $0x1  }
0x2: {  	[smem:$0x3F97] =	sst lr;
	_ =	strace $0xD0000000  }
0x3: {  	_ = 	snop  }
0x4: {  	_ = 	snop  }
0x5: {  	_ = 	snop  }
0x6: {  	_ = 	snop  }
0x7: {  	_ = 	snop  }
__scs_overlays_trampoline_lowered:
0x8: {  	[smem:$0x3FA6] =	sst s0  }
0x9: {  	[smem:$0x3FA7] =	sst s1  }
0xa: {  	[smem:$0x3FA8] =	sst s2  }
0xb: {  	[smem:$0x3FA9] =	sst s3  }
0xc: {  	[smem:$0x3FAA] =	sst s4  }
0xd: {  	[smem:$0x3FAB] =	sst s5  }
0xe: {  	[smem:$0x3FAC] =	sst s6  }
0xf: {  	[smem:$0x3FAD] =	sst s7  }
0x10: {  	[smem:$0x3FAE] =	sst s8  }
0x11: {  	[smem:$0x3FAF] =	sst s9;
	s0 =	simm.s32 @!p0 $0x0  }
0x12: {  	s1 =	sld [smem:$0x3F95];
	s0 =	simm.s32 @p0 $0x1  }
0x13: {  	[smem:$0x3FB0] =	sst s0;
	s0 =	simm.s32 @!p1 $0x0  }
0x14: {  	s2 =	sld [smem:$0x3F94];
	s0 =	simm.s32 @p1 $0x1  }
0x15: {  	[smem:$0x3FB1] =	sst s0;
	s0 =	simm.s32 @!p2 $0x0  }
0x16: {  	s3 =	sld [smem:$0x3FDB];
	s0 =	simm.s32 @p2 $0x1  }
0x17: {  	s4 =	simm.s32 $0x1BF5;
	[smem:$0x3FB3] =	sst s0  }
0x18: {  	s0 =	sld [smem:$0x3F96];
	_ =	swait.ge [sflag:s4], $0x0  }
0x19: {  	s7 =	sld [smem:$0x3F97]  }
0x1a: {  	s8 =	sadd.s32 $0xFFFFE003, lr  }
0x1b: {  	s9 =	sadd.s32 $0xFFFFFEF7, lr;
	s5 =	simm.s32 $0xFFFFFFFF;
	p2 =	slt.u32 s8, $0xFFFFF086  }
0x1c: {  	p1 =	slt.u32 s9, $0xF7A;
	s5 =	simm.s32 @!p2 $0x0  }
0x1d: {  	s5 =	simm.s32 @p1 $0x1;
	p0 =	seq.s32 s7, s2  }
0x1e: {  	s7 =	smul.u32 @!p0 $0xF7A, s2;
	p2 =	seq.s32 @!p0 s5, $0x0  }
0x1f: {  	s9 =	smul.u32 $0xF7A, s1;
	s8 =	simm.s32 @!p0 $0x1BF5;
	p2 =	por !p2, p0  }
0x20: {  	[sflag:s8] =	ssyncset.s32 @!p0 $0xFFFFF086;
	s6 =	sadd.s32 @!p0 s3, s7;
	s7 =	simm.s32 @!p0 $0x108  }
0x21: {  	s3 =	sadd.s32 s3, s9;
	s6 =	sadd.s32 @!p0 $0x88, s6;
	s7 =	simm.s32 @p2 $0x1082  }
0x22: {  	[simem:s7], [sflag:s8] =	dma.local @!p0 [hbm:s6], $0xF7A  }
0x23: {  	s9 =	sor.u32 $0xD0000000, s2;
	s6 =	simm.s32 $0x108;
	_ =	swait.ge @!p0 [sflag:s8], $0x0  }
0x24: {  	s3 =	sadd.s32 $0x88, s3;
	s6 =	simm.s32 @!p1 $0x1082;
	[sflag:s4] =	ssyncset.s32 $0xFFFFF086  }
0x25: {  	[simem:s6], [sflag:s4] =	dma.local [hbm:s3], $0xF7A  }
0x26: {  	[smem:$0x3F97] =	sst s1;
	(tag) =	ssettag s2;
	_ =	strace s9  }
0x27: {  	s1 =	sld [smem:$0x3FA7]  }
0x28: {  	s2 =	sld [smem:$0x3FA8]  }
0x29: {  	s4 =	sld [smem:$0x3FAA]  }
0x2a: {  	p0 =	seq.s32 s5, $0x0;
	s5 =	sld [smem:$0x3FAB]  }
0x2b: {  	s6 =	sld [smem:$0x3FAC]  }
0x2c: {  	s7 =	sld [smem:$0x3FAD]  }
0x2d: {  	s3 =	simm.s32 $0x108;
	s8 =	sld [smem:$0x3FAE]  }
0x2e: {  	s3 =	simm.s32 @!p0 $0x1082;
	s9 =	sld [smem:$0x3FAF]  }
0x2f: {  	lr =	sadd.s32 s0, s3;
	s0 =	sld [smem:$0x3FA6]  }
0x30: {  	s3 =	sld [smem:$0x3FA9]  }
0x31: {  	[smem:$0x3FB2] =	sst s10  }
0x32: {  	s10 =	sld [smem:$0x3FB0];
	_ =	sdelay $0x3  }
0x33: {  	p0 =	seq.s32 s10, $0x1;
	s10 =	sld [smem:$0x3FB2];
	_ =	sdelay $0x3  }
0x34: {  	[smem:$0x3FB2] =	sst s10  }
0x35: {  	s10 =	sld [smem:$0x3FB1];
	_ =	sdelay $0x3  }
0x36: {  	p1 =	seq.s32 s10, $0x1;
	s10 =	sld [smem:$0x3FB2];
	_ =	sdelay $0x3  }
0x37: {  	[smem:$0x3FB2] =	sst s10  }
0x38: {  	s10 =	sld [smem:$0x3FB3]  }
0x39: {  	_ = 	snop;
	(pc) =	sbr.ind lr, $3  }
0x3a: {  	_ = 	snop  }
0x3b: {  	_ = 	snop  }
0x3c: {  	p2 =	seq.s32 s10, $0x1;
	s10 =	sld [smem:$0x3FB2]  }
0x3d: {  	_ =	shalt  }
0x3e: {  	_ =	shalt  }
0x3f: {  	_ =	shalt  }
0x40: {  	_ =	shalt  }
0x41: {  	_ =	shalt  }
0x42: {  	_ =	shalt  }
0x43: {  	_ =	shalt  }
0x44: {  	_ =	shalt  }
0x45: {  	_ =	shalt  }
0x46: {  	_ =	shalt  }
0x47: {  	_ =	shalt  }
0x48: {  	_ =	shalt  }
0x49: {  	_ =	shalt  }
0x4a: {  	_ =	shalt  }
0x4b: {  	_ =	shalt  }
0x4c: {  	_ =	shalt  }
0x4d: {  	_ =	shalt  }
0x4e: {  	_ =	shalt  }
0x4f: {  	_ =	shalt  }
0x50: {  	_ =	shalt  }
0x51: {  	_ =	shalt  }
0x52: {  	_ =	shalt  }
0x53: {  	_ =	shalt  }
0x54: {  	_ =	shalt  }
0x55: {  	_ =	shalt  }
0x56: {  	_ =	shalt  }
0x57: {  	_ =	shalt  }
0x58: {  	_ =	shalt  }
0x59: {  	_ =	shalt  }
0x5a: {  	_ =	shalt  }
0x5b: {  	_ =	shalt  }
0x5c: {  	_ =	shalt  }
0x5d: {  	_ =	shalt  }
0x5e: {  	_ =	shalt  }
0x5f: {  	_ =	shalt  }
0x60: {  	_ =	shalt  }
0x61: {  	_ =	shalt  }
0x62: {  	_ =	shalt  }
0x63: {  	_ =	shalt  }
0x64: {  	_ =	shalt  }
0x65: {  	_ =	shalt  }
0x66: {  	_ =	shalt  }
0x67: {  	_ =	shalt  }
0x68: {  	_ =	shalt  }
0x69: {  	_ =	shalt  }
0x6a: {  	_ =	shalt  }
0x6b: {  	_ =	shalt  }
0x6c: {  	_ =	shalt  }
0x6d: {  	_ =	shalt  }
0x6e: {  	_ =	shalt  }
0x6f: {  	_ =	shalt  }
0x70: {  	_ =	shalt  }
0x71: {  	_ =	shalt  }
0x72: {  	_ =	shalt  }
0x73: {  	_ =	shalt  }
0x74: {  	_ =	shalt  }
0x75: {  	_ =	shalt  }
0x76: {  	_ =	shalt  }
0x77: {  	_ =	shalt  }
0x78: {  	_ =	shalt  }
0x79: {  	_ =	shalt  }
0x7a: {  	_ =	shalt  }
0x7b: {  	_ =	shalt  }
0x7c: {  	_ =	shalt  }
0x7d: {  	_ =	shalt  }
0x7e: {  	_ =	shalt  }
0x7f: {  	_ =	shalt  }
0x80: {  	_ =	shalt  }
0x81: {  	_ =	shalt  }
0x82: {  	_ =	shalt  }
0x83: {  	_ =	shalt  }
0x84: {  	_ =	shalt  }
0x85: {  	_ =	shalt  }
0x86: {  	_ =	shalt  }
0x87: {  	_ =	shalt  }
.Lfunc_end0:
.L_simem_size_0:
called_computation.7_lowered:
.L_overlay_start_0:
0x88: {  	s2 =	sld [smem:$0x3FD9]  }
0x89: {  	s3 =	sld [smem:$0x3FFE];
	_ =	sdelay $0x1  }
0x8a: {  	s1 =	srdreg.scid  }
0x8b: {  	s0 =	sand.u32 $0x1, s1  }
0x8c: {  	s17 =	sshll.u32 s0, $0xA;
	s2 =	sadd.s32 s3, s2  }
0x8d: {  	s2 =	sadd.s32 s2, s17  }
0x8e: {  	[smem:$0x3FBE] =	sst s2  }
0x8f: {  	_ = 	snop  }
0x90: {  	(tm) =	ssettm $0x1  }
0x91: {  	s18 =	sld [smem:$0x3FFB];
	_ =	sdelay $0x3  }
0x92: {  	_ =	strace s18  }
0x93: {  	s2 =	sld [smem:$0x3FFC];
	_ =	sdelay $0x3  }
0x94: {  	_ =	strace s2  }
0x95: {  	s2 =	sld [smem:$0x3FFD];
	_ =	sdelay $0x3  }
0x96: {  	_ =	strace s2  }
0x97: {  	_ =	strace $0x8FFFFFFF  }
0x98: {  	s19 =	sld [smem:$0x3FDB];
	_ =	sdelay $0x1  }
0x99: {  	s20 =	simm.s32 $_scs_section_size  }
0x9a: {  	s4 =	simm.s32 $_size__tile_overlayer_lowered;
	s5 =	simm.s32 $_tile_overlayer_lowered  }
0x9b: {  	s6 =	simm.s32 $0x1BFF;
	s21 =	sshll.u32 s5, $0x1;
	s3 =	sadd.s32 s20, s19  }
0x9c: {  	s22 =	simm.s32 $0x0;
	s4 =	sshll.u32 s4, $0x1;
	s5 =	sadd.s32 s21, s3  }
0x9d: {  	[timem:s22], [sflag:s6] =	dma.local [hbm:s5], s4  }
0x9e: {  	_ =	swait.ge [sflag:s6], s4  }
0x9f: {  	s4 =	ssub.s32 $0x0, s4;
	[sflag:s6] =	ssyncset.done $0x0  }
0xa0: {  	[sflag:s6] =	ssyncadd.s32 s4;
	_ =	sdelay $0x1  }
0xa1: {  	s23 =	simm.s32 $0x1B8B  }
0xa2: {  	_ =	swait.ge [sflag:s23], $0x1  }
0xa3: {  	[sflag:s23] =	ssyncset.done $0x0  }
0xa4: {  	[sflag:s23] =	ssyncadd.s32 $0xFFFFFFFF  }
0xa5: {  	s4 =	sld [smem:$0x0]  }
0xa6: {  	s5 =	sand.u32 $0xFFFFFFFE, s1  }
0xa7: {  	p0 =	sne.s32 s1, s5  }
0xa8: {  	s5 =	sshll.u32 @p0 s5, $0xE  }
0xa9: {  	s5 =	sadd.s32 @p0 $0x11B8D, s5;
	s6 =	sshll.u32 @p0 s4, $0x11  }
0xaa: {  	s5 =	sor.u32 @p0 s6, s5  }
0xab: {  	[sflag:s5] =	ssyncadd.remote.s32 @p0 $0x1;
	_ =	sdelay $0x1  }
0xac: {  	s5 =	simm.s32 @p0 $0x1B8D  }
0xad: {  	_ =	swait.eq @p0 [sflag:s5], $0x1  }
0xae: {  	[sflag:s5] =	ssyncadd.s32 @p0 $0xFFFFFFFF  }
0xaf: {  	s6 =	sshll.u32 @!p0 s1, $0xE  }
0xb0: {  	s6 =	sor.u32 @!p0 $0x4000, s6;
	s5 =	simm.s32 @!p0 $0x1B8D  }
0xb1: {  	s4 =	sshll.u32 @!p0 s4, $0x11;
	s6 =	sadd.s32 @!p0 $0x11B8D, s6;
	_ =	swait.eq @!p0 [sflag:s5], $0x1  }
0xb2: {  	s4 =	sor.u32 @!p0 s4, s6;
	[sflag:s5] =	ssyncadd.s32 @!p0 $0xFFFFFFFF  }
0xb3: {  	s25 =	simm.s32 $0x1B8E;
	s24 =	sld [smem:$0x3FFE];
	[sflag:s4] =	ssyncadd.remote.s32 @!p0 $0x1  }
0xb4: {  	s26 =	simm.s32 $execute0_lowered;
	[smem:$0x3FD2] =	sst s25  }
0xb5: {  	s5 =	sshll.u32 s26, $0x1;
	_ =	strace $0x8000005B;
	[dreg:$0x1] =	wrdreg $0xFFFFFFFF  }
0xb6: {  	s28 =	simm.s32 $_size_execute0_lowered;
	s3 =	sadd.s32 s3, s5;
	[dreg:$0x0] =	wrdreg $0x0  }
0xb7: {  	s5 =	sshll.u32 s28, $0x1;
	[dreg:$0x2] =	wrdreg s3  }
0xb8: {  	[dreg:$0x3] =	wrdreg s5  }
0xb9: {  	[dreg:$0x4] =	wrdreg $0xC0  }
0xba: {  	_ =	task [dreg:s22], $0x5FFFF  }
0xbb: {  	[dreg:$0x1] =	wrdreg $0xFFFFFFFF  }
0xbc: {  	[dreg:$0x0] =	wrdreg $0x60  }
0xbd: {  	[dreg:$0x2] =	wrdreg s24  }
0xbe: {  	[dreg:$0x3] =	wrdreg $0xB4000  }
0xbf: {  	[dreg:$0x4] =	wrdreg $0xA  }
0xc0: {  	_ =	task.clear_ibuf [dreg:s22], $0x5FFFF;
	_ =	strace $0x9000005B  }
0xc1: {  	s29 =	simm.s32 $0xA;
	_ =	strace $0x8000005D  }
0xc2: {  	_ =	swait.ge [sflag:s29], $0x1  }
0xc3: {  	[sflag:s29] =	ssyncadd.s32 $0xFFFFFFFF  }
0xc4: {  	_ =	strace $0x9000005D  }
0xc5: {  	_ =	sfence  }
0xc6: {  	s30 =	sld [smem:$0x0];
	_ =	sdelay $0x2  }
0xc7: {  	s31 =	sshll.u32 s1, $0xD;
	s1 =	sshrl.u32 s1, $0x2  }
0xc8: {  	s4 =	sand.u32 $0x4000, s31;
	s1 =	sadd.s32 s1, s30  }
0xc9: {  	s0 =	sor.u32 s4, s0;
	s1 =	sshll.u32 s1, $0x11  }
0xca: {  	s0 =	sor.u32 s1, s0  }
0xcb: {  	s0 =	sadd.s32 $0x8F2B, s0  }
0xcc: {  	[sflag:s0] =	ssyncadd.remote.s32 $0x1  }
0xcd: {  	_ =	sfence.sel $0xFFFF  }
0xce: {  	[dreg:$0x0] =	wrdreg $0xFFFFFFFF;
	(pc) =	sbr.abs _section_cstart, $3  }
0xcf: {  	[dreg:$0x1] =	wrdreg $0xFFFFFFFF  }
0xd0: {  	_ =	task.clear_ibuf [dreg:s22], $0x2FFFF;
	_ =	strace $0x9FFFFFFF  }
0xd1: {  	(tm) =	ssettm $0x7FFFFFFF  }
tec
execute0_lowered:
.L_overlay_start_1:
0x0: {  	(tag) =	ssettag $0x1  }
0x1: {  	s0 =	rddreg [dreg:$0x0]  }
0x2: {  	s1 =	rddreg [dreg:$0x1];
	s2 =	srdreg.scid  }
0x3: {  	s10 =	stileid.u32;
	s11 =	simm.s32 $0x1;
	s12 =	simm.s32 $0x80  }
0x4: {  	s13 =	simm.s32 $0x400;
	s14 =	simm.s32 $0xA00;
	s15 =	simm.s32 $0x140  }
0x5: {  	s16 =	simm.s32 $0x1400;
	s17 =	simm.s32 $0xB40;
	s18 =	simm.s32 $0x280  }
0x6: {  	s19 =	simm.s32 $0xC80;
	s20 =	simm.s32 $0x3C0;
	s21 =	simm.s32 $0xDC0  }
0x7: {  	s22 =	simm.s32 $0x500;
	s28 =	simm.s32 $0x780;
	s29 =	simm.s32 $0x1180  }
0x8: {  	s30 =	simm.s32 $0x8C0;
	s31 =	simm.s32 $0x12C0;
	s2 =	sand.u32 $0x1, s2  }
0x9: {  	s3 =	sshrl.u32 s10, $0x2;
	s4 =	sshll.u32 s10, $0x8;
	s7 =	smul.u32 $0x4F000, s10  }
0xa: {  	s8 =	sadd.s32 $0x40200, s0;
	s25 =	sshll.u32 s10, $0x6;
	s26 =	smul.u32 $0x2780, s10  }
0xb: {  	s5 =	smul.u32 $0x14000, s3;
	s4 =	sand.u32 $0x300, s4;
	s6 =	sshll.u32 s2, $0x7  }
0xc: {  	s3 =	simm.s32 $0x0;
	s23 =	smul.u32 $0x27800, s2;
	s2 =	ssub.s32 $0x2, s2  }
0xd: {  	s4 =	sor.u32 s6, s4;
	[smem:$0x7FF] =	sst s3;
	s24 =	sshrl.u32 s2, $0x1  }
0xe: {  	s7 =	sshrl.u32 s7, $0x2;
	s6 =	sor.u32 $0x1C01, s25;
	s25 =	simm.s32 $0x640  }
0xf: {  	s4 =	sor.u32 s5, s4;
	_ =	strace $0x8000005C;
	[dreg:$0x3] =	wrdreg s8  }
0x10: {  	s2 =	ssub.s32 s2, s24;
	s9 =	sadd.s32 s7, s1;
	[dreg:$0x5] =	wrdreg s6  }
0x11: {  	s5 =	sshrl.u32 s4, $0x3;
	s4 =	sadd.s32 $0x91A00, s0;
	s2 =	smax.u32 s2, $0x1  }
0x12: {  	s9 =	sshrl.u32 s9, $0x3;
	s5 =	sadd.s32 s5, s0;
	s0 =	sadd.s32 s23, s0  }
0x13: {  	[dreg:$0x4] =	wrdreg s2;
	s23 =	simm.s32 $0xF00;
	s0 =	sadd.s32 $0xCCC00, s0  }
0x14: {  	s2 =	simm.s32 $0x0;
	s7 =	sadd.s32 $0xB8C00, s5;
	s0 =	sadd.s32 s26, s0  }
0x15: {  	s8 =	sadd.s32 $0xC2C00, s5;
	s26 =	simm.s32 $0x1040;
	[dreg:$0x6] =	wrdreg s0  }
.LBB2_1:
0x16: {  	s0 =	rddreg [dreg:$0x3]  }
0x17: {  	[spmem:s9], [sflag:s6] =	dma.local [hbm:s0], $0x2780  }
0x18: {  	_ =	swait.ge [sflag:s11], $0x2780  }
0x19: {  	[sflag:s11] =	ssyncset.done $0x0  }
0x1a: {  	[sflag:s11] =	ssyncadd.s32 $0xFFFFD880  }
0x1b: {  	s10 =	smov.u32 s9;
	s9 =	sadd.s32 $0x0, s7;
	[bflag:$0x0] =	sbarrier.arrive $0xFFFF  }
0x1c: {  	[tilespmem:s3], [sflag:$0x1] =	stream.strided.gather [hbm4b:s9+s12], $0xA00, s13, s12, $0x38;
	[tilespmem:$0x1F000] =	vst v63  }
0x1d: {  	_ =	swait.ge [sflag:s11], $0xA00  }
0x1e: {  	[sflag:s11] =	ssyncset.done $0x0  }
0x1f: {  	s24 =	sadd.s32 $0x0, s8;
	[sflag:s11] =	ssyncadd.s32 $0xFFFFF600  }
0x20: {  	[tilespmem:s14], [sflag:$0x1] =	stream.strided.gather [hbm4b:s24+s12], $0xA00, s13, s12, $0x38;
	[tilespmem:$0x1F000] =	vst v63  }
0x21: {  	_ =	swait.ge [sflag:s11], $0xA00  }
0x22: {  	[sflag:s11] =	ssyncset.done $0x0  }
0x23: {  	[sflag:s11] =	ssyncadd.s32 $0xFFFFF600  }
0x24: {  	[tilespmem:s16], [sflag:$0x1] =	stream.indirect.gather [hbm4b:s4+s15], $0x80, s3, s15, $0xb8;
	[tilespmem:$0x1F000] =	vst v63  }
0x25: {  	_ =	swait.ge [sflag:s11], $0xA000  }
0x26: {  	[sflag:s11] =	ssyncset.done $0x0  }
0x27: {  	[sflag:s11] =	ssyncadd.s32 $0xFFFF6000  }
0x28: {  	[spmem:s1] =	stream.indirect.scatter.add.f32 [tilespmem:s16], [sflag:$0x1], $0x80, s14, s15, $0xb8;
	[tilespmem:$0x1F000] =	vst v63  }
0x29: {  	_ =	swait.ge [sflag:s11], $0xA000  }
0x2a: {  	[sflag:s11] =	ssyncset.done $0x0  }
0x2b: {  	[sflag:s11] =	ssyncadd.s32 $0xFFFF6000  }
0x2c: {  	[tilespmem:s16], [sflag:$0x1] =	stream.indirect.gather [hbm4b:s4+s15], $0x80, s15, s15, $0xb8;
	[tilespmem:$0x1F000] =	vst v63  }
0x2d: {  	_ =	swait.ge [sflag:s11], $0xA000  }
0x2e: {  	[sflag:s11] =	ssyncset.done $0x0  }
0x2f: {  	[sflag:s11] =	ssyncadd.s32 $0xFFFF6000  }
0x30: {  	[spmem:s1] =	stream.indirect.scatter.add.f32 [tilespmem:s16], [sflag:$0x1], $0x80, s17, s15, $0xb8;
	[tilespmem:$0x1F000] =	vst v63  }
0x31: {  	_ =	swait.ge [sflag:s11], $0xA000  }
0x32: {  	[sflag:s11] =	ssyncset.done $0x0  }
0x33: {  	[sflag:s11] =	ssyncadd.s32 $0xFFFF6000  }
0x34: {  	[tilespmem:s16], [sflag:$0x1] =	stream.indirect.gather [hbm4b:s4+s15], $0x80, s18, s15, $0xb8;
	[tilespmem:$0x1F000] =	vst v63  }
0x35: {  	_ =	swait.ge [sflag:s11], $0xA000  }
0x36: {  	[sflag:s11] =	ssyncset.done $0x0  }
0x37: {  	[sflag:s11] =	ssyncadd.s32 $0xFFFF6000  }
0x38: {  	[spmem:s1] =	stream.indirect.scatter.add.f32 [tilespmem:s16], [sflag:$0x1], $0x80, s19, s15, $0xb8;
	[tilespmem:$0x1F000] =	vst v63  }
0x39: {  	_ =	swait.ge [sflag:s11], $0xA000  }
0x3a: {  	[sflag:s11] =	ssyncset.done $0x0  }
0x3b: {  	[sflag:s11] =	ssyncadd.s32 $0xFFFF6000  }
0x3c: {  	[tilespmem:s16], [sflag:$0x1] =	stream.indirect.gather [hbm4b:s4+s15], $0x80, s20, s15, $0xb8;
	[tilespmem:$0x1F000] =	vst v63  }
0x3d: {  	_ =	swait.ge [sflag:s11], $0xA000  }
0x3e: {  	[sflag:s11] =	ssyncset.done $0x0  }
0x3f: {  	[sflag:s11] =	ssyncadd.s32 $0xFFFF6000  }
0x40: {  	[spmem:s1] =	stream.indirect.scatter.add.f32 [tilespmem:s16], [sflag:$0x1], $0x80, s21, s15, $0xb8;
	[tilespmem:$0x1F000] =	vst v63  }
0x41: {  	_ =	swait.ge [sflag:s11], $0xA000  }
0x42: {  	[sflag:s11] =	ssyncset.done $0x0  }
0x43: {  	[sflag:s11] =	ssyncadd.s32 $0xFFFF6000  }
0x44: {  	[tilespmem:s16], [sflag:$0x1] =	stream.indirect.gather [hbm4b:s4+s15], $0x80, s22, s15, $0xb8;
	[tilespmem:$0x1F000] =	vst v63  }
0x45: {  	_ =	swait.ge [sflag:s11], $0xA000  }
0x46: {  	[sflag:s11] =	ssyncset.done $0x0  }
0x47: {  	[sflag:s11] =	ssyncadd.s32 $0xFFFF6000  }
0x48: {  	[spmem:s1] =	stream.indirect.scatter.add.f32 [tilespmem:s16], [sflag:$0x1], $0x80, s23, s15, $0xb8;
	[tilespmem:$0x1F000] =	vst v63  }
0x49: {  	_ =	swait.ge [sflag:s11], $0xA000  }
0x4a: {  	[sflag:s11] =	ssyncset.done $0x0  }
0x4b: {  	[sflag:s11] =	ssyncadd.s32 $0xFFFF6000  }
0x4c: {  	[tilespmem:s16], [sflag:$0x1] =	stream.indirect.gather [hbm4b:s4+s15], $0x80, s25, s15, $0xb8;
	[tilespmem:$0x1F000] =	vst v63  }
0x4d: {  	_ =	swait.ge [sflag:s11], $0xA000  }
0x4e: {  	[sflag:s11] =	ssyncset.done $0x0  }
0x4f: {  	[sflag:s11] =	ssyncadd.s32 $0xFFFF6000  }
0x50: {  	[spmem:s1] =	stream.indirect.scatter.add.f32 [tilespmem:s16], [sflag:$0x1], $0x80, s26, s15, $0xb8;
	[tilespmem:$0x1F000] =	vst v63  }
0x51: {  	_ =	swait.ge [sflag:s11], $0xA000  }
0x52: {  	[sflag:s11] =	ssyncset.done $0x0  }
0x53: {  	[sflag:s11] =	ssyncadd.s32 $0xFFFF6000  }
0x54: {  	[tilespmem:s16], [sflag:$0x1] =	stream.indirect.gather [hbm4b:s4+s15], $0x80, s28, s15, $0xb8;
	[tilespmem:$0x1F000] =	vst v63  }
0x55: {  	_ =	swait.ge [sflag:s11], $0xA000  }
0x56: {  	[sflag:s11] =	ssyncset.done $0x0  }
0x57: {  	[sflag:s11] =	ssyncadd.s32 $0xFFFF6000  }
0x58: {  	[spmem:s1] =	stream.indirect.scatter.add.f32 [tilespmem:s16], [sflag:$0x1], $0x80, s29, s15, $0xb8;
	[tilespmem:$0x1F000] =	vst v63  }
0x59: {  	_ =	swait.ge [sflag:s11], $0xA000  }
0x5a: {  	[sflag:s11] =	ssyncset.done $0x0  }
0x5b: {  	[sflag:s11] =	ssyncadd.s32 $0xFFFF6000  }
0x5c: {  	[tilespmem:s16], [sflag:$0x1] =	stream.indirect.gather [hbm4b:s4+s15], $0x80, s30, s15, $0xb8;
	[tilespmem:$0x1F000] =	vst v63  }
0x5d: {  	_ =	swait.ge [sflag:s11], $0xA000  }
0x5e: {  	[sflag:s11] =	ssyncset.done $0x0  }
0x5f: {  	[sflag:s11] =	ssyncadd.s32 $0xFFFF6000  }
0x60: {  	[spmem:s1] =	stream.indirect.scatter.add.f32 [tilespmem:s16], [sflag:$0x1], $0x80, s31, s15, $0xb8;
	[tilespmem:$0x1F000] =	vst v63  }
0x61: {  	_ =	swait.ge [sflag:s11], $0xA000  }
0x62: {  	s5 =	simm.s32 $0x1400;
	s0 =	simm.s32 $0xA00;
	[sflag:s11] =	ssyncset.done $0x0  }
.LBB2_2:
0x63: {  	s24 =	sadd.s32 s0, s7  }
0x64: {  	[sflag:s11] =	ssyncadd.s32 $0xFFFF6000;
	s6 =	smov.u32 s5;
	s9 =	sadd.s32 $0xA00, s5  }
0x65: {  	[tilespmem:s3], [sflag:$0x1] =	stream.strided.gather [hbm4b:s24+s12], $0xA00, s13, s12, $0x38;
	[tilespmem:$0x1F000] =	vst v63  }
0x66: {  	p0 =	sne.s32 s5, $0x1E00;
	_ =	swait.ge [sflag:s11], $0xA00  }
0x67: {  	[sflag:s11] =	ssyncset.done $0x0  }
0x68: {  	s5 =	sadd.s32 s0, s8;
	s0 =	smov.u32 s6;
	[sflag:s11] =	ssyncadd.s32 $0xFFFFF600  }
0x69: {  	[tilespmem:s14], [sflag:$0x1] =	stream.strided.gather [hbm4b:s5+s12], $0xA00, s13, s12, $0x38;
	[tilespmem:$0x1F000] =	vst v63  }
0x6a: {  	_ =	swait.ge [sflag:s11], $0xA00  }
0x6b: {  	[sflag:s11] =	ssyncset.done $0x0  }
0x6c: {  	[sflag:s11] =	ssyncadd.s32 $0xFFFFF600  }
0x6d: {  	[tilespmem:s16], [sflag:$0x1] =	stream.indirect.gather [hbm4b:s4+s15], $0x80, s3, s15, $0xb8;
	[tilespmem:$0x1F000] =	vst v63  }
0x6e: {  	_ =	swait.ge [sflag:s11], $0xA000  }
0x6f: {  	[sflag:s11] =	ssyncset.done $0x0  }
0x70: {  	[sflag:s11] =	ssyncadd.s32 $0xFFFF6000  }
0x71: {  	[spmem:s1] =	stream.indirect.scatter.add.f32 [tilespmem:s16], [sflag:$0x1], $0x80, s14, s15, $0xb8;
	[tilespmem:$0x1F000] =	vst v63  }
0x72: {  	_ =	swait.ge [sflag:s11], $0xA000  }
0x73: {  	[sflag:s11] =	ssyncset.done $0x0  }
0x74: {  	[sflag:s11] =	ssyncadd.s32 $0xFFFF6000  }
0x75: {  	[tilespmem:s16], [sflag:$0x1] =	stream.indirect.gather [hbm4b:s4+s15], $0x80, s15, s15, $0xb8;
	[tilespmem:$0x1F000] =	vst v63  }
0x76: {  	_ =	swait.ge [sflag:s11], $0xA000  }
0x77: {  	[sflag:s11] =	ssyncset.done $0x0  }
0x78: {  	[sflag:s11] =	ssyncadd.s32 $0xFFFF6000  }
0x79: {  	[spmem:s1] =	stream.indirect.scatter.add.f32 [tilespmem:s16], [sflag:$0x1], $0x80, s17, s15, $0xb8;
	[tilespmem:$0x1F000] =	vst v63  }
0x7a: {  	_ =	swait.ge [sflag:s11], $0xA000  }
0x7b: {  	[sflag:s11] =	ssyncset.done $0x0  }
0x7c: {  	[sflag:s11] =	ssyncadd.s32 $0xFFFF6000  }
0x7d: {  	[tilespmem:s16], [sflag:$0x1] =	stream.indirect.gather [hbm4b:s4+s15], $0x80, s18, s15, $0xb8;
	[tilespmem:$0x1F000] =	vst v63  }
0x7e: {  	_ =	swait.ge [sflag:s11], $0xA000  }
0x7f: {  	[sflag:s11] =	ssyncset.done $0x0  }
0x80: {  	[sflag:s11] =	ssyncadd.s32 $0xFFFF6000  }
0x81: {  	[spmem:s1] =	stream.indirect.scatter.add.f32 [tilespmem:s16], [sflag:$0x1], $0x80, s19, s15, $0xb8;
	[tilespmem:$0x1F000] =	vst v63  }
0x82: {  	_ =	swait.ge [sflag:s11], $0xA000  }
0x83: {  	[sflag:s11] =	ssyncset.done $0x0  }
0x84: {  	[sflag:s11] =	ssyncadd.s32 $0xFFFF6000  }
0x85: {  	[tilespmem:s16], [sflag:$0x1] =	stream.indirect.gather [hbm4b:s4+s15], $0x80, s20, s15, $0xb8;
	[tilespmem:$0x1F000] =	vst v63  }
0x86: {  	_ =	swait.ge [sflag:s11], $0xA000  }
0x87: {  	[sflag:s11] =	ssyncset.done $0x0  }
0x88: {  	[sflag:s11] =	ssyncadd.s32 $0xFFFF6000  }
0x89: {  	[spmem:s1] =	stream.indirect.scatter.add.f32 [tilespmem:s16], [sflag:$0x1], $0x80, s21, s15, $0xb8;
	[tilespmem:$0x1F000] =	vst v63  }
0x8a: {  	_ =	swait.ge [sflag:s11], $0xA000  }
0x8b: {  	[sflag:s11] =	ssyncset.done $0x0  }
0x8c: {  	[sflag:s11] =	ssyncadd.s32 $0xFFFF6000  }
0x8d: {  	[tilespmem:s16], [sflag:$0x1] =	stream.indirect.gather [hbm4b:s4+s15], $0x80, s22, s15, $0xb8;
	[tilespmem:$0x1F000] =	vst v63  }
0x8e: {  	_ =	swait.ge [sflag:s11], $0xA000  }
0x8f: {  	[sflag:s11] =	ssyncset.done $0x0  }
0x90: {  	[sflag:s11] =	ssyncadd.s32 $0xFFFF6000  }
0x91: {  	[spmem:s1] =	stream.indirect.scatter.add.f32 [tilespmem:s16], [sflag:$0x1], $0x80, s23, s15, $0xb8;
	[tilespmem:$0x1F000] =	vst v63  }
0x92: {  	_ =	swait.ge [sflag:s11], $0xA000  }
0x93: {  	[sflag:s11] =	ssyncset.done $0x0  }
0x94: {  	[sflag:s11] =	ssyncadd.s32 $0xFFFF6000  }
0x95: {  	[tilespmem:s16], [sflag:$0x1] =	stream.indirect.gather [hbm4b:s4+s15], $0x80, s25, s15, $0xb8;
	[tilespmem:$0x1F000] =	vst v63  }
0x96: {  	_ =	swait.ge [sflag:s11], $0xA000  }
0x97: {  	[sflag:s11] =	ssyncset.done $0x0  }
0x98: {  	[sflag:s11] =	ssyncadd.s32 $0xFFFF6000  }
0x99: {  	[spmem:s1] =	stream.indirect.scatter.add.f32 [tilespmem:s16], [sflag:$0x1], $0x80, s26, s15, $0xb8;
	[tilespmem:$0x1F000] =	vst v63  }
0x9a: {  	_ =	swait.ge [sflag:s11], $0xA000  }
0x9b: {  	[sflag:s11] =	ssyncset.done $0x0  }
0x9c: {  	[sflag:s11] =	ssyncadd.s32 $0xFFFF6000  }
0x9d: {  	[tilespmem:s16], [sflag:$0x1] =	stream.indirect.gather [hbm4b:s4+s15], $0x80, s28, s15, $0xb8;
	[tilespmem:$0x1F000] =	vst v63  }
0x9e: {  	_ =	swait.ge [sflag:s11], $0xA000  }
0x9f: {  	[sflag:s11] =	ssyncset.done $0x0  }
0xa0: {  	[sflag:s11] =	ssyncadd.s32 $0xFFFF6000  }
0xa1: {  	[spmem:s1] =	stream.indirect.scatter.add.f32 [tilespmem:s16], [sflag:$0x1], $0x80, s29, s15, $0xb8;
	[tilespmem:$0x1F000] =	vst v63  }
0xa2: {  	_ =	swait.ge [sflag:s11], $0xA000  }
0xa3: {  	[sflag:s11] =	ssyncset.done $0x0  }
0xa4: {  	[sflag:s11] =	ssyncadd.s32 $0xFFFF6000  }
0xa5: {  	[tilespmem:s16], [sflag:$0x1] =	stream.indirect.gather [hbm4b:s4+s15], $0x80, s30, s15, $0xb8;
	[tilespmem:$0x1F000] =	vst v63  }
0xa6: {  	_ =	swait.ge [sflag:s11], $0xA000  }
.Ltmp0:
0xa7: {  	[sflag:s11] =	ssyncset.done $0x0;
	(pc) =	sbr.rel @p0 .LBB2_2-.Ltmp0, $4  }
0xa8: {  	[sflag:s11] =	ssyncadd.s32 $0xFFFF6000  }
0xa9: {  	[spmem:s1] =	stream.indirect.scatter.add.f32 [tilespmem:s16], [sflag:$0x1], $0x80, s31, s15, $0xb8;
	[tilespmem:$0x1F000] =	vst v63  }
0xaa: {  	_ =	swait.ge [sflag:s11], $0xA000  }
0xab: {  	s5 =	smov.u32 s9;
	[sflag:s11] =	ssyncset.done $0x0  }
0xac: {  	s5 =	sadd.s32 s0, s7;
	[sflag:s11] =	ssyncadd.s32 $0xFFFF6000  }
0xad: {  	[tilespmem:s3], [sflag:$0x1] =	stream.strided.gather [hbm4b:s5+s12], $0xA00, s13, s12, $0x38;
	[tilespmem:$0x1F000] =	vst v63  }
0xae: {  	_ =	swait.ge [sflag:s11], $0xA00  }
0xaf: {  	[sflag:s11] =	ssyncset.done $0x0  }
0xb0: {  	s24 =	sadd.s32 s0, s8;
	[sflag:s11] =	ssyncadd.s32 $0xFFFFF600  }
0xb1: {  	[tilespmem:s14], [sflag:$0x1] =	stream.strided.gather [hbm4b:s24+s12], $0xA00, s13, s12, $0x38;
	[tilespmem:$0x1F000] =	vst v63  }
0xb2: {  	_ =	swait.ge [sflag:s11], $0xA00  }
0xb3: {  	[sflag:s11] =	ssyncset.done $0x0  }
0xb4: {  	[sflag:s11] =	ssyncadd.s32 $0xFFFFF600  }
0xb5: {  	[tilespmem:s16], [sflag:$0x1] =	stream.indirect.gather [hbm4b:s4+s15], $0x80, s3, s15, $0xb8;
	[tilespmem:$0x1F000] =	vst v63  }
0xb6: {  	_ =	swait.ge [sflag:s11], $0xA000  }
0xb7: {  	[sflag:s11] =	ssyncset.done $0x0  }
0xb8: {  	[sflag:s11] =	ssyncadd.s32 $0xFFFF6000  }
0xb9: {  	[spmem:s1] =	stream.indirect.scatter.add.f32 [tilespmem:s16], [sflag:$0x1], $0x80, s14, s15, $0xb8;
	[tilespmem:$0x1F000] =	vst v63  }
0xba: {  	_ =	swait.ge [sflag:s11], $0xA000  }
0xbb: {  	[sflag:s11] =	ssyncset.done $0x0  }
0xbc: {  	[sflag:s11] =	ssyncadd.s32 $0xFFFF6000  }
0xbd: {  	[tilespmem:s16], [sflag:$0x1] =	stream.indirect.gather [hbm4b:s4+s15], $0x80, s15, s15, $0xb8;
	[tilespmem:$0x1F000] =	vst v63  }
0xbe: {  	_ =	swait.ge [sflag:s11], $0xA000  }
0xbf: {  	[sflag:s11] =	ssyncset.done $0x0  }
0xc0: {  	[sflag:s11] =	ssyncadd.s32 $0xFFFF6000  }
0xc1: {  	[spmem:s1] =	stream.indirect.scatter.add.f32 [tilespmem:s16], [sflag:$0x1], $0x80, s17, s15, $0xb8;
	[tilespmem:$0x1F000] =	vst v63  }
0xc2: {  	_ =	swait.ge [sflag:s11], $0xA000  }
0xc3: {  	[sflag:s11] =	ssyncset.done $0x0  }
0xc4: {  	[sflag:s11] =	ssyncadd.s32 $0xFFFF6000  }
0xc5: {  	[tilespmem:s16], [sflag:$0x1] =	stream.indirect.gather [hbm4b:s4+s15], $0x80, s18, s15, $0xb8;
	[tilespmem:$0x1F000] =	vst v63  }
0xc6: {  	_ =	swait.ge [sflag:s11], $0xA000  }
0xc7: {  	[sflag:s11] =	ssyncset.done $0x0  }
0xc8: {  	[sflag:s11] =	ssyncadd.s32 $0xFFFF6000  }
0xc9: {  	[spmem:s1] =	stream.indirect.scatter.add.f32 [tilespmem:s16], [sflag:$0x1], $0x80, s19, s15, $0xb8;
	[tilespmem:$0x1F000] =	vst v63  }
0xca: {  	_ =	swait.ge [sflag:s11], $0xA000  }
0xcb: {  	[sflag:s11] =	ssyncset.done $0x0  }
0xcc: {  	[sflag:s11] =	ssyncadd.s32 $0xFFFF6000  }
0xcd: {  	[tilespmem:s16], [sflag:$0x1] =	stream.indirect.gather [hbm4b:s4+s15], $0x80, s20, s15, $0xb8;
	[tilespmem:$0x1F000] =	vst v63  }
0xce: {  	_ =	swait.ge [sflag:s11], $0xA000  }
0xcf: {  	[sflag:s11] =	ssyncset.done $0x0  }
0xd0: {  	[sflag:s11] =	ssyncadd.s32 $0xFFFF6000  }
0xd1: {  	[spmem:s1] =	stream.indirect.scatter.add.f32 [tilespmem:s16], [sflag:$0x1], $0x80, s21, s15, $0xb8;
	[tilespmem:$0x1F000] =	vst v63  }
0xd2: {  	_ =	swait.ge [sflag:s11], $0xA000  }
0xd3: {  	[sflag:s11] =	ssyncset.done $0x0  }
0xd4: {  	[sflag:s11] =	ssyncadd.s32 $0xFFFF6000  }
0xd5: {  	[tilespmem:s16], [sflag:$0x1] =	stream.indirect.gather [hbm4b:s4+s15], $0x80, s22, s15, $0xb8;
	[tilespmem:$0x1F000] =	vst v63  }
0xd6: {  	_ =	swait.ge [sflag:s11], $0xA000  }
0xd7: {  	[sflag:s11] =	ssyncset.done $0x0  }
0xd8: {  	[sflag:s11] =	ssyncadd.s32 $0xFFFF6000  }
0xd9: {  	[spmem:s1] =	stream.indirect.scatter.add.f32 [tilespmem:s16], [sflag:$0x1], $0x80, s23, s15, $0xb8;
	[tilespmem:$0x1F000] =	vst v63  }
0xda: {  	_ =	swait.ge [sflag:s11], $0xA000  }
0xdb: {  	[sflag:s11] =	ssyncset.done $0x0  }
0xdc: {  	[sflag:s11] =	ssyncadd.s32 $0xFFFF6000  }
0xdd: {  	[tilespmem:s16], [sflag:$0x1] =	stream.indirect.gather [hbm4b:s4+s15], $0x80, s25, s15, $0xb8;
	[tilespmem:$0x1F000] =	vst v63  }
0xde: {  	_ =	swait.ge [sflag:s11], $0xA000  }
0xdf: {  	[sflag:s11] =	ssyncset.done $0x0  }
0xe0: {  	[sflag:s11] =	ssyncadd.s32 $0xFFFF6000  }
0xe1: {  	[spmem:s1] =	stream.indirect.scatter.add.f32 [tilespmem:s16], [sflag:$0x1], $0x80, s26, s15, $0xb8;
	[tilespmem:$0x1F000] =	vst v63  }
0xe2: {  	_ =	swait.ge [sflag:s11], $0xA000  }
0xe3: {  	[sflag:s11] =	ssyncset.done $0x0  }
0xe4: {  	[sflag:s11] =	ssyncadd.s32 $0xFFFF6000  }
0xe5: {  	[tilespmem:s16], [sflag:$0x1] =	stream.indirect.gather [hbm4b:s4+s15], $0x80, s28, s15, $0xb8;
	[tilespmem:$0x1F000] =	vst v63  }
0xe6: {  	_ =	swait.ge [sflag:s11], $0xA000  }
0xe7: {  	[sflag:s11] =	ssyncset.done $0x0  }
0xe8: {  	[sflag:s11] =	ssyncadd.s32 $0xFFFF6000  }
0xe9: {  	[spmem:s1] =	stream.indirect.scatter.add.f32 [tilespmem:s16], [sflag:$0x1], $0x80, s29, s15, $0xb8;
	[tilespmem:$0x1F000] =	vst v63  }
0xea: {  	_ =	swait.ge [sflag:s11], $0xA000  }
0xeb: {  	[sflag:s11] =	ssyncset.done $0x0  }
0xec: {  	[sflag:s11] =	ssyncadd.s32 $0xFFFF6000  }
0xed: {  	[tilespmem:s16], [sflag:$0x1] =	stream.indirect.gather [hbm4b:s4+s15], $0x80, s30, s15, $0xb8;
	[tilespmem:$0x1F000] =	vst v63  }
0xee: {  	_ =	swait.ge [sflag:s11], $0xA000  }
0xef: {  	[sflag:s11] =	ssyncset.done $0x0  }
0xf0: {  	[sflag:s11] =	ssyncadd.s32 $0xFFFF6000  }
0xf1: {  	[spmem:s1] =	stream.indirect.scatter.add.f32 [tilespmem:s16], [sflag:$0x1], $0x80, s31, s15, $0xb8;
	[tilespmem:$0x1F000] =	vst v63  }
0xf2: {  	_ =	swait.ge [sflag:s11], $0xA000  }
0xf3: {  	[sflag:s11] =	ssyncset.done $0x0  }
0xf4: {  	[sflag:s11] =	ssyncadd.s32 $0xFFFF6000  }
0xf5: {  	[bflag:$0x0] =	sbarrier.arrive $0xFFFF  }
0xf6: {  	s6 =	rddreg [dreg:$0x5]  }
0xf7: {  	s5 =	rddreg [dreg:$0x6]  }
0xf8: {  	[hbm:s5], [sflag:s6] =	dma.local [spmem:s10], $0x2780  }
0xf9: {  	_ =	swait.ge [sflag:s11], $0x2780  }
0xfa: {  	s2 =	sadd.s32 $0x1, s2;
	s24 =	rddreg [dreg:$0x4]  }
0xfb: {  	p0 =	sne.s32 s2, s24  }
.Ltmp1:
0xfc: {  	_ = 	snop;
	(pc) =	sbr.rel @p0 .LBB2_1-.Ltmp1, $3  }
0xfd: {  	_ =	sdelay $0x1  }
0xfe: {  	[sflag:s11] =	ssyncset.done $0x0  }
0xff: {  	s9 =	smov.u32 s10;
	[sflag:s11] =	ssyncadd.s32 $0xFFFFD880  }
0x100: {  	_ =	sfence.sel $0x180000  }
0x101: {  	[bflag:$0x0] =	sbarrier.arrive $0xFFFF  }
0x102: {  	_ =	strace $0x9000005C  }
0x103: {  	s0 =	stileid.u32;
	[bflag:$0x2] =	sbarrier.arrive $0xFFFF  }
0x104: {  	p0 =	sne.s32 s0, $0x0;
	s0 =	rddreg [dreg:$0x2]  }
0x105: {  	s0 =	sadd.s32 @!p0 $0x100000, s0  }
0x106: {  	[sflag:s0] =	ssyncadd.tile.s32 @!p0 $0x1;
	_ =	shalt  }
.Lfunc_end2:
_tile_overlayer_lowered:
.L_overlay_start_2:
0x107: {  	(tag) =	ssettag $0x2  }
0x108: {  	s0 =	rddreg [dreg:$0x0];
	s2 =	stileid.u32  }
0x109: {  	s1 =	rddreg [dreg:$0x1];
	p0 =	sne.s32 s2, $0x0  }
0x10a: {  	s3 =	rddreg [dreg:$0x2];
	[bflag:$0x3] =	sbarrier.arrive $0xFFFF;
	s2 =	simm.s32 @!p0 $0x1C01  }
0x10b: {  	[timem:s3], [sflag:s2] =	dma.local @!p0 [hbm:s0], s1  }
0x10c: {  	s0 =	simm.s32 @!p0 $0x1  }
0x10d: {  	_ =	swait.ge @!p0 [sflag:s0], s1  }
0x10e: {  	s1 =	ssub.s32 @!p0 $0x0, s1;
	[sflag:s0] =	ssyncset.done @!p0 $0x0  }
0x10f: {  	[sflag:s0] =	ssyncadd.s32 @!p0 s1  }
0x110: {  	[bflag:$0x3] =	sbarrier.arrive $0xFFFF  }
0x111: {  	_ =	shalt  }

</sc_bundles>
